<compile_context>
chip_gen: v7x
topology: tpu7x:2x2x1
jax: 0.10.2.dev20260603
libtpu: 0.0.44.dev20260713+nightly
codegen_flags: <defaults>
</compile_context>

<pallas_src>
import functools

import numpy as np
import jax
import jax.numpy as jnp
from jax import lax
from jax.experimental import pallas as pl
from jax.experimental.pallas import tpu as pltpu
from jax.experimental.pallas import tpu_sc as plsc

_C, _T, _H, _W = 3, 32, 384, 384
_ALPHA = 4
_NSLOW = _T // _ALPHA
_IDX = tuple(int(v) for v in np.linspace(0.0, _T - 1, _NSLOW).astype(np.float32))

_NWORKERS = 32
_ROWS = 128
_NCHUNKS = _H // _ROWS
_JOBS = tuple(
    (c, s, k) for c in range(_C) for s in range(_NSLOW) for k in range(_NCHUNKS)
)


def _sc_gather_body(frames_hbm, slow_hbm, buf):
    cid = lax.axis_index("c")
    sid = lax.axis_index("s")
    wid = sid * 2 + cid

    for j, (ch, slot, k) in enumerate(_JOBS):
        @pl.when(wid == j % _NWORKERS)
        def _(ch=ch, slot=slot, k=k):
            t = _IDX[slot]
            pltpu.sync_copy(frames_hbm.at[ch, t, pl.ds(k * _ROWS, _ROWS)], buf)
            pltpu.sync_copy(buf, slow_hbm.at[ch, slot, pl.ds(k * _ROWS, _ROWS)])


_sc_gather = functools.partial(
    pl.kernel,
    mesh=plsc.VectorSubcoreMesh(core_axis_name="c", subcore_axis_name="s"),
    out_type=jax.ShapeDtypeStruct((_C, _NSLOW, _H, _W), jnp.float32),
    scratch_types=[pltpu.VMEM((_ROWS, _W), jnp.float32)],
)(_sc_gather_body)

_OCT = 8


def _tc_copy_body(in_ref, fast_ref):
    fast_ref[...] = in_ref[...]


def _tc_copy(frames):
    return pl.pallas_call(
        _tc_copy_body,
        grid=(_T // _OCT,),
        in_specs=[pl.BlockSpec((_C, _OCT, _H, _W), lambda o: (0, o, 0, 0))],
        out_specs=pl.BlockSpec((_C, _OCT, _H, _W), lambda o: (0, o, 0, 0)),
        out_shape=jax.ShapeDtypeStruct((_C, _T, _H, _W), frames.dtype),
        compiler_params=pltpu.CompilerParams(
            vmem_limit_bytes=100 * 1024 * 1024,
        ),
    )(frames)


def kernel(frames):
    fast = _tc_copy(frames)
    slow = _sc_gather(frames)
    return (slow, fast)

# --- scband reference (transcript-rebuilt; emitter-appended) ---
"""Pipeline reference for scband-pack-pathway-17265768530655 (READ-ONLY COPY).

The authoritative reference and input builder live on the scoring server;
editing this copy changes nothing except your own understanding.
"""

import jax, jax.numpy as jnp
import numpy as np

def setup_inputs(seed: int = 0) -> dict:
    key = jax.random.key(seed)
    frames = jax.random.normal(key, (3, 32, 384, 384), dtype=jnp.float32)
    return {"frames": frames}

def reference(frames):
    alpha = 4
    T = frames.shape[1]
    # torch.linspace(0, T-1, T//alpha).long() truncates toward zero
    idx = jnp.linspace(0.0, T - 1, T // alpha).astype(jnp.int32)
    slow_pathway = jnp.take(frames, idx, axis=1)
    fast_pathway = frames
    return (slow_pathway, fast_pathway)

if __name__ == "__main__":
    import jax
    _d = setup_inputs()
    print(jax.jit(kernel)(*tuple(_d.values())))

</pallas_src>

<mosaic_0001>
#map = affine_map<(d0, d1) -> (0, 0, 0, 0)>
module attributes {stable_mosaic.version = 14 : i64} {
  func.func @_sc_gather_body(%arg0: i32, %arg1: i32, %arg2: memref<3x32x384x384xf32, #tpu.memory_space<hbm>>, %arg3: memref<3x8x384x384xf32, #tpu.memory_space<hbm>>, %arg4: memref<128x384xf32, #tpu.memory_space<vmem>>) attributes {dimension_semantics = [#tpu.dimension_semantics<core_parallel>, #tpu.dimension_semantics<subcore_parallel>], iteration_bounds = array<i64: 2, 16>, scalar_prefetch = 0 : i64, scratch_operands = 1 : i64, tpu.core_type = #tpu.core_type<sc_vector_subcore>, window_params = [{transform_indices = #map}, {transform_indices = #map}]} {
    %mul3A = arith.constant 2 : i32
    %mul3A_0 = arith.muli %arg1, %mul3A : i32
    %add3A = arith.addi %mul3A_0, %arg0 : i32
    %eq3A = arith.constant 0 : i32
    %eq3A_1 = arith.cmpi eq, %add3A, %eq3A : i32
    %convert_element_type3A = arith.extui %eq3A_1 : i1 to i32
    %cond3A = arith.constant 0 : i32
    %cond3A_2 = arith.cmpi ne, %convert_element_type3A, %cond3A : i32
    scf.if %cond3A_2 {
      %run_scoped3A = arith.constant 0 : i32
      %run_scoped3A_358 = arith.constant 0 : i32
      "tpu.region"() ({
        %run_scoped3A_361 = tpu.sem_alloc : memref<!tpu.dma_semaphore, #tpu.memory_space<semaphore_mem>>
        %dma_start3A = arith.constant 0 : i32
        %dma_start3A_362 = arith.constant 0 : i32
        %dma_start3A_363 = tpu.memref_slice %arg2[%run_scoped3A, %run_scoped3A_358, %dma_start3A, %dma_start3A_362] : memref<3x32x384x384xf32, #tpu.memory_space<hbm>> -> memref<1x1x128x384xf32, #tpu.memory_space<hbm>>
        %dma_start3A_364 = tpu.memref_squeeze %dma_start3A_363 : memref<1x1x128x384xf32, #tpu.memory_space<hbm>> -> memref<128x384xf32, #tpu.memory_space<hbm>>
        %dma_start3A_365 = arith.constant 0 : i32
        %dma_start3A_366 = arith.constant 0 : i32
        %dma_start3A_367 = tpu.memref_slice %arg2[%run_scoped3A, %run_scoped3A_358, %dma_start3A_365, %dma_start3A_366] : memref<3x32x384x384xf32, #tpu.memory_space<hbm>> -> memref<1x1x128x384xf32, #tpu.memory_space<hbm>>
        %dma_start3A_368 = tpu.memref_squeeze %dma_start3A_367 : memref<1x1x128x384xf32, #tpu.memory_space<hbm>> -> memref<128x384xf32, #tpu.memory_space<hbm>>
        tpu.enqueue_dma source(%dma_start3A_368 : memref<128x384xf32, #tpu.memory_space<hbm>>) target(%arg4 : memref<128x384xf32, #tpu.memory_space<vmem>>) target_semaphore(%run_scoped3A_361 : memref<!tpu.dma_semaphore, #tpu.memory_space<semaphore_mem>>)
        %dma_wait3A = arith.constant 0 : i32
        %dma_wait3A_369 = arith.constant 0 : i32
        %dma_wait3A_370 = tpu.memref_slice %arg2[%run_scoped3A, %run_scoped3A_358, %dma_wait3A, %dma_wait3A_369] : memref<3x32x384x384xf32, #tpu.memory_space<hbm>> -> memref<1x1x128x384xf32, #tpu.memory_space<hbm>>
        %dma_wait3A_371 = tpu.memref_squeeze %dma_wait3A_370 : memref<1x1x128x384xf32, #tpu.memory_space<hbm>> -> memref<128x384xf32, #tpu.memory_space<hbm>>
        %dma_wait3A_372 = arith.constant 0 : i32
        %dma_wait3A_373 = arith.constant 0 : i32
        %dma_wait3A_374 = tpu.memref_slice %arg2[%run_scoped3A, %run_scoped3A_358, %dma_wait3A_372, %dma_wait3A_373] : memref<3x32x384x384xf32, #tpu.memory_space<hbm>> -> memref<1x1x128x384xf32, #tpu.memory_space<hbm>>
        %dma_wait3A_375 = tpu.memref_squeeze %dma_wait3A_374 : memref<1x1x128x384xf32, #tpu.memory_space<hbm>> -> memref<128x384xf32, #tpu.memory_space<hbm>>
        tpu.wait_dma2 semaphore(%run_scoped3A_361 : memref<!tpu.dma_semaphore, #tpu.memory_space<semaphore_mem>>) src(%dma_wait3A_375 : memref<128x384xf32, #tpu.memory_space<hbm>>) dst(%arg4 : memref<128x384xf32, #tpu.memory_space<vmem>>)
        tpu.yield
      }) : () -> ()
      %run_scoped3A_359 = arith.constant 0 : i32
      %run_scoped3A_360 = arith.constant 0 : i32
      "tpu.region"() ({
        %run_scoped3A_361 = tpu.sem_alloc : memref<!tpu.dma_semaphore, #tpu.memory_space<semaphore_mem>>
        %dma_start3A = arith.constant 0 : i32
        %dma_start3A_362 = arith.constant 0 : i32
        %dma_start3A_363 = tpu.memref_slice %arg3[%run_scoped3A_359, %run_scoped3A_360, %dma_start3A, %dma_start3A_362] : memref<3x8x384x384xf32, #tpu.memory_space<hbm>> -> memref<1x1x128x384xf32, #tpu.memory_space<hbm>>
        %dma_start3A_364 = tpu.memref_squeeze %dma_start3A_363 : memref<1x1x128x384xf32, #tpu.memory_space<hbm>> -> memref<128x384xf32, #tpu.memory_space<hbm>>
        %dma_start3A_365 = arith.constant 0 : i32
        %dma_start3A_366 = arith.constant 0 : i32
        %dma_start3A_367 = tpu.memref_slice %arg3[%run_scoped3A_359, %run_scoped3A_360, %dma_start3A_365, %dma_start3A_366] : memref<3x8x384x384xf32, #tpu.memory_space<hbm>> -> memref<1x1x128x384xf32, #tpu.memory_space<hbm>>
        %dma_start3A_368 = tpu.memref_squeeze %dma_start3A_367 : memref<1x1x128x384xf32, #tpu.memory_space<hbm>> -> memref<128x384xf32, #tpu.memory_space<hbm>>
        tpu.enqueue_dma source(%arg4 : memref<128x384xf32, #tpu.memory_space<vmem>>) target(%dma_start3A_368 : memref<128x384xf32, #tpu.memory_space<hbm>>) target_semaphore(%run_scoped3A_361 : memref<!tpu.dma_semaphore, #tpu.memory_space<semaphore_mem>>)
        %dma_wait3A = arith.constant 0 : i32
        %dma_wait3A_369 = arith.constant 0 : i32
        %dma_wait3A_370 = tpu.memref_slice %arg3[%run_scoped3A_359, %run_scoped3A_360, %dma_wait3A, %dma_wait3A_369] : memref<3x8x384x384xf32, #tpu.memory_space<hbm>> -> memref<1x1x128x384xf32, #tpu.memory_space<hbm>>
        %dma_wait3A_371 = tpu.memref_squeeze %dma_wait3A_370 : memref<1x1x128x384xf32, #tpu.memory_space<hbm>> -> memref<128x384xf32, #tpu.memory_space<hbm>>
        %dma_wait3A_372 = arith.constant 0 : i32
        %dma_wait3A_373 = arith.constant 0 : i32
        %dma_wait3A_374 = tpu.memref_slice %arg3[%run_scoped3A_359, %run_scoped3A_360, %dma_wait3A_372, %dma_wait3A_373] : memref<3x8x384x384xf32, #tpu.memory_space<hbm>> -> memref<1x1x128x384xf32, #tpu.memory_space<hbm>>
        %dma_wait3A_375 = tpu.memref_squeeze %dma_wait3A_374 : memref<1x1x128x384xf32, #tpu.memory_space<hbm>> -> memref<128x384xf32, #tpu.memory_space<hbm>>
        tpu.wait_dma2 semaphore(%run_scoped3A_361 : memref<!tpu.dma_semaphore, #tpu.memory_space<semaphore_mem>>) src(%arg4 : memref<128x384xf32, #tpu.memory_space<vmem>>) dst(%dma_wait3A_375 : memref<128x384xf32, #tpu.memory_space<hbm>>)
        tpu.yield
      }) : () -> ()
    } else {
    }
    %eq3A_3 = arith.constant 1 : i32
    %eq3A_4 = arith.cmpi eq, %add3A, %eq3A_3 : i32
    %convert_element_type3A_5 = arith.extui %eq3A_4 : i1 to i32
    %cond3A_6 = arith.constant 0 : i32
    %cond3A_7 = arith.cmpi ne, %convert_element_type3A_5, %cond3A_6 : i32
    scf.if %cond3A_7 {
      %run_scoped3A = arith.constant 0 : i32
      %run_scoped3A_358 = arith.constant 0 : i32
      "tpu.region"() ({
        %run_scoped3A_361 = tpu.sem_alloc : memref<!tpu.dma_semaphore, #tpu.memory_space<semaphore_mem>>
        %dma_start3A = arith.constant 128 : i32
        %dma_start3A_362 = arith.constant 0 : i32
        %dma_start3A_363 = tpu.memref_slice %arg2[%run_scoped3A, %run_scoped3A_358, %dma_start3A, %dma_start3A_362] : memref<3x32x384x384xf32, #tpu.memory_space<hbm>> -> memref<1x1x128x384xf32, #tpu.memory_space<hbm>>
        %dma_start3A_364 = tpu.memref_squeeze %dma_start3A_363 : memref<1x1x128x384xf32, #tpu.memory_space<hbm>> -> memref<128x384xf32, #tpu.memory_space<hbm>>
        %dma_start3A_365 = arith.constant 128 : i32
        %dma_start3A_366 = arith.constant 0 : i32
        %dma_start3A_367 = tpu.memref_slice %arg2[%run_scoped3A, %run_scoped3A_358, %dma_start3A_365, %dma_start3A_366] : memref<3x32x384x384xf32, #tpu.memory_space<hbm>> -> memref<1x1x128x384xf32, #tpu.memory_space<hbm>>
        %dma_start3A_368 = tpu.memref_squeeze %dma_start3A_367 : memref<1x1x128x384xf32, #tpu.memory_space<hbm>> -> memref<128x384xf32, #tpu.memory_space<hbm>>
        tpu.enqueue_dma source(%dma_start3A_368 : memref<128x384xf32, #tpu.memory_space<hbm>>) target(%arg4 : memref<128x384xf32, #tpu.memory_space<vmem>>) target_semaphore(%run_scoped3A_361 : memref<!tpu.dma_semaphore, #tpu.memory_space<semaphore_mem>>)
        %dma_wait3A = arith.constant 128 : i32
        %dma_wait3A_369 = arith.constant 0 : i32
        %dma_wait3A_370 = tpu.memref_slice %arg2[%run_scoped3A, %run_scoped3A_358, %dma_wait3A, %dma_wait3A_369] : memref<3x32x384x384xf32, #tpu.memory_space<hbm>> -> memref<1x1x128x384xf32, #tpu.memory_space<hbm>>
        %dma_wait3A_371 = tpu.memref_squeeze %dma_wait3A_370 : memref<1x1x128x384xf32, #tpu.memory_space<hbm>> -> memref<128x384xf32, #tpu.memory_space<hbm>>
        %dma_wait3A_372 = arith.constant 128 : i32
        %dma_wait3A_373 = arith.constant 0 : i32
        %dma_wait3A_374 = tpu.memref_slice %arg2[%run_scoped3A, %run_scoped3A_358, %dma_wait3A_372, %dma_wait3A_373] : memref<3x32x384x384xf32, #tpu.memory_space<hbm>> -> memref<1x1x128x384xf32, #tpu.memory_space<hbm>>
        %dma_wait3A_375 = tpu.memref_squeeze %dma_wait3A_374 : memref<1x1x128x384xf32, #tpu.memory_space<hbm>> -> memref<128x384xf32, #tpu.memory_space<hbm>>
        tpu.wait_dma2 semaphore(%run_scoped3A_361 : memref<!tpu.dma_semaphore, #tpu.memory_space<semaphore_mem>>) src(%dma_wait3A_375 : memref<128x384xf32, #tpu.memory_space<hbm>>) dst(%arg4 : memref<128x384xf32, #tpu.memory_space<vmem>>)
        tpu.yield
      }) : () -> ()
      %run_scoped3A_359 = arith.constant 0 : i32
      %run_scoped3A_360 = arith.constant 0 : i32
      "tpu.region"() ({
        %run_scoped3A_361 = tpu.sem_alloc : memref<!tpu.dma_semaphore, #tpu.memory_space<semaphore_mem>>
        %dma_start3A = arith.constant 128 : i32
        %dma_start3A_362 = arith.constant 0 : i32
        %dma_start3A_363 = tpu.memref_slice %arg3[%run_scoped3A_359, %run_scoped3A_360, %dma_start3A, %dma_start3A_362] : memref<3x8x384x384xf32, #tpu.memory_space<hbm>> -> memref<1x1x128x384xf32, #tpu.memory_space<hbm>>
        %dma_start3A_364 = tpu.memref_squeeze %dma_start3A_363 : memref<1x1x128x384xf32, #tpu.memory_space<hbm>> -> memref<128x384xf32, #tpu.memory_space<hbm>>
        %dma_start3A_365 = arith.constant 128 : i32
        %dma_start3A_366 = arith.constant 0 : i32
        %dma_start3A_367 = tpu.memref_slice %arg3[%run_scoped3A_359, %run_scoped3A_360, %dma_start3A_365, %dma_start3A_366] : memref<3x8x384x384xf32, #tpu.memory_space<hbm>> -> memref<1x1x128x384xf32, #tpu.memory_space<hbm>>
        %dma_start3A_368 = tpu.memref_squeeze %dma_start3A_367 : memref<1x1x128x384xf32, #tpu.memory_space<hbm>> -> memref<128x384xf32, #tpu.memory_space<hbm>>
        tpu.enqueue_dma source(%arg4 : memref<128x384xf32, #tpu.memory_space<vmem>>) target(%dma_start3A_368 : memref<128x384xf32, #tpu.memory_space<hbm>>) target_semaphore(%run_scoped3A_361 : memref<!tpu.dma_semaphore, #tpu.memory_space<semaphore_mem>>)
        %dma_wait3A = arith.constant 128 : i32
        %dma_wait3A_369 = arith.constant 0 : i32
        %dma_wait3A_370 = tpu.memref_slice %arg3[%run_scoped3A_359, %run_scoped3A_360, %dma_wait3A, %dma_wait3A_369] : memref<3x8x384x384xf32, #tpu.memory_space<hbm>> -> memref<1x1x128x384xf32, #tpu.memory_space<hbm>>
        %dma_wait3A_371 = tpu.memref_squeeze %dma_wait3A_370 : memref<1x1x128x384xf32, #tpu.memory_space<hbm>> -> memref<128x384xf32, #tpu.memory_space<hbm>>
        %dma_wait3A_372 = arith.constant 128 : i32
        %dma_wait3A_373 = arith.constant 0 : i32
        %dma_wait3A_374 = tpu.memref_slice %arg3[%run_scoped3A_359, %run_scoped3A_360, %dma_wait3A_372, %dma_wait3A_373] : memref<3x8x384x384xf32, #tpu.memory_space<hbm>> -> memref<1x1x128x384xf32, #tpu.memory_space<hbm>>
        %dma_wait3A_375 = tpu.memref_squeeze %dma_wait3A_374 : memref<1x1x128x384xf32, #tpu.memory_space<hbm>> -> memref<128x384xf32, #tpu.memory_space<hbm>>
        tpu.wait_dma2 semaphore(%run_scoped3A_361 : memref<!tpu.dma_semaphore, #tpu.memory_space<semaphore_mem>>) src(%arg4 : memref<128x384xf32, #tpu.memory_space<vmem>>) dst(%dma_wait3A_375 : memref<128x384xf32, #tpu.memory_space<hbm>>)
        tpu.yield
      }) : () -> ()
    } else {
    }
    %eq3A_8 = arith.constant 2 : i32
    %eq3A_9 = arith.cmpi eq, %add3A, %eq3A_8 : i32
    %convert_element_type3A_10 = arith.extui %eq3A_9 : i1 to i32
    %cond3A_11 = arith.constant 0 : i32
    %cond3A_12 = arith.cmpi ne, %convert_element_type3A_10, %cond3A_11 : i32
    scf.if %cond3A_12 {
      %run_scoped3A = arith.constant 0 : i32
      %run_scoped3A_358 = arith.constant 0 : i32
      "tpu.region"() ({
        %run_scoped3A_361 = tpu.sem_alloc : memref<!tpu.dma_semaphore, #tpu.memory_space<semaphore_mem>>
        %dma_start3A = arith.constant 256 : i32
        %dma_start3A_362 = arith.constant 0 : i32
        %dma_start3A_363 = tpu.memref_slice %arg2[%run_scoped3A, %run_scoped3A_358, %dma_start3A, %dma_start3A_362] : memref<3x32x384x384xf32, #tpu.memory_space<hbm>> -> memref<1x1x128x384xf32, #tpu.memory_space<hbm>>
        %dma_start3A_364 = tpu.memref_squeeze %dma_start3A_363 : memref<1x1x128x384xf32, #tpu.memory_space<hbm>> -> memref<128x384xf32, #tpu.memory_space<hbm>>
        %dma_start3A_365 = arith.constant 256 : i32
        %dma_start3A_366 = arith.constant 0 : i32
        %dma_start3A_367 = tpu.memref_slice %arg2[%run_scoped3A, %run_scoped3A_358, %dma_start3A_365, %dma_start3A_366] : memref<3x32x384x384xf32, #tpu.memory_space<hbm>> -> memref<1x1x128x384xf32, #tpu.memory_space<hbm>>
        %dma_start3A_368 = tpu.memref_squeeze %dma_start3A_367 : memref<1x1x128x384xf32, #tpu.memory_space<hbm>> -> memref<128x384xf32, #tpu.memory_space<hbm>>
        tpu.enqueue_dma source(%dma_start3A_368 : memref<128x384xf32, #tpu.memory_space<hbm>>) target(%arg4 : memref<128x384xf32, #tpu.memory_space<vmem>>) target_semaphore(%run_scoped3A_361 : memref<!tpu.dma_semaphore, #tpu.memory_space<semaphore_mem>>)
        %dma_wait3A = arith.constant 256 : i32
        %dma_wait3A_369 = arith.constant 0 : i32
        %dma_wait3A_370 = tpu.memref_slice %arg2[%run_scoped3A, %run_scoped3A_358, %dma_wait3A, %dma_wait3A_369] : memref<3x32x384x384xf32, #tpu.memory_space<hbm>> -> memref<1x1x128x384xf32, #tpu.memory_space<hbm>>
        %dma_wait3A_371 = tpu.memref_squeeze %dma_wait3A_370 : memref<1x1x128x384xf32, #tpu.memory_space<hbm>> -> memref<128x384xf32, #tpu.memory_space<hbm>>
        %dma_wait3A_372 = arith.constant 256 : i32
        %dma_wait3A_373 = arith.constant 0 : i32
        %dma_wait3A_374 = tpu.memref_slice %arg2[%run_scoped3A, %run_scoped3A_358, %dma_wait3A_372, %dma_wait3A_373] : memref<3x32x384x384xf32, #tpu.memory_space<hbm>> -> memref<1x1x128x384xf32, #tpu.memory_space<hbm>>
        %dma_wait3A_375 = tpu.memref_squeeze %dma_wait3A_374 : memref<1x1x128x384xf32, #tpu.memory_space<hbm>> -> memref<128x384xf32, #tpu.memory_space<hbm>>
        tpu.wait_dma2 semaphore(%run_scoped3A_361 : memref<!tpu.dma_semaphore, #tpu.memory_space<semaphore_mem>>) src(%dma_wait3A_375 : memref<128x384xf32, #tpu.memory_space<hbm>>) dst(%arg4 : memref<128x384xf32, #tpu.memory_space<vmem>>)
        tpu.yield
      }) : () -> ()
      %run_scoped3A_359 = arith.constant 0 : i32
      %run_scoped3A_360 = arith.constant 0 : i32
      "tpu.region"() ({
        %run_scoped3A_361 = tpu.sem_alloc : memref<!tpu.dma_semaphore, #tpu.memory_space<semaphore_mem>>
        %dma_start3A = arith.constant 256 : i32
        %dma_start3A_362 = arith.constant 0 : i32
        %dma_start3A_363 = tpu.memref_slice %arg3[%run_scoped3A_359, %run_scoped3A_360, %dma_start3A, %dma_start3A_362] : memref<3x8x384x384xf32, #tpu.memory_space<hbm>> -> memref<1x1x128x384xf32, #tpu.memory_space<hbm>>
        %dma_start3A_364 = tpu.memref_squeeze %dma_start3A_363 : memref<1x1x128x384xf32, #tpu.memory_space<hbm>> -> memref<128x384xf32, #tpu.memory_space<hbm>>
        %dma_start3A_365 = arith.constant 256 : i32
        %dma_start3A_366 = arith.constant 0 : i32
        %dma_start3A_367 = tpu.memref_slice %arg3[%run_scoped3A_359, %run_scoped3A_360, %dma_start3A_365, %dma_start3A_366] : memref<3x8x384x384xf32, #tpu.memory_space<hbm>> -> memref<1x1x128x384xf32, #tpu.memory_space<hbm>>
        %dma_start3A_368 = tpu.memref_squeeze %dma_start3A_367 : memref<1x1x128x384xf32, #tpu.memory_space<hbm>> -> memref<128x384xf32, #tpu.memory_space<hbm>>
        tpu.enqueue_dma source(%arg4 : memref<128x384xf32, #tpu.memory_space<vmem>>) target(%dma_start3A_368 : memref<128x384xf32, #tpu.memory_space<hbm>>) target_semaphore(%run_scoped3A_361 : memref<!tpu.dma_semaphore, #tpu.memory_space<semaphore_mem>>)
        %dma_wait3A = arith.constant 256 : i32
        %dma_wait3A_369 = arith.constant 0 : i32
        %dma_wait3A_370 = tpu.memref_slice %arg3[%run_scoped3A_359, %run_scoped3A_360, %dma_wait3A, %dma_wait3A_369] : memref<3x8x384x384xf32, #tpu.memory_space<hbm>> -> memref<1x1x128x384xf32, #tpu.memory_space<hbm>>
        %dma_wait3A_371 = tpu.memref_squeeze %dma_wait3A_370 : memref<1x1x128x384xf32, #tpu.memory_space<hbm>> -> memref<128x384xf32, #tpu.memory_space<hbm>>
        %dma_wait3A_372 = arith.constant 256 : i32
        %dma_wait3A_373 = arith.constant 0 : i32
        %dma_wait3A_374 = tpu.memref_slice %arg3[%run_scoped3A_359, %run_scoped3A_360, %dma_wait3A_372, %dma_wait3A_373] : memref<3x8x384x384xf32, #tpu.memory_space<hbm>> -> memref<1x1x128x384xf32, #tpu.memory_space<hbm>>
        %dma_wait3A_375 = tpu.memref_squeeze %dma_wait3A_374 : memref<1x1x128x384xf32, #tpu.memory_space<hbm>> -> memref<128x384xf32, #tpu.memory_space<hbm>>
        tpu.wait_dma2 semaphore(%run_scoped3A_361 : memref<!tpu.dma_semaphore, #tpu.memory_space<semaphore_mem>>) src(%arg4 : memref<128x384xf32, #tpu.memory_space<vmem>>) dst(%dma_wait3A_375 : memref<128x384xf32, #tpu.memory_space<hbm>>)
        tpu.yield
      }) : () -> ()
    } else {
    }
    %eq3A_13 = arith.constant 3 : i32
    %eq3A_14 = arith.cmpi eq, %add3A, %eq3A_13 : i32
    %convert_element_type3A_15 = arith.extui %eq3A_14 : i1 to i32
    %cond3A_16 = arith.constant 0 : i32
    %cond3A_17 = arith.cmpi ne, %convert_element_type3A_15, %cond3A_16 : i32
    scf.if %cond3A_17 {
      %run_scoped3A = arith.constant 0 : i32
      %run_scoped3A_358 = arith.constant 4 : i32
      "tpu.region"() ({
        %run_scoped3A_361 = tpu.sem_alloc : memref<!tpu.dma_semaphore, #tpu.memory_space<semaphore_mem>>
        %dma_start3A = arith.constant 0 : i32
        %dma_start3A_362 = arith.constant 0 : i32
        %dma_start3A_363 = tpu.memref_slice %arg2[%run_scoped3A, %run_scoped3A_358, %dma_start3A, %dma_start3A_362] : memref<3x32x384x384xf32, #tpu.memory_space<hbm>> -> memref<1x1x128x384xf32, #tpu.memory_space<hbm>>
        %dma_start3A_364 = tpu.memref_squeeze %dma_start3A_363 : memref<1x1x128x384xf32, #tpu.memory_space<hbm>> -> memref<128x384xf32, #tpu.memory_space<hbm>>
        %dma_start3A_365 = arith.constant 0 : i32
        %dma_start3A_366 = arith.constant 0 : i32
        %dma_start3A_367 = tpu.memref_slice %arg2[%run_scoped3A, %run_scoped3A_358, %dma_start3A_365, %dma_start3A_366] : memref<3x32x384x384xf32, #tpu.memory_space<hbm>> -> memref<1x1x128x384xf32, #tpu.memory_space<hbm>>
        %dma_start3A_368 = tpu.memref_squeeze %dma_start3A_367 : memref<1x1x128x384xf32, #tpu.memory_space<hbm>> -> memref<128x384xf32, #tpu.memory_space<hbm>>
        tpu.enqueue_dma source(%dma_start3A_368 : memref<128x384xf32, #tpu.memory_space<hbm>>) target(%arg4 : memref<128x384xf32, #tpu.memory_space<vmem>>) target_semaphore(%run_scoped3A_361 : memref<!tpu.dma_semaphore, #tpu.memory_space<semaphore_mem>>)
        %dma_wait3A = arith.constant 0 : i32
        %dma_wait3A_369 = arith.constant 0 : i32
        %dma_wait3A_370 = tpu.memref_slice %arg2[%run_scoped3A, %run_scoped3A_358, %dma_wait3A, %dma_wait3A_369] : memref<3x32x384x384xf32, #tpu.memory_space<hbm>> -> memref<1x1x128x384xf32, #tpu.memory_space<hbm>>
        %dma_wait3A_371 = tpu.memref_squeeze %dma_wait3A_370 : memref<1x1x128x384xf32, #tpu.memory_space<hbm>> -> memref<128x384xf32, #tpu.memory_space<hbm>>
        %dma_wait3A_372 = arith.constant 0 : i32
        %dma_wait3A_373 = arith.constant 0 : i32
        %dma_wait3A_374 = tpu.memref_slice %arg2[%run_scoped3A, %run_scoped3A_358, %dma_wait3A_372, %dma_wait3A_373] : memref<3x32x384x384xf32, #tpu.memory_space<hbm>> -> memref<1x1x128x384xf32, #tpu.memory_space<hbm>>
        %dma_wait3A_375 = tpu.memref_squeeze %dma_wait3A_374 : memref<1x1x128x384xf32, #tpu.memory_space<hbm>> -> memref<128x384xf32, #tpu.memory_space<hbm>>
        tpu.wait_dma2 semaphore(%run_scoped3A_361 : memref<!tpu.dma_semaphore, #tpu.memory_space<semaphore_mem>>) src(%dma_wait3A_375 : memref<128x384xf32, #tpu.memory_space<hbm>>) dst(%arg4 : memref<128x384xf32, #tpu.memory_space<vmem>>)
        tpu.yield
      }) : () -> ()
      %run_scoped3A_359 = arith.constant 0 : i32
      %run_scoped3A_360 = arith.constant 1 : i32
      "tpu.region"() ({
        %run_scoped3A_361 = tpu.sem_alloc : memref<!tpu.dma_semaphore, #tpu.memory_space<semaphore_mem>>
        %dma_start3A = arith.constant 0 : i32
        %dma_start3A_362 = arith.constant 0 : i32
        %dma_start3A_363 = tpu.memref_slice %arg3[%run_scoped3A_359, %run_scoped3A_360, %dma_start3A, %dma_start3A_362] : memref<3x8x384x384xf32, #tpu.memory_space<hbm>> -> memref<1x1x128x384xf32, #tpu.memory_space<hbm>>
        %dma_start3A_364 = tpu.memref_squeeze %dma_start3A_363 : memref<1x1x128x384xf32, #tpu.memory_space<hbm>> -> memref<128x384xf32, #tpu.memory_space<hbm>>
        %dma_start3A_365 = arith.constant 0 : i32
        %dma_start3A_366 = arith.constant 0 : i32
        %dma_start3A_367 = tpu.memref_slice %arg3[%run_scoped3A_359, %run_scoped3A_360, %dma_start3A_365, %dma_start3A_366] : memref<3x8x384x384xf32, #tpu.memory_space<hbm>> -> memref<1x1x128x384xf32, #tpu.memory_space<hbm>>
        %dma_start3A_368 = tpu.memref_squeeze %dma_start3A_367 : memref<1x1x128x384xf32, #tpu.memory_space<hbm>> -> memref<128x384xf32, #tpu.memory_space<hbm>>
        tpu.enqueue_dma source(%arg4 : memref<128x384xf32, #tpu.memory_space<vmem>>) target(%dma_start3A_368 : memref<128x384xf32, #tpu.memory_space<hbm>>) target_semaphore(%run_scoped3A_361 : memref<!tpu.dma_semaphore, #tpu.memory_space<semaphore_mem>>)
        %dma_wait3A = arith.constant 0 : i32
        %dma_wait3A_369 = arith.constant 0 : i32
        %dma_wait3A_370 = tpu.memref_slice %arg3[%run_scoped3A_359, %run_scoped3A_360, %dma_wait3A, %dma_wait3A_369] : memref<3x8x384x384xf32, #tpu.memory_space<hbm>> -> memref<1x1x128x384xf32, #tpu.memory_space<hbm>>
        %dma_wait3A_371 = tpu.memref_squeeze %dma_wait3A_370 : memref<1x1x128x384xf32, #tpu.memory_space<hbm>> -> memref<128x384xf32, #tpu.memory_space<hbm>>
        %dma_wait3A_372 = arith.constant 0 : i32
        %dma_wait3A_373 = arith.constant 0 : i32
        %dma_wait3A_374 = tpu.memref_slice %arg3[%run_scoped3A_359, %run_scoped3A_360, %dma_wait3A_372, %dma_wait3A_373] : memref<3x8x384x384xf32, #tpu.memory_space<hbm>> -> memref<1x1x128x384xf32, #tpu.memory_space<hbm>>
        %dma_wait3A_375 = tpu.memref_squeeze %dma_wait3A_374 : memref<1x1x128x384xf32, #tpu.memory_space<hbm>> -> memref<128x384xf32, #tpu.memory_space<hbm>>
        tpu.wait_dma2 semaphore(%run_scoped3A_361 : memref<!tpu.dma_semaphore, #tpu.memory_space<semaphore_mem>>) src(%arg4 : memref<128x384xf32, #tpu.memory_space<vmem>>) dst(%dma_wait3A_375 : memref<128x384xf32, #tpu.memory_space<hbm>>)
        tpu.yield
      }) : () -> ()
    } else {
    }
    %eq3A_18 = arith.constant 4 : i32
    %eq3A_19 = arith.cmpi eq, %add3A, %eq3A_18 : i32
    %convert_element_type3A_20 = arith.extui %eq3A_19 : i1 to i32
    %cond3A_21 = arith.constant 0 : i32
    %cond3A_22 = arith.cmpi ne, %convert_element_type3A_20, %cond3A_21 : i32
    scf.if %cond3A_22 {
      %run_scoped3A = arith.constant 0 : i32
      %run_scoped3A_358 = arith.constant 4 : i32
      "tpu.region"() ({
        %run_scoped3A_361 = tpu.sem_alloc : memref<!tpu.dma_semaphore, #tpu.memory_space<semaphore_mem>>
        %dma_start3A = arith.constant 128 : i32
        %dma_start3A_362 = arith.constant 0 : i32
        %dma_start3A_363 = tpu.memref_slice %arg2[%run_scoped3A, %run_scoped3A_358, %dma_start3A, %dma_start3A_362] : memref<3x32x384x384xf32, #tpu.memory_space<hbm>> -> memref<1x1x128x384xf32, #tpu.memory_space<hbm>>
        %dma_start3A_364 = tpu.memref_squeeze %dma_start3A_363 : memref<1x1x128x384xf32, #tpu.memory_space<hbm>> -> memref<128x384xf32, #tpu.memory_space<hbm>>
        %dma_start3A_365 = arith.constant 128 : i32
        %dma_start3A_366 = arith.constant 0 : i32
        %dma_start3A_367 = tpu.memref_slice %arg2[%run_scoped3A, %run_scoped3A_358, %dma_start3A_365, %dma_start3A_366] : memref<3x32x384x384xf32, #tpu.memory_space<hbm>> -> memref<1x1x128x384xf32, #tpu.memory_space<hbm>>
        %dma_start3A_368 = tpu.memref_squeeze %dma_start3A_367 : memref<1x1x128x384xf32, #tpu.memory_space<hbm>> -> memref<128x384xf32, #tpu.memory_space<hbm>>
        tpu.enqueue_dma source(%dma_start3A_368 : memref<128x384xf32, #tpu.memory_space<hbm>>) target(%arg4 : memref<128x384xf32, #tpu.memory_space<vmem>>) target_semaphore(%run_scoped3A_361 : memref<!tpu.dma_semaphore, #tpu.memory_space<semaphore_mem>>)
        %dma_wait3A = arith.constant 128 : i32
        %dma_wait3A_369 = arith.constant 0 : i32
        %dma_wait3A_370 = tpu.memref_slice %arg2[%run_scoped3A, %run_scoped3A_358, %dma_wait3A, %dma_wait3A_369] : memref<3x32x384x384xf32, #tpu.memory_space<hbm>> -> memref<1x1x128x384xf32, #tpu.memory_space<hbm>>
        %dma_wait3A_371 = tpu.memref_squeeze %dma_wait3A_370 : memref<1x1x128x384xf32, #tpu.memory_space<hbm>> -> memref<128x384xf32, #tpu.memory_space<hbm>>
        %dma_wait3A_372 = arith.constant 128 : i32
        %dma_wait3A_373 = arith.constant 0 : i32
        %dma_wait3A_374 = tpu.memref_slice %arg2[%run_scoped3A, %run_scoped3A_358, %dma_wait3A_372, %dma_wait3A_373] : memref<3x32x384x384xf32, #tpu.memory_space<hbm>> -> memref<1x1x128x384xf32, #tpu.memory_space<hbm>>
        %dma_wait3A_375 = tpu.memref_squeeze %dma_wait3A_374 : memref<1x1x128x384xf32, #tpu.memory_space<hbm>> -> memref<128x384xf32, #tpu.memory_space<hbm>>
        tpu.wait_dma2 semaphore(%run_scoped3A_361 : memref<!tpu.dma_semaphore, #tpu.memory_space<semaphore_mem>>) src(%dma_wait3A_375 : memref<128x384xf32, #tpu.memory_space<hbm>>) dst(%arg4 : memref<128x384xf32, #tpu.memory_space<vmem>>)
        tpu.yield
      }) : () -> ()
      %run_scoped3A_359 = arith.constant 0 : i32
      %run_scoped3A_360 = arith.constant 1 : i32
      "tpu.region"() ({
        %run_scoped3A_361 = tpu.sem_alloc : memref<!tpu.dma_semaphore, #tpu.memory_space<semaphore_mem>>
        %dma_start3A = arith.constant 128 : i32
        %dma_start3A_362 = arith.constant 0 : i32
        %dma_start3A_363 = tpu.memref_slice %arg3[%run_scoped3A_359, %run_scoped3A_360, %dma_start3A, %dma_start3A_362] : memref<3x8x384x384xf32, #tpu.memory_space<hbm>> -> memref<1x1x128x384xf32, #tpu.memory_space<hbm>>
        %dma_start3A_364 = tpu.memref_squeeze %dma_start3A_363 : memref<1x1x128x384xf32, #tpu.memory_space<hbm>> -> memref<128x384xf32, #tpu.memory_space<hbm>>
        %dma_start3A_365 = arith.constant 128 : i32
        %dma_start3A_366 = arith.constant 0 : i32
        %dma_start3A_367 = tpu.memref_slice %arg3[%run_scoped3A_359, %run_scoped3A_360, %dma_start3A_365, %dma_start3A_366] : memref<3x8x384x384xf32, #tpu.memory_space<hbm>> -> memref<1x1x128x384xf32, #tpu.memory_space<hbm>>
        %dma_start3A_368 = tpu.memref_squeeze %dma_start3A_367 : memref<1x1x128x384xf32, #tpu.memory_space<hbm>> -> memref<128x384xf32, #tpu.memory_space<hbm>>
        tpu.enqueue_dma source(%arg4 : memref<128x384xf32, #tpu.memory_space<vmem>>) target(%dma_start3A_368 : memref<128x384xf32, #tpu.memory_space<hbm>>) target_semaphore(%run_scoped3A_361 : memref<!tpu.dma_semaphore, #tpu.memory_space<semaphore_mem>>)
        %dma_wait3A = arith.constant 128 : i32
        %dma_wait3A_369 = arith.constant 0 : i32
        %dma_wait3A_370 = tpu.memref_slice %arg3[%run_scoped3A_359, %run_scoped3A_360, %dma_wait3A, %dma_wait3A_369] : memref<3x8x384x384xf32, #tpu.memory_space<hbm>> -> memref<1x1x128x384xf32, #tpu.memory_space<hbm>>
        %dma_wait3A_371 = tpu.memref_squeeze %dma_wait3A_370 : memref<1x1x128x384xf32, #tpu.memory_space<hbm>> -> memref<128x384xf32, #tpu.memory_space<hbm>>
        %dma_wait3A_372 = arith.constant 128 : i32
        %dma_wait3A_373 = arith.constant 0 : i32
        %dma_wait3A_374 = tpu.memref_slice %arg3[%run_scoped3A_359, %run_scoped3A_360, %dma_wait3A_372, %dma_wait3A_373] : memref<3x8x384x384xf32, #tpu.memory_space<hbm>> -> memref<1x1x128x384xf32, #tpu.memory_space<hbm>>
        %dma_wait3A_375 = tpu.memref_squeeze %dma_wait3A_374 : memref<1x1x128x384xf32, #tpu.memory_space<hbm>> -> memref<128x384xf32, #tpu.memory_space<hbm>>
        tpu.wait_dma2 semaphore(%run_scoped3A_361 : memref<!tpu.dma_semaphore, #tpu.memory_space<semaphore_mem>>) src(%arg4 : memref<128x384xf32, #tpu.memory_space<vmem>>) dst(%dma_wait3A_375 : memref<128x384xf32, #tpu.memory_space<hbm>>)
        tpu.yield
      }) : () -> ()
    } else {
    }
    %eq3A_23 = arith.constant 5 : i32
    %eq3A_24 = arith.cmpi eq, %add3A, %eq3A_23 : i32
    %convert_element_type3A_25 = arith.extui %eq3A_24 : i1 to i32
    %cond3A_26 = arith.constant 0 : i32
    %cond3A_27 = arith.cmpi ne, %convert_element_type3A_25, %cond3A_26 : i32
    scf.if %cond3A_27 {
      %run_scoped3A = arith.constant 0 : i32
      %run_scoped3A_358 = arith.constant 4 : i32
      "tpu.region"() ({
        %run_scoped3A_361 = tpu.sem_alloc : memref<!tpu.dma_semaphore, #tpu.memory_space<semaphore_mem>>
        %dma_start3A = arith.constant 256 : i32
        %dma_start3A_362 = arith.constant 0 : i32
        %dma_start3A_363 = tpu.memref_slice %arg2[%run_scoped3A, %run_scoped3A_358, %dma_start3A, %dma_start3A_362] : memref<3x32x384x384xf32, #tpu.memory_space<hbm>> -> memref<1x1x128x384xf32, #tpu.memory_space<hbm>>
        %dma_start3A_364 = tpu.memref_squeeze %dma_start3A_363 : memref<1x1x128x384xf32, #tpu.memory_space<hbm>> -> memref<128x384xf32, #tpu.memory_space<hbm>>
        %dma_start3A_365 = arith.constant 256 : i32
        %dma_start3A_366 = arith.constant 0 : i32
        %dma_start3A_367 = tpu.memref_slice %arg2[%run_scoped3A, %run_scoped3A_358, %dma_start3A_365, %dma_start3A_366] : memref<3x32x384x384xf32, #tpu.memory_space<hbm>> -> memref<1x1x128x384xf32, #tpu.memory_space<hbm>>
        %dma_start3A_368 = tpu.memref_squeeze %dma_start3A_367 : memref<1x1x128x384xf32, #tpu.memory_space<hbm>> -> memref<128x384xf32, #tpu.memory_space<hbm>>
        tpu.enqueue_dma source(%dma_start3A_368 : memref<128x384xf32, #tpu.memory_space<hbm>>) target(%arg4 : memref<128x384xf32, #tpu.memory_space<vmem>>) target_semaphore(%run_scoped3A_361 : memref<!tpu.dma_semaphore, #tpu.memory_space<semaphore_mem>>)
        %dma_wait3A = arith.constant 256 : i32
        %dma_wait3A_369 = arith.constant 0 : i32
        %dma_wait3A_370 = tpu.memref_slice %arg2[%run_scoped3A, %run_scoped3A_358, %dma_wait3A, %dma_wait3A_369] : memref<3x32x384x384xf32, #tpu.memory_space<hbm>> -> memref<1x1x128x384xf32, #tpu.memory_space<hbm>>
        %dma_wait3A_371 = tpu.memref_squeeze %dma_wait3A_370 : memref<1x1x128x384xf32, #tpu.memory_space<hbm>> -> memref<128x384xf32, #tpu.memory_space<hbm>>
        %dma_wait3A_372 = arith.constant 256 : i32
        %dma_wait3A_373 = arith.constant 0 : i32
        %dma_wait3A_374 = tpu.memref_slice %arg2[%run_scoped3A, %run_scoped3A_358, %dma_wait3A_372, %dma_wait3A_373] : memref<3x32x384x384xf32, #tpu.memory_space<hbm>> -> memref<1x1x128x384xf32, #tpu.memory_space<hbm>>
        %dma_wait3A_375 = tpu.memref_squeeze %dma_wait3A_374 : memref<1x1x128x384xf32, #tpu.memory_space<hbm>> -> memref<128x384xf32, #tpu.memory_space<hbm>>
        tpu.wait_dma2 semaphore(%run_scoped3A_361 : memref<!tpu.dma_semaphore, #tpu.memory_space<semaphore_mem>>) src(%dma_wait3A_375 : memref<128x384xf32, #tpu.memory_space<hbm>>) dst(%arg4 : memref<128x384xf32, #tpu.memory_space<vmem>>)
        tpu.yield
      }) : () -> ()
      %run_scoped3A_359 = arith.constant 0 : i32
      %run_scoped3A_360 = arith.constant 1 : i32
      "tpu.region"() ({
        %run_scoped3A_361 = tpu.sem_alloc : memref<!tpu.dma_semaphore, #tpu.memory_space<semaphore_mem>>
        %dma_start3A = arith.constant 256 : i32
        %dma_start3A_362 = arith.constant 0 : i32
        %dma_start3A_363 = tpu.memref_slice %arg3[%run_scoped3A_359, %run_scoped3A_360, %dma_start3A, %dma_start3A_362] : memref<3x8x384x384xf32, #tpu.memory_space<hbm>> -> memref<1x1x128x384xf32, #tpu.memory_space<hbm>>
        %dma_start3A_364 = tpu.memref_squeeze %dma_start3A_363 : memref<1x1x128x384xf32, #tpu.memory_space<hbm>> -> memref<128x384xf32, #tpu.memory_space<hbm>>
        %dma_start3A_365 = arith.constant 256 : i32
        %dma_start3A_366 = arith.constant 0 : i32
        %dma_start3A_367 = tpu.memref_slice %arg3[%run_scoped3A_359, %run_scoped3A_360, %dma_start3A_365, %dma_start3A_366] : memref<3x8x384x384xf32, #tpu.memory_space<hbm>> -> memref<1x1x128x384xf32, #tpu.memory_space<hbm>>
        %dma_start3A_368 = tpu.memref_squeeze %dma_start3A_367 : memref<1x1x128x384xf32, #tpu.memory_space<hbm>> -> memref<128x384xf32, #tpu.memory_space<hbm>>
        tpu.enqueue_dma source(%arg4 : memref<128x384xf32, #tpu.memory_space<vmem>>) target(%dma_start3A_368 : memref<128x384xf32, #tpu.memory_space<hbm>>) target_semaphore(%run_scoped3A_361 : memref<!tpu.dma_semaphore, #tpu.memory_space<semaphore_mem>>)
        %dma_wait3A = arith.constant 256 : i32
        %dma_wait3A_369 = arith.constant 0 : i32
        %dma_wait3A_370 = tpu.memref_slice %arg3[%run_scoped3A_359, %run_scoped3A_360, %dma_wait3A, %dma_wait3A_369] : memref<3x8x384x384xf32, #tpu.memory_space<hbm>> -> memref<1x1x128x384xf32, #tpu.memory_space<hbm>>
        %dma_wait3A_371 = tpu.memref_squeeze %dma_wait3A_370 : memref<1x1x128x384xf32, #tpu.memory_space<hbm>> -> memref<128x384xf32, #tpu.memory_space<hbm>>
        %dma_wait3A_372 = arith.constant 256 : i32
        %dma_wait3A_373 = arith.constant 0 : i32
        %dma_wait3A_374 = tpu.memref_slice %arg3[%run_scoped3A_359, %run_scoped3A_360, %dma_wait3A_372, %dma_wait3A_373] : memref<3x8x384x384xf32, #tpu.memory_space<hbm>> -> memref<1x1x128x384xf32, #tpu.memory_space<hbm>>
        %dma_wait3A_375 = tpu.memref_squeeze %dma_wait3A_374 : memref<1x1x128x384xf32, #tpu.memory_space<hbm>> -> memref<128x384xf32, #tpu.memory_space<hbm>>
        tpu.wait_dma2 semaphore(%run_scoped3A_361 : memref<!tpu.dma_semaphore, #tpu.memory_space<semaphore_mem>>) src(%arg4 : memref<128x384xf32, #tpu.memory_space<vmem>>) dst(%dma_wait3A_375 : memref<128x384xf32, #tpu.memory_space<hbm>>)
        tpu.yield
      }) : () -> ()
    } else {
    }
    %eq3A_28 = arith.constant 6 : i32
    %eq3A_29 = arith.cmpi eq, %add3A, %eq3A_28 : i32
    %convert_element_type3A_30 = arith.extui %eq3A_29 : i1 to i32
    %cond3A_31 = arith.constant 0 : i32
    %cond3A_32 = arith.cmpi ne, %convert_element_type3A_30, %cond3A_31 : i32
    scf.if %cond3A_32 {
      %run_scoped3A = arith.constant 0 : i32
      %run_scoped3A_358 = arith.constant 8 : i32
      "tpu.region"() ({
        %run_scoped3A_361 = tpu.sem_alloc : memref<!tpu.dma_semaphore, #tpu.memory_space<semaphore_mem>>
        %dma_start3A = arith.constant 0 : i32
        %dma_start3A_362 = arith.constant 0 : i32
        %dma_start3A_363 = tpu.memref_slice %arg2[%run_scoped3A, %run_scoped3A_358, %dma_start3A, %dma_start3A_362] : memref<3x32x384x384xf32, #tpu.memory_space<hbm>> -> memref<1x1x128x384xf32, #tpu.memory_space<hbm>>
        %dma_start3A_364 = tpu.memref_squeeze %dma_start3A_363 : memref<1x1x128x384xf32, #tpu.memory_space<hbm>> -> memref<128x384xf32, #tpu.memory_space<hbm>>
        %dma_start3A_365 = arith.constant 0 : i32
        %dma_start3A_366 = arith.constant 0 : i32
        %dma_start3A_367 = tpu.memref_slice %arg2[%run_scoped3A, %run_scoped3A_358, %dma_start3A_365, %dma_start3A_366] : memref<3x32x384x384xf32, #tpu.memory_space<hbm>> -> memref<1x1x128x384xf32, #tpu.memory_space<hbm>>
        %dma_start3A_368 = tpu.memref_squeeze %dma_start3A_367 : memref<1x1x128x384xf32, #tpu.memory_space<hbm>> -> memref<128x384xf32, #tpu.memory_space<hbm>>
        tpu.enqueue_dma source(%dma_start3A_368 : memref<128x384xf32, #tpu.memory_space<hbm>>) target(%arg4 : memref<128x384xf32, #tpu.memory_space<vmem>>) target_semaphore(%run_scoped3A_361 : memref<!tpu.dma_semaphore, #tpu.memory_space<semaphore_mem>>)
        %dma_wait3A = arith.constant 0 : i32
        %dma_wait3A_369 = arith.constant 0 : i32
        %dma_wait3A_370 = tpu.memref_slice %arg2[%run_scoped3A, %run_scoped3A_358, %dma_wait3A, %dma_wait3A_369] : memref<3x32x384x384xf32, #tpu.memory_space<hbm>> -> memref<1x1x128x384xf32, #tpu.memory_space<hbm>>
        %dma_wait3A_371 = tpu.memref_squeeze %dma_wait3A_370 : memref<1x1x128x384xf32, #tpu.memory_space<hbm>> -> memref<128x384xf32, #tpu.memory_space<hbm>>
        %dma_wait3A_372 = arith.constant 0 : i32
        %dma_wait3A_373 = arith.constant 0 : i32
        %dma_wait3A_374 = tpu.memref_slice %arg2[%run_scoped3A, %run_scoped3A_358, %dma_wait3A_372, %dma_wait3A_373] : memref<3x32x384x384xf32, #tpu.memory_space<hbm>> -> memref<1x1x128x384xf32, #tpu.memory_space<hbm>>
        %dma_wait3A_375 = tpu.memref_squeeze %dma_wait3A_374 : memref<1x1x128x384xf32, #tpu.memory_space<hbm>> -> memref<128x384xf32, #tpu.memory_space<hbm>>
        tpu.wait_dma2 semaphore(%run_scoped3A_361 : memref<!tpu.dma_semaphore, #tpu.memory_space<semaphore_mem>>) src(%dma_wait3A_375 : memref<128x384xf32, #tpu.memory_space<hbm>>) dst(%arg4 : memref<128x384xf32, #tpu.memory_space<vmem>>)
        tpu.yield
      }) : () -> ()
      %run_scoped3A_359 = arith.constant 0 : i32
      %run_scoped3A_360 = arith.constant 2 : i32
      "tpu.region"() ({
        %run_scoped3A_361 = tpu.sem_alloc : memref<!tpu.dma_semaphore, #tpu.memory_space<semaphore_mem>>
        %dma_start3A = arith.constant 0 : i32
        %dma_start3A_362 = arith.constant 0 : i32
        %dma_start3A_363 = tpu.memref_slice %arg3[%run_scoped3A_359, %run_scoped3A_360, %dma_start3A, %dma_start3A_362] : memref<3x8x384x384xf32, #tpu.memory_space<hbm>> -> memref<1x1x128x384xf32, #tpu.memory_space<hbm>>
        %dma_start3A_364 = tpu.memref_squeeze %dma_start3A_363 : memref<1x1x128x384xf32, #tpu.memory_space<hbm>> -> memref<128x384xf32, #tpu.memory_space<hbm>>
        %dma_start3A_365 = arith.constant 0 : i32
        %dma_start3A_366 = arith.constant 0 : i32
        %dma_start3A_367 = tpu.memref_slice %arg3[%run_scoped3A_359, %run_scoped3A_360, %dma_start3A_365, %dma_start3A_366] : memref<3x8x384x384xf32, #tpu.memory_space<hbm>> -> memref<1x1x128x384xf32, #tpu.memory_space<hbm>>
        %dma_start3A_368 = tpu.memref_squeeze %dma_start3A_367 : memref<1x1x128x384xf32, #tpu.memory_space<hbm>> -> memref<128x384xf32, #tpu.memory_space<hbm>>
        tpu.enqueue_dma source(%arg4 : memref<128x384xf32, #tpu.memory_space<vmem>>) target(%dma_start3A_368 : memref<128x384xf32, #tpu.memory_space<hbm>>) target_semaphore(%run_scoped3A_361 : memref<!tpu.dma_semaphore, #tpu.memory_space<semaphore_mem>>)
        %dma_wait3A = arith.constant 0 : i32
        %dma_wait3A_369 = arith.constant 0 : i32
        %dma_wait3A_370 = tpu.memref_slice %arg3[%run_scoped3A_359, %run_scoped3A_360, %dma_wait3A, %dma_wait3A_369] : memref<3x8x384x384xf32, #tpu.memory_space<hbm>> -> memref<1x1x128x384xf32, #tpu.memory_space<hbm>>
        %dma_wait3A_371 = tpu.memref_squeeze %dma_wait3A_370 : memref<1x1x128x384xf32, #tpu.memory_space<hbm>> -> memref<128x384xf32, #tpu.memory_space<hbm>>
        %dma_wait3A_372 = arith.constant 0 : i32
        %dma_wait3A_373 = arith.constant 0 : i32
        %dma_wait3A_374 = tpu.memref_slice %arg3[%run_scoped3A_359, %run_scoped3A_360, %dma_wait3A_372, %dma_wait3A_373] : memref<3x8x384x384xf32, #tpu.memory_space<hbm>> -> memref<1x1x128x384xf32, #tpu.memory_space<hbm>>
        %dma_wait3A_375 = tpu.memref_squeeze %dma_wait3A_374 : memref<1x1x128x384xf32, #tpu.memory_space<hbm>> -> memref<128x384xf32, #tpu.memory_space<hbm>>
        tpu.wait_dma2 semaphore(%run_scoped3A_361 : memref<!tpu.dma_semaphore, #tpu.memory_space<semaphore_mem>>) src(%arg4 : memref<128x384xf32, #tpu.memory_space<vmem>>) dst(%dma_wait3A_375 : memref<128x384xf32, #tpu.memory_space<hbm>>)
        tpu.yield
      }) : () -> ()
    } else {
    }
    %eq3A_33 = arith.constant 7 : i32
    %eq3A_34 = arith.cmpi eq, %add3A, %eq3A_33 : i32
    %convert_element_type3A_35 = arith.extui %eq3A_34 : i1 to i32
    %cond3A_36 = arith.constant 0 : i32
    %cond3A_37 = arith.cmpi ne, %convert_element_type3A_35, %cond3A_36 : i32
    scf.if %cond3A_37 {
      %run_scoped3A = arith.constant 0 : i32
      %run_scoped3A_358 = arith.constant 8 : i32
      "tpu.region"() ({
        %run_scoped3A_361 = tpu.sem_alloc : memref<!tpu.dma_semaphore, #tpu.memory_space<semaphore_mem>>
        %dma_start3A = arith.constant 128 : i32
        %dma_start3A_362 = arith.constant 0 : i32
        %dma_start3A_363 = tpu.memref_slice %arg2[%run_scoped3A, %run_scoped3A_358, %dma_start3A, %dma_start3A_362] : memref<3x32x384x384xf32, #tpu.memory_space<hbm>> -> memref<1x1x128x384xf32, #tpu.memory_space<hbm>>
        %dma_start3A_364 = tpu.memref_squeeze %dma_start3A_363 : memref<1x1x128x384xf32, #tpu.memory_space<hbm>> -> memref<128x384xf32, #tpu.memory_space<hbm>>
        %dma_start3A_365 = arith.constant 128 : i32
        %dma_start3A_366 = arith.constant 0 : i32
        %dma_start3A_367 = tpu.memref_slice %arg2[%run_scoped3A, %run_scoped3A_358, %dma_start3A_365, %dma_start3A_366] : memref<3x32x384x384xf32, #tpu.memory_space<hbm>> -> memref<1x1x128x384xf32, #tpu.memory_space<hbm>>
        %dma_start3A_368 = tpu.memref_squeeze %dma_start3A_367 : memref<1x1x128x384xf32, #tpu.memory_space<hbm>> -> memref<128x384xf32, #tpu.memory_space<hbm>>
        tpu.enqueue_dma source(%dma_start3A_368 : memref<128x384xf32, #tpu.memory_space<hbm>>) target(%arg4 : memref<128x384xf32, #tpu.memory_space<vmem>>) target_semaphore(%run_scoped3A_361 : memref<!tpu.dma_semaphore, #tpu.memory_space<semaphore_mem>>)
        %dma_wait3A = arith.constant 128 : i32
        %dma_wait3A_369 = arith.constant 0 : i32
        %dma_wait3A_370 = tpu.memref_slice %arg2[%run_scoped3A, %run_scoped3A_358, %dma_wait3A, %dma_wait3A_369] : memref<3x32x384x384xf32, #tpu.memory_space<hbm>> -> memref<1x1x128x384xf32, #tpu.memory_space<hbm>>
        %dma_wait3A_371 = tpu.memref_squeeze %dma_wait3A_370 : memref<1x1x128x384xf32, #tpu.memory_space<hbm>> -> memref<128x384xf32, #tpu.memory_space<hbm>>
        %dma_wait3A_372 = arith.constant 128 : i32
        %dma_wait3A_373 = arith.constant 0 : i32
        %dma_wait3A_374 = tpu.memref_slice %arg2[%run_scoped3A, %run_scoped3A_358, %dma_wait3A_372, %dma_wait3A_373] : memref<3x32x384x384xf32, #tpu.memory_space<hbm>> -> memref<1x1x128x384xf32, #tpu.memory_space<hbm>>
        %dma_wait3A_375 = tpu.memref_squeeze %dma_wait3A_374 : memref<1x1x128x384xf32, #tpu.memory_space<hbm>> -> memref<128x384xf32, #tpu.memory_space<hbm>>
        tpu.wait_dma2 semaphore(%run_scoped3A_361 : memref<!tpu.dma_semaphore, #tpu.memory_space<semaphore_mem>>) src(%dma_wait3A_375 : memref<128x384xf32, #tpu.memory_space<hbm>>) dst(%arg4 : memref<128x384xf32, #tpu.memory_space<vmem>>)
        tpu.yield
      }) : () -> ()
      %run_scoped3A_359 = arith.constant 0 : i32
      %run_scoped3A_360 = arith.constant 2 : i32
      "tpu.region"() ({
        %run_scoped3A_361 = tpu.sem_alloc : memref<!tpu.dma_semaphore, #tpu.memory_space<semaphore_mem>>
        %dma_start3A = arith.constant 128 : i32
        %dma_start3A_362 = arith.constant 0 : i32
        %dma_start3A_363 = tpu.memref_slice %arg3[%run_scoped3A_359, %run_scoped3A_360, %dma_start3A, %dma_start3A_362] : memref<3x8x384x384xf32, #tpu.memory_space<hbm>> -> memref<1x1x128x384xf32, #tpu.memory_space<hbm>>
        %dma_start3A_364 = tpu.memref_squeeze %dma_start3A_363 : memref<1x1x128x384xf32, #tpu.memory_space<hbm>> -> memref<128x384xf32, #tpu.memory_space<hbm>>
        %dma_start3A_365 = arith.constant 128 : i32
        %dma_start3A_366 = arith.constant 0 : i32
        %dma_start3A_367 = tpu.memref_slice %arg3[%run_scoped3A_359, %run_scoped3A_360, %dma_start3A_365, %dma_start3A_366] : memref<3x8x384x384xf32, #tpu.memory_space<hbm>> -> memref<1x1x128x384xf32, #tpu.memory_space<hbm>>
        %dma_start3A_368 = tpu.memref_squeeze %dma_start3A_367 : memref<1x1x128x384xf32, #tpu.memory_space<hbm>> -> memref<128x384xf32, #tpu.memory_space<hbm>>
        tpu.enqueue_dma source(%arg4 : memref<128x384xf32, #tpu.memory_space<vmem>>) target(%dma_start3A_368 : memref<128x384xf32, #tpu.memory_space<hbm>>) target_semaphore(%run_scoped3A_361 : memref<!tpu.dma_semaphore, #tpu.memory_space<semaphore_mem>>)
        %dma_wait3A = arith.constant 128 : i32
        %dma_wait3A_369 = arith.constant 0 : i32
        %dma_wait3A_370 = tpu.memref_slice %arg3[%run_scoped3A_359, %run_scoped3A_360, %dma_wait3A, %dma_wait3A_369] : memref<3x8x384x384xf32, #tpu.memory_space<hbm>> -> memref<1x1x128x384xf32, #tpu.memory_space<hbm>>
        %dma_wait3A_371 = tpu.memref_squeeze %dma_wait3A_370 : memref<1x1x128x384xf32, #tpu.memory_space<hbm>> -> memref<128x384xf32, #tpu.memory_space<hbm>>
        %dma_wait3A_372 = arith.constant 128 : i32
        %dma_wait3A_373 = arith.constant 0 : i32
        %dma_wait3A_374 = tpu.memref_slice %arg3[%run_scoped3A_359, %run_scoped3A_360, %dma_wait3A_372, %dma_wait3A_373] : memref<3x8x384x384xf32, #tpu.memory_space<hbm>> -> memref<1x1x128x384xf32, #tpu.memory_space<hbm>>
        %dma_wait3A_375 = tpu.memref_squeeze %dma_wait3A_374 : memref<1x1x128x384xf32, #tpu.memory_space<hbm>> -> memref<128x384xf32, #tpu.memory_space<hbm>>
        tpu.wait_dma2 semaphore(%run_scoped3A_361 : memref<!tpu.dma_semaphore, #tpu.memory_space<semaphore_mem>>) src(%arg4 : memref<128x384xf32, #tpu.memory_space<vmem>>) dst(%dma_wait3A_375 : memref<128x384xf32, #tpu.memory_space<hbm>>)
        tpu.yield
      }) : () -> ()
    } else {
    }
    %eq3A_38 = arith.constant 8 : i32
    %eq3A_39 = arith.cmpi eq, %add3A, %eq3A_38 : i32
    %convert_element_type3A_40 = arith.extui %eq3A_39 : i1 to i32
    %cond3A_41 = arith.constant 0 : i32
    %cond3A_42 = arith.cmpi ne, %convert_element_type3A_40, %cond3A_41 : i32
    scf.if %cond3A_42 {
      %run_scoped3A = arith.constant 0 : i32
      %run_scoped3A_358 = arith.constant 8 : i32
      "tpu.region"() ({
        %run_scoped3A_361 = tpu.sem_alloc : memref<!tpu.dma_semaphore, #tpu.memory_space<semaphore_mem>>
        %dma_start3A = arith.constant 256 : i32
        %dma_start3A_362 = arith.constant 0 : i32
        %dma_start3A_363 = tpu.memref_slice %arg2[%run_scoped3A, %run_scoped3A_358, %dma_start3A, %dma_start3A_362] : memref<3x32x384x384xf32, #tpu.memory_space<hbm>> -> memref<1x1x128x384xf32, #tpu.memory_space<hbm>>
        %dma_start3A_364 = tpu.memref_squeeze %dma_start3A_363 : memref<1x1x128x384xf32, #tpu.memory_space<hbm>> -> memref<128x384xf32, #tpu.memory_space<hbm>>
        %dma_start3A_365 = arith.constant 256 : i32
        %dma_start3A_366 = arith.constant 0 : i32
        %dma_start3A_367 = tpu.memref_slice %arg2[%run_scoped3A, %run_scoped3A_358, %dma_start3A_365, %dma_start3A_366] : memref<3x32x384x384xf32, #tpu.memory_space<hbm>> -> memref<1x1x128x384xf32, #tpu.memory_space<hbm>>
        %dma_start3A_368 = tpu.memref_squeeze %dma_start3A_367 : memref<1x1x128x384xf32, #tpu.memory_space<hbm>> -> memref<128x384xf32, #tpu.memory_space<hbm>>
        tpu.enqueue_dma source(%dma_start3A_368 : memref<128x384xf32, #tpu.memory_space<hbm>>) target(%arg4 : memref<128x384xf32, #tpu.memory_space<vmem>>) target_semaphore(%run_scoped3A_361 : memref<!tpu.dma_semaphore, #tpu.memory_space<semaphore_mem>>)
        %dma_wait3A = arith.constant 256 : i32
        %dma_wait3A_369 = arith.constant 0 : i32
        %dma_wait3A_370 = tpu.memref_slice %arg2[%run_scoped3A, %run_scoped3A_358, %dma_wait3A, %dma_wait3A_369] : memref<3x32x384x384xf32, #tpu.memory_space<hbm>> -> memref<1x1x128x384xf32, #tpu.memory_space<hbm>>
        %dma_wait3A_371 = tpu.memref_squeeze %dma_wait3A_370 : memref<1x1x128x384xf32, #tpu.memory_space<hbm>> -> memref<128x384xf32, #tpu.memory_space<hbm>>
        %dma_wait3A_372 = arith.constant 256 : i32
        %dma_wait3A_373 = arith.constant 0 : i32
        %dma_wait3A_374 = tpu.memref_slice %arg2[%run_scoped3A, %run_scoped3A_358, %dma_wait3A_372, %dma_wait3A_373] : memref<3x32x384x384xf32, #tpu.memory_space<hbm>> -> memref<1x1x128x384xf32, #tpu.memory_space<hbm>>
        %dma_wait3A_375 = tpu.memref_squeeze %dma_wait3A_374 : memref<1x1x128x384xf32, #tpu.memory_space<hbm>> -> memref<128x384xf32, #tpu.memory_space<hbm>>
        tpu.wait_dma2 semaphore(%run_scoped3A_361 : memref<!tpu.dma_semaphore, #tpu.memory_space<semaphore_mem>>) src(%dma_wait3A_375 : memref<128x384xf32, #tpu.memory_space<hbm>>) dst(%arg4 : memref<128x384xf32, #tpu.memory_space<vmem>>)
        tpu.yield
      }) : () -> ()
      %run_scoped3A_359 = arith.constant 0 : i32
      %run_scoped3A_360 = arith.constant 2 : i32
      "tpu.region"() ({
        %run_scoped3A_361 = tpu.sem_alloc : memref<!tpu.dma_semaphore, #tpu.memory_space<semaphore_mem>>
        %dma_start3A = arith.constant 256 : i32
        %dma_start3A_362 = arith.constant 0 : i32
        %dma_start3A_363 = tpu.memref_slice %arg3[%run_scoped3A_359, %run_scoped3A_360, %dma_start3A, %dma_start3A_362] : memref<3x8x384x384xf32, #tpu.memory_space<hbm>> -> memref<1x1x128x384xf32, #tpu.memory_space<hbm>>
        %dma_start3A_364 = tpu.memref_squeeze %dma_start3A_363 : memref<1x1x128x384xf32, #tpu.memory_space<hbm>> -> memref<128x384xf32, #tpu.memory_space<hbm>>
        %dma_start3A_365 = arith.constant 256 : i32
        %dma_start3A_366 = arith.constant 0 : i32
        %dma_start3A_367 = tpu.memref_slice %arg3[%run_scoped3A_359, %run_scoped3A_360, %dma_start3A_365, %dma_start3A_366] : memref<3x8x384x384xf32, #tpu.memory_space<hbm>> -> memref<1x1x128x384xf32, #tpu.memory_space<hbm>>
        %dma_start3A_368 = tpu.memref_squeeze %dma_start3A_367 : memref<1x1x128x384xf32, #tpu.memory_space<hbm>> -> memref<128x384xf32, #tpu.memory_space<hbm>>
        tpu.enqueue_dma source(%arg4 : memref<128x384xf32, #tpu.memory_space<vmem>>) target(%dma_start3A_368 : memref<128x384xf32, #tpu.memory_space<hbm>>) target_semaphore(%run_scoped3A_361 : memref<!tpu.dma_semaphore, #tpu.memory_space<semaphore_mem>>)
        %dma_wait3A = arith.constant 256 : i32
        %dma_wait3A_369 = arith.constant 0 : i32
        %dma_wait3A_370 = tpu.memref_slice %arg3[%run_scoped3A_359, %run_scoped3A_360, %dma_wait3A, %dma_wait3A_369] : memref<3x8x384x384xf32, #tpu.memory_space<hbm>> -> memref<1x1x128x384xf32, #tpu.memory_space<hbm>>
        %dma_wait3A_371 = tpu.memref_squeeze %dma_wait3A_370 : memref<1x1x128x384xf32, #tpu.memory_space<hbm>> -> memref<128x384xf32, #tpu.memory_space<hbm>>
        %dma_wait3A_372 = arith.constant 256 : i32
        %dma_wait3A_373 = arith.constant 0 : i32
        %dma_wait3A_374 = tpu.memref_slice %arg3[%run_scoped3A_359, %run_scoped3A_360, %dma_wait3A_372, %dma_wait3A_373] : memref<3x8x384x384xf32, #tpu.memory_space<hbm>> -> memref<1x1x128x384xf32, #tpu.memory_space<hbm>>
        %dma_wait3A_375 = tpu.memref_squeeze %dma_wait3A_374 : memref<1x1x128x384xf32, #tpu.memory_space<hbm>> -> memref<128x384xf32, #tpu.memory_space<hbm>>
        tpu.wait_dma2 semaphore(%run_scoped3A_361 : memref<!tpu.dma_semaphore, #tpu.memory_space<semaphore_mem>>) src(%arg4 : memref<128x384xf32, #tpu.memory_space<vmem>>) dst(%dma_wait3A_375 : memref<128x384xf32, #tpu.memory_space<hbm>>)
        tpu.yield
      }) : () -> ()
    } else {
    }
    %eq3A_43 = arith.constant 9 : i32
    %eq3A_44 = arith.cmpi eq, %add3A, %eq3A_43 : i32
    %convert_element_type3A_45 = arith.extui %eq3A_44 : i1 to i32
    %cond3A_46 = arith.constant 0 : i32
    %cond3A_47 = arith.cmpi ne, %convert_element_type3A_45, %cond3A_46 : i32
    scf.if %cond3A_47 {
      %run_scoped3A = arith.constant 0 : i32
      %run_scoped3A_358 = arith.constant 13 : i32
      "tpu.region"() ({
        %run_scoped3A_361 = tpu.sem_alloc : memref<!tpu.dma_semaphore, #tpu.memory_space<semaphore_mem>>
        %dma_start3A = arith.constant 0 : i32
        %dma_start3A_362 = arith.constant 0 : i32
        %dma_start3A_363 = tpu.memref_slice %arg2[%run_scoped3A, %run_scoped3A_358, %dma_start3A, %dma_start3A_362] : memref<3x32x384x384xf32, #tpu.memory_space<hbm>> -> memref<1x1x128x384xf32, #tpu.memory_space<hbm>>
        %dma_start3A_364 = tpu.memref_squeeze %dma_start3A_363 : memref<1x1x128x384xf32, #tpu.memory_space<hbm>> -> memref<128x384xf32, #tpu.memory_space<hbm>>
        %dma_start3A_365 = arith.constant 0 : i32
        %dma_start3A_366 = arith.constant 0 : i32
        %dma_start3A_367 = tpu.memref_slice %arg2[%run_scoped3A, %run_scoped3A_358, %dma_start3A_365, %dma_start3A_366] : memref<3x32x384x384xf32, #tpu.memory_space<hbm>> -> memref<1x1x128x384xf32, #tpu.memory_space<hbm>>
        %dma_start3A_368 = tpu.memref_squeeze %dma_start3A_367 : memref<1x1x128x384xf32, #tpu.memory_space<hbm>> -> memref<128x384xf32, #tpu.memory_space<hbm>>
        tpu.enqueue_dma source(%dma_start3A_368 : memref<128x384xf32, #tpu.memory_space<hbm>>) target(%arg4 : memref<128x384xf32, #tpu.memory_space<vmem>>) target_semaphore(%run_scoped3A_361 : memref<!tpu.dma_semaphore, #tpu.memory_space<semaphore_mem>>)
        %dma_wait3A = arith.constant 0 : i32
        %dma_wait3A_369 = arith.constant 0 : i32
        %dma_wait3A_370 = tpu.memref_slice %arg2[%run_scoped3A, %run_scoped3A_358, %dma_wait3A, %dma_wait3A_369] : memref<3x32x384x384xf32, #tpu.memory_space<hbm>> -> memref<1x1x128x384xf32, #tpu.memory_space<hbm>>
        %dma_wait3A_371 = tpu.memref_squeeze %dma_wait3A_370 : memref<1x1x128x384xf32, #tpu.memory_space<hbm>> -> memref<128x384xf32, #tpu.memory_space<hbm>>
        %dma_wait3A_372 = arith.constant 0 : i32
        %dma_wait3A_373 = arith.constant 0 : i32
        %dma_wait3A_374 = tpu.memref_slice %arg2[%run_scoped3A, %run_scoped3A_358, %dma_wait3A_372, %dma_wait3A_373] : memref<3x32x384x384xf32, #tpu.memory_space<hbm>> -> memref<1x1x128x384xf32, #tpu.memory_space<hbm>>
        %dma_wait3A_375 = tpu.memref_squeeze %dma_wait3A_374 : memref<1x1x128x384xf32, #tpu.memory_space<hbm>> -> memref<128x384xf32, #tpu.memory_space<hbm>>
        tpu.wait_dma2 semaphore(%run_scoped3A_361 : memref<!tpu.dma_semaphore, #tpu.memory_space<semaphore_mem>>) src(%dma_wait3A_375 : memref<128x384xf32, #tpu.memory_space<hbm>>) dst(%arg4 : memref<128x384xf32, #tpu.memory_space<vmem>>)
        tpu.yield
      }) : () -> ()
      %run_scoped3A_359 = arith.constant 0 : i32
      %run_scoped3A_360 = arith.constant 3 : i32
      "tpu.region"() ({
        %run_scoped3A_361 = tpu.sem_alloc : memref<!tpu.dma_semaphore, #tpu.memory_space<semaphore_mem>>
        %dma_start3A = arith.constant 0 : i32
        %dma_start3A_362 = arith.constant 0 : i32
        %dma_start3A_363 = tpu.memref_slice %arg3[%run_scoped3A_359, %run_scoped3A_360, %dma_start3A, %dma_start3A_362] : memref<3x8x384x384xf32, #tpu.memory_space<hbm>> -> memref<1x1x128x384xf32, #tpu.memory_space<hbm>>
        %dma_start3A_364 = tpu.memref_squeeze %dma_start3A_363 : memref<1x1x128x384xf32, #tpu.memory_space<hbm>> -> memref<128x384xf32, #tpu.memory_space<hbm>>
        %dma_start3A_365 = arith.constant 0 : i32
        %dma_start3A_366 = arith.constant 0 : i32
        %dma_start3A_367 = tpu.memref_slice %arg3[%run_scoped3A_359, %run_scoped3A_360, %dma_start3A_365, %dma_start3A_366] : memref<3x8x384x384xf32, #tpu.memory_space<hbm>> -> memref<1x1x128x384xf32, #tpu.memory_space<hbm>>
        %dma_start3A_368 = tpu.memref_squeeze %dma_start3A_367 : memref<1x1x128x384xf32, #tpu.memory_space<hbm>> -> memref<128x384xf32, #tpu.memory_space<hbm>>
        tpu.enqueue_dma source(%arg4 : memref<128x384xf32, #tpu.memory_space<vmem>>) target(%dma_start3A_368 : memref<128x384xf32, #tpu.memory_space<hbm>>) target_semaphore(%run_scoped3A_361 : memref<!tpu.dma_semaphore, #tpu.memory_space<semaphore_mem>>)
        %dma_wait3A = arith.constant 0 : i32
        %dma_wait3A_369 = arith.constant 0 : i32
        %dma_wait3A_370 = tpu.memref_slice %arg3[%run_scoped3A_359, %run_scoped3A_360, %dma_wait3A, %dma_wait3A_369] : memref<3x8x384x384xf32, #tpu.memory_space<hbm>> -> memref<1x1x128x384xf32, #tpu.memory_space<hbm>>
        %dma_wait3A_371 = tpu.memref_squeeze %dma_wait3A_370 : memref<1x1x128x384xf32, #tpu.memory_space<hbm>> -> memref<128x384xf32, #tpu.memory_space<hbm>>
        %dma_wait3A_372 = arith.constant 0 : i32
        %dma_wait3A_373 = arith.constant 0 : i32
        %dma_wait3A_374 = tpu.memref_slice %arg3[%run_scoped3A_359, %run_scoped3A_360, %dma_wait3A_372, %dma_wait3A_373] : memref<3x8x384x384xf32, #tpu.memory_space<hbm>> -> memref<1x1x128x384xf32, #tpu.memory_space<hbm>>
        %dma_wait3A_375 = tpu.memref_squeeze %dma_wait3A_374 : memref<1x1x128x384xf32, #tpu.memory_space<hbm>> -> memref<128x384xf32, #tpu.memory_space<hbm>>
        tpu.wait_dma2 semaphore(%run_scoped3A_361 : memref<!tpu.dma_semaphore, #tpu.memory_space<semaphore_mem>>) src(%arg4 : memref<128x384xf32, #tpu.memory_space<vmem>>) dst(%dma_wait3A_375 : memref<128x384xf32, #tpu.memory_space<hbm>>)
        tpu.yield
      }) : () -> ()
    } else {
    }
    %eq3A_48 = arith.constant 10 : i32
    %eq3A_49 = arith.cmpi eq, %add3A, %eq3A_48 : i32
    %convert_element_type3A_50 = arith.extui %eq3A_49 : i1 to i32
    %cond3A_51 = arith.constant 0 : i32
    %cond3A_52 = arith.cmpi ne, %convert_element_type3A_50, %cond3A_51 : i32
    scf.if %cond3A_52 {
      %run_scoped3A = arith.constant 0 : i32
      %run_scoped3A_358 = arith.constant 13 : i32
      "tpu.region"() ({
        %run_scoped3A_361 = tpu.sem_alloc : memref<!tpu.dma_semaphore, #tpu.memory_space<semaphore_mem>>
        %dma_start3A = arith.constant 128 : i32
        %dma_start3A_362 = arith.constant 0 : i32
        %dma_start3A_363 = tpu.memref_slice %arg2[%run_scoped3A, %run_scoped3A_358, %dma_start3A, %dma_start3A_362] : memref<3x32x384x384xf32, #tpu.memory_space<hbm>> -> memref<1x1x128x384xf32, #tpu.memory_space<hbm>>
        %dma_start3A_364 = tpu.memref_squeeze %dma_start3A_363 : memref<1x1x128x384xf32, #tpu.memory_space<hbm>> -> memref<128x384xf32, #tpu.memory_space<hbm>>
        %dma_start3A_365 = arith.constant 128 : i32
        %dma_start3A_366 = arith.constant 0 : i32
        %dma_start3A_367 = tpu.memref_slice %arg2[%run_scoped3A, %run_scoped3A_358, %dma_start3A_365, %dma_start3A_366] : memref<3x32x384x384xf32, #tpu.memory_space<hbm>> -> memref<1x1x128x384xf32, #tpu.memory_space<hbm>>
        %dma_start3A_368 = tpu.memref_squeeze %dma_start3A_367 : memref<1x1x128x384xf32, #tpu.memory_space<hbm>> -> memref<128x384xf32, #tpu.memory_space<hbm>>
        tpu.enqueue_dma source(%dma_start3A_368 : memref<128x384xf32, #tpu.memory_space<hbm>>) target(%arg4 : memref<128x384xf32, #tpu.memory_space<vmem>>) target_semaphore(%run_scoped3A_361 : memref<!tpu.dma_semaphore, #tpu.memory_space<semaphore_mem>>)
        %dma_wait3A = arith.constant 128 : i32
        %dma_wait3A_369 = arith.constant 0 : i32
        %dma_wait3A_370 = tpu.memref_slice %arg2[%run_scoped3A, %run_scoped3A_358, %dma_wait3A, %dma_wait3A_369] : memref<3x32x384x384xf32, #tpu.memory_space<hbm>> -> memref<1x1x128x384xf32, #tpu.memory_space<hbm>>
        %dma_wait3A_371 = tpu.memref_squeeze %dma_wait3A_370 : memref<1x1x128x384xf32, #tpu.memory_space<hbm>> -> memref<128x384xf32, #tpu.memory_space<hbm>>
        %dma_wait3A_372 = arith.constant 128 : i32
        %dma_wait3A_373 = arith.constant 0 : i32
        %dma_wait3A_374 = tpu.memref_slice %arg2[%run_scoped3A, %run_scoped3A_358, %dma_wait3A_372, %dma_wait3A_373] : memref<3x32x384x384xf32, #tpu.memory_space<hbm>> -> memref<1x1x128x384xf32, #tpu.memory_space<hbm>>
        %dma_wait3A_375 = tpu.memref_squeeze %dma_wait3A_374 : memref<1x1x128x384xf32, #tpu.memory_space<hbm>> -> memref<128x384xf32, #tpu.memory_space<hbm>>
        tpu.wait_dma2 semaphore(%run_scoped3A_361 : memref<!tpu.dma_semaphore, #tpu.memory_space<semaphore_mem>>) src(%dma_wait3A_375 : memref<128x384xf32, #tpu.memory_space<hbm>>) dst(%arg4 : memref<128x384xf32, #tpu.memory_space<vmem>>)
        tpu.yield
      }) : () -> ()
      %run_scoped3A_359 = arith.constant 0 : i32
      %run_scoped3A_360 = arith.constant 3 : i32
      "tpu.region"() ({
        %run_scoped3A_361 = tpu.sem_alloc : memref<!tpu.dma_semaphore, #tpu.memory_space<semaphore_mem>>
        %dma_start3A = arith.constant 128 : i32
        %dma_start3A_362 = arith.constant 0 : i32
        %dma_start3A_363 = tpu.memref_slice %arg3[%run_scoped3A_359, %run_scoped3A_360, %dma_start3A, %dma_start3A_362] : memref<3x8x384x384xf32, #tpu.memory_space<hbm>> -> memref<1x1x128x384xf32, #tpu.memory_space<hbm>>
        %dma_start3A_364 = tpu.memref_squeeze %dma_start3A_363 : memref<1x1x128x384xf32, #tpu.memory_space<hbm>> -> memref<128x384xf32, #tpu.memory_space<hbm>>
        %dma_start3A_365 = arith.constant 128 : i32
        %dma_start3A_366 = arith.constant 0 : i32
        %dma_start3A_367 = tpu.memref_slice %arg3[%run_scoped3A_359, %run_scoped3A_360, %dma_start3A_365, %dma_start3A_366] : memref<3x8x384x384xf32, #tpu.memory_space<hbm>> -> memref<1x1x128x384xf32, #tpu.memory_space<hbm>>
        %dma_start3A_368 = tpu.memref_squeeze %dma_start3A_367 : memref<1x1x128x384xf32, #tpu.memory_space<hbm>> -> memref<128x384xf32, #tpu.memory_space<hbm>>
        tpu.enqueue_dma source(%arg4 : memref<128x384xf32, #tpu.memory_space<vmem>>) target(%dma_start3A_368 : memref<128x384xf32, #tpu.memory_space<hbm>>) target_semaphore(%run_scoped3A_361 : memref<!tpu.dma_semaphore, #tpu.memory_space<semaphore_mem>>)
        %dma_wait3A = arith.constant 128 : i32
        %dma_wait3A_369 = arith.constant 0 : i32
        %dma_wait3A_370 = tpu.memref_slice %arg3[%run_scoped3A_359, %run_scoped3A_360, %dma_wait3A, %dma_wait3A_369] : memref<3x8x384x384xf32, #tpu.memory_space<hbm>> -> memref<1x1x128x384xf32, #tpu.memory_space<hbm>>
        %dma_wait3A_371 = tpu.memref_squeeze %dma_wait3A_370 : memref<1x1x128x384xf32, #tpu.memory_space<hbm>> -> memref<128x384xf32, #tpu.memory_space<hbm>>
        %dma_wait3A_372 = arith.constant 128 : i32
        %dma_wait3A_373 = arith.constant 0 : i32
        %dma_wait3A_374 = tpu.memref_slice %arg3[%run_scoped3A_359, %run_scoped3A_360, %dma_wait3A_372, %dma_wait3A_373] : memref<3x8x384x384xf32, #tpu.memory_space<hbm>> -> memref<1x1x128x384xf32, #tpu.memory_space<hbm>>
        %dma_wait3A_375 = tpu.memref_squeeze %dma_wait3A_374 : memref<1x1x128x384xf32, #tpu.memory_space<hbm>> -> memref<128x384xf32, #tpu.memory_space<hbm>>
        tpu.wait_dma2 semaphore(%run_scoped3A_361 : memref<!tpu.dma_semaphore, #tpu.memory_space<semaphore_mem>>) src(%arg4 : memref<128x384xf32, #tpu.memory_space<vmem>>) dst(%dma_wait3A_375 : memref<128x384xf32, #tpu.memory_space<hbm>>)
        tpu.yield
      }) : () -> ()
    } else {
    }
    %eq3A_53 = arith.constant 11 : i32
    %eq3A_54 = arith.cmpi eq, %add3A, %eq3A_53 : i32
    %convert_element_type3A_55 = arith.extui %eq3A_54 : i1 to i32
    %cond3A_56 = arith.constant 0 : i32
    %cond3A_57 = arith.cmpi ne, %convert_element_type3A_55, %cond3A_56 : i32
    scf.if %cond3A_57 {
      %run_scoped3A = arith.constant 0 : i32
      %run_scoped3A_358 = arith.constant 13 : i32
      "tpu.region"() ({
        %run_scoped3A_361 = tpu.sem_alloc : memref<!tpu.dma_semaphore, #tpu.memory_space<semaphore_mem>>
        %dma_start3A = arith.constant 256 : i32
        %dma_start3A_362 = arith.constant 0 : i32
        %dma_start3A_363 = tpu.memref_slice %arg2[%run_scoped3A, %run_scoped3A_358, %dma_start3A, %dma_start3A_362] : memref<3x32x384x384xf32, #tpu.memory_space<hbm>> -> memref<1x1x128x384xf32, #tpu.memory_space<hbm>>
        %dma_start3A_364 = tpu.memref_squeeze %dma_start3A_363 : memref<1x1x128x384xf32, #tpu.memory_space<hbm>> -> memref<128x384xf32, #tpu.memory_space<hbm>>
        %dma_start3A_365 = arith.constant 256 : i32
        %dma_start3A_366 = arith.constant 0 : i32
        %dma_start3A_367 = tpu.memref_slice %arg2[%run_scoped3A, %run_scoped3A_358, %dma_start3A_365, %dma_start3A_366] : memref<3x32x384x384xf32, #tpu.memory_space<hbm>> -> memref<1x1x128x384xf32, #tpu.memory_space<hbm>>
        %dma_start3A_368 = tpu.memref_squeeze %dma_start3A_367 : memref<1x1x128x384xf32, #tpu.memory_space<hbm>> -> memref<128x384xf32, #tpu.memory_space<hbm>>
        tpu.enqueue_dma source(%dma_start3A_368 : memref<128x384xf32, #tpu.memory_space<hbm>>) target(%arg4 : memref<128x384xf32, #tpu.memory_space<vmem>>) target_semaphore(%run_scoped3A_361 : memref<!tpu.dma_semaphore, #tpu.memory_space<semaphore_mem>>)
        %dma_wait3A = arith.constant 256 : i32
        %dma_wait3A_369 = arith.constant 0 : i32
        %dma_wait3A_370 = tpu.memref_slice %arg2[%run_scoped3A, %run_scoped3A_358, %dma_wait3A, %dma_wait3A_369] : memref<3x32x384x384xf32, #tpu.memory_space<hbm>> -> memref<1x1x128x384xf32, #tpu.memory_space<hbm>>
        %dma_wait3A_371 = tpu.memref_squeeze %dma_wait3A_370 : memref<1x1x128x384xf32, #tpu.memory_space<hbm>> -> memref<128x384xf32, #tpu.memory_space<hbm>>
        %dma_wait3A_372 = arith.constant 256 : i32
        %dma_wait3A_373 = arith.constant 0 : i32
        %dma_wait3A_374 = tpu.memref_slice %arg2[%run_scoped3A, %run_scoped3A_358, %dma_wait3A_372, %dma_wait3A_373] : memref<3x32x384x384xf32, #tpu.memory_space<hbm>> -> memref<1x1x128x384xf32, #tpu.memory_space<hbm>>
        %dma_wait3A_375 = tpu.memref_squeeze %dma_wait3A_374 : memref<1x1x128x384xf32, #tpu.memory_space<hbm>> -> memref<128x384xf32, #tpu.memory_space<hbm>>
        tpu.wait_dma2 semaphore(%run_scoped3A_361 : memref<!tpu.dma_semaphore, #tpu.memory_space<semaphore_mem>>) src(%dma_wait3A_375 : memref<128x384xf32, #tpu.memory_space<hbm>>) dst(%arg4 : memref<128x384xf32, #tpu.memory_space<vmem>>)
        tpu.yield
      }) : () -> ()
      %run_scoped3A_359 = arith.constant 0 : i32
      %run_scoped3A_360 = arith.constant 3 : i32
      "tpu.region"() ({
        %run_scoped3A_361 = tpu.sem_alloc : memref<!tpu.dma_semaphore, #tpu.memory_space<semaphore_mem>>
        %dma_start3A = arith.constant 256 : i32
        %dma_start3A_362 = arith.constant 0 : i32
        %dma_start3A_363 = tpu.memref_slice %arg3[%run_scoped3A_359, %run_scoped3A_360, %dma_start3A, %dma_start3A_362] : memref<3x8x384x384xf32, #tpu.memory_space<hbm>> -> memref<1x1x128x384xf32, #tpu.memory_space<hbm>>
        %dma_start3A_364 = tpu.memref_squeeze %dma_start3A_363 : memref<1x1x128x384xf32, #tpu.memory_space<hbm>> -> memref<128x384xf32, #tpu.memory_space<hbm>>
        %dma_start3A_365 = arith.constant 256 : i32
        %dma_start3A_366 = arith.constant 0 : i32
        %dma_start3A_367 = tpu.memref_slice %arg3[%run_scoped3A_359, %run_scoped3A_360, %dma_start3A_365, %dma_start3A_366] : memref<3x8x384x384xf32, #tpu.memory_space<hbm>> -> memref<1x1x128x384xf32, #tpu.memory_space<hbm>>
        %dma_start3A_368 = tpu.memref_squeeze %dma_start3A_367 : memref<1x1x128x384xf32, #tpu.memory_space<hbm>> -> memref<128x384xf32, #tpu.memory_space<hbm>>
        tpu.enqueue_dma source(%arg4 : memref<128x384xf32, #tpu.memory_space<vmem>>) target(%dma_start3A_368 : memref<128x384xf32, #tpu.memory_space<hbm>>) target_semaphore(%run_scoped3A_361 : memref<!tpu.dma_semaphore, #tpu.memory_space<semaphore_mem>>)
        %dma_wait3A = arith.constant 256 : i32
        %dma_wait3A_369 = arith.constant 0 : i32
        %dma_wait3A_370 = tpu.memref_slice %arg3[%run_scoped3A_359, %run_scoped3A_360, %dma_wait3A, %dma_wait3A_369] : memref<3x8x384x384xf32, #tpu.memory_space<hbm>> -> memref<1x1x128x384xf32, #tpu.memory_space<hbm>>
        %dma_wait3A_371 = tpu.memref_squeeze %dma_wait3A_370 : memref<1x1x128x384xf32, #tpu.memory_space<hbm>> -> memref<128x384xf32, #tpu.memory_space<hbm>>
        %dma_wait3A_372 = arith.constant 256 : i32
        %dma_wait3A_373 = arith.constant 0 : i32
        %dma_wait3A_374 = tpu.memref_slice %arg3[%run_scoped3A_359, %run_scoped3A_360, %dma_wait3A_372, %dma_wait3A_373] : memref<3x8x384x384xf32, #tpu.memory_space<hbm>> -> memref<1x1x128x384xf32, #tpu.memory_space<hbm>>
        %dma_wait3A_375 = tpu.memref_squeeze %dma_wait3A_374 : memref<1x1x128x384xf32, #tpu.memory_space<hbm>> -> memref<128x384xf32, #tpu.memory_space<hbm>>
        tpu.wait_dma2 semaphore(%run_scoped3A_361 : memref<!tpu.dma_semaphore, #tpu.memory_space<semaphore_mem>>) src(%arg4 : memref<128x384xf32, #tpu.memory_space<vmem>>) dst(%dma_wait3A_375 : memref<128x384xf32, #tpu.memory_space<hbm>>)
        tpu.yield
      }) : () -> ()
    } else {
    }
    %eq3A_58 = arith.constant 12 : i32
    %eq3A_59 = arith.cmpi eq, %add3A, %eq3A_58 : i32
    %convert_element_type3A_60 = arith.extui %eq3A_59 : i1 to i32
    %cond3A_61 = arith.constant 0 : i32
    %cond3A_62 = arith.cmpi ne, %convert_element_type3A_60, %cond3A_61 : i32
    scf.if %cond3A_62 {
      %run_scoped3A = arith.constant 0 : i32
      %run_scoped3A_358 = arith.constant 17 : i32
      "tpu.region"() ({
        %run_scoped3A_361 = tpu.sem_alloc : memref<!tpu.dma_semaphore, #tpu.memory_space<semaphore_mem>>
        %dma_start3A = arith.constant 0 : i32
        %dma_start3A_362 = arith.constant 0 : i32
        %dma_start3A_363 = tpu.memref_slice %arg2[%run_scoped3A, %run_scoped3A_358, %dma_start3A, %dma_start3A_362] : memref<3x32x384x384xf32, #tpu.memory_space<hbm>> -> memref<1x1x128x384xf32, #tpu.memory_space<hbm>>
        %dma_start3A_364 = tpu.memref_squeeze %dma_start3A_363 : memref<1x1x128x384xf32, #tpu.memory_space<hbm>> -> memref<128x384xf32, #tpu.memory_space<hbm>>
        %dma_start3A_365 = arith.constant 0 : i32
        %dma_start3A_366 = arith.constant 0 : i32
        %dma_start3A_367 = tpu.memref_slice %arg2[%run_scoped3A, %run_scoped3A_358, %dma_start3A_365, %dma_start3A_366] : memref<3x32x384x384xf32, #tpu.memory_space<hbm>> -> memref<1x1x128x384xf32, #tpu.memory_space<hbm>>
        %dma_start3A_368 = tpu.memref_squeeze %dma_start3A_367 : memref<1x1x128x384xf32, #tpu.memory_space<hbm>> -> memref<128x384xf32, #tpu.memory_space<hbm>>
        tpu.enqueue_dma source(%dma_start3A_368 : memref<128x384xf32, #tpu.memory_space<hbm>>) target(%arg4 : memref<128x384xf32, #tpu.memory_space<vmem>>) target_semaphore(%run_scoped3A_361 : memref<!tpu.dma_semaphore, #tpu.memory_space<semaphore_mem>>)
        %dma_wait3A = arith.constant 0 : i32
        %dma_wait3A_369 = arith.constant 0 : i32
        %dma_wait3A_370 = tpu.memref_slice %arg2[%run_scoped3A, %run_scoped3A_358, %dma_wait3A, %dma_wait3A_369] : memref<3x32x384x384xf32, #tpu.memory_space<hbm>> -> memref<1x1x128x384xf32, #tpu.memory_space<hbm>>
        %dma_wait3A_371 = tpu.memref_squeeze %dma_wait3A_370 : memref<1x1x128x384xf32, #tpu.memory_space<hbm>> -> memref<128x384xf32, #tpu.memory_space<hbm>>
        %dma_wait3A_372 = arith.constant 0 : i32
        %dma_wait3A_373 = arith.constant 0 : i32
        %dma_wait3A_374 = tpu.memref_slice %arg2[%run_scoped3A, %run_scoped3A_358, %dma_wait3A_372, %dma_wait3A_373] : memref<3x32x384x384xf32, #tpu.memory_space<hbm>> -> memref<1x1x128x384xf32, #tpu.memory_space<hbm>>
        %dma_wait3A_375 = tpu.memref_squeeze %dma_wait3A_374 : memref<1x1x128x384xf32, #tpu.memory_space<hbm>> -> memref<128x384xf32, #tpu.memory_space<hbm>>
        tpu.wait_dma2 semaphore(%run_scoped3A_361 : memref<!tpu.dma_semaphore, #tpu.memory_space<semaphore_mem>>) src(%dma_wait3A_375 : memref<128x384xf32, #tpu.memory_space<hbm>>) dst(%arg4 : memref<128x384xf32, #tpu.memory_space<vmem>>)
        tpu.yield
      }) : () -> ()
      %run_scoped3A_359 = arith.constant 0 : i32
      %run_scoped3A_360 = arith.constant 4 : i32
      "tpu.region"() ({
        %run_scoped3A_361 = tpu.sem_alloc : memref<!tpu.dma_semaphore, #tpu.memory_space<semaphore_mem>>
        %dma_start3A = arith.constant 0 : i32
        %dma_start3A_362 = arith.constant 0 : i32
        %dma_start3A_363 = tpu.memref_slice %arg3[%run_scoped3A_359, %run_scoped3A_360, %dma_start3A, %dma_start3A_362] : memref<3x8x384x384xf32, #tpu.memory_space<hbm>> -> memref<1x1x128x384xf32, #tpu.memory_space<hbm>>
        %dma_start3A_364 = tpu.memref_squeeze %dma_start3A_363 : memref<1x1x128x384xf32, #tpu.memory_space<hbm>> -> memref<128x384xf32, #tpu.memory_space<hbm>>
        %dma_start3A_365 = arith.constant 0 : i32
        %dma_start3A_366 = arith.constant 0 : i32
        %dma_start3A_367 = tpu.memref_slice %arg3[%run_scoped3A_359, %run_scoped3A_360, %dma_start3A_365, %dma_start3A_366] : memref<3x8x384x384xf32, #tpu.memory_space<hbm>> -> memref<1x1x128x384xf32, #tpu.memory_space<hbm>>
        %dma_start3A_368 = tpu.memref_squeeze %dma_start3A_367 : memref<1x1x128x384xf32, #tpu.memory_space<hbm>> -> memref<128x384xf32, #tpu.memory_space<hbm>>
        tpu.enqueue_dma source(%arg4 : memref<128x384xf32, #tpu.memory_space<vmem>>) target(%dma_start3A_368 : memref<128x384xf32, #tpu.memory_space<hbm>>) target_semaphore(%run_scoped3A_361 : memref<!tpu.dma_semaphore, #tpu.memory_space<semaphore_mem>>)
        %dma_wait3A = arith.constant 0 : i32
        %dma_wait3A_369 = arith.constant 0 : i32
        %dma_wait3A_370 = tpu.memref_slice %arg3[%run_scoped3A_359, %run_scoped3A_360, %dma_wait3A, %dma_wait3A_369] : memref<3x8x384x384xf32, #tpu.memory_space<hbm>> -> memref<1x1x128x384xf32, #tpu.memory_space<hbm>>
        %dma_wait3A_371 = tpu.memref_squeeze %dma_wait3A_370 : memref<1x1x128x384xf32, #tpu.memory_space<hbm>> -> memref<128x384xf32, #tpu.memory_space<hbm>>
        %dma_wait3A_372 = arith.constant 0 : i32
        %dma_wait3A_373 = arith.constant 0 : i32
        %dma_wait3A_374 = tpu.memref_slice %arg3[%run_scoped3A_359, %run_scoped3A_360, %dma_wait3A_372, %dma_wait3A_373] : memref<3x8x384x384xf32, #tpu.memory_space<hbm>> -> memref<1x1x128x384xf32, #tpu.memory_space<hbm>>
        %dma_wait3A_375 = tpu.memref_squeeze %dma_wait3A_374 : memref<1x1x128x384xf32, #tpu.memory_space<hbm>> -> memref<128x384xf32, #tpu.memory_space<hbm>>
        tpu.wait_dma2 semaphore(%run_scoped3A_361 : memref<!tpu.dma_semaphore, #tpu.memory_space<semaphore_mem>>) src(%arg4 : memref<128x384xf32, #tpu.memory_space<vmem>>) dst(%dma_wait3A_375 : memref<128x384xf32, #tpu.memory_space<hbm>>)
        tpu.yield
      }) : () -> ()
    } else {
    }
    %eq3A_63 = arith.constant 13 : i32
    %eq3A_64 = arith.cmpi eq, %add3A, %eq3A_63 : i32
    %convert_element_type3A_65 = arith.extui %eq3A_64 : i1 to i32
    %cond3A_66 = arith.constant 0 : i32
    %cond3A_67 = arith.cmpi ne, %convert_element_type3A_65, %cond3A_66 : i32
    scf.if %cond3A_67 {
      %run_scoped3A = arith.constant 0 : i32
      %run_scoped3A_358 = arith.constant 17 : i32
      "tpu.region"() ({
        %run_scoped3A_361 = tpu.sem_alloc : memref<!tpu.dma_semaphore, #tpu.memory_space<semaphore_mem>>
        %dma_start3A = arith.constant 128 : i32
        %dma_start3A_362 = arith.constant 0 : i32
        %dma_start3A_363 = tpu.memref_slice %arg2[%run_scoped3A, %run_scoped3A_358, %dma_start3A, %dma_start3A_362] : memref<3x32x384x384xf32, #tpu.memory_space<hbm>> -> memref<1x1x128x384xf32, #tpu.memory_space<hbm>>
        %dma_start3A_364 = tpu.memref_squeeze %dma_start3A_363 : memref<1x1x128x384xf32, #tpu.memory_space<hbm>> -> memref<128x384xf32, #tpu.memory_space<hbm>>
        %dma_start3A_365 = arith.constant 128 : i32
        %dma_start3A_366 = arith.constant 0 : i32
        %dma_start3A_367 = tpu.memref_slice %arg2[%run_scoped3A, %run_scoped3A_358, %dma_start3A_365, %dma_start3A_366] : memref<3x32x384x384xf32, #tpu.memory_space<hbm>> -> memref<1x1x128x384xf32, #tpu.memory_space<hbm>>
        %dma_start3A_368 = tpu.memref_squeeze %dma_start3A_367 : memref<1x1x128x384xf32, #tpu.memory_space<hbm>> -> memref<128x384xf32, #tpu.memory_space<hbm>>
        tpu.enqueue_dma source(%dma_start3A_368 : memref<128x384xf32, #tpu.memory_space<hbm>>) target(%arg4 : memref<128x384xf32, #tpu.memory_space<vmem>>) target_semaphore(%run_scoped3A_361 : memref<!tpu.dma_semaphore, #tpu.memory_space<semaphore_mem>>)
        %dma_wait3A = arith.constant 128 : i32
        %dma_wait3A_369 = arith.constant 0 : i32
        %dma_wait3A_370 = tpu.memref_slice %arg2[%run_scoped3A, %run_scoped3A_358, %dma_wait3A, %dma_wait3A_369] : memref<3x32x384x384xf32, #tpu.memory_space<hbm>> -> memref<1x1x128x384xf32, #tpu.memory_space<hbm>>
        %dma_wait3A_371 = tpu.memref_squeeze %dma_wait3A_370 : memref<1x1x128x384xf32, #tpu.memory_space<hbm>> -> memref<128x384xf32, #tpu.memory_space<hbm>>
        %dma_wait3A_372 = arith.constant 128 : i32
        %dma_wait3A_373 = arith.constant 0 : i32
        %dma_wait3A_374 = tpu.memref_slice %arg2[%run_scoped3A, %run_scoped3A_358, %dma_wait3A_372, %dma_wait3A_373] : memref<3x32x384x384xf32, #tpu.memory_space<hbm>> -> memref<1x1x128x384xf32, #tpu.memory_space<hbm>>
        %dma_wait3A_375 = tpu.memref_squeeze %dma_wait3A_374 : memref<1x1x128x384xf32, #tpu.memory_space<hbm>> -> memref<128x384xf32, #tpu.memory_space<hbm>>
        tpu.wait_dma2 semaphore(%run_scoped3A_361 : memref<!tpu.dma_semaphore, #tpu.memory_space<semaphore_mem>>) src(%dma_wait3A_375 : memref<128x384xf32, #tpu.memory_space<hbm>>) dst(%arg4 : memref<128x384xf32, #tpu.memory_space<vmem>>)
        tpu.yield
      }) : () -> ()
      %run_scoped3A_359 = arith.constant 0 : i32
      %run_scoped3A_360 = arith.constant 4 : i32
      "tpu.region"() ({
        %run_scoped3A_361 = tpu.sem_alloc : memref<!tpu.dma_semaphore, #tpu.memory_space<semaphore_mem>>
        %dma_start3A = arith.constant 128 : i32
        %dma_start3A_362 = arith.constant 0 : i32
        %dma_start3A_363 = tpu.memref_slice %arg3[%run_scoped3A_359, %run_scoped3A_360, %dma_start3A, %dma_start3A_362] : memref<3x8x384x384xf32, #tpu.memory_space<hbm>> -> memref<1x1x128x384xf32, #tpu.memory_space<hbm>>
        %dma_start3A_364 = tpu.memref_squeeze %dma_start3A_363 : memref<1x1x128x384xf32, #tpu.memory_space<hbm>> -> memref<128x384xf32, #tpu.memory_space<hbm>>
        %dma_start3A_365 = arith.constant 128 : i32
        %dma_start3A_366 = arith.constant 0 : i32
        %dma_start3A_367 = tpu.memref_slice %arg3[%run_scoped3A_359, %run_scoped3A_360, %dma_start3A_365, %dma_start3A_366] : memref<3x8x384x384xf32, #tpu.memory_space<hbm>> -> memref<1x1x128x384xf32, #tpu.memory_space<hbm>>
        %dma_start3A_368 = tpu.memref_squeeze %dma_start3A_367 : memref<1x1x128x384xf32, #tpu.memory_space<hbm>> -> memref<128x384xf32, #tpu.memory_space<hbm>>
        tpu.enqueue_dma source(%arg4 : memref<128x384xf32, #tpu.memory_space<vmem>>) target(%dma_start3A_368 : memref<128x384xf32, #tpu.memory_space<hbm>>) target_semaphore(%run_scoped3A_361 : memref<!tpu.dma_semaphore, #tpu.memory_space<semaphore_mem>>)
        %dma_wait3A = arith.constant 128 : i32
        %dma_wait3A_369 = arith.constant 0 : i32
        %dma_wait3A_370 = tpu.memref_slice %arg3[%run_scoped3A_359, %run_scoped3A_360, %dma_wait3A, %dma_wait3A_369] : memref<3x8x384x384xf32, #tpu.memory_space<hbm>> -> memref<1x1x128x384xf32, #tpu.memory_space<hbm>>
        %dma_wait3A_371 = tpu.memref_squeeze %dma_wait3A_370 : memref<1x1x128x384xf32, #tpu.memory_space<hbm>> -> memref<128x384xf32, #tpu.memory_space<hbm>>
        %dma_wait3A_372 = arith.constant 128 : i32
        %dma_wait3A_373 = arith.constant 0 : i32
        %dma_wait3A_374 = tpu.memref_slice %arg3[%run_scoped3A_359, %run_scoped3A_360, %dma_wait3A_372, %dma_wait3A_373] : memref<3x8x384x384xf32, #tpu.memory_space<hbm>> -> memref<1x1x128x384xf32, #tpu.memory_space<hbm>>
        %dma_wait3A_375 = tpu.memref_squeeze %dma_wait3A_374 : memref<1x1x128x384xf32, #tpu.memory_space<hbm>> -> memref<128x384xf32, #tpu.memory_space<hbm>>
        tpu.wait_dma2 semaphore(%run_scoped3A_361 : memref<!tpu.dma_semaphore, #tpu.memory_space<semaphore_mem>>) src(%arg4 : memref<128x384xf32, #tpu.memory_space<vmem>>) dst(%dma_wait3A_375 : memref<128x384xf32, #tpu.memory_space<hbm>>)
        tpu.yield
      }) : () -> ()
    } else {
    }
    %eq3A_68 = arith.constant 14 : i32
    %eq3A_69 = arith.cmpi eq, %add3A, %eq3A_68 : i32
    %convert_element_type3A_70 = arith.extui %eq3A_69 : i1 to i32
    %cond3A_71 = arith.constant 0 : i32
    %cond3A_72 = arith.cmpi ne, %convert_element_type3A_70, %cond3A_71 : i32
    scf.if %cond3A_72 {
      %run_scoped3A = arith.constant 0 : i32
      %run_scoped3A_358 = arith.constant 17 : i32
      "tpu.region"() ({
        %run_scoped3A_361 = tpu.sem_alloc : memref<!tpu.dma_semaphore, #tpu.memory_space<semaphore_mem>>
        %dma_start3A = arith.constant 256 : i32
        %dma_start3A_362 = arith.constant 0 : i32
        %dma_start3A_363 = tpu.memref_slice %arg2[%run_scoped3A, %run_scoped3A_358, %dma_start3A, %dma_start3A_362] : memref<3x32x384x384xf32, #tpu.memory_space<hbm>> -> memref<1x1x128x384xf32, #tpu.memory_space<hbm>>
        %dma_start3A_364 = tpu.memref_squeeze %dma_start3A_363 : memref<1x1x128x384xf32, #tpu.memory_space<hbm>> -> memref<128x384xf32, #tpu.memory_space<hbm>>
        %dma_start3A_365 = arith.constant 256 : i32
        %dma_start3A_366 = arith.constant 0 : i32
        %dma_start3A_367 = tpu.memref_slice %arg2[%run_scoped3A, %run_scoped3A_358, %dma_start3A_365, %dma_start3A_366] : memref<3x32x384x384xf32, #tpu.memory_space<hbm>> -> memref<1x1x128x384xf32, #tpu.memory_space<hbm>>
        %dma_start3A_368 = tpu.memref_squeeze %dma_start3A_367 : memref<1x1x128x384xf32, #tpu.memory_space<hbm>> -> memref<128x384xf32, #tpu.memory_space<hbm>>
        tpu.enqueue_dma source(%dma_start3A_368 : memref<128x384xf32, #tpu.memory_space<hbm>>) target(%arg4 : memref<128x384xf32, #tpu.memory_space<vmem>>) target_semaphore(%run_scoped3A_361 : memref<!tpu.dma_semaphore, #tpu.memory_space<semaphore_mem>>)
        %dma_wait3A = arith.constant 256 : i32
        %dma_wait3A_369 = arith.constant 0 : i32
        %dma_wait3A_370 = tpu.memref_slice %arg2[%run_scoped3A, %run_scoped3A_358, %dma_wait3A, %dma_wait3A_369] : memref<3x32x384x384xf32, #tpu.memory_space<hbm>> -> memref<1x1x128x384xf32, #tpu.memory_space<hbm>>
        %dma_wait3A_371 = tpu.memref_squeeze %dma_wait3A_370 : memref<1x1x128x384xf32, #tpu.memory_space<hbm>> -> memref<128x384xf32, #tpu.memory_space<hbm>>
        %dma_wait3A_372 = arith.constant 256 : i32
        %dma_wait3A_373 = arith.constant 0 : i32
        %dma_wait3A_374 = tpu.memref_slice %arg2[%run_scoped3A, %run_scoped3A_358, %dma_wait3A_372, %dma_wait3A_373] : memref<3x32x384x384xf32, #tpu.memory_space<hbm>> -> memref<1x1x128x384xf32, #tpu.memory_space<hbm>>
        %dma_wait3A_375 = tpu.memref_squeeze %dma_wait3A_374 : memref<1x1x128x384xf32, #tpu.memory_space<hbm>> -> memref<128x384xf32, #tpu.memory_space<hbm>>
        tpu.wait_dma2 semaphore(%run_scoped3A_361 : memref<!tpu.dma_semaphore, #tpu.memory_space<semaphore_mem>>) src(%dma_wait3A_375 : memref<128x384xf32, #tpu.memory_space<hbm>>) dst(%arg4 : memref<128x384xf32, #tpu.memory_space<vmem>>)
        tpu.yield
      }) : () -> ()
      %run_scoped3A_359 = arith.constant 0 : i32
      %run_scoped3A_360 = arith.constant 4 : i32
      "tpu.region"() ({
        %run_scoped3A_361 = tpu.sem_alloc : memref<!tpu.dma_semaphore, #tpu.memory_space<semaphore_mem>>
        %dma_start3A = arith.constant 256 : i32
        %dma_start3A_362 = arith.constant 0 : i32
        %dma_start3A_363 = tpu.memref_slice %arg3[%run_scoped3A_359, %run_scoped3A_360, %dma_start3A, %dma_start3A_362] : memref<3x8x384x384xf32, #tpu.memory_space<hbm>> -> memref<1x1x128x384xf32, #tpu.memory_space<hbm>>
        %dma_start3A_364 = tpu.memref_squeeze %dma_start3A_363 : memref<1x1x128x384xf32, #tpu.memory_space<hbm>> -> memref<128x384xf32, #tpu.memory_space<hbm>>
        %dma_start3A_365 = arith.constant 256 : i32
        %dma_start3A_366 = arith.constant 0 : i32
        %dma_start3A_367 = tpu.memref_slice %arg3[%run_scoped3A_359, %run_scoped3A_360, %dma_start3A_365, %dma_start3A_366] : memref<3x8x384x384xf32, #tpu.memory_space<hbm>> -> memref<1x1x128x384xf32, #tpu.memory_space<hbm>>
        %dma_start3A_368 = tpu.memref_squeeze %dma_start3A_367 : memref<1x1x128x384xf32, #tpu.memory_space<hbm>> -> memref<128x384xf32, #tpu.memory_space<hbm>>
        tpu.enqueue_dma source(%arg4 : memref<128x384xf32, #tpu.memory_space<vmem>>) target(%dma_start3A_368 : memref<128x384xf32, #tpu.memory_space<hbm>>) target_semaphore(%run_scoped3A_361 : memref<!tpu.dma_semaphore, #tpu.memory_space<semaphore_mem>>)
        %dma_wait3A = arith.constant 256 : i32
        %dma_wait3A_369 = arith.constant 0 : i32
        %dma_wait3A_370 = tpu.memref_slice %arg3[%run_scoped3A_359, %run_scoped3A_360, %dma_wait3A, %dma_wait3A_369] : memref<3x8x384x384xf32, #tpu.memory_space<hbm>> -> memref<1x1x128x384xf32, #tpu.memory_space<hbm>>
        %dma_wait3A_371 = tpu.memref_squeeze %dma_wait3A_370 : memref<1x1x128x384xf32, #tpu.memory_space<hbm>> -> memref<128x384xf32, #tpu.memory_space<hbm>>
        %dma_wait3A_372 = arith.constant 256 : i32
        %dma_wait3A_373 = arith.constant 0 : i32
        %dma_wait3A_374 = tpu.memref_slice %arg3[%run_scoped3A_359, %run_scoped3A_360, %dma_wait3A_372, %dma_wait3A_373] : memref<3x8x384x384xf32, #tpu.memory_space<hbm>> -> memref<1x1x128x384xf32, #tpu.memory_space<hbm>>
        %dma_wait3A_375 = tpu.memref_squeeze %dma_wait3A_374 : memref<1x1x128x384xf32, #tpu.memory_space<hbm>> -> memref<128x384xf32, #tpu.memory_space<hbm>>
        tpu.wait_dma2 semaphore(%run_scoped3A_361 : memref<!tpu.dma_semaphore, #tpu.memory_space<semaphore_mem>>) src(%arg4 : memref<128x384xf32, #tpu.memory_space<vmem>>) dst(%dma_wait3A_375 : memref<128x384xf32, #tpu.memory_space<hbm>>)
        tpu.yield
      }) : () -> ()
    } else {
    }
    %eq3A_73 = arith.constant 15 : i32
    %eq3A_74 = arith.cmpi eq, %add3A, %eq3A_73 : i32
    %convert_element_type3A_75 = arith.extui %eq3A_74 : i1 to i32
    %cond3A_76 = arith.constant 0 : i32
    %cond3A_77 = arith.cmpi ne, %convert_element_type3A_75, %cond3A_76 : i32
    scf.if %cond3A_77 {
      %run_scoped3A = arith.constant 0 : i32
      %run_scoped3A_358 = arith.constant 22 : i32
      "tpu.region"() ({
        %run_scoped3A_361 = tpu.sem_alloc : memref<!tpu.dma_semaphore, #tpu.memory_space<semaphore_mem>>
        %dma_start3A = arith.constant 0 : i32
        %dma_start3A_362 = arith.constant 0 : i32
        %dma_start3A_363 = tpu.memref_slice %arg2[%run_scoped3A, %run_scoped3A_358, %dma_start3A, %dma_start3A_362] : memref<3x32x384x384xf32, #tpu.memory_space<hbm>> -> memref<1x1x128x384xf32, #tpu.memory_space<hbm>>
        %dma_start3A_364 = tpu.memref_squeeze %dma_start3A_363 : memref<1x1x128x384xf32, #tpu.memory_space<hbm>> -> memref<128x384xf32, #tpu.memory_space<hbm>>
        %dma_start3A_365 = arith.constant 0 : i32
        %dma_start3A_366 = arith.constant 0 : i32
        %dma_start3A_367 = tpu.memref_slice %arg2[%run_scoped3A, %run_scoped3A_358, %dma_start3A_365, %dma_start3A_366] : memref<3x32x384x384xf32, #tpu.memory_space<hbm>> -> memref<1x1x128x384xf32, #tpu.memory_space<hbm>>
        %dma_start3A_368 = tpu.memref_squeeze %dma_start3A_367 : memref<1x1x128x384xf32, #tpu.memory_space<hbm>> -> memref<128x384xf32, #tpu.memory_space<hbm>>
        tpu.enqueue_dma source(%dma_start3A_368 : memref<128x384xf32, #tpu.memory_space<hbm>>) target(%arg4 : memref<128x384xf32, #tpu.memory_space<vmem>>) target_semaphore(%run_scoped3A_361 : memref<!tpu.dma_semaphore, #tpu.memory_space<semaphore_mem>>)
        %dma_wait3A = arith.constant 0 : i32
        %dma_wait3A_369 = arith.constant 0 : i32
        %dma_wait3A_370 = tpu.memref_slice %arg2[%run_scoped3A, %run_scoped3A_358, %dma_wait3A, %dma_wait3A_369] : memref<3x32x384x384xf32, #tpu.memory_space<hbm>> -> memref<1x1x128x384xf32, #tpu.memory_space<hbm>>
        %dma_wait3A_371 = tpu.memref_squeeze %dma_wait3A_370 : memref<1x1x128x384xf32, #tpu.memory_space<hbm>> -> memref<128x384xf32, #tpu.memory_space<hbm>>
        %dma_wait3A_372 = arith.constant 0 : i32
        %dma_wait3A_373 = arith.constant 0 : i32
        %dma_wait3A_374 = tpu.memref_slice %arg2[%run_scoped3A, %run_scoped3A_358, %dma_wait3A_372, %dma_wait3A_373] : memref<3x32x384x384xf32, #tpu.memory_space<hbm>> -> memref<1x1x128x384xf32, #tpu.memory_space<hbm>>
        %dma_wait3A_375 = tpu.memref_squeeze %dma_wait3A_374 : memref<1x1x128x384xf32, #tpu.memory_space<hbm>> -> memref<128x384xf32, #tpu.memory_space<hbm>>
        tpu.wait_dma2 semaphore(%run_scoped3A_361 : memref<!tpu.dma_semaphore, #tpu.memory_space<semaphore_mem>>) src(%dma_wait3A_375 : memref<128x384xf32, #tpu.memory_space<hbm>>) dst(%arg4 : memref<128x384xf32, #tpu.memory_space<vmem>>)
        tpu.yield
      }) : () -> ()
      %run_scoped3A_359 = arith.constant 0 : i32
      %run_scoped3A_360 = arith.constant 5 : i32
      "tpu.region"() ({
        %run_scoped3A_361 = tpu.sem_alloc : memref<!tpu.dma_semaphore, #tpu.memory_space<semaphore_mem>>
        %dma_start3A = arith.constant 0 : i32
        %dma_start3A_362 = arith.constant 0 : i32
        %dma_start3A_363 = tpu.memref_slice %arg3[%run_scoped3A_359, %run_scoped3A_360, %dma_start3A, %dma_start3A_362] : memref<3x8x384x384xf32, #tpu.memory_space<hbm>> -> memref<1x1x128x384xf32, #tpu.memory_space<hbm>>
        %dma_start3A_364 = tpu.memref_squeeze %dma_start3A_363 : memref<1x1x128x384xf32, #tpu.memory_space<hbm>> -> memref<128x384xf32, #tpu.memory_space<hbm>>
        %dma_start3A_365 = arith.constant 0 : i32
        %dma_start3A_366 = arith.constant 0 : i32
        %dma_start3A_367 = tpu.memref_slice %arg3[%run_scoped3A_359, %run_scoped3A_360, %dma_start3A_365, %dma_start3A_366] : memref<3x8x384x384xf32, #tpu.memory_space<hbm>> -> memref<1x1x128x384xf32, #tpu.memory_space<hbm>>
        %dma_start3A_368 = tpu.memref_squeeze %dma_start3A_367 : memref<1x1x128x384xf32, #tpu.memory_space<hbm>> -> memref<128x384xf32, #tpu.memory_space<hbm>>
        tpu.enqueue_dma source(%arg4 : memref<128x384xf32, #tpu.memory_space<vmem>>) target(%dma_start3A_368 : memref<128x384xf32, #tpu.memory_space<hbm>>) target_semaphore(%run_scoped3A_361 : memref<!tpu.dma_semaphore, #tpu.memory_space<semaphore_mem>>)
        %dma_wait3A = arith.constant 0 : i32
        %dma_wait3A_369 = arith.constant 0 : i32
        %dma_wait3A_370 = tpu.memref_slice %arg3[%run_scoped3A_359, %run_scoped3A_360, %dma_wait3A, %dma_wait3A_369] : memref<3x8x384x384xf32, #tpu.memory_space<hbm>> -> memref<1x1x128x384xf32, #tpu.memory_space<hbm>>
        %dma_wait3A_371 = tpu.memref_squeeze %dma_wait3A_370 : memref<1x1x128x384xf32, #tpu.memory_space<hbm>> -> memref<128x384xf32, #tpu.memory_space<hbm>>
        %dma_wait3A_372 = arith.constant 0 : i32
        %dma_wait3A_373 = arith.constant 0 : i32
        %dma_wait3A_374 = tpu.memref_slice %arg3[%run_scoped3A_359, %run_scoped3A_360, %dma_wait3A_372, %dma_wait3A_373] : memref<3x8x384x384xf32, #tpu.memory_space<hbm>> -> memref<1x1x128x384xf32, #tpu.memory_space<hbm>>
        %dma_wait3A_375 = tpu.memref_squeeze %dma_wait3A_374 : memref<1x1x128x384xf32, #tpu.memory_space<hbm>> -> memref<128x384xf32, #tpu.memory_space<hbm>>
        tpu.wait_dma2 semaphore(%run_scoped3A_361 : memref<!tpu.dma_semaphore, #tpu.memory_space<semaphore_mem>>) src(%arg4 : memref<128x384xf32, #tpu.memory_space<vmem>>) dst(%dma_wait3A_375 : memref<128x384xf32, #tpu.memory_space<hbm>>)
        tpu.yield
      }) : () -> ()
    } else {
    }
    %eq3A_78 = arith.constant 16 : i32
    %eq3A_79 = arith.cmpi eq, %add3A, %eq3A_78 : i32
    %convert_element_type3A_80 = arith.extui %eq3A_79 : i1 to i32
    %cond3A_81 = arith.constant 0 : i32
    %cond3A_82 = arith.cmpi ne, %convert_element_type3A_80, %cond3A_81 : i32
    scf.if %cond3A_82 {
      %run_scoped3A = arith.constant 0 : i32
      %run_scoped3A_358 = arith.constant 22 : i32
      "tpu.region"() ({
        %run_scoped3A_361 = tpu.sem_alloc : memref<!tpu.dma_semaphore, #tpu.memory_space<semaphore_mem>>
        %dma_start3A = arith.constant 128 : i32
        %dma_start3A_362 = arith.constant 0 : i32
        %dma_start3A_363 = tpu.memref_slice %arg2[%run_scoped3A, %run_scoped3A_358, %dma_start3A, %dma_start3A_362] : memref<3x32x384x384xf32, #tpu.memory_space<hbm>> -> memref<1x1x128x384xf32, #tpu.memory_space<hbm>>
        %dma_start3A_364 = tpu.memref_squeeze %dma_start3A_363 : memref<1x1x128x384xf32, #tpu.memory_space<hbm>> -> memref<128x384xf32, #tpu.memory_space<hbm>>
        %dma_start3A_365 = arith.constant 128 : i32
        %dma_start3A_366 = arith.constant 0 : i32
        %dma_start3A_367 = tpu.memref_slice %arg2[%run_scoped3A, %run_scoped3A_358, %dma_start3A_365, %dma_start3A_366] : memref<3x32x384x384xf32, #tpu.memory_space<hbm>> -> memref<1x1x128x384xf32, #tpu.memory_space<hbm>>
        %dma_start3A_368 = tpu.memref_squeeze %dma_start3A_367 : memref<1x1x128x384xf32, #tpu.memory_space<hbm>> -> memref<128x384xf32, #tpu.memory_space<hbm>>
        tpu.enqueue_dma source(%dma_start3A_368 : memref<128x384xf32, #tpu.memory_space<hbm>>) target(%arg4 : memref<128x384xf32, #tpu.memory_space<vmem>>) target_semaphore(%run_scoped3A_361 : memref<!tpu.dma_semaphore, #tpu.memory_space<semaphore_mem>>)
        %dma_wait3A = arith.constant 128 : i32
        %dma_wait3A_369 = arith.constant 0 : i32
        %dma_wait3A_370 = tpu.memref_slice %arg2[%run_scoped3A, %run_scoped3A_358, %dma_wait3A, %dma_wait3A_369] : memref<3x32x384x384xf32, #tpu.memory_space<hbm>> -> memref<1x1x128x384xf32, #tpu.memory_space<hbm>>
        %dma_wait3A_371 = tpu.memref_squeeze %dma_wait3A_370 : memref<1x1x128x384xf32, #tpu.memory_space<hbm>> -> memref<128x384xf32, #tpu.memory_space<hbm>>
        %dma_wait3A_372 = arith.constant 128 : i32
        %dma_wait3A_373 = arith.constant 0 : i32
        %dma_wait3A_374 = tpu.memref_slice %arg2[%run_scoped3A, %run_scoped3A_358, %dma_wait3A_372, %dma_wait3A_373] : memref<3x32x384x384xf32, #tpu.memory_space<hbm>> -> memref<1x1x128x384xf32, #tpu.memory_space<hbm>>
        %dma_wait3A_375 = tpu.memref_squeeze %dma_wait3A_374 : memref<1x1x128x384xf32, #tpu.memory_space<hbm>> -> memref<128x384xf32, #tpu.memory_space<hbm>>
        tpu.wait_dma2 semaphore(%run_scoped3A_361 : memref<!tpu.dma_semaphore, #tpu.memory_space<semaphore_mem>>) src(%dma_wait3A_375 : memref<128x384xf32, #tpu.memory_space<hbm>>) dst(%arg4 : memref<128x384xf32, #tpu.memory_space<vmem>>)
        tpu.yield
      }) : () -> ()
      %run_scoped3A_359 = arith.constant 0 : i32
      %run_scoped3A_360 = arith.constant 5 : i32
      "tpu.region"() ({
        %run_scoped3A_361 = tpu.sem_alloc : memref<!tpu.dma_semaphore, #tpu.memory_space<semaphore_mem>>
        %dma_start3A = arith.constant 128 : i32
        %dma_start3A_362 = arith.constant 0 : i32
        %dma_start3A_363 = tpu.memref_slice %arg3[%run_scoped3A_359, %run_scoped3A_360, %dma_start3A, %dma_start3A_362] : memref<3x8x384x384xf32, #tpu.memory_space<hbm>> -> memref<1x1x128x384xf32, #tpu.memory_space<hbm>>
        %dma_start3A_364 = tpu.memref_squeeze %dma_start3A_363 : memref<1x1x128x384xf32, #tpu.memory_space<hbm>> -> memref<128x384xf32, #tpu.memory_space<hbm>>
        %dma_start3A_365 = arith.constant 128 : i32
        %dma_start3A_366 = arith.constant 0 : i32
        %dma_start3A_367 = tpu.memref_slice %arg3[%run_scoped3A_359, %run_scoped3A_360, %dma_start3A_365, %dma_start3A_366] : memref<3x8x384x384xf32, #tpu.memory_space<hbm>> -> memref<1x1x128x384xf32, #tpu.memory_space<hbm>>
        %dma_start3A_368 = tpu.memref_squeeze %dma_start3A_367 : memref<1x1x128x384xf32, #tpu.memory_space<hbm>> -> memref<128x384xf32, #tpu.memory_space<hbm>>
        tpu.enqueue_dma source(%arg4 : memref<128x384xf32, #tpu.memory_space<vmem>>) target(%dma_start3A_368 : memref<128x384xf32, #tpu.memory_space<hbm>>) target_semaphore(%run_scoped3A_361 : memref<!tpu.dma_semaphore, #tpu.memory_space<semaphore_mem>>)
        %dma_wait3A = arith.constant 128 : i32
        %dma_wait3A_369 = arith.constant 0 : i32
        %dma_wait3A_370 = tpu.memref_slice %arg3[%run_scoped3A_359, %run_scoped3A_360, %dma_wait3A, %dma_wait3A_369] : memref<3x8x384x384xf32, #tpu.memory_space<hbm>> -> memref<1x1x128x384xf32, #tpu.memory_space<hbm>>
        %dma_wait3A_371 = tpu.memref_squeeze %dma_wait3A_370 : memref<1x1x128x384xf32, #tpu.memory_space<hbm>> -> memref<128x384xf32, #tpu.memory_space<hbm>>
        %dma_wait3A_372 = arith.constant 128 : i32
        %dma_wait3A_373 = arith.constant 0 : i32
        %dma_wait3A_374 = tpu.memref_slice %arg3[%run_scoped3A_359, %run_scoped3A_360, %dma_wait3A_372, %dma_wait3A_373] : memref<3x8x384x384xf32, #tpu.memory_space<hbm>> -> memref<1x1x128x384xf32, #tpu.memory_space<hbm>>
        %dma_wait3A_375 = tpu.memref_squeeze %dma_wait3A_374 : memref<1x1x128x384xf32, #tpu.memory_space<hbm>> -> memref<128x384xf32, #tpu.memory_space<hbm>>
        tpu.wait_dma2 semaphore(%run_scoped3A_361 : memref<!tpu.dma_semaphore, #tpu.memory_space<semaphore_mem>>) src(%arg4 : memref<128x384xf32, #tpu.memory_space<vmem>>) dst(%dma_wait3A_375 : memref<128x384xf32, #tpu.memory_space<hbm>>)
        tpu.yield
      }) : () -> ()
    } else {
    }
    %eq3A_83 = arith.constant 17 : i32
    %eq3A_84 = arith.cmpi eq, %add3A, %eq3A_83 : i32
    %convert_element_type3A_85 = arith.extui %eq3A_84 : i1 to i32
    %cond3A_86 = arith.constant 0 : i32
    %cond3A_87 = arith.cmpi ne, %convert_element_type3A_85, %cond3A_86 : i32
    scf.if %cond3A_87 {
      %run_scoped3A = arith.constant 0 : i32
      %run_scoped3A_358 = arith.constant 22 : i32
      "tpu.region"() ({
        %run_scoped3A_361 = tpu.sem_alloc : memref<!tpu.dma_semaphore, #tpu.memory_space<semaphore_mem>>
        %dma_start3A = arith.constant 256 : i32
        %dma_start3A_362 = arith.constant 0 : i32
        %dma_start3A_363 = tpu.memref_slice %arg2[%run_scoped3A, %run_scoped3A_358, %dma_start3A, %dma_start3A_362] : memref<3x32x384x384xf32, #tpu.memory_space<hbm>> -> memref<1x1x128x384xf32, #tpu.memory_space<hbm>>
        %dma_start3A_364 = tpu.memref_squeeze %dma_start3A_363 : memref<1x1x128x384xf32, #tpu.memory_space<hbm>> -> memref<128x384xf32, #tpu.memory_space<hbm>>
        %dma_start3A_365 = arith.constant 256 : i32
        %dma_start3A_366 = arith.constant 0 : i32
        %dma_start3A_367 = tpu.memref_slice %arg2[%run_scoped3A, %run_scoped3A_358, %dma_start3A_365, %dma_start3A_366] : memref<3x32x384x384xf32, #tpu.memory_space<hbm>> -> memref<1x1x128x384xf32, #tpu.memory_space<hbm>>
        %dma_start3A_368 = tpu.memref_squeeze %dma_start3A_367 : memref<1x1x128x384xf32, #tpu.memory_space<hbm>> -> memref<128x384xf32, #tpu.memory_space<hbm>>
        tpu.enqueue_dma source(%dma_start3A_368 : memref<128x384xf32, #tpu.memory_space<hbm>>) target(%arg4 : memref<128x384xf32, #tpu.memory_space<vmem>>) target_semaphore(%run_scoped3A_361 : memref<!tpu.dma_semaphore, #tpu.memory_space<semaphore_mem>>)
        %dma_wait3A = arith.constant 256 : i32
        %dma_wait3A_369 = arith.constant 0 : i32
        %dma_wait3A_370 = tpu.memref_slice %arg2[%run_scoped3A, %run_scoped3A_358, %dma_wait3A, %dma_wait3A_369] : memref<3x32x384x384xf32, #tpu.memory_space<hbm>> -> memref<1x1x128x384xf32, #tpu.memory_space<hbm>>
        %dma_wait3A_371 = tpu.memref_squeeze %dma_wait3A_370 : memref<1x1x128x384xf32, #tpu.memory_space<hbm>> -> memref<128x384xf32, #tpu.memory_space<hbm>>
        %dma_wait3A_372 = arith.constant 256 : i32
        %dma_wait3A_373 = arith.constant 0 : i32
        %dma_wait3A_374 = tpu.memref_slice %arg2[%run_scoped3A, %run_scoped3A_358, %dma_wait3A_372, %dma_wait3A_373] : memref<3x32x384x384xf32, #tpu.memory_space<hbm>> -> memref<1x1x128x384xf32, #tpu.memory_space<hbm>>
        %dma_wait3A_375 = tpu.memref_squeeze %dma_wait3A_374 : memref<1x1x128x384xf32, #tpu.memory_space<hbm>> -> memref<128x384xf32, #tpu.memory_space<hbm>>
        tpu.wait_dma2 semaphore(%run_scoped3A_361 : memref<!tpu.dma_semaphore, #tpu.memory_space<semaphore_mem>>) src(%dma_wait3A_375 : memref<128x384xf32, #tpu.memory_space<hbm>>) dst(%arg4 : memref<128x384xf32, #tpu.memory_space<vmem>>)
        tpu.yield
      }) : () -> ()
      %run_scoped3A_359 = arith.constant 0 : i32
      %run_scoped3A_360 = arith.constant 5 : i32
      "tpu.region"() ({
        %run_scoped3A_361 = tpu.sem_alloc : memref<!tpu.dma_semaphore, #tpu.memory_space<semaphore_mem>>
        %dma_start3A = arith.constant 256 : i32
        %dma_start3A_362 = arith.constant 0 : i32
        %dma_start3A_363 = tpu.memref_slice %arg3[%run_scoped3A_359, %run_scoped3A_360, %dma_start3A, %dma_start3A_362] : memref<3x8x384x384xf32, #tpu.memory_space<hbm>> -> memref<1x1x128x384xf32, #tpu.memory_space<hbm>>
        %dma_start3A_364 = tpu.memref_squeeze %dma_start3A_363 : memref<1x1x128x384xf32, #tpu.memory_space<hbm>> -> memref<128x384xf32, #tpu.memory_space<hbm>>
        %dma_start3A_365 = arith.constant 256 : i32
        %dma_start3A_366 = arith.constant 0 : i32
        %dma_start3A_367 = tpu.memref_slice %arg3[%run_scoped3A_359, %run_scoped3A_360, %dma_start3A_365, %dma_start3A_366] : memref<3x8x384x384xf32, #tpu.memory_space<hbm>> -> memref<1x1x128x384xf32, #tpu.memory_space<hbm>>
        %dma_start3A_368 = tpu.memref_squeeze %dma_start3A_367 : memref<1x1x128x384xf32, #tpu.memory_space<hbm>> -> memref<128x384xf32, #tpu.memory_space<hbm>>
        tpu.enqueue_dma source(%arg4 : memref<128x384xf32, #tpu.memory_space<vmem>>) target(%dma_start3A_368 : memref<128x384xf32, #tpu.memory_space<hbm>>) target_semaphore(%run_scoped3A_361 : memref<!tpu.dma_semaphore, #tpu.memory_space<semaphore_mem>>)
        %dma_wait3A = arith.constant 256 : i32
        %dma_wait3A_369 = arith.constant 0 : i32
        %dma_wait3A_370 = tpu.memref_slice %arg3[%run_scoped3A_359, %run_scoped3A_360, %dma_wait3A, %dma_wait3A_369] : memref<3x8x384x384xf32, #tpu.memory_space<hbm>> -> memref<1x1x128x384xf32, #tpu.memory_space<hbm>>
        %dma_wait3A_371 = tpu.memref_squeeze %dma_wait3A_370 : memref<1x1x128x384xf32, #tpu.memory_space<hbm>> -> memref<128x384xf32, #tpu.memory_space<hbm>>
        %dma_wait3A_372 = arith.constant 256 : i32
        %dma_wait3A_373 = arith.constant 0 : i32
        %dma_wait3A_374 = tpu.memref_slice %arg3[%run_scoped3A_359, %run_scoped3A_360, %dma_wait3A_372, %dma_wait3A_373] : memref<3x8x384x384xf32, #tpu.memory_space<hbm>> -> memref<1x1x128x384xf32, #tpu.memory_space<hbm>>
        %dma_wait3A_375 = tpu.memref_squeeze %dma_wait3A_374 : memref<1x1x128x384xf32, #tpu.memory_space<hbm>> -> memref<128x384xf32, #tpu.memory_space<hbm>>
        tpu.wait_dma2 semaphore(%run_scoped3A_361 : memref<!tpu.dma_semaphore, #tpu.memory_space<semaphore_mem>>) src(%arg4 : memref<128x384xf32, #tpu.memory_space<vmem>>) dst(%dma_wait3A_375 : memref<128x384xf32, #tpu.memory_space<hbm>>)
        tpu.yield
      }) : () -> ()
    } else {
    }
    %eq3A_88 = arith.constant 18 : i32
    %eq3A_89 = arith.cmpi eq, %add3A, %eq3A_88 : i32
    %convert_element_type3A_90 = arith.extui %eq3A_89 : i1 to i32
    %cond3A_91 = arith.constant 0 : i32
    %cond3A_92 = arith.cmpi ne, %convert_element_type3A_90, %cond3A_91 : i32
    scf.if %cond3A_92 {
      %run_scoped3A = arith.constant 0 : i32
      %run_scoped3A_358 = arith.constant 26 : i32
      "tpu.region"() ({
        %run_scoped3A_361 = tpu.sem_alloc : memref<!tpu.dma_semaphore, #tpu.memory_space<semaphore_mem>>
        %dma_start3A = arith.constant 0 : i32
        %dma_start3A_362 = arith.constant 0 : i32
        %dma_start3A_363 = tpu.memref_slice %arg2[%run_scoped3A, %run_scoped3A_358, %dma_start3A, %dma_start3A_362] : memref<3x32x384x384xf32, #tpu.memory_space<hbm>> -> memref<1x1x128x384xf32, #tpu.memory_space<hbm>>
        %dma_start3A_364 = tpu.memref_squeeze %dma_start3A_363 : memref<1x1x128x384xf32, #tpu.memory_space<hbm>> -> memref<128x384xf32, #tpu.memory_space<hbm>>
        %dma_start3A_365 = arith.constant 0 : i32
        %dma_start3A_366 = arith.constant 0 : i32
        %dma_start3A_367 = tpu.memref_slice %arg2[%run_scoped3A, %run_scoped3A_358, %dma_start3A_365, %dma_start3A_366] : memref<3x32x384x384xf32, #tpu.memory_space<hbm>> -> memref<1x1x128x384xf32, #tpu.memory_space<hbm>>
        %dma_start3A_368 = tpu.memref_squeeze %dma_start3A_367 : memref<1x1x128x384xf32, #tpu.memory_space<hbm>> -> memref<128x384xf32, #tpu.memory_space<hbm>>
        tpu.enqueue_dma source(%dma_start3A_368 : memref<128x384xf32, #tpu.memory_space<hbm>>) target(%arg4 : memref<128x384xf32, #tpu.memory_space<vmem>>) target_semaphore(%run_scoped3A_361 : memref<!tpu.dma_semaphore, #tpu.memory_space<semaphore_mem>>)
        %dma_wait3A = arith.constant 0 : i32
        %dma_wait3A_369 = arith.constant 0 : i32
        %dma_wait3A_370 = tpu.memref_slice %arg2[%run_scoped3A, %run_scoped3A_358, %dma_wait3A, %dma_wait3A_369] : memref<3x32x384x384xf32, #tpu.memory_space<hbm>> -> memref<1x1x128x384xf32, #tpu.memory_space<hbm>>
        %dma_wait3A_371 = tpu.memref_squeeze %dma_wait3A_370 : memref<1x1x128x384xf32, #tpu.memory_space<hbm>> -> memref<128x384xf32, #tpu.memory_space<hbm>>
        %dma_wait3A_372 = arith.constant 0 : i32
        %dma_wait3A_373 = arith.constant 0 : i32
        %dma_wait3A_374 = tpu.memref_slice %arg2[%run_scoped3A, %run_scoped3A_358, %dma_wait3A_372, %dma_wait3A_373] : memref<3x32x384x384xf32, #tpu.memory_space<hbm>> -> memref<1x1x128x384xf32, #tpu.memory_space<hbm>>
        %dma_wait3A_375 = tpu.memref_squeeze %dma_wait3A_374 : memref<1x1x128x384xf32, #tpu.memory_space<hbm>> -> memref<128x384xf32, #tpu.memory_space<hbm>>
        tpu.wait_dma2 semaphore(%run_scoped3A_361 : memref<!tpu.dma_semaphore, #tpu.memory_space<semaphore_mem>>) src(%dma_wait3A_375 : memref<128x384xf32, #tpu.memory_space<hbm>>) dst(%arg4 : memref<128x384xf32, #tpu.memory_space<vmem>>)
        tpu.yield
      }) : () -> ()
      %run_scoped3A_359 = arith.constant 0 : i32
      %run_scoped3A_360 = arith.constant 6 : i32
      "tpu.region"() ({
        %run_scoped3A_361 = tpu.sem_alloc : memref<!tpu.dma_semaphore, #tpu.memory_space<semaphore_mem>>
        %dma_start3A = arith.constant 0 : i32
        %dma_start3A_362 = arith.constant 0 : i32
        %dma_start3A_363 = tpu.memref_slice %arg3[%run_scoped3A_359, %run_scoped3A_360, %dma_start3A, %dma_start3A_362] : memref<3x8x384x384xf32, #tpu.memory_space<hbm>> -> memref<1x1x128x384xf32, #tpu.memory_space<hbm>>
        %dma_start3A_364 = tpu.memref_squeeze %dma_start3A_363 : memref<1x1x128x384xf32, #tpu.memory_space<hbm>> -> memref<128x384xf32, #tpu.memory_space<hbm>>
        %dma_start3A_365 = arith.constant 0 : i32
        %dma_start3A_366 = arith.constant 0 : i32
        %dma_start3A_367 = tpu.memref_slice %arg3[%run_scoped3A_359, %run_scoped3A_360, %dma_start3A_365, %dma_start3A_366] : memref<3x8x384x384xf32, #tpu.memory_space<hbm>> -> memref<1x1x128x384xf32, #tpu.memory_space<hbm>>
        %dma_start3A_368 = tpu.memref_squeeze %dma_start3A_367 : memref<1x1x128x384xf32, #tpu.memory_space<hbm>> -> memref<128x384xf32, #tpu.memory_space<hbm>>
        tpu.enqueue_dma source(%arg4 : memref<128x384xf32, #tpu.memory_space<vmem>>) target(%dma_start3A_368 : memref<128x384xf32, #tpu.memory_space<hbm>>) target_semaphore(%run_scoped3A_361 : memref<!tpu.dma_semaphore, #tpu.memory_space<semaphore_mem>>)
        %dma_wait3A = arith.constant 0 : i32
        %dma_wait3A_369 = arith.constant 0 : i32
        %dma_wait3A_370 = tpu.memref_slice %arg3[%run_scoped3A_359, %run_scoped3A_360, %dma_wait3A, %dma_wait3A_369] : memref<3x8x384x384xf32, #tpu.memory_space<hbm>> -> memref<1x1x128x384xf32, #tpu.memory_space<hbm>>
        %dma_wait3A_371 = tpu.memref_squeeze %dma_wait3A_370 : memref<1x1x128x384xf32, #tpu.memory_space<hbm>> -> memref<128x384xf32, #tpu.memory_space<hbm>>
        %dma_wait3A_372 = arith.constant 0 : i32
        %dma_wait3A_373 = arith.constant 0 : i32
        %dma_wait3A_374 = tpu.memref_slice %arg3[%run_scoped3A_359, %run_scoped3A_360, %dma_wait3A_372, %dma_wait3A_373] : memref<3x8x384x384xf32, #tpu.memory_space<hbm>> -> memref<1x1x128x384xf32, #tpu.memory_space<hbm>>
        %dma_wait3A_375 = tpu.memref_squeeze %dma_wait3A_374 : memref<1x1x128x384xf32, #tpu.memory_space<hbm>> -> memref<128x384xf32, #tpu.memory_space<hbm>>
        tpu.wait_dma2 semaphore(%run_scoped3A_361 : memref<!tpu.dma_semaphore, #tpu.memory_space<semaphore_mem>>) src(%arg4 : memref<128x384xf32, #tpu.memory_space<vmem>>) dst(%dma_wait3A_375 : memref<128x384xf32, #tpu.memory_space<hbm>>)
        tpu.yield
      }) : () -> ()
    } else {
    }
    %eq3A_93 = arith.constant 19 : i32
    %eq3A_94 = arith.cmpi eq, %add3A, %eq3A_93 : i32
    %convert_element_type3A_95 = arith.extui %eq3A_94 : i1 to i32
    %cond3A_96 = arith.constant 0 : i32
    %cond3A_97 = arith.cmpi ne, %convert_element_type3A_95, %cond3A_96 : i32
    scf.if %cond3A_97 {
      %run_scoped3A = arith.constant 0 : i32
      %run_scoped3A_358 = arith.constant 26 : i32
      "tpu.region"() ({
        %run_scoped3A_361 = tpu.sem_alloc : memref<!tpu.dma_semaphore, #tpu.memory_space<semaphore_mem>>
        %dma_start3A = arith.constant 128 : i32
        %dma_start3A_362 = arith.constant 0 : i32
        %dma_start3A_363 = tpu.memref_slice %arg2[%run_scoped3A, %run_scoped3A_358, %dma_start3A, %dma_start3A_362] : memref<3x32x384x384xf32, #tpu.memory_space<hbm>> -> memref<1x1x128x384xf32, #tpu.memory_space<hbm>>
        %dma_start3A_364 = tpu.memref_squeeze %dma_start3A_363 : memref<1x1x128x384xf32, #tpu.memory_space<hbm>> -> memref<128x384xf32, #tpu.memory_space<hbm>>
        %dma_start3A_365 = arith.constant 128 : i32
        %dma_start3A_366 = arith.constant 0 : i32
        %dma_start3A_367 = tpu.memref_slice %arg2[%run_scoped3A, %run_scoped3A_358, %dma_start3A_365, %dma_start3A_366] : memref<3x32x384x384xf32, #tpu.memory_space<hbm>> -> memref<1x1x128x384xf32, #tpu.memory_space<hbm>>
        %dma_start3A_368 = tpu.memref_squeeze %dma_start3A_367 : memref<1x1x128x384xf32, #tpu.memory_space<hbm>> -> memref<128x384xf32, #tpu.memory_space<hbm>>
        tpu.enqueue_dma source(%dma_start3A_368 : memref<128x384xf32, #tpu.memory_space<hbm>>) target(%arg4 : memref<128x384xf32, #tpu.memory_space<vmem>>) target_semaphore(%run_scoped3A_361 : memref<!tpu.dma_semaphore, #tpu.memory_space<semaphore_mem>>)
        %dma_wait3A = arith.constant 128 : i32
        %dma_wait3A_369 = arith.constant 0 : i32
        %dma_wait3A_370 = tpu.memref_slice %arg2[%run_scoped3A, %run_scoped3A_358, %dma_wait3A, %dma_wait3A_369] : memref<3x32x384x384xf32, #tpu.memory_space<hbm>> -> memref<1x1x128x384xf32, #tpu.memory_space<hbm>>
        %dma_wait3A_371 = tpu.memref_squeeze %dma_wait3A_370 : memref<1x1x128x384xf32, #tpu.memory_space<hbm>> -> memref<128x384xf32, #tpu.memory_space<hbm>>
        %dma_wait3A_372 = arith.constant 128 : i32
        %dma_wait3A_373 = arith.constant 0 : i32
        %dma_wait3A_374 = tpu.memref_slice %arg2[%run_scoped3A, %run_scoped3A_358, %dma_wait3A_372, %dma_wait3A_373] : memref<3x32x384x384xf32, #tpu.memory_space<hbm>> -> memref<1x1x128x384xf32, #tpu.memory_space<hbm>>
        %dma_wait3A_375 = tpu.memref_squeeze %dma_wait3A_374 : memref<1x1x128x384xf32, #tpu.memory_space<hbm>> -> memref<128x384xf32, #tpu.memory_space<hbm>>
        tpu.wait_dma2 semaphore(%run_scoped3A_361 : memref<!tpu.dma_semaphore, #tpu.memory_space<semaphore_mem>>) src(%dma_wait3A_375 : memref<128x384xf32, #tpu.memory_space<hbm>>) dst(%arg4 : memref<128x384xf32, #tpu.memory_space<vmem>>)
        tpu.yield
      }) : () -> ()
      %run_scoped3A_359 = arith.constant 0 : i32
      %run_scoped3A_360 = arith.constant 6 : i32
      "tpu.region"() ({
        %run_scoped3A_361 = tpu.sem_alloc : memref<!tpu.dma_semaphore, #tpu.memory_space<semaphore_mem>>
        %dma_start3A = arith.constant 128 : i32
        %dma_start3A_362 = arith.constant 0 : i32
        %dma_start3A_363 = tpu.memref_slice %arg3[%run_scoped3A_359, %run_scoped3A_360, %dma_start3A, %dma_start3A_362] : memref<3x8x384x384xf32, #tpu.memory_space<hbm>> -> memref<1x1x128x384xf32, #tpu.memory_space<hbm>>
        %dma_start3A_364 = tpu.memref_squeeze %dma_start3A_363 : memref<1x1x128x384xf32, #tpu.memory_space<hbm>> -> memref<128x384xf32, #tpu.memory_space<hbm>>
        %dma_start3A_365 = arith.constant 128 : i32
        %dma_start3A_366 = arith.constant 0 : i32
        %dma_start3A_367 = tpu.memref_slice %arg3[%run_scoped3A_359, %run_scoped3A_360, %dma_start3A_365, %dma_start3A_366] : memref<3x8x384x384xf32, #tpu.memory_space<hbm>> -> memref<1x1x128x384xf32, #tpu.memory_space<hbm>>
        %dma_start3A_368 = tpu.memref_squeeze %dma_start3A_367 : memref<1x1x128x384xf32, #tpu.memory_space<hbm>> -> memref<128x384xf32, #tpu.memory_space<hbm>>
        tpu.enqueue_dma source(%arg4 : memref<128x384xf32, #tpu.memory_space<vmem>>) target(%dma_start3A_368 : memref<128x384xf32, #tpu.memory_space<hbm>>) target_semaphore(%run_scoped3A_361 : memref<!tpu.dma_semaphore, #tpu.memory_space<semaphore_mem>>)
        %dma_wait3A = arith.constant 128 : i32
        %dma_wait3A_369 = arith.constant 0 : i32
        %dma_wait3A_370 = tpu.memref_slice %arg3[%run_scoped3A_359, %run_scoped3A_360, %dma_wait3A, %dma_wait3A_369] : memref<3x8x384x384xf32, #tpu.memory_space<hbm>> -> memref<1x1x128x384xf32, #tpu.memory_space<hbm>>
        %dma_wait3A_371 = tpu.memref_squeeze %dma_wait3A_370 : memref<1x1x128x384xf32, #tpu.memory_space<hbm>> -> memref<128x384xf32, #tpu.memory_space<hbm>>
        %dma_wait3A_372 = arith.constant 128 : i32
        %dma_wait3A_373 = arith.constant 0 : i32
        %dma_wait3A_374 = tpu.memref_slice %arg3[%run_scoped3A_359, %run_scoped3A_360, %dma_wait3A_372, %dma_wait3A_373] : memref<3x8x384x384xf32, #tpu.memory_space<hbm>> -> memref<1x1x128x384xf32, #tpu.memory_space<hbm>>
        %dma_wait3A_375 = tpu.memref_squeeze %dma_wait3A_374 : memref<1x1x128x384xf32, #tpu.memory_space<hbm>> -> memref<128x384xf32, #tpu.memory_space<hbm>>
        tpu.wait_dma2 semaphore(%run_scoped3A_361 : memref<!tpu.dma_semaphore, #tpu.memory_space<semaphore_mem>>) src(%arg4 : memref<128x384xf32, #tpu.memory_space<vmem>>) dst(%dma_wait3A_375 : memref<128x384xf32, #tpu.memory_space<hbm>>)
        tpu.yield
      }) : () -> ()
    } else {
    }
    %eq3A_98 = arith.constant 20 : i32
    %eq3A_99 = arith.cmpi eq, %add3A, %eq3A_98 : i32
    %convert_element_type3A_100 = arith.extui %eq3A_99 : i1 to i32
    %cond3A_101 = arith.constant 0 : i32
    %cond3A_102 = arith.cmpi ne, %convert_element_type3A_100, %cond3A_101 : i32
    scf.if %cond3A_102 {
      %run_scoped3A = arith.constant 0 : i32
      %run_scoped3A_358 = arith.constant 26 : i32
      "tpu.region"() ({
        %run_scoped3A_361 = tpu.sem_alloc : memref<!tpu.dma_semaphore, #tpu.memory_space<semaphore_mem>>
        %dma_start3A = arith.constant 256 : i32
        %dma_start3A_362 = arith.constant 0 : i32
        %dma_start3A_363 = tpu.memref_slice %arg2[%run_scoped3A, %run_scoped3A_358, %dma_start3A, %dma_start3A_362] : memref<3x32x384x384xf32, #tpu.memory_space<hbm>> -> memref<1x1x128x384xf32, #tpu.memory_space<hbm>>
        %dma_start3A_364 = tpu.memref_squeeze %dma_start3A_363 : memref<1x1x128x384xf32, #tpu.memory_space<hbm>> -> memref<128x384xf32, #tpu.memory_space<hbm>>
        %dma_start3A_365 = arith.constant 256 : i32
        %dma_start3A_366 = arith.constant 0 : i32
        %dma_start3A_367 = tpu.memref_slice %arg2[%run_scoped3A, %run_scoped3A_358, %dma_start3A_365, %dma_start3A_366] : memref<3x32x384x384xf32, #tpu.memory_space<hbm>> -> memref<1x1x128x384xf32, #tpu.memory_space<hbm>>
        %dma_start3A_368 = tpu.memref_squeeze %dma_start3A_367 : memref<1x1x128x384xf32, #tpu.memory_space<hbm>> -> memref<128x384xf32, #tpu.memory_space<hbm>>
        tpu.enqueue_dma source(%dma_start3A_368 : memref<128x384xf32, #tpu.memory_space<hbm>>) target(%arg4 : memref<128x384xf32, #tpu.memory_space<vmem>>) target_semaphore(%run_scoped3A_361 : memref<!tpu.dma_semaphore, #tpu.memory_space<semaphore_mem>>)
        %dma_wait3A = arith.constant 256 : i32
        %dma_wait3A_369 = arith.constant 0 : i32
        %dma_wait3A_370 = tpu.memref_slice %arg2[%run_scoped3A, %run_scoped3A_358, %dma_wait3A, %dma_wait3A_369] : memref<3x32x384x384xf32, #tpu.memory_space<hbm>> -> memref<1x1x128x384xf32, #tpu.memory_space<hbm>>
        %dma_wait3A_371 = tpu.memref_squeeze %dma_wait3A_370 : memref<1x1x128x384xf32, #tpu.memory_space<hbm>> -> memref<128x384xf32, #tpu.memory_space<hbm>>
        %dma_wait3A_372 = arith.constant 256 : i32
        %dma_wait3A_373 = arith.constant 0 : i32
        %dma_wait3A_374 = tpu.memref_slice %arg2[%run_scoped3A, %run_scoped3A_358, %dma_wait3A_372, %dma_wait3A_373] : memref<3x32x384x384xf32, #tpu.memory_space<hbm>> -> memref<1x1x128x384xf32, #tpu.memory_space<hbm>>
        %dma_wait3A_375 = tpu.memref_squeeze %dma_wait3A_374 : memref<1x1x128x384xf32, #tpu.memory_space<hbm>> -> memref<128x384xf32, #tpu.memory_space<hbm>>
        tpu.wait_dma2 semaphore(%run_scoped3A_361 : memref<!tpu.dma_semaphore, #tpu.memory_space<semaphore_mem>>) src(%dma_wait3A_375 : memref<128x384xf32, #tpu.memory_space<hbm>>) dst(%arg4 : memref<128x384xf32, #tpu.memory_space<vmem>>)
        tpu.yield
      }) : () -> ()
      %run_scoped3A_359 = arith.constant 0 : i32
      %run_scoped3A_360 = arith.constant 6 : i32
      "tpu.region"() ({
        %run_scoped3A_361 = tpu.sem_alloc : memref<!tpu.dma_semaphore, #tpu.memory_space<semaphore_mem>>
        %dma_start3A = arith.constant 256 : i32
        %dma_start3A_362 = arith.constant 0 : i32
        %dma_start3A_363 = tpu.memref_slice %arg3[%run_scoped3A_359, %run_scoped3A_360, %dma_start3A, %dma_start3A_362] : memref<3x8x384x384xf32, #tpu.memory_space<hbm>> -> memref<1x1x128x384xf32, #tpu.memory_space<hbm>>
        %dma_start3A_364 = tpu.memref_squeeze %dma_start3A_363 : memref<1x1x128x384xf32, #tpu.memory_space<hbm>> -> memref<128x384xf32, #tpu.memory_space<hbm>>
        %dma_start3A_365 = arith.constant 256 : i32
        %dma_start3A_366 = arith.constant 0 : i32
        %dma_start3A_367 = tpu.memref_slice %arg3[%run_scoped3A_359, %run_scoped3A_360, %dma_start3A_365, %dma_start3A_366] : memref<3x8x384x384xf32, #tpu.memory_space<hbm>> -> memref<1x1x128x384xf32, #tpu.memory_space<hbm>>
        %dma_start3A_368 = tpu.memref_squeeze %dma_start3A_367 : memref<1x1x128x384xf32, #tpu.memory_space<hbm>> -> memref<128x384xf32, #tpu.memory_space<hbm>>
        tpu.enqueue_dma source(%arg4 : memref<128x384xf32, #tpu.memory_space<vmem>>) target(%dma_start3A_368 : memref<128x384xf32, #tpu.memory_space<hbm>>) target_semaphore(%run_scoped3A_361 : memref<!tpu.dma_semaphore, #tpu.memory_space<semaphore_mem>>)
        %dma_wait3A = arith.constant 256 : i32
        %dma_wait3A_369 = arith.constant 0 : i32
        %dma_wait3A_370 = tpu.memref_slice %arg3[%run_scoped3A_359, %run_scoped3A_360, %dma_wait3A, %dma_wait3A_369] : memref<3x8x384x384xf32, #tpu.memory_space<hbm>> -> memref<1x1x128x384xf32, #tpu.memory_space<hbm>>
        %dma_wait3A_371 = tpu.memref_squeeze %dma_wait3A_370 : memref<1x1x128x384xf32, #tpu.memory_space<hbm>> -> memref<128x384xf32, #tpu.memory_space<hbm>>
        %dma_wait3A_372 = arith.constant 256 : i32
        %dma_wait3A_373 = arith.constant 0 : i32
        %dma_wait3A_374 = tpu.memref_slice %arg3[%run_scoped3A_359, %run_scoped3A_360, %dma_wait3A_372, %dma_wait3A_373] : memref<3x8x384x384xf32, #tpu.memory_space<hbm>> -> memref<1x1x128x384xf32, #tpu.memory_space<hbm>>
        %dma_wait3A_375 = tpu.memref_squeeze %dma_wait3A_374 : memref<1x1x128x384xf32, #tpu.memory_space<hbm>> -> memref<128x384xf32, #tpu.memory_space<hbm>>
        tpu.wait_dma2 semaphore(%run_scoped3A_361 : memref<!tpu.dma_semaphore, #tpu.memory_space<semaphore_mem>>) src(%arg4 : memref<128x384xf32, #tpu.memory_space<vmem>>) dst(%dma_wait3A_375 : memref<128x384xf32, #tpu.memory_space<hbm>>)
        tpu.yield
      }) : () -> ()
    } else {
    }
    %eq3A_103 = arith.constant 21 : i32
    %eq3A_104 = arith.cmpi eq, %add3A, %eq3A_103 : i32
    %convert_element_type3A_105 = arith.extui %eq3A_104 : i1 to i32
    %cond3A_106 = arith.constant 0 : i32
    %cond3A_107 = arith.cmpi ne, %convert_element_type3A_105, %cond3A_106 : i32
    scf.if %cond3A_107 {
      %run_scoped3A = arith.constant 0 : i32
      %run_scoped3A_358 = arith.constant 31 : i32
      "tpu.region"() ({
        %run_scoped3A_361 = tpu.sem_alloc : memref<!tpu.dma_semaphore, #tpu.memory_space<semaphore_mem>>
        %dma_start3A = arith.constant 0 : i32
        %dma_start3A_362 = arith.constant 0 : i32
        %dma_start3A_363 = tpu.memref_slice %arg2[%run_scoped3A, %run_scoped3A_358, %dma_start3A, %dma_start3A_362] : memref<3x32x384x384xf32, #tpu.memory_space<hbm>> -> memref<1x1x128x384xf32, #tpu.memory_space<hbm>>
        %dma_start3A_364 = tpu.memref_squeeze %dma_start3A_363 : memref<1x1x128x384xf32, #tpu.memory_space<hbm>> -> memref<128x384xf32, #tpu.memory_space<hbm>>
        %dma_start3A_365 = arith.constant 0 : i32
        %dma_start3A_366 = arith.constant 0 : i32
        %dma_start3A_367 = tpu.memref_slice %arg2[%run_scoped3A, %run_scoped3A_358, %dma_start3A_365, %dma_start3A_366] : memref<3x32x384x384xf32, #tpu.memory_space<hbm>> -> memref<1x1x128x384xf32, #tpu.memory_space<hbm>>
        %dma_start3A_368 = tpu.memref_squeeze %dma_start3A_367 : memref<1x1x128x384xf32, #tpu.memory_space<hbm>> -> memref<128x384xf32, #tpu.memory_space<hbm>>
        tpu.enqueue_dma source(%dma_start3A_368 : memref<128x384xf32, #tpu.memory_space<hbm>>) target(%arg4 : memref<128x384xf32, #tpu.memory_space<vmem>>) target_semaphore(%run_scoped3A_361 : memref<!tpu.dma_semaphore, #tpu.memory_space<semaphore_mem>>)
        %dma_wait3A = arith.constant 0 : i32
        %dma_wait3A_369 = arith.constant 0 : i32
        %dma_wait3A_370 = tpu.memref_slice %arg2[%run_scoped3A, %run_scoped3A_358, %dma_wait3A, %dma_wait3A_369] : memref<3x32x384x384xf32, #tpu.memory_space<hbm>> -> memref<1x1x128x384xf32, #tpu.memory_space<hbm>>
        %dma_wait3A_371 = tpu.memref_squeeze %dma_wait3A_370 : memref<1x1x128x384xf32, #tpu.memory_space<hbm>> -> memref<128x384xf32, #tpu.memory_space<hbm>>
        %dma_wait3A_372 = arith.constant 0 : i32
        %dma_wait3A_373 = arith.constant 0 : i32
        %dma_wait3A_374 = tpu.memref_slice %arg2[%run_scoped3A, %run_scoped3A_358, %dma_wait3A_372, %dma_wait3A_373] : memref<3x32x384x384xf32, #tpu.memory_space<hbm>> -> memref<1x1x128x384xf32, #tpu.memory_space<hbm>>
        %dma_wait3A_375 = tpu.memref_squeeze %dma_wait3A_374 : memref<1x1x128x384xf32, #tpu.memory_space<hbm>> -> memref<128x384xf32, #tpu.memory_space<hbm>>
        tpu.wait_dma2 semaphore(%run_scoped3A_361 : memref<!tpu.dma_semaphore, #tpu.memory_space<semaphore_mem>>) src(%dma_wait3A_375 : memref<128x384xf32, #tpu.memory_space<hbm>>) dst(%arg4 : memref<128x384xf32, #tpu.memory_space<vmem>>)
        tpu.yield
      }) : () -> ()
      %run_scoped3A_359 = arith.constant 0 : i32
      %run_scoped3A_360 = arith.constant 7 : i32
      "tpu.region"() ({
        %run_scoped3A_361 = tpu.sem_alloc : memref<!tpu.dma_semaphore, #tpu.memory_space<semaphore_mem>>
        %dma_start3A = arith.constant 0 : i32
        %dma_start3A_362 = arith.constant 0 : i32
        %dma_start3A_363 = tpu.memref_slice %arg3[%run_scoped3A_359, %run_scoped3A_360, %dma_start3A, %dma_start3A_362] : memref<3x8x384x384xf32, #tpu.memory_space<hbm>> -> memref<1x1x128x384xf32, #tpu.memory_space<hbm>>
        %dma_start3A_364 = tpu.memref_squeeze %dma_start3A_363 : memref<1x1x128x384xf32, #tpu.memory_space<hbm>> -> memref<128x384xf32, #tpu.memory_space<hbm>>
        %dma_start3A_365 = arith.constant 0 : i32
        %dma_start3A_366 = arith.constant 0 : i32
        %dma_start3A_367 = tpu.memref_slice %arg3[%run_scoped3A_359, %run_scoped3A_360, %dma_start3A_365, %dma_start3A_366] : memref<3x8x384x384xf32, #tpu.memory_space<hbm>> -> memref<1x1x128x384xf32, #tpu.memory_space<hbm>>
        %dma_start3A_368 = tpu.memref_squeeze %dma_start3A_367 : memref<1x1x128x384xf32, #tpu.memory_space<hbm>> -> memref<128x384xf32, #tpu.memory_space<hbm>>
        tpu.enqueue_dma source(%arg4 : memref<128x384xf32, #tpu.memory_space<vmem>>) target(%dma_start3A_368 : memref<128x384xf32, #tpu.memory_space<hbm>>) target_semaphore(%run_scoped3A_361 : memref<!tpu.dma_semaphore, #tpu.memory_space<semaphore_mem>>)
        %dma_wait3A = arith.constant 0 : i32
        %dma_wait3A_369 = arith.constant 0 : i32
        %dma_wait3A_370 = tpu.memref_slice %arg3[%run_scoped3A_359, %run_scoped3A_360, %dma_wait3A, %dma_wait3A_369] : memref<3x8x384x384xf32, #tpu.memory_space<hbm>> -> memref<1x1x128x384xf32, #tpu.memory_space<hbm>>
        %dma_wait3A_371 = tpu.memref_squeeze %dma_wait3A_370 : memref<1x1x128x384xf32, #tpu.memory_space<hbm>> -> memref<128x384xf32, #tpu.memory_space<hbm>>
        %dma_wait3A_372 = arith.constant 0 : i32
        %dma_wait3A_373 = arith.constant 0 : i32
        %dma_wait3A_374 = tpu.memref_slice %arg3[%run_scoped3A_359, %run_scoped3A_360, %dma_wait3A_372, %dma_wait3A_373] : memref<3x8x384x384xf32, #tpu.memory_space<hbm>> -> memref<1x1x128x384xf32, #tpu.memory_space<hbm>>
        %dma_wait3A_375 = tpu.memref_squeeze %dma_wait3A_374 : memref<1x1x128x384xf32, #tpu.memory_space<hbm>> -> memref<128x384xf32, #tpu.memory_space<hbm>>
        tpu.wait_dma2 semaphore(%run_scoped3A_361 : memref<!tpu.dma_semaphore, #tpu.memory_space<semaphore_mem>>) src(%arg4 : memref<128x384xf32, #tpu.memory_space<vmem>>) dst(%dma_wait3A_375 : memref<128x384xf32, #tpu.memory_space<hbm>>)
        tpu.yield
      }) : () -> ()
    } else {
    }
    %eq3A_108 = arith.constant 22 : i32
    %eq3A_109 = arith.cmpi eq, %add3A, %eq3A_108 : i32
    %convert_element_type3A_110 = arith.extui %eq3A_109 : i1 to i32
    %cond3A_111 = arith.constant 0 : i32
    %cond3A_112 = arith.cmpi ne, %convert_element_type3A_110, %cond3A_111 : i32
    scf.if %cond3A_112 {
      %run_scoped3A = arith.constant 0 : i32
      %run_scoped3A_358 = arith.constant 31 : i32
      "tpu.region"() ({
        %run_scoped3A_361 = tpu.sem_alloc : memref<!tpu.dma_semaphore, #tpu.memory_space<semaphore_mem>>
        %dma_start3A = arith.constant 128 : i32
        %dma_start3A_362 = arith.constant 0 : i32
        %dma_start3A_363 = tpu.memref_slice %arg2[%run_scoped3A, %run_scoped3A_358, %dma_start3A, %dma_start3A_362] : memref<3x32x384x384xf32, #tpu.memory_space<hbm>> -> memref<1x1x128x384xf32, #tpu.memory_space<hbm>>
        %dma_start3A_364 = tpu.memref_squeeze %dma_start3A_363 : memref<1x1x128x384xf32, #tpu.memory_space<hbm>> -> memref<128x384xf32, #tpu.memory_space<hbm>>
        %dma_start3A_365 = arith.constant 128 : i32
        %dma_start3A_366 = arith.constant 0 : i32
        %dma_start3A_367 = tpu.memref_slice %arg2[%run_scoped3A, %run_scoped3A_358, %dma_start3A_365, %dma_start3A_366] : memref<3x32x384x384xf32, #tpu.memory_space<hbm>> -> memref<1x1x128x384xf32, #tpu.memory_space<hbm>>
        %dma_start3A_368 = tpu.memref_squeeze %dma_start3A_367 : memref<1x1x128x384xf32, #tpu.memory_space<hbm>> -> memref<128x384xf32, #tpu.memory_space<hbm>>
        tpu.enqueue_dma source(%dma_start3A_368 : memref<128x384xf32, #tpu.memory_space<hbm>>) target(%arg4 : memref<128x384xf32, #tpu.memory_space<vmem>>) target_semaphore(%run_scoped3A_361 : memref<!tpu.dma_semaphore, #tpu.memory_space<semaphore_mem>>)
        %dma_wait3A = arith.constant 128 : i32
        %dma_wait3A_369 = arith.constant 0 : i32
        %dma_wait3A_370 = tpu.memref_slice %arg2[%run_scoped3A, %run_scoped3A_358, %dma_wait3A, %dma_wait3A_369] : memref<3x32x384x384xf32, #tpu.memory_space<hbm>> -> memref<1x1x128x384xf32, #tpu.memory_space<hbm>>
        %dma_wait3A_371 = tpu.memref_squeeze %dma_wait3A_370 : memref<1x1x128x384xf32, #tpu.memory_space<hbm>> -> memref<128x384xf32, #tpu.memory_space<hbm>>
        %dma_wait3A_372 = arith.constant 128 : i32
        %dma_wait3A_373 = arith.constant 0 : i32
        %dma_wait3A_374 = tpu.memref_slice %arg2[%run_scoped3A, %run_scoped3A_358, %dma_wait3A_372, %dma_wait3A_373] : memref<3x32x384x384xf32, #tpu.memory_space<hbm>> -> memref<1x1x128x384xf32, #tpu.memory_space<hbm>>
        %dma_wait3A_375 = tpu.memref_squeeze %dma_wait3A_374 : memref<1x1x128x384xf32, #tpu.memory_space<hbm>> -> memref<128x384xf32, #tpu.memory_space<hbm>>
        tpu.wait_dma2 semaphore(%run_scoped3A_361 : memref<!tpu.dma_semaphore, #tpu.memory_space<semaphore_mem>>) src(%dma_wait3A_375 : memref<128x384xf32, #tpu.memory_space<hbm>>) dst(%arg4 : memref<128x384xf32, #tpu.memory_space<vmem>>)
        tpu.yield
      }) : () -> ()
      %run_scoped3A_359 = arith.constant 0 : i32
      %run_scoped3A_360 = arith.constant 7 : i32
      "tpu.region"() ({
        %run_scoped3A_361 = tpu.sem_alloc : memref<!tpu.dma_semaphore, #tpu.memory_space<semaphore_mem>>
        %dma_start3A = arith.constant 128 : i32
        %dma_start3A_362 = arith.constant 0 : i32
        %dma_start3A_363 = tpu.memref_slice %arg3[%run_scoped3A_359, %run_scoped3A_360, %dma_start3A, %dma_start3A_362] : memref<3x8x384x384xf32, #tpu.memory_space<hbm>> -> memref<1x1x128x384xf32, #tpu.memory_space<hbm>>
        %dma_start3A_364 = tpu.memref_squeeze %dma_start3A_363 : memref<1x1x128x384xf32, #tpu.memory_space<hbm>> -> memref<128x384xf32, #tpu.memory_space<hbm>>
        %dma_start3A_365 = arith.constant 128 : i32
        %dma_start3A_366 = arith.constant 0 : i32
        %dma_start3A_367 = tpu.memref_slice %arg3[%run_scoped3A_359, %run_scoped3A_360, %dma_start3A_365, %dma_start3A_366] : memref<3x8x384x384xf32, #tpu.memory_space<hbm>> -> memref<1x1x128x384xf32, #tpu.memory_space<hbm>>
        %dma_start3A_368 = tpu.memref_squeeze %dma_start3A_367 : memref<1x1x128x384xf32, #tpu.memory_space<hbm>> -> memref<128x384xf32, #tpu.memory_space<hbm>>
        tpu.enqueue_dma source(%arg4 : memref<128x384xf32, #tpu.memory_space<vmem>>) target(%dma_start3A_368 : memref<128x384xf32, #tpu.memory_space<hbm>>) target_semaphore(%run_scoped3A_361 : memref<!tpu.dma_semaphore, #tpu.memory_space<semaphore_mem>>)
        %dma_wait3A = arith.constant 128 : i32
        %dma_wait3A_369 = arith.constant 0 : i32
        %dma_wait3A_370 = tpu.memref_slice %arg3[%run_scoped3A_359, %run_scoped3A_360, %dma_wait3A, %dma_wait3A_369] : memref<3x8x384x384xf32, #tpu.memory_space<hbm>> -> memref<1x1x128x384xf32, #tpu.memory_space<hbm>>
        %dma_wait3A_371 = tpu.memref_squeeze %dma_wait3A_370 : memref<1x1x128x384xf32, #tpu.memory_space<hbm>> -> memref<128x384xf32, #tpu.memory_space<hbm>>
        %dma_wait3A_372 = arith.constant 128 : i32
        %dma_wait3A_373 = arith.constant 0 : i32
        %dma_wait3A_374 = tpu.memref_slice %arg3[%run_scoped3A_359, %run_scoped3A_360, %dma_wait3A_372, %dma_wait3A_373] : memref<3x8x384x384xf32, #tpu.memory_space<hbm>> -> memref<1x1x128x384xf32, #tpu.memory_space<hbm>>
        %dma_wait3A_375 = tpu.memref_squeeze %dma_wait3A_374 : memref<1x1x128x384xf32, #tpu.memory_space<hbm>> -> memref<128x384xf32, #tpu.memory_space<hbm>>
        tpu.wait_dma2 semaphore(%run_scoped3A_361 : memref<!tpu.dma_semaphore, #tpu.memory_space<semaphore_mem>>) src(%arg4 : memref<128x384xf32, #tpu.memory_space<vmem>>) dst(%dma_wait3A_375 : memref<128x384xf32, #tpu.memory_space<hbm>>)
        tpu.yield
      }) : () -> ()
    } else {
    }
    %eq3A_113 = arith.constant 23 : i32
    %eq3A_114 = arith.cmpi eq, %add3A, %eq3A_113 : i32
    %convert_element_type3A_115 = arith.extui %eq3A_114 : i1 to i32
    %cond3A_116 = arith.constant 0 : i32
    %cond3A_117 = arith.cmpi ne, %convert_element_type3A_115, %cond3A_116 : i32
    scf.if %cond3A_117 {
      %run_scoped3A = arith.constant 0 : i32
      %run_scoped3A_358 = arith.constant 31 : i32
      "tpu.region"() ({
        %run_scoped3A_361 = tpu.sem_alloc : memref<!tpu.dma_semaphore, #tpu.memory_space<semaphore_mem>>
        %dma_start3A = arith.constant 256 : i32
        %dma_start3A_362 = arith.constant 0 : i32
        %dma_start3A_363 = tpu.memref_slice %arg2[%run_scoped3A, %run_scoped3A_358, %dma_start3A, %dma_start3A_362] : memref<3x32x384x384xf32, #tpu.memory_space<hbm>> -> memref<1x1x128x384xf32, #tpu.memory_space<hbm>>
        %dma_start3A_364 = tpu.memref_squeeze %dma_start3A_363 : memref<1x1x128x384xf32, #tpu.memory_space<hbm>> -> memref<128x384xf32, #tpu.memory_space<hbm>>
        %dma_start3A_365 = arith.constant 256 : i32
        %dma_start3A_366 = arith.constant 0 : i32
        %dma_start3A_367 = tpu.memref_slice %arg2[%run_scoped3A, %run_scoped3A_358, %dma_start3A_365, %dma_start3A_366] : memref<3x32x384x384xf32, #tpu.memory_space<hbm>> -> memref<1x1x128x384xf32, #tpu.memory_space<hbm>>
        %dma_start3A_368 = tpu.memref_squeeze %dma_start3A_367 : memref<1x1x128x384xf32, #tpu.memory_space<hbm>> -> memref<128x384xf32, #tpu.memory_space<hbm>>
        tpu.enqueue_dma source(%dma_start3A_368 : memref<128x384xf32, #tpu.memory_space<hbm>>) target(%arg4 : memref<128x384xf32, #tpu.memory_space<vmem>>) target_semaphore(%run_scoped3A_361 : memref<!tpu.dma_semaphore, #tpu.memory_space<semaphore_mem>>)
        %dma_wait3A = arith.constant 256 : i32
        %dma_wait3A_369 = arith.constant 0 : i32
        %dma_wait3A_370 = tpu.memref_slice %arg2[%run_scoped3A, %run_scoped3A_358, %dma_wait3A, %dma_wait3A_369] : memref<3x32x384x384xf32, #tpu.memory_space<hbm>> -> memref<1x1x128x384xf32, #tpu.memory_space<hbm>>
        %dma_wait3A_371 = tpu.memref_squeeze %dma_wait3A_370 : memref<1x1x128x384xf32, #tpu.memory_space<hbm>> -> memref<128x384xf32, #tpu.memory_space<hbm>>
        %dma_wait3A_372 = arith.constant 256 : i32
        %dma_wait3A_373 = arith.constant 0 : i32
        %dma_wait3A_374 = tpu.memref_slice %arg2[%run_scoped3A, %run_scoped3A_358, %dma_wait3A_372, %dma_wait3A_373] : memref<3x32x384x384xf32, #tpu.memory_space<hbm>> -> memref<1x1x128x384xf32, #tpu.memory_space<hbm>>
        %dma_wait3A_375 = tpu.memref_squeeze %dma_wait3A_374 : memref<1x1x128x384xf32, #tpu.memory_space<hbm>> -> memref<128x384xf32, #tpu.memory_space<hbm>>
        tpu.wait_dma2 semaphore(%run_scoped3A_361 : memref<!tpu.dma_semaphore, #tpu.memory_space<semaphore_mem>>) src(%dma_wait3A_375 : memref<128x384xf32, #tpu.memory_space<hbm>>) dst(%arg4 : memref<128x384xf32, #tpu.memory_space<vmem>>)
        tpu.yield
      }) : () -> ()
      %run_scoped3A_359 = arith.constant 0 : i32
      %run_scoped3A_360 = arith.constant 7 : i32
      "tpu.region"() ({
        %run_scoped3A_361 = tpu.sem_alloc : memref<!tpu.dma_semaphore, #tpu.memory_space<semaphore_mem>>
        %dma_start3A = arith.constant 256 : i32
        %dma_start3A_362 = arith.constant 0 : i32
        %dma_start3A_363 = tpu.memref_slice %arg3[%run_scoped3A_359, %run_scoped3A_360, %dma_start3A, %dma_start3A_362] : memref<3x8x384x384xf32, #tpu.memory_space<hbm>> -> memref<1x1x128x384xf32, #tpu.memory_space<hbm>>
        %dma_start3A_364 = tpu.memref_squeeze %dma_start3A_363 : memref<1x1x128x384xf32, #tpu.memory_space<hbm>> -> memref<128x384xf32, #tpu.memory_space<hbm>>
        %dma_start3A_365 = arith.constant 256 : i32
        %dma_start3A_366 = arith.constant 0 : i32
        %dma_start3A_367 = tpu.memref_slice %arg3[%run_scoped3A_359, %run_scoped3A_360, %dma_start3A_365, %dma_start3A_366] : memref<3x8x384x384xf32, #tpu.memory_space<hbm>> -> memref<1x1x128x384xf32, #tpu.memory_space<hbm>>
        %dma_start3A_368 = tpu.memref_squeeze %dma_start3A_367 : memref<1x1x128x384xf32, #tpu.memory_space<hbm>> -> memref<128x384xf32, #tpu.memory_space<hbm>>
        tpu.enqueue_dma source(%arg4 : memref<128x384xf32, #tpu.memory_space<vmem>>) target(%dma_start3A_368 : memref<128x384xf32, #tpu.memory_space<hbm>>) target_semaphore(%run_scoped3A_361 : memref<!tpu.dma_semaphore, #tpu.memory_space<semaphore_mem>>)
        %dma_wait3A = arith.constant 256 : i32
        %dma_wait3A_369 = arith.constant 0 : i32
        %dma_wait3A_370 = tpu.memref_slice %arg3[%run_scoped3A_359, %run_scoped3A_360, %dma_wait3A, %dma_wait3A_369] : memref<3x8x384x384xf32, #tpu.memory_space<hbm>> -> memref<1x1x128x384xf32, #tpu.memory_space<hbm>>
        %dma_wait3A_371 = tpu.memref_squeeze %dma_wait3A_370 : memref<1x1x128x384xf32, #tpu.memory_space<hbm>> -> memref<128x384xf32, #tpu.memory_space<hbm>>
        %dma_wait3A_372 = arith.constant 256 : i32
        %dma_wait3A_373 = arith.constant 0 : i32
        %dma_wait3A_374 = tpu.memref_slice %arg3[%run_scoped3A_359, %run_scoped3A_360, %dma_wait3A_372, %dma_wait3A_373] : memref<3x8x384x384xf32, #tpu.memory_space<hbm>> -> memref<1x1x128x384xf32, #tpu.memory_space<hbm>>
        %dma_wait3A_375 = tpu.memref_squeeze %dma_wait3A_374 : memref<1x1x128x384xf32, #tpu.memory_space<hbm>> -> memref<128x384xf32, #tpu.memory_space<hbm>>
        tpu.wait_dma2 semaphore(%run_scoped3A_361 : memref<!tpu.dma_semaphore, #tpu.memory_space<semaphore_mem>>) src(%arg4 : memref<128x384xf32, #tpu.memory_space<vmem>>) dst(%dma_wait3A_375 : memref<128x384xf32, #tpu.memory_space<hbm>>)
        tpu.yield
      }) : () -> ()
    } else {
    }
    %eq3A_118 = arith.constant 24 : i32
    %eq3A_119 = arith.cmpi eq, %add3A, %eq3A_118 : i32
    %convert_element_type3A_120 = arith.extui %eq3A_119 : i1 to i32
    %cond3A_121 = arith.constant 0 : i32
    %cond3A_122 = arith.cmpi ne, %convert_element_type3A_120, %cond3A_121 : i32
    scf.if %cond3A_122 {
      %run_scoped3A = arith.constant 1 : i32
      %run_scoped3A_358 = arith.constant 0 : i32
      "tpu.region"() ({
        %run_scoped3A_361 = tpu.sem_alloc : memref<!tpu.dma_semaphore, #tpu.memory_space<semaphore_mem>>
        %dma_start3A = arith.constant 0 : i32
        %dma_start3A_362 = arith.constant 0 : i32
        %dma_start3A_363 = tpu.memref_slice %arg2[%run_scoped3A, %run_scoped3A_358, %dma_start3A, %dma_start3A_362] : memref<3x32x384x384xf32, #tpu.memory_space<hbm>> -> memref<1x1x128x384xf32, #tpu.memory_space<hbm>>
        %dma_start3A_364 = tpu.memref_squeeze %dma_start3A_363 : memref<1x1x128x384xf32, #tpu.memory_space<hbm>> -> memref<128x384xf32, #tpu.memory_space<hbm>>
        %dma_start3A_365 = arith.constant 0 : i32
        %dma_start3A_366 = arith.constant 0 : i32
        %dma_start3A_367 = tpu.memref_slice %arg2[%run_scoped3A, %run_scoped3A_358, %dma_start3A_365, %dma_start3A_366] : memref<3x32x384x384xf32, #tpu.memory_space<hbm>> -> memref<1x1x128x384xf32, #tpu.memory_space<hbm>>
        %dma_start3A_368 = tpu.memref_squeeze %dma_start3A_367 : memref<1x1x128x384xf32, #tpu.memory_space<hbm>> -> memref<128x384xf32, #tpu.memory_space<hbm>>
        tpu.enqueue_dma source(%dma_start3A_368 : memref<128x384xf32, #tpu.memory_space<hbm>>) target(%arg4 : memref<128x384xf32, #tpu.memory_space<vmem>>) target_semaphore(%run_scoped3A_361 : memref<!tpu.dma_semaphore, #tpu.memory_space<semaphore_mem>>)
        %dma_wait3A = arith.constant 0 : i32
        %dma_wait3A_369 = arith.constant 0 : i32
        %dma_wait3A_370 = tpu.memref_slice %arg2[%run_scoped3A, %run_scoped3A_358, %dma_wait3A, %dma_wait3A_369] : memref<3x32x384x384xf32, #tpu.memory_space<hbm>> -> memref<1x1x128x384xf32, #tpu.memory_space<hbm>>
        %dma_wait3A_371 = tpu.memref_squeeze %dma_wait3A_370 : memref<1x1x128x384xf32, #tpu.memory_space<hbm>> -> memref<128x384xf32, #tpu.memory_space<hbm>>
        %dma_wait3A_372 = arith.constant 0 : i32
        %dma_wait3A_373 = arith.constant 0 : i32
        %dma_wait3A_374 = tpu.memref_slice %arg2[%run_scoped3A, %run_scoped3A_358, %dma_wait3A_372, %dma_wait3A_373] : memref<3x32x384x384xf32, #tpu.memory_space<hbm>> -> memref<1x1x128x384xf32, #tpu.memory_space<hbm>>
        %dma_wait3A_375 = tpu.memref_squeeze %dma_wait3A_374 : memref<1x1x128x384xf32, #tpu.memory_space<hbm>> -> memref<128x384xf32, #tpu.memory_space<hbm>>
        tpu.wait_dma2 semaphore(%run_scoped3A_361 : memref<!tpu.dma_semaphore, #tpu.memory_space<semaphore_mem>>) src(%dma_wait3A_375 : memref<128x384xf32, #tpu.memory_space<hbm>>) dst(%arg4 : memref<128x384xf32, #tpu.memory_space<vmem>>)
        tpu.yield
      }) : () -> ()
      %run_scoped3A_359 = arith.constant 1 : i32
      %run_scoped3A_360 = arith.constant 0 : i32
      "tpu.region"() ({
        %run_scoped3A_361 = tpu.sem_alloc : memref<!tpu.dma_semaphore, #tpu.memory_space<semaphore_mem>>
        %dma_start3A = arith.constant 0 : i32
        %dma_start3A_362 = arith.constant 0 : i32
        %dma_start3A_363 = tpu.memref_slice %arg3[%run_scoped3A_359, %run_scoped3A_360, %dma_start3A, %dma_start3A_362] : memref<3x8x384x384xf32, #tpu.memory_space<hbm>> -> memref<1x1x128x384xf32, #tpu.memory_space<hbm>>
        %dma_start3A_364 = tpu.memref_squeeze %dma_start3A_363 : memref<1x1x128x384xf32, #tpu.memory_space<hbm>> -> memref<128x384xf32, #tpu.memory_space<hbm>>
        %dma_start3A_365 = arith.constant 0 : i32
        %dma_start3A_366 = arith.constant 0 : i32
        %dma_start3A_367 = tpu.memref_slice %arg3[%run_scoped3A_359, %run_scoped3A_360, %dma_start3A_365, %dma_start3A_366] : memref<3x8x384x384xf32, #tpu.memory_space<hbm>> -> memref<1x1x128x384xf32, #tpu.memory_space<hbm>>
        %dma_start3A_368 = tpu.memref_squeeze %dma_start3A_367 : memref<1x1x128x384xf32, #tpu.memory_space<hbm>> -> memref<128x384xf32, #tpu.memory_space<hbm>>
        tpu.enqueue_dma source(%arg4 : memref<128x384xf32, #tpu.memory_space<vmem>>) target(%dma_start3A_368 : memref<128x384xf32, #tpu.memory_space<hbm>>) target_semaphore(%run_scoped3A_361 : memref<!tpu.dma_semaphore, #tpu.memory_space<semaphore_mem>>)
        %dma_wait3A = arith.constant 0 : i32
        %dma_wait3A_369 = arith.constant 0 : i32
        %dma_wait3A_370 = tpu.memref_slice %arg3[%run_scoped3A_359, %run_scoped3A_360, %dma_wait3A, %dma_wait3A_369] : memref<3x8x384x384xf32, #tpu.memory_space<hbm>> -> memref<1x1x128x384xf32, #tpu.memory_space<hbm>>
        %dma_wait3A_371 = tpu.memref_squeeze %dma_wait3A_370 : memref<1x1x128x384xf32, #tpu.memory_space<hbm>> -> memref<128x384xf32, #tpu.memory_space<hbm>>
        %dma_wait3A_372 = arith.constant 0 : i32
        %dma_wait3A_373 = arith.constant 0 : i32
        %dma_wait3A_374 = tpu.memref_slice %arg3[%run_scoped3A_359, %run_scoped3A_360, %dma_wait3A_372, %dma_wait3A_373] : memref<3x8x384x384xf32, #tpu.memory_space<hbm>> -> memref<1x1x128x384xf32, #tpu.memory_space<hbm>>
        %dma_wait3A_375 = tpu.memref_squeeze %dma_wait3A_374 : memref<1x1x128x384xf32, #tpu.memory_space<hbm>> -> memref<128x384xf32, #tpu.memory_space<hbm>>
        tpu.wait_dma2 semaphore(%run_scoped3A_361 : memref<!tpu.dma_semaphore, #tpu.memory_space<semaphore_mem>>) src(%arg4 : memref<128x384xf32, #tpu.memory_space<vmem>>) dst(%dma_wait3A_375 : memref<128x384xf32, #tpu.memory_space<hbm>>)
        tpu.yield
      }) : () -> ()
    } else {
    }
    %eq3A_123 = arith.constant 25 : i32
    %eq3A_124 = arith.cmpi eq, %add3A, %eq3A_123 : i32
    %convert_element_type3A_125 = arith.extui %eq3A_124 : i1 to i32
    %cond3A_126 = arith.constant 0 : i32
    %cond3A_127 = arith.cmpi ne, %convert_element_type3A_125, %cond3A_126 : i32
    scf.if %cond3A_127 {
      %run_scoped3A = arith.constant 1 : i32
      %run_scoped3A_358 = arith.constant 0 : i32
      "tpu.region"() ({
        %run_scoped3A_361 = tpu.sem_alloc : memref<!tpu.dma_semaphore, #tpu.memory_space<semaphore_mem>>
        %dma_start3A = arith.constant 128 : i32
        %dma_start3A_362 = arith.constant 0 : i32
        %dma_start3A_363 = tpu.memref_slice %arg2[%run_scoped3A, %run_scoped3A_358, %dma_start3A, %dma_start3A_362] : memref<3x32x384x384xf32, #tpu.memory_space<hbm>> -> memref<1x1x128x384xf32, #tpu.memory_space<hbm>>
        %dma_start3A_364 = tpu.memref_squeeze %dma_start3A_363 : memref<1x1x128x384xf32, #tpu.memory_space<hbm>> -> memref<128x384xf32, #tpu.memory_space<hbm>>
        %dma_start3A_365 = arith.constant 128 : i32
        %dma_start3A_366 = arith.constant 0 : i32
        %dma_start3A_367 = tpu.memref_slice %arg2[%run_scoped3A, %run_scoped3A_358, %dma_start3A_365, %dma_start3A_366] : memref<3x32x384x384xf32, #tpu.memory_space<hbm>> -> memref<1x1x128x384xf32, #tpu.memory_space<hbm>>
        %dma_start3A_368 = tpu.memref_squeeze %dma_start3A_367 : memref<1x1x128x384xf32, #tpu.memory_space<hbm>> -> memref<128x384xf32, #tpu.memory_space<hbm>>
        tpu.enqueue_dma source(%dma_start3A_368 : memref<128x384xf32, #tpu.memory_space<hbm>>) target(%arg4 : memref<128x384xf32, #tpu.memory_space<vmem>>) target_semaphore(%run_scoped3A_361 : memref<!tpu.dma_semaphore, #tpu.memory_space<semaphore_mem>>)
        %dma_wait3A = arith.constant 128 : i32
        %dma_wait3A_369 = arith.constant 0 : i32
        %dma_wait3A_370 = tpu.memref_slice %arg2[%run_scoped3A, %run_scoped3A_358, %dma_wait3A, %dma_wait3A_369] : memref<3x32x384x384xf32, #tpu.memory_space<hbm>> -> memref<1x1x128x384xf32, #tpu.memory_space<hbm>>
        %dma_wait3A_371 = tpu.memref_squeeze %dma_wait3A_370 : memref<1x1x128x384xf32, #tpu.memory_space<hbm>> -> memref<128x384xf32, #tpu.memory_space<hbm>>
        %dma_wait3A_372 = arith.constant 128 : i32
        %dma_wait3A_373 = arith.constant 0 : i32
        %dma_wait3A_374 = tpu.memref_slice %arg2[%run_scoped3A, %run_scoped3A_358, %dma_wait3A_372, %dma_wait3A_373] : memref<3x32x384x384xf32, #tpu.memory_space<hbm>> -> memref<1x1x128x384xf32, #tpu.memory_space<hbm>>
        %dma_wait3A_375 = tpu.memref_squeeze %dma_wait3A_374 : memref<1x1x128x384xf32, #tpu.memory_space<hbm>> -> memref<128x384xf32, #tpu.memory_space<hbm>>
        tpu.wait_dma2 semaphore(%run_scoped3A_361 : memref<!tpu.dma_semaphore, #tpu.memory_space<semaphore_mem>>) src(%dma_wait3A_375 : memref<128x384xf32, #tpu.memory_space<hbm>>) dst(%arg4 : memref<128x384xf32, #tpu.memory_space<vmem>>)
        tpu.yield
      }) : () -> ()
      %run_scoped3A_359 = arith.constant 1 : i32
      %run_scoped3A_360 = arith.constant 0 : i32
      "tpu.region"() ({
        %run_scoped3A_361 = tpu.sem_alloc : memref<!tpu.dma_semaphore, #tpu.memory_space<semaphore_mem>>
        %dma_start3A = arith.constant 128 : i32
        %dma_start3A_362 = arith.constant 0 : i32
        %dma_start3A_363 = tpu.memref_slice %arg3[%run_scoped3A_359, %run_scoped3A_360, %dma_start3A, %dma_start3A_362] : memref<3x8x384x384xf32, #tpu.memory_space<hbm>> -> memref<1x1x128x384xf32, #tpu.memory_space<hbm>>
        %dma_start3A_364 = tpu.memref_squeeze %dma_start3A_363 : memref<1x1x128x384xf32, #tpu.memory_space<hbm>> -> memref<128x384xf32, #tpu.memory_space<hbm>>
        %dma_start3A_365 = arith.constant 128 : i32
        %dma_start3A_366 = arith.constant 0 : i32
        %dma_start3A_367 = tpu.memref_slice %arg3[%run_scoped3A_359, %run_scoped3A_360, %dma_start3A_365, %dma_start3A_366] : memref<3x8x384x384xf32, #tpu.memory_space<hbm>> -> memref<1x1x128x384xf32, #tpu.memory_space<hbm>>
        %dma_start3A_368 = tpu.memref_squeeze %dma_start3A_367 : memref<1x1x128x384xf32, #tpu.memory_space<hbm>> -> memref<128x384xf32, #tpu.memory_space<hbm>>
        tpu.enqueue_dma source(%arg4 : memref<128x384xf32, #tpu.memory_space<vmem>>) target(%dma_start3A_368 : memref<128x384xf32, #tpu.memory_space<hbm>>) target_semaphore(%run_scoped3A_361 : memref<!tpu.dma_semaphore, #tpu.memory_space<semaphore_mem>>)
        %dma_wait3A = arith.constant 128 : i32
        %dma_wait3A_369 = arith.constant 0 : i32
        %dma_wait3A_370 = tpu.memref_slice %arg3[%run_scoped3A_359, %run_scoped3A_360, %dma_wait3A, %dma_wait3A_369] : memref<3x8x384x384xf32, #tpu.memory_space<hbm>> -> memref<1x1x128x384xf32, #tpu.memory_space<hbm>>
        %dma_wait3A_371 = tpu.memref_squeeze %dma_wait3A_370 : memref<1x1x128x384xf32, #tpu.memory_space<hbm>> -> memref<128x384xf32, #tpu.memory_space<hbm>>
        %dma_wait3A_372 = arith.constant 128 : i32
        %dma_wait3A_373 = arith.constant 0 : i32
        %dma_wait3A_374 = tpu.memref_slice %arg3[%run_scoped3A_359, %run_scoped3A_360, %dma_wait3A_372, %dma_wait3A_373] : memref<3x8x384x384xf32, #tpu.memory_space<hbm>> -> memref<1x1x128x384xf32, #tpu.memory_space<hbm>>
        %dma_wait3A_375 = tpu.memref_squeeze %dma_wait3A_374 : memref<1x1x128x384xf32, #tpu.memory_space<hbm>> -> memref<128x384xf32, #tpu.memory_space<hbm>>
        tpu.wait_dma2 semaphore(%run_scoped3A_361 : memref<!tpu.dma_semaphore, #tpu.memory_space<semaphore_mem>>) src(%arg4 : memref<128x384xf32, #tpu.memory_space<vmem>>) dst(%dma_wait3A_375 : memref<128x384xf32, #tpu.memory_space<hbm>>)
        tpu.yield
      }) : () -> ()
    } else {
    }
    %eq3A_128 = arith.constant 26 : i32
    %eq3A_129 = arith.cmpi eq, %add3A, %eq3A_128 : i32
    %convert_element_type3A_130 = arith.extui %eq3A_129 : i1 to i32
    %cond3A_131 = arith.constant 0 : i32
    %cond3A_132 = arith.cmpi ne, %convert_element_type3A_130, %cond3A_131 : i32
    scf.if %cond3A_132 {
      %run_scoped3A = arith.constant 1 : i32
      %run_scoped3A_358 = arith.constant 0 : i32
      "tpu.region"() ({
        %run_scoped3A_361 = tpu.sem_alloc : memref<!tpu.dma_semaphore, #tpu.memory_space<semaphore_mem>>
        %dma_start3A = arith.constant 256 : i32
        %dma_start3A_362 = arith.constant 0 : i32
        %dma_start3A_363 = tpu.memref_slice %arg2[%run_scoped3A, %run_scoped3A_358, %dma_start3A, %dma_start3A_362] : memref<3x32x384x384xf32, #tpu.memory_space<hbm>> -> memref<1x1x128x384xf32, #tpu.memory_space<hbm>>
        %dma_start3A_364 = tpu.memref_squeeze %dma_start3A_363 : memref<1x1x128x384xf32, #tpu.memory_space<hbm>> -> memref<128x384xf32, #tpu.memory_space<hbm>>
        %dma_start3A_365 = arith.constant 256 : i32
        %dma_start3A_366 = arith.constant 0 : i32
        %dma_start3A_367 = tpu.memref_slice %arg2[%run_scoped3A, %run_scoped3A_358, %dma_start3A_365, %dma_start3A_366] : memref<3x32x384x384xf32, #tpu.memory_space<hbm>> -> memref<1x1x128x384xf32, #tpu.memory_space<hbm>>
        %dma_start3A_368 = tpu.memref_squeeze %dma_start3A_367 : memref<1x1x128x384xf32, #tpu.memory_space<hbm>> -> memref<128x384xf32, #tpu.memory_space<hbm>>
        tpu.enqueue_dma source(%dma_start3A_368 : memref<128x384xf32, #tpu.memory_space<hbm>>) target(%arg4 : memref<128x384xf32, #tpu.memory_space<vmem>>) target_semaphore(%run_scoped3A_361 : memref<!tpu.dma_semaphore, #tpu.memory_space<semaphore_mem>>)
        %dma_wait3A = arith.constant 256 : i32
        %dma_wait3A_369 = arith.constant 0 : i32
        %dma_wait3A_370 = tpu.memref_slice %arg2[%run_scoped3A, %run_scoped3A_358, %dma_wait3A, %dma_wait3A_369] : memref<3x32x384x384xf32, #tpu.memory_space<hbm>> -> memref<1x1x128x384xf32, #tpu.memory_space<hbm>>
        %dma_wait3A_371 = tpu.memref_squeeze %dma_wait3A_370 : memref<1x1x128x384xf32, #tpu.memory_space<hbm>> -> memref<128x384xf32, #tpu.memory_space<hbm>>
        %dma_wait3A_372 = arith.constant 256 : i32
        %dma_wait3A_373 = arith.constant 0 : i32
        %dma_wait3A_374 = tpu.memref_slice %arg2[%run_scoped3A, %run_scoped3A_358, %dma_wait3A_372, %dma_wait3A_373] : memref<3x32x384x384xf32, #tpu.memory_space<hbm>> -> memref<1x1x128x384xf32, #tpu.memory_space<hbm>>
        %dma_wait3A_375 = tpu.memref_squeeze %dma_wait3A_374 : memref<1x1x128x384xf32, #tpu.memory_space<hbm>> -> memref<128x384xf32, #tpu.memory_space<hbm>>
        tpu.wait_dma2 semaphore(%run_scoped3A_361 : memref<!tpu.dma_semaphore, #tpu.memory_space<semaphore_mem>>) src(%dma_wait3A_375 : memref<128x384xf32, #tpu.memory_space<hbm>>) dst(%arg4 : memref<128x384xf32, #tpu.memory_space<vmem>>)
        tpu.yield
      }) : () -> ()
      %run_scoped3A_359 = arith.constant 1 : i32
      %run_scoped3A_360 = arith.constant 0 : i32
      "tpu.region"() ({
        %run_scoped3A_361 = tpu.sem_alloc : memref<!tpu.dma_semaphore, #tpu.memory_space<semaphore_mem>>
        %dma_start3A = arith.constant 256 : i32
        %dma_start3A_362 = arith.constant 0 : i32
        %dma_start3A_363 = tpu.memref_slice %arg3[%run_scoped3A_359, %run_scoped3A_360, %dma_start3A, %dma_start3A_362] : memref<3x8x384x384xf32, #tpu.memory_space<hbm>> -> memref<1x1x128x384xf32, #tpu.memory_space<hbm>>
        %dma_start3A_364 = tpu.memref_squeeze %dma_start3A_363 : memref<1x1x128x384xf32, #tpu.memory_space<hbm>> -> memref<128x384xf32, #tpu.memory_space<hbm>>
        %dma_start3A_365 = arith.constant 256 : i32
        %dma_start3A_366 = arith.constant 0 : i32
        %dma_start3A_367 = tpu.memref_slice %arg3[%run_scoped3A_359, %run_scoped3A_360, %dma_start3A_365, %dma_start3A_366] : memref<3x8x384x384xf32, #tpu.memory_space<hbm>> -> memref<1x1x128x384xf32, #tpu.memory_space<hbm>>
        %dma_start3A_368 = tpu.memref_squeeze %dma_start3A_367 : memref<1x1x128x384xf32, #tpu.memory_space<hbm>> -> memref<128x384xf32, #tpu.memory_space<hbm>>
        tpu.enqueue_dma source(%arg4 : memref<128x384xf32, #tpu.memory_space<vmem>>) target(%dma_start3A_368 : memref<128x384xf32, #tpu.memory_space<hbm>>) target_semaphore(%run_scoped3A_361 : memref<!tpu.dma_semaphore, #tpu.memory_space<semaphore_mem>>)
        %dma_wait3A = arith.constant 256 : i32
        %dma_wait3A_369 = arith.constant 0 : i32
        %dma_wait3A_370 = tpu.memref_slice %arg3[%run_scoped3A_359, %run_scoped3A_360, %dma_wait3A, %dma_wait3A_369] : memref<3x8x384x384xf32, #tpu.memory_space<hbm>> -> memref<1x1x128x384xf32, #tpu.memory_space<hbm>>
        %dma_wait3A_371 = tpu.memref_squeeze %dma_wait3A_370 : memref<1x1x128x384xf32, #tpu.memory_space<hbm>> -> memref<128x384xf32, #tpu.memory_space<hbm>>
        %dma_wait3A_372 = arith.constant 256 : i32
        %dma_wait3A_373 = arith.constant 0 : i32
        %dma_wait3A_374 = tpu.memref_slice %arg3[%run_scoped3A_359, %run_scoped3A_360, %dma_wait3A_372, %dma_wait3A_373] : memref<3x8x384x384xf32, #tpu.memory_space<hbm>> -> memref<1x1x128x384xf32, #tpu.memory_space<hbm>>
        %dma_wait3A_375 = tpu.memref_squeeze %dma_wait3A_374 : memref<1x1x128x384xf32, #tpu.memory_space<hbm>> -> memref<128x384xf32, #tpu.memory_space<hbm>>
        tpu.wait_dma2 semaphore(%run_scoped3A_361 : memref<!tpu.dma_semaphore, #tpu.memory_space<semaphore_mem>>) src(%arg4 : memref<128x384xf32, #tpu.memory_space<vmem>>) dst(%dma_wait3A_375 : memref<128x384xf32, #tpu.memory_space<hbm>>)
        tpu.yield
      }) : () -> ()
    } else {
    }
    %eq3A_133 = arith.constant 27 : i32
    %eq3A_134 = arith.cmpi eq, %add3A, %eq3A_133 : i32
    %convert_element_type3A_135 = arith.extui %eq3A_134 : i1 to i32
    %cond3A_136 = arith.constant 0 : i32
    %cond3A_137 = arith.cmpi ne, %convert_element_type3A_135, %cond3A_136 : i32
    scf.if %cond3A_137 {
      %run_scoped3A = arith.constant 1 : i32
      %run_scoped3A_358 = arith.constant 4 : i32
      "tpu.region"() ({
        %run_scoped3A_361 = tpu.sem_alloc : memref<!tpu.dma_semaphore, #tpu.memory_space<semaphore_mem>>
        %dma_start3A = arith.constant 0 : i32
        %dma_start3A_362 = arith.constant 0 : i32
        %dma_start3A_363 = tpu.memref_slice %arg2[%run_scoped3A, %run_scoped3A_358, %dma_start3A, %dma_start3A_362] : memref<3x32x384x384xf32, #tpu.memory_space<hbm>> -> memref<1x1x128x384xf32, #tpu.memory_space<hbm>>
        %dma_start3A_364 = tpu.memref_squeeze %dma_start3A_363 : memref<1x1x128x384xf32, #tpu.memory_space<hbm>> -> memref<128x384xf32, #tpu.memory_space<hbm>>
        %dma_start3A_365 = arith.constant 0 : i32
        %dma_start3A_366 = arith.constant 0 : i32
        %dma_start3A_367 = tpu.memref_slice %arg2[%run_scoped3A, %run_scoped3A_358, %dma_start3A_365, %dma_start3A_366] : memref<3x32x384x384xf32, #tpu.memory_space<hbm>> -> memref<1x1x128x384xf32, #tpu.memory_space<hbm>>
        %dma_start3A_368 = tpu.memref_squeeze %dma_start3A_367 : memref<1x1x128x384xf32, #tpu.memory_space<hbm>> -> memref<128x384xf32, #tpu.memory_space<hbm>>
        tpu.enqueue_dma source(%dma_start3A_368 : memref<128x384xf32, #tpu.memory_space<hbm>>) target(%arg4 : memref<128x384xf32, #tpu.memory_space<vmem>>) target_semaphore(%run_scoped3A_361 : memref<!tpu.dma_semaphore, #tpu.memory_space<semaphore_mem>>)
        %dma_wait3A = arith.constant 0 : i32
        %dma_wait3A_369 = arith.constant 0 : i32
        %dma_wait3A_370 = tpu.memref_slice %arg2[%run_scoped3A, %run_scoped3A_358, %dma_wait3A, %dma_wait3A_369] : memref<3x32x384x384xf32, #tpu.memory_space<hbm>> -> memref<1x1x128x384xf32, #tpu.memory_space<hbm>>
        %dma_wait3A_371 = tpu.memref_squeeze %dma_wait3A_370 : memref<1x1x128x384xf32, #tpu.memory_space<hbm>> -> memref<128x384xf32, #tpu.memory_space<hbm>>
        %dma_wait3A_372 = arith.constant 0 : i32
        %dma_wait3A_373 = arith.constant 0 : i32
        %dma_wait3A_374 = tpu.memref_slice %arg2[%run_scoped3A, %run_scoped3A_358, %dma_wait3A_372, %dma_wait3A_373] : memref<3x32x384x384xf32, #tpu.memory_space<hbm>> -> memref<1x1x128x384xf32, #tpu.memory_space<hbm>>
        %dma_wait3A_375 = tpu.memref_squeeze %dma_wait3A_374 : memref<1x1x128x384xf32, #tpu.memory_space<hbm>> -> memref<128x384xf32, #tpu.memory_space<hbm>>
        tpu.wait_dma2 semaphore(%run_scoped3A_361 : memref<!tpu.dma_semaphore, #tpu.memory_space<semaphore_mem>>) src(%dma_wait3A_375 : memref<128x384xf32, #tpu.memory_space<hbm>>) dst(%arg4 : memref<128x384xf32, #tpu.memory_space<vmem>>)
        tpu.yield
      }) : () -> ()
      %run_scoped3A_359 = arith.constant 1 : i32
      %run_scoped3A_360 = arith.constant 1 : i32
      "tpu.region"() ({
        %run_scoped3A_361 = tpu.sem_alloc : memref<!tpu.dma_semaphore, #tpu.memory_space<semaphore_mem>>
        %dma_start3A = arith.constant 0 : i32
        %dma_start3A_362 = arith.constant 0 : i32
        %dma_start3A_363 = tpu.memref_slice %arg3[%run_scoped3A_359, %run_scoped3A_360, %dma_start3A, %dma_start3A_362] : memref<3x8x384x384xf32, #tpu.memory_space<hbm>> -> memref<1x1x128x384xf32, #tpu.memory_space<hbm>>
        %dma_start3A_364 = tpu.memref_squeeze %dma_start3A_363 : memref<1x1x128x384xf32, #tpu.memory_space<hbm>> -> memref<128x384xf32, #tpu.memory_space<hbm>>
        %dma_start3A_365 = arith.constant 0 : i32
        %dma_start3A_366 = arith.constant 0 : i32
        %dma_start3A_367 = tpu.memref_slice %arg3[%run_scoped3A_359, %run_scoped3A_360, %dma_start3A_365, %dma_start3A_366] : memref<3x8x384x384xf32, #tpu.memory_space<hbm>> -> memref<1x1x128x384xf32, #tpu.memory_space<hbm>>
        %dma_start3A_368 = tpu.memref_squeeze %dma_start3A_367 : memref<1x1x128x384xf32, #tpu.memory_space<hbm>> -> memref<128x384xf32, #tpu.memory_space<hbm>>
        tpu.enqueue_dma source(%arg4 : memref<128x384xf32, #tpu.memory_space<vmem>>) target(%dma_start3A_368 : memref<128x384xf32, #tpu.memory_space<hbm>>) target_semaphore(%run_scoped3A_361 : memref<!tpu.dma_semaphore, #tpu.memory_space<semaphore_mem>>)
        %dma_wait3A = arith.constant 0 : i32
        %dma_wait3A_369 = arith.constant 0 : i32
        %dma_wait3A_370 = tpu.memref_slice %arg3[%run_scoped3A_359, %run_scoped3A_360, %dma_wait3A, %dma_wait3A_369] : memref<3x8x384x384xf32, #tpu.memory_space<hbm>> -> memref<1x1x128x384xf32, #tpu.memory_space<hbm>>
        %dma_wait3A_371 = tpu.memref_squeeze %dma_wait3A_370 : memref<1x1x128x384xf32, #tpu.memory_space<hbm>> -> memref<128x384xf32, #tpu.memory_space<hbm>>
        %dma_wait3A_372 = arith.constant 0 : i32
        %dma_wait3A_373 = arith.constant 0 : i32
        %dma_wait3A_374 = tpu.memref_slice %arg3[%run_scoped3A_359, %run_scoped3A_360, %dma_wait3A_372, %dma_wait3A_373] : memref<3x8x384x384xf32, #tpu.memory_space<hbm>> -> memref<1x1x128x384xf32, #tpu.memory_space<hbm>>
        %dma_wait3A_375 = tpu.memref_squeeze %dma_wait3A_374 : memref<1x1x128x384xf32, #tpu.memory_space<hbm>> -> memref<128x384xf32, #tpu.memory_space<hbm>>
        tpu.wait_dma2 semaphore(%run_scoped3A_361 : memref<!tpu.dma_semaphore, #tpu.memory_space<semaphore_mem>>) src(%arg4 : memref<128x384xf32, #tpu.memory_space<vmem>>) dst(%dma_wait3A_375 : memref<128x384xf32, #tpu.memory_space<hbm>>)
        tpu.yield
      }) : () -> ()
    } else {
    }
    %eq3A_138 = arith.constant 28 : i32
    %eq3A_139 = arith.cmpi eq, %add3A, %eq3A_138 : i32
    %convert_element_type3A_140 = arith.extui %eq3A_139 : i1 to i32
    %cond3A_141 = arith.constant 0 : i32
    %cond3A_142 = arith.cmpi ne, %convert_element_type3A_140, %cond3A_141 : i32
    scf.if %cond3A_142 {
      %run_scoped3A = arith.constant 1 : i32
      %run_scoped3A_358 = arith.constant 4 : i32
      "tpu.region"() ({
        %run_scoped3A_361 = tpu.sem_alloc : memref<!tpu.dma_semaphore, #tpu.memory_space<semaphore_mem>>
        %dma_start3A = arith.constant 128 : i32
        %dma_start3A_362 = arith.constant 0 : i32
        %dma_start3A_363 = tpu.memref_slice %arg2[%run_scoped3A, %run_scoped3A_358, %dma_start3A, %dma_start3A_362] : memref<3x32x384x384xf32, #tpu.memory_space<hbm>> -> memref<1x1x128x384xf32, #tpu.memory_space<hbm>>
        %dma_start3A_364 = tpu.memref_squeeze %dma_start3A_363 : memref<1x1x128x384xf32, #tpu.memory_space<hbm>> -> memref<128x384xf32, #tpu.memory_space<hbm>>
        %dma_start3A_365 = arith.constant 128 : i32
        %dma_start3A_366 = arith.constant 0 : i32
        %dma_start3A_367 = tpu.memref_slice %arg2[%run_scoped3A, %run_scoped3A_358, %dma_start3A_365, %dma_start3A_366] : memref<3x32x384x384xf32, #tpu.memory_space<hbm>> -> memref<1x1x128x384xf32, #tpu.memory_space<hbm>>
        %dma_start3A_368 = tpu.memref_squeeze %dma_start3A_367 : memref<1x1x128x384xf32, #tpu.memory_space<hbm>> -> memref<128x384xf32, #tpu.memory_space<hbm>>
        tpu.enqueue_dma source(%dma_start3A_368 : memref<128x384xf32, #tpu.memory_space<hbm>>) target(%arg4 : memref<128x384xf32, #tpu.memory_space<vmem>>) target_semaphore(%run_scoped3A_361 : memref<!tpu.dma_semaphore, #tpu.memory_space<semaphore_mem>>)
        %dma_wait3A = arith.constant 128 : i32
        %dma_wait3A_369 = arith.constant 0 : i32
        %dma_wait3A_370 = tpu.memref_slice %arg2[%run_scoped3A, %run_scoped3A_358, %dma_wait3A, %dma_wait3A_369] : memref<3x32x384x384xf32, #tpu.memory_space<hbm>> -> memref<1x1x128x384xf32, #tpu.memory_space<hbm>>
        %dma_wait3A_371 = tpu.memref_squeeze %dma_wait3A_370 : memref<1x1x128x384xf32, #tpu.memory_space<hbm>> -> memref<128x384xf32, #tpu.memory_space<hbm>>
        %dma_wait3A_372 = arith.constant 128 : i32
        %dma_wait3A_373 = arith.constant 0 : i32
        %dma_wait3A_374 = tpu.memref_slice %arg2[%run_scoped3A, %run_scoped3A_358, %dma_wait3A_372, %dma_wait3A_373] : memref<3x32x384x384xf32, #tpu.memory_space<hbm>> -> memref<1x1x128x384xf32, #tpu.memory_space<hbm>>
        %dma_wait3A_375 = tpu.memref_squeeze %dma_wait3A_374 : memref<1x1x128x384xf32, #tpu.memory_space<hbm>> -> memref<128x384xf32, #tpu.memory_space<hbm>>
        tpu.wait_dma2 semaphore(%run_scoped3A_361 : memref<!tpu.dma_semaphore, #tpu.memory_space<semaphore_mem>>) src(%dma_wait3A_375 : memref<128x384xf32, #tpu.memory_space<hbm>>) dst(%arg4 : memref<128x384xf32, #tpu.memory_space<vmem>>)
        tpu.yield
      }) : () -> ()
      %run_scoped3A_359 = arith.constant 1 : i32
      %run_scoped3A_360 = arith.constant 1 : i32
      "tpu.region"() ({
        %run_scoped3A_361 = tpu.sem_alloc : memref<!tpu.dma_semaphore, #tpu.memory_space<semaphore_mem>>
        %dma_start3A = arith.constant 128 : i32
        %dma_start3A_362 = arith.constant 0 : i32
        %dma_start3A_363 = tpu.memref_slice %arg3[%run_scoped3A_359, %run_scoped3A_360, %dma_start3A, %dma_start3A_362] : memref<3x8x384x384xf32, #tpu.memory_space<hbm>> -> memref<1x1x128x384xf32, #tpu.memory_space<hbm>>
        %dma_start3A_364 = tpu.memref_squeeze %dma_start3A_363 : memref<1x1x128x384xf32, #tpu.memory_space<hbm>> -> memref<128x384xf32, #tpu.memory_space<hbm>>
        %dma_start3A_365 = arith.constant 128 : i32
        %dma_start3A_366 = arith.constant 0 : i32
        %dma_start3A_367 = tpu.memref_slice %arg3[%run_scoped3A_359, %run_scoped3A_360, %dma_start3A_365, %dma_start3A_366] : memref<3x8x384x384xf32, #tpu.memory_space<hbm>> -> memref<1x1x128x384xf32, #tpu.memory_space<hbm>>
        %dma_start3A_368 = tpu.memref_squeeze %dma_start3A_367 : memref<1x1x128x384xf32, #tpu.memory_space<hbm>> -> memref<128x384xf32, #tpu.memory_space<hbm>>
        tpu.enqueue_dma source(%arg4 : memref<128x384xf32, #tpu.memory_space<vmem>>) target(%dma_start3A_368 : memref<128x384xf32, #tpu.memory_space<hbm>>) target_semaphore(%run_scoped3A_361 : memref<!tpu.dma_semaphore, #tpu.memory_space<semaphore_mem>>)
        %dma_wait3A = arith.constant 128 : i32
        %dma_wait3A_369 = arith.constant 0 : i32
        %dma_wait3A_370 = tpu.memref_slice %arg3[%run_scoped3A_359, %run_scoped3A_360, %dma_wait3A, %dma_wait3A_369] : memref<3x8x384x384xf32, #tpu.memory_space<hbm>> -> memref<1x1x128x384xf32, #tpu.memory_space<hbm>>
        %dma_wait3A_371 = tpu.memref_squeeze %dma_wait3A_370 : memref<1x1x128x384xf32, #tpu.memory_space<hbm>> -> memref<128x384xf32, #tpu.memory_space<hbm>>
        %dma_wait3A_372 = arith.constant 128 : i32
        %dma_wait3A_373 = arith.constant 0 : i32
        %dma_wait3A_374 = tpu.memref_slice %arg3[%run_scoped3A_359, %run_scoped3A_360, %dma_wait3A_372, %dma_wait3A_373] : memref<3x8x384x384xf32, #tpu.memory_space<hbm>> -> memref<1x1x128x384xf32, #tpu.memory_space<hbm>>
        %dma_wait3A_375 = tpu.memref_squeeze %dma_wait3A_374 : memref<1x1x128x384xf32, #tpu.memory_space<hbm>> -> memref<128x384xf32, #tpu.memory_space<hbm>>
        tpu.wait_dma2 semaphore(%run_scoped3A_361 : memref<!tpu.dma_semaphore, #tpu.memory_space<semaphore_mem>>) src(%arg4 : memref<128x384xf32, #tpu.memory_space<vmem>>) dst(%dma_wait3A_375 : memref<128x384xf32, #tpu.memory_space<hbm>>)
        tpu.yield
      }) : () -> ()
    } else {
    }
    %eq3A_143 = arith.constant 29 : i32
    %eq3A_144 = arith.cmpi eq, %add3A, %eq3A_143 : i32
    %convert_element_type3A_145 = arith.extui %eq3A_144 : i1 to i32
    %cond3A_146 = arith.constant 0 : i32
    %cond3A_147 = arith.cmpi ne, %convert_element_type3A_145, %cond3A_146 : i32
    scf.if %cond3A_147 {
      %run_scoped3A = arith.constant 1 : i32
      %run_scoped3A_358 = arith.constant 4 : i32
      "tpu.region"() ({
        %run_scoped3A_361 = tpu.sem_alloc : memref<!tpu.dma_semaphore, #tpu.memory_space<semaphore_mem>>
        %dma_start3A = arith.constant 256 : i32
        %dma_start3A_362 = arith.constant 0 : i32
        %dma_start3A_363 = tpu.memref_slice %arg2[%run_scoped3A, %run_scoped3A_358, %dma_start3A, %dma_start3A_362] : memref<3x32x384x384xf32, #tpu.memory_space<hbm>> -> memref<1x1x128x384xf32, #tpu.memory_space<hbm>>
        %dma_start3A_364 = tpu.memref_squeeze %dma_start3A_363 : memref<1x1x128x384xf32, #tpu.memory_space<hbm>> -> memref<128x384xf32, #tpu.memory_space<hbm>>
        %dma_start3A_365 = arith.constant 256 : i32
        %dma_start3A_366 = arith.constant 0 : i32
        %dma_start3A_367 = tpu.memref_slice %arg2[%run_scoped3A, %run_scoped3A_358, %dma_start3A_365, %dma_start3A_366] : memref<3x32x384x384xf32, #tpu.memory_space<hbm>> -> memref<1x1x128x384xf32, #tpu.memory_space<hbm>>
        %dma_start3A_368 = tpu.memref_squeeze %dma_start3A_367 : memref<1x1x128x384xf32, #tpu.memory_space<hbm>> -> memref<128x384xf32, #tpu.memory_space<hbm>>
        tpu.enqueue_dma source(%dma_start3A_368 : memref<128x384xf32, #tpu.memory_space<hbm>>) target(%arg4 : memref<128x384xf32, #tpu.memory_space<vmem>>) target_semaphore(%run_scoped3A_361 : memref<!tpu.dma_semaphore, #tpu.memory_space<semaphore_mem>>)
        %dma_wait3A = arith.constant 256 : i32
        %dma_wait3A_369 = arith.constant 0 : i32
        %dma_wait3A_370 = tpu.memref_slice %arg2[%run_scoped3A, %run_scoped3A_358, %dma_wait3A, %dma_wait3A_369] : memref<3x32x384x384xf32, #tpu.memory_space<hbm>> -> memref<1x1x128x384xf32, #tpu.memory_space<hbm>>
        %dma_wait3A_371 = tpu.memref_squeeze %dma_wait3A_370 : memref<1x1x128x384xf32, #tpu.memory_space<hbm>> -> memref<128x384xf32, #tpu.memory_space<hbm>>
        %dma_wait3A_372 = arith.constant 256 : i32
        %dma_wait3A_373 = arith.constant 0 : i32
        %dma_wait3A_374 = tpu.memref_slice %arg2[%run_scoped3A, %run_scoped3A_358, %dma_wait3A_372, %dma_wait3A_373] : memref<3x32x384x384xf32, #tpu.memory_space<hbm>> -> memref<1x1x128x384xf32, #tpu.memory_space<hbm>>
        %dma_wait3A_375 = tpu.memref_squeeze %dma_wait3A_374 : memref<1x1x128x384xf32, #tpu.memory_space<hbm>> -> memref<128x384xf32, #tpu.memory_space<hbm>>
        tpu.wait_dma2 semaphore(%run_scoped3A_361 : memref<!tpu.dma_semaphore, #tpu.memory_space<semaphore_mem>>) src(%dma_wait3A_375 : memref<128x384xf32, #tpu.memory_space<hbm>>) dst(%arg4 : memref<128x384xf32, #tpu.memory_space<vmem>>)
        tpu.yield
      }) : () -> ()
      %run_scoped3A_359 = arith.constant 1 : i32
      %run_scoped3A_360 = arith.constant 1 : i32
      "tpu.region"() ({
        %run_scoped3A_361 = tpu.sem_alloc : memref<!tpu.dma_semaphore, #tpu.memory_space<semaphore_mem>>
        %dma_start3A = arith.constant 256 : i32
        %dma_start3A_362 = arith.constant 0 : i32
        %dma_start3A_363 = tpu.memref_slice %arg3[%run_scoped3A_359, %run_scoped3A_360, %dma_start3A, %dma_start3A_362] : memref<3x8x384x384xf32, #tpu.memory_space<hbm>> -> memref<1x1x128x384xf32, #tpu.memory_space<hbm>>
        %dma_start3A_364 = tpu.memref_squeeze %dma_start3A_363 : memref<1x1x128x384xf32, #tpu.memory_space<hbm>> -> memref<128x384xf32, #tpu.memory_space<hbm>>
        %dma_start3A_365 = arith.constant 256 : i32
        %dma_start3A_366 = arith.constant 0 : i32
        %dma_start3A_367 = tpu.memref_slice %arg3[%run_scoped3A_359, %run_scoped3A_360, %dma_start3A_365, %dma_start3A_366] : memref<3x8x384x384xf32, #tpu.memory_space<hbm>> -> memref<1x1x128x384xf32, #tpu.memory_space<hbm>>
        %dma_start3A_368 = tpu.memref_squeeze %dma_start3A_367 : memref<1x1x128x384xf32, #tpu.memory_space<hbm>> -> memref<128x384xf32, #tpu.memory_space<hbm>>
        tpu.enqueue_dma source(%arg4 : memref<128x384xf32, #tpu.memory_space<vmem>>) target(%dma_start3A_368 : memref<128x384xf32, #tpu.memory_space<hbm>>) target_semaphore(%run_scoped3A_361 : memref<!tpu.dma_semaphore, #tpu.memory_space<semaphore_mem>>)
        %dma_wait3A = arith.constant 256 : i32
        %dma_wait3A_369 = arith.constant 0 : i32
        %dma_wait3A_370 = tpu.memref_slice %arg3[%run_scoped3A_359, %run_scoped3A_360, %dma_wait3A, %dma_wait3A_369] : memref<3x8x384x384xf32, #tpu.memory_space<hbm>> -> memref<1x1x128x384xf32, #tpu.memory_space<hbm>>
        %dma_wait3A_371 = tpu.memref_squeeze %dma_wait3A_370 : memref<1x1x128x384xf32, #tpu.memory_space<hbm>> -> memref<128x384xf32, #tpu.memory_space<hbm>>
        %dma_wait3A_372 = arith.constant 256 : i32
        %dma_wait3A_373 = arith.constant 0 : i32
        %dma_wait3A_374 = tpu.memref_slice %arg3[%run_scoped3A_359, %run_scoped3A_360, %dma_wait3A_372, %dma_wait3A_373] : memref<3x8x384x384xf32, #tpu.memory_space<hbm>> -> memref<1x1x128x384xf32, #tpu.memory_space<hbm>>
        %dma_wait3A_375 = tpu.memref_squeeze %dma_wait3A_374 : memref<1x1x128x384xf32, #tpu.memory_space<hbm>> -> memref<128x384xf32, #tpu.memory_space<hbm>>
        tpu.wait_dma2 semaphore(%run_scoped3A_361 : memref<!tpu.dma_semaphore, #tpu.memory_space<semaphore_mem>>) src(%arg4 : memref<128x384xf32, #tpu.memory_space<vmem>>) dst(%dma_wait3A_375 : memref<128x384xf32, #tpu.memory_space<hbm>>)
        tpu.yield
      }) : () -> ()
    } else {
    }
    %eq3A_148 = arith.constant 30 : i32
    %eq3A_149 = arith.cmpi eq, %add3A, %eq3A_148 : i32
    %convert_element_type3A_150 = arith.extui %eq3A_149 : i1 to i32
    %cond3A_151 = arith.constant 0 : i32
    %cond3A_152 = arith.cmpi ne, %convert_element_type3A_150, %cond3A_151 : i32
    scf.if %cond3A_152 {
      %run_scoped3A = arith.constant 1 : i32
      %run_scoped3A_358 = arith.constant 8 : i32
      "tpu.region"() ({
        %run_scoped3A_361 = tpu.sem_alloc : memref<!tpu.dma_semaphore, #tpu.memory_space<semaphore_mem>>
        %dma_start3A = arith.constant 0 : i32
        %dma_start3A_362 = arith.constant 0 : i32
        %dma_start3A_363 = tpu.memref_slice %arg2[%run_scoped3A, %run_scoped3A_358, %dma_start3A, %dma_start3A_362] : memref<3x32x384x384xf32, #tpu.memory_space<hbm>> -> memref<1x1x128x384xf32, #tpu.memory_space<hbm>>
        %dma_start3A_364 = tpu.memref_squeeze %dma_start3A_363 : memref<1x1x128x384xf32, #tpu.memory_space<hbm>> -> memref<128x384xf32, #tpu.memory_space<hbm>>
        %dma_start3A_365 = arith.constant 0 : i32
        %dma_start3A_366 = arith.constant 0 : i32
        %dma_start3A_367 = tpu.memref_slice %arg2[%run_scoped3A, %run_scoped3A_358, %dma_start3A_365, %dma_start3A_366] : memref<3x32x384x384xf32, #tpu.memory_space<hbm>> -> memref<1x1x128x384xf32, #tpu.memory_space<hbm>>
        %dma_start3A_368 = tpu.memref_squeeze %dma_start3A_367 : memref<1x1x128x384xf32, #tpu.memory_space<hbm>> -> memref<128x384xf32, #tpu.memory_space<hbm>>
        tpu.enqueue_dma source(%dma_start3A_368 : memref<128x384xf32, #tpu.memory_space<hbm>>) target(%arg4 : memref<128x384xf32, #tpu.memory_space<vmem>>) target_semaphore(%run_scoped3A_361 : memref<!tpu.dma_semaphore, #tpu.memory_space<semaphore_mem>>)
        %dma_wait3A = arith.constant 0 : i32
        %dma_wait3A_369 = arith.constant 0 : i32
        %dma_wait3A_370 = tpu.memref_slice %arg2[%run_scoped3A, %run_scoped3A_358, %dma_wait3A, %dma_wait3A_369] : memref<3x32x384x384xf32, #tpu.memory_space<hbm>> -> memref<1x1x128x384xf32, #tpu.memory_space<hbm>>
        %dma_wait3A_371 = tpu.memref_squeeze %dma_wait3A_370 : memref<1x1x128x384xf32, #tpu.memory_space<hbm>> -> memref<128x384xf32, #tpu.memory_space<hbm>>
        %dma_wait3A_372 = arith.constant 0 : i32
        %dma_wait3A_373 = arith.constant 0 : i32
        %dma_wait3A_374 = tpu.memref_slice %arg2[%run_scoped3A, %run_scoped3A_358, %dma_wait3A_372, %dma_wait3A_373] : memref<3x32x384x384xf32, #tpu.memory_space<hbm>> -> memref<1x1x128x384xf32, #tpu.memory_space<hbm>>
        %dma_wait3A_375 = tpu.memref_squeeze %dma_wait3A_374 : memref<1x1x128x384xf32, #tpu.memory_space<hbm>> -> memref<128x384xf32, #tpu.memory_space<hbm>>
        tpu.wait_dma2 semaphore(%run_scoped3A_361 : memref<!tpu.dma_semaphore, #tpu.memory_space<semaphore_mem>>) src(%dma_wait3A_375 : memref<128x384xf32, #tpu.memory_space<hbm>>) dst(%arg4 : memref<128x384xf32, #tpu.memory_space<vmem>>)
        tpu.yield
      }) : () -> ()
      %run_scoped3A_359 = arith.constant 1 : i32
      %run_scoped3A_360 = arith.constant 2 : i32
      "tpu.region"() ({
        %run_scoped3A_361 = tpu.sem_alloc : memref<!tpu.dma_semaphore, #tpu.memory_space<semaphore_mem>>
        %dma_start3A = arith.constant 0 : i32
        %dma_start3A_362 = arith.constant 0 : i32
        %dma_start3A_363 = tpu.memref_slice %arg3[%run_scoped3A_359, %run_scoped3A_360, %dma_start3A, %dma_start3A_362] : memref<3x8x384x384xf32, #tpu.memory_space<hbm>> -> memref<1x1x128x384xf32, #tpu.memory_space<hbm>>
        %dma_start3A_364 = tpu.memref_squeeze %dma_start3A_363 : memref<1x1x128x384xf32, #tpu.memory_space<hbm>> -> memref<128x384xf32, #tpu.memory_space<hbm>>
        %dma_start3A_365 = arith.constant 0 : i32
        %dma_start3A_366 = arith.constant 0 : i32
        %dma_start3A_367 = tpu.memref_slice %arg3[%run_scoped3A_359, %run_scoped3A_360, %dma_start3A_365, %dma_start3A_366] : memref<3x8x384x384xf32, #tpu.memory_space<hbm>> -> memref<1x1x128x384xf32, #tpu.memory_space<hbm>>
        %dma_start3A_368 = tpu.memref_squeeze %dma_start3A_367 : memref<1x1x128x384xf32, #tpu.memory_space<hbm>> -> memref<128x384xf32, #tpu.memory_space<hbm>>
        tpu.enqueue_dma source(%arg4 : memref<128x384xf32, #tpu.memory_space<vmem>>) target(%dma_start3A_368 : memref<128x384xf32, #tpu.memory_space<hbm>>) target_semaphore(%run_scoped3A_361 : memref<!tpu.dma_semaphore, #tpu.memory_space<semaphore_mem>>)
        %dma_wait3A = arith.constant 0 : i32
        %dma_wait3A_369 = arith.constant 0 : i32
        %dma_wait3A_370 = tpu.memref_slice %arg3[%run_scoped3A_359, %run_scoped3A_360, %dma_wait3A, %dma_wait3A_369] : memref<3x8x384x384xf32, #tpu.memory_space<hbm>> -> memref<1x1x128x384xf32, #tpu.memory_space<hbm>>
        %dma_wait3A_371 = tpu.memref_squeeze %dma_wait3A_370 : memref<1x1x128x384xf32, #tpu.memory_space<hbm>> -> memref<128x384xf32, #tpu.memory_space<hbm>>
        %dma_wait3A_372 = arith.constant 0 : i32
        %dma_wait3A_373 = arith.constant 0 : i32
        %dma_wait3A_374 = tpu.memref_slice %arg3[%run_scoped3A_359, %run_scoped3A_360, %dma_wait3A_372, %dma_wait3A_373] : memref<3x8x384x384xf32, #tpu.memory_space<hbm>> -> memref<1x1x128x384xf32, #tpu.memory_space<hbm>>
        %dma_wait3A_375 = tpu.memref_squeeze %dma_wait3A_374 : memref<1x1x128x384xf32, #tpu.memory_space<hbm>> -> memref<128x384xf32, #tpu.memory_space<hbm>>
        tpu.wait_dma2 semaphore(%run_scoped3A_361 : memref<!tpu.dma_semaphore, #tpu.memory_space<semaphore_mem>>) src(%arg4 : memref<128x384xf32, #tpu.memory_space<vmem>>) dst(%dma_wait3A_375 : memref<128x384xf32, #tpu.memory_space<hbm>>)
        tpu.yield
      }) : () -> ()
    } else {
    }
    %eq3A_153 = arith.constant 31 : i32
    %eq3A_154 = arith.cmpi eq, %add3A, %eq3A_153 : i32
    %convert_element_type3A_155 = arith.extui %eq3A_154 : i1 to i32
    %cond3A_156 = arith.constant 0 : i32
    %cond3A_157 = arith.cmpi ne, %convert_element_type3A_155, %cond3A_156 : i32
    scf.if %cond3A_157 {
      %run_scoped3A = arith.constant 1 : i32
      %run_scoped3A_358 = arith.constant 8 : i32
      "tpu.region"() ({
        %run_scoped3A_361 = tpu.sem_alloc : memref<!tpu.dma_semaphore, #tpu.memory_space<semaphore_mem>>
        %dma_start3A = arith.constant 128 : i32
        %dma_start3A_362 = arith.constant 0 : i32
        %dma_start3A_363 = tpu.memref_slice %arg2[%run_scoped3A, %run_scoped3A_358, %dma_start3A, %dma_start3A_362] : memref<3x32x384x384xf32, #tpu.memory_space<hbm>> -> memref<1x1x128x384xf32, #tpu.memory_space<hbm>>
        %dma_start3A_364 = tpu.memref_squeeze %dma_start3A_363 : memref<1x1x128x384xf32, #tpu.memory_space<hbm>> -> memref<128x384xf32, #tpu.memory_space<hbm>>
        %dma_start3A_365 = arith.constant 128 : i32
        %dma_start3A_366 = arith.constant 0 : i32
        %dma_start3A_367 = tpu.memref_slice %arg2[%run_scoped3A, %run_scoped3A_358, %dma_start3A_365, %dma_start3A_366] : memref<3x32x384x384xf32, #tpu.memory_space<hbm>> -> memref<1x1x128x384xf32, #tpu.memory_space<hbm>>
        %dma_start3A_368 = tpu.memref_squeeze %dma_start3A_367 : memref<1x1x128x384xf32, #tpu.memory_space<hbm>> -> memref<128x384xf32, #tpu.memory_space<hbm>>
        tpu.enqueue_dma source(%dma_start3A_368 : memref<128x384xf32, #tpu.memory_space<hbm>>) target(%arg4 : memref<128x384xf32, #tpu.memory_space<vmem>>) target_semaphore(%run_scoped3A_361 : memref<!tpu.dma_semaphore, #tpu.memory_space<semaphore_mem>>)
        %dma_wait3A = arith.constant 128 : i32
        %dma_wait3A_369 = arith.constant 0 : i32
        %dma_wait3A_370 = tpu.memref_slice %arg2[%run_scoped3A, %run_scoped3A_358, %dma_wait3A, %dma_wait3A_369] : memref<3x32x384x384xf32, #tpu.memory_space<hbm>> -> memref<1x1x128x384xf32, #tpu.memory_space<hbm>>
        %dma_wait3A_371 = tpu.memref_squeeze %dma_wait3A_370 : memref<1x1x128x384xf32, #tpu.memory_space<hbm>> -> memref<128x384xf32, #tpu.memory_space<hbm>>
        %dma_wait3A_372 = arith.constant 128 : i32
        %dma_wait3A_373 = arith.constant 0 : i32
        %dma_wait3A_374 = tpu.memref_slice %arg2[%run_scoped3A, %run_scoped3A_358, %dma_wait3A_372, %dma_wait3A_373] : memref<3x32x384x384xf32, #tpu.memory_space<hbm>> -> memref<1x1x128x384xf32, #tpu.memory_space<hbm>>
        %dma_wait3A_375 = tpu.memref_squeeze %dma_wait3A_374 : memref<1x1x128x384xf32, #tpu.memory_space<hbm>> -> memref<128x384xf32, #tpu.memory_space<hbm>>
        tpu.wait_dma2 semaphore(%run_scoped3A_361 : memref<!tpu.dma_semaphore, #tpu.memory_space<semaphore_mem>>) src(%dma_wait3A_375 : memref<128x384xf32, #tpu.memory_space<hbm>>) dst(%arg4 : memref<128x384xf32, #tpu.memory_space<vmem>>)
        tpu.yield
      }) : () -> ()
      %run_scoped3A_359 = arith.constant 1 : i32
      %run_scoped3A_360 = arith.constant 2 : i32
      "tpu.region"() ({
        %run_scoped3A_361 = tpu.sem_alloc : memref<!tpu.dma_semaphore, #tpu.memory_space<semaphore_mem>>
        %dma_start3A = arith.constant 128 : i32
        %dma_start3A_362 = arith.constant 0 : i32
        %dma_start3A_363 = tpu.memref_slice %arg3[%run_scoped3A_359, %run_scoped3A_360, %dma_start3A, %dma_start3A_362] : memref<3x8x384x384xf32, #tpu.memory_space<hbm>> -> memref<1x1x128x384xf32, #tpu.memory_space<hbm>>
        %dma_start3A_364 = tpu.memref_squeeze %dma_start3A_363 : memref<1x1x128x384xf32, #tpu.memory_space<hbm>> -> memref<128x384xf32, #tpu.memory_space<hbm>>
        %dma_start3A_365 = arith.constant 128 : i32
        %dma_start3A_366 = arith.constant 0 : i32
        %dma_start3A_367 = tpu.memref_slice %arg3[%run_scoped3A_359, %run_scoped3A_360, %dma_start3A_365, %dma_start3A_366] : memref<3x8x384x384xf32, #tpu.memory_space<hbm>> -> memref<1x1x128x384xf32, #tpu.memory_space<hbm>>
        %dma_start3A_368 = tpu.memref_squeeze %dma_start3A_367 : memref<1x1x128x384xf32, #tpu.memory_space<hbm>> -> memref<128x384xf32, #tpu.memory_space<hbm>>
        tpu.enqueue_dma source(%arg4 : memref<128x384xf32, #tpu.memory_space<vmem>>) target(%dma_start3A_368 : memref<128x384xf32, #tpu.memory_space<hbm>>) target_semaphore(%run_scoped3A_361 : memref<!tpu.dma_semaphore, #tpu.memory_space<semaphore_mem>>)
        %dma_wait3A = arith.constant 128 : i32
        %dma_wait3A_369 = arith.constant 0 : i32
        %dma_wait3A_370 = tpu.memref_slice %arg3[%run_scoped3A_359, %run_scoped3A_360, %dma_wait3A, %dma_wait3A_369] : memref<3x8x384x384xf32, #tpu.memory_space<hbm>> -> memref<1x1x128x384xf32, #tpu.memory_space<hbm>>
        %dma_wait3A_371 = tpu.memref_squeeze %dma_wait3A_370 : memref<1x1x128x384xf32, #tpu.memory_space<hbm>> -> memref<128x384xf32, #tpu.memory_space<hbm>>
        %dma_wait3A_372 = arith.constant 128 : i32
        %dma_wait3A_373 = arith.constant 0 : i32
        %dma_wait3A_374 = tpu.memref_slice %arg3[%run_scoped3A_359, %run_scoped3A_360, %dma_wait3A_372, %dma_wait3A_373] : memref<3x8x384x384xf32, #tpu.memory_space<hbm>> -> memref<1x1x128x384xf32, #tpu.memory_space<hbm>>
        %dma_wait3A_375 = tpu.memref_squeeze %dma_wait3A_374 : memref<1x1x128x384xf32, #tpu.memory_space<hbm>> -> memref<128x384xf32, #tpu.memory_space<hbm>>
        tpu.wait_dma2 semaphore(%run_scoped3A_361 : memref<!tpu.dma_semaphore, #tpu.memory_space<semaphore_mem>>) src(%arg4 : memref<128x384xf32, #tpu.memory_space<vmem>>) dst(%dma_wait3A_375 : memref<128x384xf32, #tpu.memory_space<hbm>>)
        tpu.yield
      }) : () -> ()
    } else {
    }
    %eq3A_158 = arith.constant 0 : i32
    %eq3A_159 = arith.cmpi eq, %add3A, %eq3A_158 : i32
    %convert_element_type3A_160 = arith.extui %eq3A_159 : i1 to i32
    %cond3A_161 = arith.constant 0 : i32
    %cond3A_162 = arith.cmpi ne, %convert_element_type3A_160, %cond3A_161 : i32
    scf.if %cond3A_162 {
      %run_scoped3A = arith.constant 1 : i32
      %run_scoped3A_358 = arith.constant 8 : i32
      "tpu.region"() ({
        %run_scoped3A_361 = tpu.sem_alloc : memref<!tpu.dma_semaphore, #tpu.memory_space<semaphore_mem>>
        %dma_start3A = arith.constant 256 : i32
        %dma_start3A_362 = arith.constant 0 : i32
        %dma_start3A_363 = tpu.memref_slice %arg2[%run_scoped3A, %run_scoped3A_358, %dma_start3A, %dma_start3A_362] : memref<3x32x384x384xf32, #tpu.memory_space<hbm>> -> memref<1x1x128x384xf32, #tpu.memory_space<hbm>>
        %dma_start3A_364 = tpu.memref_squeeze %dma_start3A_363 : memref<1x1x128x384xf32, #tpu.memory_space<hbm>> -> memref<128x384xf32, #tpu.memory_space<hbm>>
        %dma_start3A_365 = arith.constant 256 : i32
        %dma_start3A_366 = arith.constant 0 : i32
        %dma_start3A_367 = tpu.memref_slice %arg2[%run_scoped3A, %run_scoped3A_358, %dma_start3A_365, %dma_start3A_366] : memref<3x32x384x384xf32, #tpu.memory_space<hbm>> -> memref<1x1x128x384xf32, #tpu.memory_space<hbm>>
        %dma_start3A_368 = tpu.memref_squeeze %dma_start3A_367 : memref<1x1x128x384xf32, #tpu.memory_space<hbm>> -> memref<128x384xf32, #tpu.memory_space<hbm>>
        tpu.enqueue_dma source(%dma_start3A_368 : memref<128x384xf32, #tpu.memory_space<hbm>>) target(%arg4 : memref<128x384xf32, #tpu.memory_space<vmem>>) target_semaphore(%run_scoped3A_361 : memref<!tpu.dma_semaphore, #tpu.memory_space<semaphore_mem>>)
        %dma_wait3A = arith.constant 256 : i32
        %dma_wait3A_369 = arith.constant 0 : i32
        %dma_wait3A_370 = tpu.memref_slice %arg2[%run_scoped3A, %run_scoped3A_358, %dma_wait3A, %dma_wait3A_369] : memref<3x32x384x384xf32, #tpu.memory_space<hbm>> -> memref<1x1x128x384xf32, #tpu.memory_space<hbm>>
        %dma_wait3A_371 = tpu.memref_squeeze %dma_wait3A_370 : memref<1x1x128x384xf32, #tpu.memory_space<hbm>> -> memref<128x384xf32, #tpu.memory_space<hbm>>
        %dma_wait3A_372 = arith.constant 256 : i32
        %dma_wait3A_373 = arith.constant 0 : i32
        %dma_wait3A_374 = tpu.memref_slice %arg2[%run_scoped3A, %run_scoped3A_358, %dma_wait3A_372, %dma_wait3A_373] : memref<3x32x384x384xf32, #tpu.memory_space<hbm>> -> memref<1x1x128x384xf32, #tpu.memory_space<hbm>>
        %dma_wait3A_375 = tpu.memref_squeeze %dma_wait3A_374 : memref<1x1x128x384xf32, #tpu.memory_space<hbm>> -> memref<128x384xf32, #tpu.memory_space<hbm>>
        tpu.wait_dma2 semaphore(%run_scoped3A_361 : memref<!tpu.dma_semaphore, #tpu.memory_space<semaphore_mem>>) src(%dma_wait3A_375 : memref<128x384xf32, #tpu.memory_space<hbm>>) dst(%arg4 : memref<128x384xf32, #tpu.memory_space<vmem>>)
        tpu.yield
      }) : () -> ()
      %run_scoped3A_359 = arith.constant 1 : i32
      %run_scoped3A_360 = arith.constant 2 : i32
      "tpu.region"() ({
        %run_scoped3A_361 = tpu.sem_alloc : memref<!tpu.dma_semaphore, #tpu.memory_space<semaphore_mem>>
        %dma_start3A = arith.constant 256 : i32
        %dma_start3A_362 = arith.constant 0 : i32
        %dma_start3A_363 = tpu.memref_slice %arg3[%run_scoped3A_359, %run_scoped3A_360, %dma_start3A, %dma_start3A_362] : memref<3x8x384x384xf32, #tpu.memory_space<hbm>> -> memref<1x1x128x384xf32, #tpu.memory_space<hbm>>
        %dma_start3A_364 = tpu.memref_squeeze %dma_start3A_363 : memref<1x1x128x384xf32, #tpu.memory_space<hbm>> -> memref<128x384xf32, #tpu.memory_space<hbm>>
        %dma_start3A_365 = arith.constant 256 : i32
        %dma_start3A_366 = arith.constant 0 : i32
        %dma_start3A_367 = tpu.memref_slice %arg3[%run_scoped3A_359, %run_scoped3A_360, %dma_start3A_365, %dma_start3A_366] : memref<3x8x384x384xf32, #tpu.memory_space<hbm>> -> memref<1x1x128x384xf32, #tpu.memory_space<hbm>>
        %dma_start3A_368 = tpu.memref_squeeze %dma_start3A_367 : memref<1x1x128x384xf32, #tpu.memory_space<hbm>> -> memref<128x384xf32, #tpu.memory_space<hbm>>
        tpu.enqueue_dma source(%arg4 : memref<128x384xf32, #tpu.memory_space<vmem>>) target(%dma_start3A_368 : memref<128x384xf32, #tpu.memory_space<hbm>>) target_semaphore(%run_scoped3A_361 : memref<!tpu.dma_semaphore, #tpu.memory_space<semaphore_mem>>)
        %dma_wait3A = arith.constant 256 : i32
        %dma_wait3A_369 = arith.constant 0 : i32
        %dma_wait3A_370 = tpu.memref_slice %arg3[%run_scoped3A_359, %run_scoped3A_360, %dma_wait3A, %dma_wait3A_369] : memref<3x8x384x384xf32, #tpu.memory_space<hbm>> -> memref<1x1x128x384xf32, #tpu.memory_space<hbm>>
        %dma_wait3A_371 = tpu.memref_squeeze %dma_wait3A_370 : memref<1x1x128x384xf32, #tpu.memory_space<hbm>> -> memref<128x384xf32, #tpu.memory_space<hbm>>
        %dma_wait3A_372 = arith.constant 256 : i32
        %dma_wait3A_373 = arith.constant 0 : i32
        %dma_wait3A_374 = tpu.memref_slice %arg3[%run_scoped3A_359, %run_scoped3A_360, %dma_wait3A_372, %dma_wait3A_373] : memref<3x8x384x384xf32, #tpu.memory_space<hbm>> -> memref<1x1x128x384xf32, #tpu.memory_space<hbm>>
        %dma_wait3A_375 = tpu.memref_squeeze %dma_wait3A_374 : memref<1x1x128x384xf32, #tpu.memory_space<hbm>> -> memref<128x384xf32, #tpu.memory_space<hbm>>
        tpu.wait_dma2 semaphore(%run_scoped3A_361 : memref<!tpu.dma_semaphore, #tpu.memory_space<semaphore_mem>>) src(%arg4 : memref<128x384xf32, #tpu.memory_space<vmem>>) dst(%dma_wait3A_375 : memref<128x384xf32, #tpu.memory_space<hbm>>)
        tpu.yield
      }) : () -> ()
    } else {
    }
    %eq3A_163 = arith.constant 1 : i32
    %eq3A_164 = arith.cmpi eq, %add3A, %eq3A_163 : i32
    %convert_element_type3A_165 = arith.extui %eq3A_164 : i1 to i32
    %cond3A_166 = arith.constant 0 : i32
    %cond3A_167 = arith.cmpi ne, %convert_element_type3A_165, %cond3A_166 : i32
    scf.if %cond3A_167 {
      %run_scoped3A = arith.constant 1 : i32
      %run_scoped3A_358 = arith.constant 13 : i32
      "tpu.region"() ({
        %run_scoped3A_361 = tpu.sem_alloc : memref<!tpu.dma_semaphore, #tpu.memory_space<semaphore_mem>>
        %dma_start3A = arith.constant 0 : i32
        %dma_start3A_362 = arith.constant 0 : i32
        %dma_start3A_363 = tpu.memref_slice %arg2[%run_scoped3A, %run_scoped3A_358, %dma_start3A, %dma_start3A_362] : memref<3x32x384x384xf32, #tpu.memory_space<hbm>> -> memref<1x1x128x384xf32, #tpu.memory_space<hbm>>
        %dma_start3A_364 = tpu.memref_squeeze %dma_start3A_363 : memref<1x1x128x384xf32, #tpu.memory_space<hbm>> -> memref<128x384xf32, #tpu.memory_space<hbm>>
        %dma_start3A_365 = arith.constant 0 : i32
        %dma_start3A_366 = arith.constant 0 : i32
        %dma_start3A_367 = tpu.memref_slice %arg2[%run_scoped3A, %run_scoped3A_358, %dma_start3A_365, %dma_start3A_366] : memref<3x32x384x384xf32, #tpu.memory_space<hbm>> -> memref<1x1x128x384xf32, #tpu.memory_space<hbm>>
        %dma_start3A_368 = tpu.memref_squeeze %dma_start3A_367 : memref<1x1x128x384xf32, #tpu.memory_space<hbm>> -> memref<128x384xf32, #tpu.memory_space<hbm>>
        tpu.enqueue_dma source(%dma_start3A_368 : memref<128x384xf32, #tpu.memory_space<hbm>>) target(%arg4 : memref<128x384xf32, #tpu.memory_space<vmem>>) target_semaphore(%run_scoped3A_361 : memref<!tpu.dma_semaphore, #tpu.memory_space<semaphore_mem>>)
        %dma_wait3A = arith.constant 0 : i32
        %dma_wait3A_369 = arith.constant 0 : i32
        %dma_wait3A_370 = tpu.memref_slice %arg2[%run_scoped3A, %run_scoped3A_358, %dma_wait3A, %dma_wait3A_369] : memref<3x32x384x384xf32, #tpu.memory_space<hbm>> -> memref<1x1x128x384xf32, #tpu.memory_space<hbm>>
        %dma_wait3A_371 = tpu.memref_squeeze %dma_wait3A_370 : memref<1x1x128x384xf32, #tpu.memory_space<hbm>> -> memref<128x384xf32, #tpu.memory_space<hbm>>
        %dma_wait3A_372 = arith.constant 0 : i32
        %dma_wait3A_373 = arith.constant 0 : i32
        %dma_wait3A_374 = tpu.memref_slice %arg2[%run_scoped3A, %run_scoped3A_358, %dma_wait3A_372, %dma_wait3A_373] : memref<3x32x384x384xf32, #tpu.memory_space<hbm>> -> memref<1x1x128x384xf32, #tpu.memory_space<hbm>>
        %dma_wait3A_375 = tpu.memref_squeeze %dma_wait3A_374 : memref<1x1x128x384xf32, #tpu.memory_space<hbm>> -> memref<128x384xf32, #tpu.memory_space<hbm>>
        tpu.wait_dma2 semaphore(%run_scoped3A_361 : memref<!tpu.dma_semaphore, #tpu.memory_space<semaphore_mem>>) src(%dma_wait3A_375 : memref<128x384xf32, #tpu.memory_space<hbm>>) dst(%arg4 : memref<128x384xf32, #tpu.memory_space<vmem>>)
        tpu.yield
      }) : () -> ()
      %run_scoped3A_359 = arith.constant 1 : i32
      %run_scoped3A_360 = arith.constant 3 : i32
      "tpu.region"() ({
        %run_scoped3A_361 = tpu.sem_alloc : memref<!tpu.dma_semaphore, #tpu.memory_space<semaphore_mem>>
        %dma_start3A = arith.constant 0 : i32
        %dma_start3A_362 = arith.constant 0 : i32
        %dma_start3A_363 = tpu.memref_slice %arg3[%run_scoped3A_359, %run_scoped3A_360, %dma_start3A, %dma_start3A_362] : memref<3x8x384x384xf32, #tpu.memory_space<hbm>> -> memref<1x1x128x384xf32, #tpu.memory_space<hbm>>
        %dma_start3A_364 = tpu.memref_squeeze %dma_start3A_363 : memref<1x1x128x384xf32, #tpu.memory_space<hbm>> -> memref<128x384xf32, #tpu.memory_space<hbm>>
        %dma_start3A_365 = arith.constant 0 : i32
        %dma_start3A_366 = arith.constant 0 : i32
        %dma_start3A_367 = tpu.memref_slice %arg3[%run_scoped3A_359, %run_scoped3A_360, %dma_start3A_365, %dma_start3A_366] : memref<3x8x384x384xf32, #tpu.memory_space<hbm>> -> memref<1x1x128x384xf32, #tpu.memory_space<hbm>>
        %dma_start3A_368 = tpu.memref_squeeze %dma_start3A_367 : memref<1x1x128x384xf32, #tpu.memory_space<hbm>> -> memref<128x384xf32, #tpu.memory_space<hbm>>
        tpu.enqueue_dma source(%arg4 : memref<128x384xf32, #tpu.memory_space<vmem>>) target(%dma_start3A_368 : memref<128x384xf32, #tpu.memory_space<hbm>>) target_semaphore(%run_scoped3A_361 : memref<!tpu.dma_semaphore, #tpu.memory_space<semaphore_mem>>)
        %dma_wait3A = arith.constant 0 : i32
        %dma_wait3A_369 = arith.constant 0 : i32
        %dma_wait3A_370 = tpu.memref_slice %arg3[%run_scoped3A_359, %run_scoped3A_360, %dma_wait3A, %dma_wait3A_369] : memref<3x8x384x384xf32, #tpu.memory_space<hbm>> -> memref<1x1x128x384xf32, #tpu.memory_space<hbm>>
        %dma_wait3A_371 = tpu.memref_squeeze %dma_wait3A_370 : memref<1x1x128x384xf32, #tpu.memory_space<hbm>> -> memref<128x384xf32, #tpu.memory_space<hbm>>
        %dma_wait3A_372 = arith.constant 0 : i32
        %dma_wait3A_373 = arith.constant 0 : i32
        %dma_wait3A_374 = tpu.memref_slice %arg3[%run_scoped3A_359, %run_scoped3A_360, %dma_wait3A_372, %dma_wait3A_373] : memref<3x8x384x384xf32, #tpu.memory_space<hbm>> -> memref<1x1x128x384xf32, #tpu.memory_space<hbm>>
        %dma_wait3A_375 = tpu.memref_squeeze %dma_wait3A_374 : memref<1x1x128x384xf32, #tpu.memory_space<hbm>> -> memref<128x384xf32, #tpu.memory_space<hbm>>
        tpu.wait_dma2 semaphore(%run_scoped3A_361 : memref<!tpu.dma_semaphore, #tpu.memory_space<semaphore_mem>>) src(%arg4 : memref<128x384xf32, #tpu.memory_space<vmem>>) dst(%dma_wait3A_375 : memref<128x384xf32, #tpu.memory_space<hbm>>)
        tpu.yield
      }) : () -> ()
    } else {
    }
    %eq3A_168 = arith.constant 2 : i32
    %eq3A_169 = arith.cmpi eq, %add3A, %eq3A_168 : i32
    %convert_element_type3A_170 = arith.extui %eq3A_169 : i1 to i32
    %cond3A_171 = arith.constant 0 : i32
    %cond3A_172 = arith.cmpi ne, %convert_element_type3A_170, %cond3A_171 : i32
    scf.if %cond3A_172 {
      %run_scoped3A = arith.constant 1 : i32
      %run_scoped3A_358 = arith.constant 13 : i32
      "tpu.region"() ({
        %run_scoped3A_361 = tpu.sem_alloc : memref<!tpu.dma_semaphore, #tpu.memory_space<semaphore_mem>>
        %dma_start3A = arith.constant 128 : i32
        %dma_start3A_362 = arith.constant 0 : i32
        %dma_start3A_363 = tpu.memref_slice %arg2[%run_scoped3A, %run_scoped3A_358, %dma_start3A, %dma_start3A_362] : memref<3x32x384x384xf32, #tpu.memory_space<hbm>> -> memref<1x1x128x384xf32, #tpu.memory_space<hbm>>
        %dma_start3A_364 = tpu.memref_squeeze %dma_start3A_363 : memref<1x1x128x384xf32, #tpu.memory_space<hbm>> -> memref<128x384xf32, #tpu.memory_space<hbm>>
        %dma_start3A_365 = arith.constant 128 : i32
        %dma_start3A_366 = arith.constant 0 : i32
        %dma_start3A_367 = tpu.memref_slice %arg2[%run_scoped3A, %run_scoped3A_358, %dma_start3A_365, %dma_start3A_366] : memref<3x32x384x384xf32, #tpu.memory_space<hbm>> -> memref<1x1x128x384xf32, #tpu.memory_space<hbm>>
        %dma_start3A_368 = tpu.memref_squeeze %dma_start3A_367 : memref<1x1x128x384xf32, #tpu.memory_space<hbm>> -> memref<128x384xf32, #tpu.memory_space<hbm>>
        tpu.enqueue_dma source(%dma_start3A_368 : memref<128x384xf32, #tpu.memory_space<hbm>>) target(%arg4 : memref<128x384xf32, #tpu.memory_space<vmem>>) target_semaphore(%run_scoped3A_361 : memref<!tpu.dma_semaphore, #tpu.memory_space<semaphore_mem>>)
        %dma_wait3A = arith.constant 128 : i32
        %dma_wait3A_369 = arith.constant 0 : i32
        %dma_wait3A_370 = tpu.memref_slice %arg2[%run_scoped3A, %run_scoped3A_358, %dma_wait3A, %dma_wait3A_369] : memref<3x32x384x384xf32, #tpu.memory_space<hbm>> -> memref<1x1x128x384xf32, #tpu.memory_space<hbm>>
        %dma_wait3A_371 = tpu.memref_squeeze %dma_wait3A_370 : memref<1x1x128x384xf32, #tpu.memory_space<hbm>> -> memref<128x384xf32, #tpu.memory_space<hbm>>
        %dma_wait3A_372 = arith.constant 128 : i32
        %dma_wait3A_373 = arith.constant 0 : i32
        %dma_wait3A_374 = tpu.memref_slice %arg2[%run_scoped3A, %run_scoped3A_358, %dma_wait3A_372, %dma_wait3A_373] : memref<3x32x384x384xf32, #tpu.memory_space<hbm>> -> memref<1x1x128x384xf32, #tpu.memory_space<hbm>>
        %dma_wait3A_375 = tpu.memref_squeeze %dma_wait3A_374 : memref<1x1x128x384xf32, #tpu.memory_space<hbm>> -> memref<128x384xf32, #tpu.memory_space<hbm>>
        tpu.wait_dma2 semaphore(%run_scoped3A_361 : memref<!tpu.dma_semaphore, #tpu.memory_space<semaphore_mem>>) src(%dma_wait3A_375 : memref<128x384xf32, #tpu.memory_space<hbm>>) dst(%arg4 : memref<128x384xf32, #tpu.memory_space<vmem>>)
        tpu.yield
      }) : () -> ()
      %run_scoped3A_359 = arith.constant 1 : i32
      %run_scoped3A_360 = arith.constant 3 : i32
      "tpu.region"() ({
        %run_scoped3A_361 = tpu.sem_alloc : memref<!tpu.dma_semaphore, #tpu.memory_space<semaphore_mem>>
        %dma_start3A = arith.constant 128 : i32
        %dma_start3A_362 = arith.constant 0 : i32
        %dma_start3A_363 = tpu.memref_slice %arg3[%run_scoped3A_359, %run_scoped3A_360, %dma_start3A, %dma_start3A_362] : memref<3x8x384x384xf32, #tpu.memory_space<hbm>> -> memref<1x1x128x384xf32, #tpu.memory_space<hbm>>
        %dma_start3A_364 = tpu.memref_squeeze %dma_start3A_363 : memref<1x1x128x384xf32, #tpu.memory_space<hbm>> -> memref<128x384xf32, #tpu.memory_space<hbm>>
        %dma_start3A_365 = arith.constant 128 : i32
        %dma_start3A_366 = arith.constant 0 : i32
        %dma_start3A_367 = tpu.memref_slice %arg3[%run_scoped3A_359, %run_scoped3A_360, %dma_start3A_365, %dma_start3A_366] : memref<3x8x384x384xf32, #tpu.memory_space<hbm>> -> memref<1x1x128x384xf32, #tpu.memory_space<hbm>>
        %dma_start3A_368 = tpu.memref_squeeze %dma_start3A_367 : memref<1x1x128x384xf32, #tpu.memory_space<hbm>> -> memref<128x384xf32, #tpu.memory_space<hbm>>
        tpu.enqueue_dma source(%arg4 : memref<128x384xf32, #tpu.memory_space<vmem>>) target(%dma_start3A_368 : memref<128x384xf32, #tpu.memory_space<hbm>>) target_semaphore(%run_scoped3A_361 : memref<!tpu.dma_semaphore, #tpu.memory_space<semaphore_mem>>)
        %dma_wait3A = arith.constant 128 : i32
        %dma_wait3A_369 = arith.constant 0 : i32
        %dma_wait3A_370 = tpu.memref_slice %arg3[%run_scoped3A_359, %run_scoped3A_360, %dma_wait3A, %dma_wait3A_369] : memref<3x8x384x384xf32, #tpu.memory_space<hbm>> -> memref<1x1x128x384xf32, #tpu.memory_space<hbm>>
        %dma_wait3A_371 = tpu.memref_squeeze %dma_wait3A_370 : memref<1x1x128x384xf32, #tpu.memory_space<hbm>> -> memref<128x384xf32, #tpu.memory_space<hbm>>
        %dma_wait3A_372 = arith.constant 128 : i32
        %dma_wait3A_373 = arith.constant 0 : i32
        %dma_wait3A_374 = tpu.memref_slice %arg3[%run_scoped3A_359, %run_scoped3A_360, %dma_wait3A_372, %dma_wait3A_373] : memref<3x8x384x384xf32, #tpu.memory_space<hbm>> -> memref<1x1x128x384xf32, #tpu.memory_space<hbm>>
        %dma_wait3A_375 = tpu.memref_squeeze %dma_wait3A_374 : memref<1x1x128x384xf32, #tpu.memory_space<hbm>> -> memref<128x384xf32, #tpu.memory_space<hbm>>
        tpu.wait_dma2 semaphore(%run_scoped3A_361 : memref<!tpu.dma_semaphore, #tpu.memory_space<semaphore_mem>>) src(%arg4 : memref<128x384xf32, #tpu.memory_space<vmem>>) dst(%dma_wait3A_375 : memref<128x384xf32, #tpu.memory_space<hbm>>)
        tpu.yield
      }) : () -> ()
    } else {
    }
    %eq3A_173 = arith.constant 3 : i32
    %eq3A_174 = arith.cmpi eq, %add3A, %eq3A_173 : i32
    %convert_element_type3A_175 = arith.extui %eq3A_174 : i1 to i32
    %cond3A_176 = arith.constant 0 : i32
    %cond3A_177 = arith.cmpi ne, %convert_element_type3A_175, %cond3A_176 : i32
    scf.if %cond3A_177 {
      %run_scoped3A = arith.constant 1 : i32
      %run_scoped3A_358 = arith.constant 13 : i32
      "tpu.region"() ({
        %run_scoped3A_361 = tpu.sem_alloc : memref<!tpu.dma_semaphore, #tpu.memory_space<semaphore_mem>>
        %dma_start3A = arith.constant 256 : i32
        %dma_start3A_362 = arith.constant 0 : i32
        %dma_start3A_363 = tpu.memref_slice %arg2[%run_scoped3A, %run_scoped3A_358, %dma_start3A, %dma_start3A_362] : memref<3x32x384x384xf32, #tpu.memory_space<hbm>> -> memref<1x1x128x384xf32, #tpu.memory_space<hbm>>
        %dma_start3A_364 = tpu.memref_squeeze %dma_start3A_363 : memref<1x1x128x384xf32, #tpu.memory_space<hbm>> -> memref<128x384xf32, #tpu.memory_space<hbm>>
        %dma_start3A_365 = arith.constant 256 : i32
        %dma_start3A_366 = arith.constant 0 : i32
        %dma_start3A_367 = tpu.memref_slice %arg2[%run_scoped3A, %run_scoped3A_358, %dma_start3A_365, %dma_start3A_366] : memref<3x32x384x384xf32, #tpu.memory_space<hbm>> -> memref<1x1x128x384xf32, #tpu.memory_space<hbm>>
        %dma_start3A_368 = tpu.memref_squeeze %dma_start3A_367 : memref<1x1x128x384xf32, #tpu.memory_space<hbm>> -> memref<128x384xf32, #tpu.memory_space<hbm>>
        tpu.enqueue_dma source(%dma_start3A_368 : memref<128x384xf32, #tpu.memory_space<hbm>>) target(%arg4 : memref<128x384xf32, #tpu.memory_space<vmem>>) target_semaphore(%run_scoped3A_361 : memref<!tpu.dma_semaphore, #tpu.memory_space<semaphore_mem>>)
        %dma_wait3A = arith.constant 256 : i32
        %dma_wait3A_369 = arith.constant 0 : i32
        %dma_wait3A_370 = tpu.memref_slice %arg2[%run_scoped3A, %run_scoped3A_358, %dma_wait3A, %dma_wait3A_369] : memref<3x32x384x384xf32, #tpu.memory_space<hbm>> -> memref<1x1x128x384xf32, #tpu.memory_space<hbm>>
        %dma_wait3A_371 = tpu.memref_squeeze %dma_wait3A_370 : memref<1x1x128x384xf32, #tpu.memory_space<hbm>> -> memref<128x384xf32, #tpu.memory_space<hbm>>
        %dma_wait3A_372 = arith.constant 256 : i32
        %dma_wait3A_373 = arith.constant 0 : i32
        %dma_wait3A_374 = tpu.memref_slice %arg2[%run_scoped3A, %run_scoped3A_358, %dma_wait3A_372, %dma_wait3A_373] : memref<3x32x384x384xf32, #tpu.memory_space<hbm>> -> memref<1x1x128x384xf32, #tpu.memory_space<hbm>>
        %dma_wait3A_375 = tpu.memref_squeeze %dma_wait3A_374 : memref<1x1x128x384xf32, #tpu.memory_space<hbm>> -> memref<128x384xf32, #tpu.memory_space<hbm>>
        tpu.wait_dma2 semaphore(%run_scoped3A_361 : memref<!tpu.dma_semaphore, #tpu.memory_space<semaphore_mem>>) src(%dma_wait3A_375 : memref<128x384xf32, #tpu.memory_space<hbm>>) dst(%arg4 : memref<128x384xf32, #tpu.memory_space<vmem>>)
        tpu.yield
      }) : () -> ()
      %run_scoped3A_359 = arith.constant 1 : i32
      %run_scoped3A_360 = arith.constant 3 : i32
      "tpu.region"() ({
        %run_scoped3A_361 = tpu.sem_alloc : memref<!tpu.dma_semaphore, #tpu.memory_space<semaphore_mem>>
        %dma_start3A = arith.constant 256 : i32
        %dma_start3A_362 = arith.constant 0 : i32
        %dma_start3A_363 = tpu.memref_slice %arg3[%run_scoped3A_359, %run_scoped3A_360, %dma_start3A, %dma_start3A_362] : memref<3x8x384x384xf32, #tpu.memory_space<hbm>> -> memref<1x1x128x384xf32, #tpu.memory_space<hbm>>
        %dma_start3A_364 = tpu.memref_squeeze %dma_start3A_363 : memref<1x1x128x384xf32, #tpu.memory_space<hbm>> -> memref<128x384xf32, #tpu.memory_space<hbm>>
        %dma_start3A_365 = arith.constant 256 : i32
        %dma_start3A_366 = arith.constant 0 : i32
        %dma_start3A_367 = tpu.memref_slice %arg3[%run_scoped3A_359, %run_scoped3A_360, %dma_start3A_365, %dma_start3A_366] : memref<3x8x384x384xf32, #tpu.memory_space<hbm>> -> memref<1x1x128x384xf32, #tpu.memory_space<hbm>>
        %dma_start3A_368 = tpu.memref_squeeze %dma_start3A_367 : memref<1x1x128x384xf32, #tpu.memory_space<hbm>> -> memref<128x384xf32, #tpu.memory_space<hbm>>
        tpu.enqueue_dma source(%arg4 : memref<128x384xf32, #tpu.memory_space<vmem>>) target(%dma_start3A_368 : memref<128x384xf32, #tpu.memory_space<hbm>>) target_semaphore(%run_scoped3A_361 : memref<!tpu.dma_semaphore, #tpu.memory_space<semaphore_mem>>)
        %dma_wait3A = arith.constant 256 : i32
        %dma_wait3A_369 = arith.constant 0 : i32
        %dma_wait3A_370 = tpu.memref_slice %arg3[%run_scoped3A_359, %run_scoped3A_360, %dma_wait3A, %dma_wait3A_369] : memref<3x8x384x384xf32, #tpu.memory_space<hbm>> -> memref<1x1x128x384xf32, #tpu.memory_space<hbm>>
        %dma_wait3A_371 = tpu.memref_squeeze %dma_wait3A_370 : memref<1x1x128x384xf32, #tpu.memory_space<hbm>> -> memref<128x384xf32, #tpu.memory_space<hbm>>
        %dma_wait3A_372 = arith.constant 256 : i32
        %dma_wait3A_373 = arith.constant 0 : i32
        %dma_wait3A_374 = tpu.memref_slice %arg3[%run_scoped3A_359, %run_scoped3A_360, %dma_wait3A_372, %dma_wait3A_373] : memref<3x8x384x384xf32, #tpu.memory_space<hbm>> -> memref<1x1x128x384xf32, #tpu.memory_space<hbm>>
        %dma_wait3A_375 = tpu.memref_squeeze %dma_wait3A_374 : memref<1x1x128x384xf32, #tpu.memory_space<hbm>> -> memref<128x384xf32, #tpu.memory_space<hbm>>
        tpu.wait_dma2 semaphore(%run_scoped3A_361 : memref<!tpu.dma_semaphore, #tpu.memory_space<semaphore_mem>>) src(%arg4 : memref<128x384xf32, #tpu.memory_space<vmem>>) dst(%dma_wait3A_375 : memref<128x384xf32, #tpu.memory_space<hbm>>)
        tpu.yield
      }) : () -> ()
    } else {
    }
    %eq3A_178 = arith.constant 4 : i32
    %eq3A_179 = arith.cmpi eq, %add3A, %eq3A_178 : i32
    %convert_element_type3A_180 = arith.extui %eq3A_179 : i1 to i32
    %cond3A_181 = arith.constant 0 : i32
    %cond3A_182 = arith.cmpi ne, %convert_element_type3A_180, %cond3A_181 : i32
    scf.if %cond3A_182 {
      %run_scoped3A = arith.constant 1 : i32
      %run_scoped3A_358 = arith.constant 17 : i32
      "tpu.region"() ({
        %run_scoped3A_361 = tpu.sem_alloc : memref<!tpu.dma_semaphore, #tpu.memory_space<semaphore_mem>>
        %dma_start3A = arith.constant 0 : i32
        %dma_start3A_362 = arith.constant 0 : i32
        %dma_start3A_363 = tpu.memref_slice %arg2[%run_scoped3A, %run_scoped3A_358, %dma_start3A, %dma_start3A_362] : memref<3x32x384x384xf32, #tpu.memory_space<hbm>> -> memref<1x1x128x384xf32, #tpu.memory_space<hbm>>
        %dma_start3A_364 = tpu.memref_squeeze %dma_start3A_363 : memref<1x1x128x384xf32, #tpu.memory_space<hbm>> -> memref<128x384xf32, #tpu.memory_space<hbm>>
        %dma_start3A_365 = arith.constant 0 : i32
        %dma_start3A_366 = arith.constant 0 : i32
        %dma_start3A_367 = tpu.memref_slice %arg2[%run_scoped3A, %run_scoped3A_358, %dma_start3A_365, %dma_start3A_366] : memref<3x32x384x384xf32, #tpu.memory_space<hbm>> -> memref<1x1x128x384xf32, #tpu.memory_space<hbm>>
        %dma_start3A_368 = tpu.memref_squeeze %dma_start3A_367 : memref<1x1x128x384xf32, #tpu.memory_space<hbm>> -> memref<128x384xf32, #tpu.memory_space<hbm>>
        tpu.enqueue_dma source(%dma_start3A_368 : memref<128x384xf32, #tpu.memory_space<hbm>>) target(%arg4 : memref<128x384xf32, #tpu.memory_space<vmem>>) target_semaphore(%run_scoped3A_361 : memref<!tpu.dma_semaphore, #tpu.memory_space<semaphore_mem>>)
        %dma_wait3A = arith.constant 0 : i32
        %dma_wait3A_369 = arith.constant 0 : i32
        %dma_wait3A_370 = tpu.memref_slice %arg2[%run_scoped3A, %run_scoped3A_358, %dma_wait3A, %dma_wait3A_369] : memref<3x32x384x384xf32, #tpu.memory_space<hbm>> -> memref<1x1x128x384xf32, #tpu.memory_space<hbm>>
        %dma_wait3A_371 = tpu.memref_squeeze %dma_wait3A_370 : memref<1x1x128x384xf32, #tpu.memory_space<hbm>> -> memref<128x384xf32, #tpu.memory_space<hbm>>
        %dma_wait3A_372 = arith.constant 0 : i32
        %dma_wait3A_373 = arith.constant 0 : i32
        %dma_wait3A_374 = tpu.memref_slice %arg2[%run_scoped3A, %run_scoped3A_358, %dma_wait3A_372, %dma_wait3A_373] : memref<3x32x384x384xf32, #tpu.memory_space<hbm>> -> memref<1x1x128x384xf32, #tpu.memory_space<hbm>>
        %dma_wait3A_375 = tpu.memref_squeeze %dma_wait3A_374 : memref<1x1x128x384xf32, #tpu.memory_space<hbm>> -> memref<128x384xf32, #tpu.memory_space<hbm>>
        tpu.wait_dma2 semaphore(%run_scoped3A_361 : memref<!tpu.dma_semaphore, #tpu.memory_space<semaphore_mem>>) src(%dma_wait3A_375 : memref<128x384xf32, #tpu.memory_space<hbm>>) dst(%arg4 : memref<128x384xf32, #tpu.memory_space<vmem>>)
        tpu.yield
      }) : () -> ()
      %run_scoped3A_359 = arith.constant 1 : i32
      %run_scoped3A_360 = arith.constant 4 : i32
      "tpu.region"() ({
        %run_scoped3A_361 = tpu.sem_alloc : memref<!tpu.dma_semaphore, #tpu.memory_space<semaphore_mem>>
        %dma_start3A = arith.constant 0 : i32
        %dma_start3A_362 = arith.constant 0 : i32
        %dma_start3A_363 = tpu.memref_slice %arg3[%run_scoped3A_359, %run_scoped3A_360, %dma_start3A, %dma_start3A_362] : memref<3x8x384x384xf32, #tpu.memory_space<hbm>> -> memref<1x1x128x384xf32, #tpu.memory_space<hbm>>
        %dma_start3A_364 = tpu.memref_squeeze %dma_start3A_363 : memref<1x1x128x384xf32, #tpu.memory_space<hbm>> -> memref<128x384xf32, #tpu.memory_space<hbm>>
        %dma_start3A_365 = arith.constant 0 : i32
        %dma_start3A_366 = arith.constant 0 : i32
        %dma_start3A_367 = tpu.memref_slice %arg3[%run_scoped3A_359, %run_scoped3A_360, %dma_start3A_365, %dma_start3A_366] : memref<3x8x384x384xf32, #tpu.memory_space<hbm>> -> memref<1x1x128x384xf32, #tpu.memory_space<hbm>>
        %dma_start3A_368 = tpu.memref_squeeze %dma_start3A_367 : memref<1x1x128x384xf32, #tpu.memory_space<hbm>> -> memref<128x384xf32, #tpu.memory_space<hbm>>
        tpu.enqueue_dma source(%arg4 : memref<128x384xf32, #tpu.memory_space<vmem>>) target(%dma_start3A_368 : memref<128x384xf32, #tpu.memory_space<hbm>>) target_semaphore(%run_scoped3A_361 : memref<!tpu.dma_semaphore, #tpu.memory_space<semaphore_mem>>)
        %dma_wait3A = arith.constant 0 : i32
        %dma_wait3A_369 = arith.constant 0 : i32
        %dma_wait3A_370 = tpu.memref_slice %arg3[%run_scoped3A_359, %run_scoped3A_360, %dma_wait3A, %dma_wait3A_369] : memref<3x8x384x384xf32, #tpu.memory_space<hbm>> -> memref<1x1x128x384xf32, #tpu.memory_space<hbm>>
        %dma_wait3A_371 = tpu.memref_squeeze %dma_wait3A_370 : memref<1x1x128x384xf32, #tpu.memory_space<hbm>> -> memref<128x384xf32, #tpu.memory_space<hbm>>
        %dma_wait3A_372 = arith.constant 0 : i32
        %dma_wait3A_373 = arith.constant 0 : i32
        %dma_wait3A_374 = tpu.memref_slice %arg3[%run_scoped3A_359, %run_scoped3A_360, %dma_wait3A_372, %dma_wait3A_373] : memref<3x8x384x384xf32, #tpu.memory_space<hbm>> -> memref<1x1x128x384xf32, #tpu.memory_space<hbm>>
        %dma_wait3A_375 = tpu.memref_squeeze %dma_wait3A_374 : memref<1x1x128x384xf32, #tpu.memory_space<hbm>> -> memref<128x384xf32, #tpu.memory_space<hbm>>
        tpu.wait_dma2 semaphore(%run_scoped3A_361 : memref<!tpu.dma_semaphore, #tpu.memory_space<semaphore_mem>>) src(%arg4 : memref<128x384xf32, #tpu.memory_space<vmem>>) dst(%dma_wait3A_375 : memref<128x384xf32, #tpu.memory_space<hbm>>)
        tpu.yield
      }) : () -> ()
    } else {
    }
    %eq3A_183 = arith.constant 5 : i32
    %eq3A_184 = arith.cmpi eq, %add3A, %eq3A_183 : i32
    %convert_element_type3A_185 = arith.extui %eq3A_184 : i1 to i32
    %cond3A_186 = arith.constant 0 : i32
    %cond3A_187 = arith.cmpi ne, %convert_element_type3A_185, %cond3A_186 : i32
    scf.if %cond3A_187 {
      %run_scoped3A = arith.constant 1 : i32
      %run_scoped3A_358 = arith.constant 17 : i32
      "tpu.region"() ({
        %run_scoped3A_361 = tpu.sem_alloc : memref<!tpu.dma_semaphore, #tpu.memory_space<semaphore_mem>>
        %dma_start3A = arith.constant 128 : i32
        %dma_start3A_362 = arith.constant 0 : i32
        %dma_start3A_363 = tpu.memref_slice %arg2[%run_scoped3A, %run_scoped3A_358, %dma_start3A, %dma_start3A_362] : memref<3x32x384x384xf32, #tpu.memory_space<hbm>> -> memref<1x1x128x384xf32, #tpu.memory_space<hbm>>
        %dma_start3A_364 = tpu.memref_squeeze %dma_start3A_363 : memref<1x1x128x384xf32, #tpu.memory_space<hbm>> -> memref<128x384xf32, #tpu.memory_space<hbm>>
        %dma_start3A_365 = arith.constant 128 : i32
        %dma_start3A_366 = arith.constant 0 : i32
        %dma_start3A_367 = tpu.memref_slice %arg2[%run_scoped3A, %run_scoped3A_358, %dma_start3A_365, %dma_start3A_366] : memref<3x32x384x384xf32, #tpu.memory_space<hbm>> -> memref<1x1x128x384xf32, #tpu.memory_space<hbm>>
        %dma_start3A_368 = tpu.memref_squeeze %dma_start3A_367 : memref<1x1x128x384xf32, #tpu.memory_space<hbm>> -> memref<128x384xf32, #tpu.memory_space<hbm>>
        tpu.enqueue_dma source(%dma_start3A_368 : memref<128x384xf32, #tpu.memory_space<hbm>>) target(%arg4 : memref<128x384xf32, #tpu.memory_space<vmem>>) target_semaphore(%run_scoped3A_361 : memref<!tpu.dma_semaphore, #tpu.memory_space<semaphore_mem>>)
        %dma_wait3A = arith.constant 128 : i32
        %dma_wait3A_369 = arith.constant 0 : i32
        %dma_wait3A_370 = tpu.memref_slice %arg2[%run_scoped3A, %run_scoped3A_358, %dma_wait3A, %dma_wait3A_369] : memref<3x32x384x384xf32, #tpu.memory_space<hbm>> -> memref<1x1x128x384xf32, #tpu.memory_space<hbm>>
        %dma_wait3A_371 = tpu.memref_squeeze %dma_wait3A_370 : memref<1x1x128x384xf32, #tpu.memory_space<hbm>> -> memref<128x384xf32, #tpu.memory_space<hbm>>
        %dma_wait3A_372 = arith.constant 128 : i32
        %dma_wait3A_373 = arith.constant 0 : i32
        %dma_wait3A_374 = tpu.memref_slice %arg2[%run_scoped3A, %run_scoped3A_358, %dma_wait3A_372, %dma_wait3A_373] : memref<3x32x384x384xf32, #tpu.memory_space<hbm>> -> memref<1x1x128x384xf32, #tpu.memory_space<hbm>>
        %dma_wait3A_375 = tpu.memref_squeeze %dma_wait3A_374 : memref<1x1x128x384xf32, #tpu.memory_space<hbm>> -> memref<128x384xf32, #tpu.memory_space<hbm>>
        tpu.wait_dma2 semaphore(%run_scoped3A_361 : memref<!tpu.dma_semaphore, #tpu.memory_space<semaphore_mem>>) src(%dma_wait3A_375 : memref<128x384xf32, #tpu.memory_space<hbm>>) dst(%arg4 : memref<128x384xf32, #tpu.memory_space<vmem>>)
        tpu.yield
      }) : () -> ()
      %run_scoped3A_359 = arith.constant 1 : i32
      %run_scoped3A_360 = arith.constant 4 : i32
      "tpu.region"() ({
        %run_scoped3A_361 = tpu.sem_alloc : memref<!tpu.dma_semaphore, #tpu.memory_space<semaphore_mem>>
        %dma_start3A = arith.constant 128 : i32
        %dma_start3A_362 = arith.constant 0 : i32
        %dma_start3A_363 = tpu.memref_slice %arg3[%run_scoped3A_359, %run_scoped3A_360, %dma_start3A, %dma_start3A_362] : memref<3x8x384x384xf32, #tpu.memory_space<hbm>> -> memref<1x1x128x384xf32, #tpu.memory_space<hbm>>
        %dma_start3A_364 = tpu.memref_squeeze %dma_start3A_363 : memref<1x1x128x384xf32, #tpu.memory_space<hbm>> -> memref<128x384xf32, #tpu.memory_space<hbm>>
        %dma_start3A_365 = arith.constant 128 : i32
        %dma_start3A_366 = arith.constant 0 : i32
        %dma_start3A_367 = tpu.memref_slice %arg3[%run_scoped3A_359, %run_scoped3A_360, %dma_start3A_365, %dma_start3A_366] : memref<3x8x384x384xf32, #tpu.memory_space<hbm>> -> memref<1x1x128x384xf32, #tpu.memory_space<hbm>>
        %dma_start3A_368 = tpu.memref_squeeze %dma_start3A_367 : memref<1x1x128x384xf32, #tpu.memory_space<hbm>> -> memref<128x384xf32, #tpu.memory_space<hbm>>
        tpu.enqueue_dma source(%arg4 : memref<128x384xf32, #tpu.memory_space<vmem>>) target(%dma_start3A_368 : memref<128x384xf32, #tpu.memory_space<hbm>>) target_semaphore(%run_scoped3A_361 : memref<!tpu.dma_semaphore, #tpu.memory_space<semaphore_mem>>)
        %dma_wait3A = arith.constant 128 : i32
        %dma_wait3A_369 = arith.constant 0 : i32
        %dma_wait3A_370 = tpu.memref_slice %arg3[%run_scoped3A_359, %run_scoped3A_360, %dma_wait3A, %dma_wait3A_369] : memref<3x8x384x384xf32, #tpu.memory_space<hbm>> -> memref<1x1x128x384xf32, #tpu.memory_space<hbm>>
        %dma_wait3A_371 = tpu.memref_squeeze %dma_wait3A_370 : memref<1x1x128x384xf32, #tpu.memory_space<hbm>> -> memref<128x384xf32, #tpu.memory_space<hbm>>
        %dma_wait3A_372 = arith.constant 128 : i32
        %dma_wait3A_373 = arith.constant 0 : i32
        %dma_wait3A_374 = tpu.memref_slice %arg3[%run_scoped3A_359, %run_scoped3A_360, %dma_wait3A_372, %dma_wait3A_373] : memref<3x8x384x384xf32, #tpu.memory_space<hbm>> -> memref<1x1x128x384xf32, #tpu.memory_space<hbm>>
        %dma_wait3A_375 = tpu.memref_squeeze %dma_wait3A_374 : memref<1x1x128x384xf32, #tpu.memory_space<hbm>> -> memref<128x384xf32, #tpu.memory_space<hbm>>
        tpu.wait_dma2 semaphore(%run_scoped3A_361 : memref<!tpu.dma_semaphore, #tpu.memory_space<semaphore_mem>>) src(%arg4 : memref<128x384xf32, #tpu.memory_space<vmem>>) dst(%dma_wait3A_375 : memref<128x384xf32, #tpu.memory_space<hbm>>)
        tpu.yield
      }) : () -> ()
    } else {
    }
    %eq3A_188 = arith.constant 6 : i32
    %eq3A_189 = arith.cmpi eq, %add3A, %eq3A_188 : i32
    %convert_element_type3A_190 = arith.extui %eq3A_189 : i1 to i32
    %cond3A_191 = arith.constant 0 : i32
    %cond3A_192 = arith.cmpi ne, %convert_element_type3A_190, %cond3A_191 : i32
    scf.if %cond3A_192 {
      %run_scoped3A = arith.constant 1 : i32
      %run_scoped3A_358 = arith.constant 17 : i32
      "tpu.region"() ({
        %run_scoped3A_361 = tpu.sem_alloc : memref<!tpu.dma_semaphore, #tpu.memory_space<semaphore_mem>>
        %dma_start3A = arith.constant 256 : i32
        %dma_start3A_362 = arith.constant 0 : i32
        %dma_start3A_363 = tpu.memref_slice %arg2[%run_scoped3A, %run_scoped3A_358, %dma_start3A, %dma_start3A_362] : memref<3x32x384x384xf32, #tpu.memory_space<hbm>> -> memref<1x1x128x384xf32, #tpu.memory_space<hbm>>
        %dma_start3A_364 = tpu.memref_squeeze %dma_start3A_363 : memref<1x1x128x384xf32, #tpu.memory_space<hbm>> -> memref<128x384xf32, #tpu.memory_space<hbm>>
        %dma_start3A_365 = arith.constant 256 : i32
        %dma_start3A_366 = arith.constant 0 : i32
        %dma_start3A_367 = tpu.memref_slice %arg2[%run_scoped3A, %run_scoped3A_358, %dma_start3A_365, %dma_start3A_366] : memref<3x32x384x384xf32, #tpu.memory_space<hbm>> -> memref<1x1x128x384xf32, #tpu.memory_space<hbm>>
        %dma_start3A_368 = tpu.memref_squeeze %dma_start3A_367 : memref<1x1x128x384xf32, #tpu.memory_space<hbm>> -> memref<128x384xf32, #tpu.memory_space<hbm>>
        tpu.enqueue_dma source(%dma_start3A_368 : memref<128x384xf32, #tpu.memory_space<hbm>>) target(%arg4 : memref<128x384xf32, #tpu.memory_space<vmem>>) target_semaphore(%run_scoped3A_361 : memref<!tpu.dma_semaphore, #tpu.memory_space<semaphore_mem>>)
        %dma_wait3A = arith.constant 256 : i32
        %dma_wait3A_369 = arith.constant 0 : i32
        %dma_wait3A_370 = tpu.memref_slice %arg2[%run_scoped3A, %run_scoped3A_358, %dma_wait3A, %dma_wait3A_369] : memref<3x32x384x384xf32, #tpu.memory_space<hbm>> -> memref<1x1x128x384xf32, #tpu.memory_space<hbm>>
        %dma_wait3A_371 = tpu.memref_squeeze %dma_wait3A_370 : memref<1x1x128x384xf32, #tpu.memory_space<hbm>> -> memref<128x384xf32, #tpu.memory_space<hbm>>
        %dma_wait3A_372 = arith.constant 256 : i32
        %dma_wait3A_373 = arith.constant 0 : i32
        %dma_wait3A_374 = tpu.memref_slice %arg2[%run_scoped3A, %run_scoped3A_358, %dma_wait3A_372, %dma_wait3A_373] : memref<3x32x384x384xf32, #tpu.memory_space<hbm>> -> memref<1x1x128x384xf32, #tpu.memory_space<hbm>>
        %dma_wait3A_375 = tpu.memref_squeeze %dma_wait3A_374 : memref<1x1x128x384xf32, #tpu.memory_space<hbm>> -> memref<128x384xf32, #tpu.memory_space<hbm>>
        tpu.wait_dma2 semaphore(%run_scoped3A_361 : memref<!tpu.dma_semaphore, #tpu.memory_space<semaphore_mem>>) src(%dma_wait3A_375 : memref<128x384xf32, #tpu.memory_space<hbm>>) dst(%arg4 : memref<128x384xf32, #tpu.memory_space<vmem>>)
        tpu.yield
      }) : () -> ()
      %run_scoped3A_359 = arith.constant 1 : i32
      %run_scoped3A_360 = arith.constant 4 : i32
      "tpu.region"() ({
        %run_scoped3A_361 = tpu.sem_alloc : memref<!tpu.dma_semaphore, #tpu.memory_space<semaphore_mem>>
        %dma_start3A = arith.constant 256 : i32
        %dma_start3A_362 = arith.constant 0 : i32
        %dma_start3A_363 = tpu.memref_slice %arg3[%run_scoped3A_359, %run_scoped3A_360, %dma_start3A, %dma_start3A_362] : memref<3x8x384x384xf32, #tpu.memory_space<hbm>> -> memref<1x1x128x384xf32, #tpu.memory_space<hbm>>
        %dma_start3A_364 = tpu.memref_squeeze %dma_start3A_363 : memref<1x1x128x384xf32, #tpu.memory_space<hbm>> -> memref<128x384xf32, #tpu.memory_space<hbm>>
        %dma_start3A_365 = arith.constant 256 : i32
        %dma_start3A_366 = arith.constant 0 : i32
        %dma_start3A_367 = tpu.memref_slice %arg3[%run_scoped3A_359, %run_scoped3A_360, %dma_start3A_365, %dma_start3A_366] : memref<3x8x384x384xf32, #tpu.memory_space<hbm>> -> memref<1x1x128x384xf32, #tpu.memory_space<hbm>>
        %dma_start3A_368 = tpu.memref_squeeze %dma_start3A_367 : memref<1x1x128x384xf32, #tpu.memory_space<hbm>> -> memref<128x384xf32, #tpu.memory_space<hbm>>
        tpu.enqueue_dma source(%arg4 : memref<128x384xf32, #tpu.memory_space<vmem>>) target(%dma_start3A_368 : memref<128x384xf32, #tpu.memory_space<hbm>>) target_semaphore(%run_scoped3A_361 : memref<!tpu.dma_semaphore, #tpu.memory_space<semaphore_mem>>)
        %dma_wait3A = arith.constant 256 : i32
        %dma_wait3A_369 = arith.constant 0 : i32
        %dma_wait3A_370 = tpu.memref_slice %arg3[%run_scoped3A_359, %run_scoped3A_360, %dma_wait3A, %dma_wait3A_369] : memref<3x8x384x384xf32, #tpu.memory_space<hbm>> -> memref<1x1x128x384xf32, #tpu.memory_space<hbm>>
        %dma_wait3A_371 = tpu.memref_squeeze %dma_wait3A_370 : memref<1x1x128x384xf32, #tpu.memory_space<hbm>> -> memref<128x384xf32, #tpu.memory_space<hbm>>
        %dma_wait3A_372 = arith.constant 256 : i32
        %dma_wait3A_373 = arith.constant 0 : i32
        %dma_wait3A_374 = tpu.memref_slice %arg3[%run_scoped3A_359, %run_scoped3A_360, %dma_wait3A_372, %dma_wait3A_373] : memref<3x8x384x384xf32, #tpu.memory_space<hbm>> -> memref<1x1x128x384xf32, #tpu.memory_space<hbm>>
        %dma_wait3A_375 = tpu.memref_squeeze %dma_wait3A_374 : memref<1x1x128x384xf32, #tpu.memory_space<hbm>> -> memref<128x384xf32, #tpu.memory_space<hbm>>
        tpu.wait_dma2 semaphore(%run_scoped3A_361 : memref<!tpu.dma_semaphore, #tpu.memory_space<semaphore_mem>>) src(%arg4 : memref<128x384xf32, #tpu.memory_space<vmem>>) dst(%dma_wait3A_375 : memref<128x384xf32, #tpu.memory_space<hbm>>)
        tpu.yield
      }) : () -> ()
    } else {
    }
    %eq3A_193 = arith.constant 7 : i32
    %eq3A_194 = arith.cmpi eq, %add3A, %eq3A_193 : i32
    %convert_element_type3A_195 = arith.extui %eq3A_194 : i1 to i32
    %cond3A_196 = arith.constant 0 : i32
    %cond3A_197 = arith.cmpi ne, %convert_element_type3A_195, %cond3A_196 : i32
    scf.if %cond3A_197 {
      %run_scoped3A = arith.constant 1 : i32
      %run_scoped3A_358 = arith.constant 22 : i32
      "tpu.region"() ({
        %run_scoped3A_361 = tpu.sem_alloc : memref<!tpu.dma_semaphore, #tpu.memory_space<semaphore_mem>>
        %dma_start3A = arith.constant 0 : i32
        %dma_start3A_362 = arith.constant 0 : i32
        %dma_start3A_363 = tpu.memref_slice %arg2[%run_scoped3A, %run_scoped3A_358, %dma_start3A, %dma_start3A_362] : memref<3x32x384x384xf32, #tpu.memory_space<hbm>> -> memref<1x1x128x384xf32, #tpu.memory_space<hbm>>
        %dma_start3A_364 = tpu.memref_squeeze %dma_start3A_363 : memref<1x1x128x384xf32, #tpu.memory_space<hbm>> -> memref<128x384xf32, #tpu.memory_space<hbm>>
        %dma_start3A_365 = arith.constant 0 : i32
        %dma_start3A_366 = arith.constant 0 : i32
        %dma_start3A_367 = tpu.memref_slice %arg2[%run_scoped3A, %run_scoped3A_358, %dma_start3A_365, %dma_start3A_366] : memref<3x32x384x384xf32, #tpu.memory_space<hbm>> -> memref<1x1x128x384xf32, #tpu.memory_space<hbm>>
        %dma_start3A_368 = tpu.memref_squeeze %dma_start3A_367 : memref<1x1x128x384xf32, #tpu.memory_space<hbm>> -> memref<128x384xf32, #tpu.memory_space<hbm>>
        tpu.enqueue_dma source(%dma_start3A_368 : memref<128x384xf32, #tpu.memory_space<hbm>>) target(%arg4 : memref<128x384xf32, #tpu.memory_space<vmem>>) target_semaphore(%run_scoped3A_361 : memref<!tpu.dma_semaphore, #tpu.memory_space<semaphore_mem>>)
        %dma_wait3A = arith.constant 0 : i32
        %dma_wait3A_369 = arith.constant 0 : i32
        %dma_wait3A_370 = tpu.memref_slice %arg2[%run_scoped3A, %run_scoped3A_358, %dma_wait3A, %dma_wait3A_369] : memref<3x32x384x384xf32, #tpu.memory_space<hbm>> -> memref<1x1x128x384xf32, #tpu.memory_space<hbm>>
        %dma_wait3A_371 = tpu.memref_squeeze %dma_wait3A_370 : memref<1x1x128x384xf32, #tpu.memory_space<hbm>> -> memref<128x384xf32, #tpu.memory_space<hbm>>
        %dma_wait3A_372 = arith.constant 0 : i32
        %dma_wait3A_373 = arith.constant 0 : i32
        %dma_wait3A_374 = tpu.memref_slice %arg2[%run_scoped3A, %run_scoped3A_358, %dma_wait3A_372, %dma_wait3A_373] : memref<3x32x384x384xf32, #tpu.memory_space<hbm>> -> memref<1x1x128x384xf32, #tpu.memory_space<hbm>>
        %dma_wait3A_375 = tpu.memref_squeeze %dma_wait3A_374 : memref<1x1x128x384xf32, #tpu.memory_space<hbm>> -> memref<128x384xf32, #tpu.memory_space<hbm>>
        tpu.wait_dma2 semaphore(%run_scoped3A_361 : memref<!tpu.dma_semaphore, #tpu.memory_space<semaphore_mem>>) src(%dma_wait3A_375 : memref<128x384xf32, #tpu.memory_space<hbm>>) dst(%arg4 : memref<128x384xf32, #tpu.memory_space<vmem>>)
        tpu.yield
      }) : () -> ()
      %run_scoped3A_359 = arith.constant 1 : i32
      %run_scoped3A_360 = arith.constant 5 : i32
      "tpu.region"() ({
        %run_scoped3A_361 = tpu.sem_alloc : memref<!tpu.dma_semaphore, #tpu.memory_space<semaphore_mem>>
        %dma_start3A = arith.constant 0 : i32
        %dma_start3A_362 = arith.constant 0 : i32
        %dma_start3A_363 = tpu.memref_slice %arg3[%run_scoped3A_359, %run_scoped3A_360, %dma_start3A, %dma_start3A_362] : memref<3x8x384x384xf32, #tpu.memory_space<hbm>> -> memref<1x1x128x384xf32, #tpu.memory_space<hbm>>
        %dma_start3A_364 = tpu.memref_squeeze %dma_start3A_363 : memref<1x1x128x384xf32, #tpu.memory_space<hbm>> -> memref<128x384xf32, #tpu.memory_space<hbm>>
        %dma_start3A_365 = arith.constant 0 : i32
        %dma_start3A_366 = arith.constant 0 : i32
        %dma_start3A_367 = tpu.memref_slice %arg3[%run_scoped3A_359, %run_scoped3A_360, %dma_start3A_365, %dma_start3A_366] : memref<3x8x384x384xf32, #tpu.memory_space<hbm>> -> memref<1x1x128x384xf32, #tpu.memory_space<hbm>>
        %dma_start3A_368 = tpu.memref_squeeze %dma_start3A_367 : memref<1x1x128x384xf32, #tpu.memory_space<hbm>> -> memref<128x384xf32, #tpu.memory_space<hbm>>
        tpu.enqueue_dma source(%arg4 : memref<128x384xf32, #tpu.memory_space<vmem>>) target(%dma_start3A_368 : memref<128x384xf32, #tpu.memory_space<hbm>>) target_semaphore(%run_scoped3A_361 : memref<!tpu.dma_semaphore, #tpu.memory_space<semaphore_mem>>)
        %dma_wait3A = arith.constant 0 : i32
        %dma_wait3A_369 = arith.constant 0 : i32
        %dma_wait3A_370 = tpu.memref_slice %arg3[%run_scoped3A_359, %run_scoped3A_360, %dma_wait3A, %dma_wait3A_369] : memref<3x8x384x384xf32, #tpu.memory_space<hbm>> -> memref<1x1x128x384xf32, #tpu.memory_space<hbm>>
        %dma_wait3A_371 = tpu.memref_squeeze %dma_wait3A_370 : memref<1x1x128x384xf32, #tpu.memory_space<hbm>> -> memref<128x384xf32, #tpu.memory_space<hbm>>
        %dma_wait3A_372 = arith.constant 0 : i32
        %dma_wait3A_373 = arith.constant 0 : i32
        %dma_wait3A_374 = tpu.memref_slice %arg3[%run_scoped3A_359, %run_scoped3A_360, %dma_wait3A_372, %dma_wait3A_373] : memref<3x8x384x384xf32, #tpu.memory_space<hbm>> -> memref<1x1x128x384xf32, #tpu.memory_space<hbm>>
        %dma_wait3A_375 = tpu.memref_squeeze %dma_wait3A_374 : memref<1x1x128x384xf32, #tpu.memory_space<hbm>> -> memref<128x384xf32, #tpu.memory_space<hbm>>
        tpu.wait_dma2 semaphore(%run_scoped3A_361 : memref<!tpu.dma_semaphore, #tpu.memory_space<semaphore_mem>>) src(%arg4 : memref<128x384xf32, #tpu.memory_space<vmem>>) dst(%dma_wait3A_375 : memref<128x384xf32, #tpu.memory_space<hbm>>)
        tpu.yield
      }) : () -> ()
    } else {
    }
    %eq3A_198 = arith.constant 8 : i32
    %eq3A_199 = arith.cmpi eq, %add3A, %eq3A_198 : i32
    %convert_element_type3A_200 = arith.extui %eq3A_199 : i1 to i32
    %cond3A_201 = arith.constant 0 : i32
    %cond3A_202 = arith.cmpi ne, %convert_element_type3A_200, %cond3A_201 : i32
    scf.if %cond3A_202 {
      %run_scoped3A = arith.constant 1 : i32
      %run_scoped3A_358 = arith.constant 22 : i32
      "tpu.region"() ({
        %run_scoped3A_361 = tpu.sem_alloc : memref<!tpu.dma_semaphore, #tpu.memory_space<semaphore_mem>>
        %dma_start3A = arith.constant 128 : i32
        %dma_start3A_362 = arith.constant 0 : i32
        %dma_start3A_363 = tpu.memref_slice %arg2[%run_scoped3A, %run_scoped3A_358, %dma_start3A, %dma_start3A_362] : memref<3x32x384x384xf32, #tpu.memory_space<hbm>> -> memref<1x1x128x384xf32, #tpu.memory_space<hbm>>
        %dma_start3A_364 = tpu.memref_squeeze %dma_start3A_363 : memref<1x1x128x384xf32, #tpu.memory_space<hbm>> -> memref<128x384xf32, #tpu.memory_space<hbm>>
        %dma_start3A_365 = arith.constant 128 : i32
        %dma_start3A_366 = arith.constant 0 : i32
        %dma_start3A_367 = tpu.memref_slice %arg2[%run_scoped3A, %run_scoped3A_358, %dma_start3A_365, %dma_start3A_366] : memref<3x32x384x384xf32, #tpu.memory_space<hbm>> -> memref<1x1x128x384xf32, #tpu.memory_space<hbm>>
        %dma_start3A_368 = tpu.memref_squeeze %dma_start3A_367 : memref<1x1x128x384xf32, #tpu.memory_space<hbm>> -> memref<128x384xf32, #tpu.memory_space<hbm>>
        tpu.enqueue_dma source(%dma_start3A_368 : memref<128x384xf32, #tpu.memory_space<hbm>>) target(%arg4 : memref<128x384xf32, #tpu.memory_space<vmem>>) target_semaphore(%run_scoped3A_361 : memref<!tpu.dma_semaphore, #tpu.memory_space<semaphore_mem>>)
        %dma_wait3A = arith.constant 128 : i32
        %dma_wait3A_369 = arith.constant 0 : i32
        %dma_wait3A_370 = tpu.memref_slice %arg2[%run_scoped3A, %run_scoped3A_358, %dma_wait3A, %dma_wait3A_369] : memref<3x32x384x384xf32, #tpu.memory_space<hbm>> -> memref<1x1x128x384xf32, #tpu.memory_space<hbm>>
        %dma_wait3A_371 = tpu.memref_squeeze %dma_wait3A_370 : memref<1x1x128x384xf32, #tpu.memory_space<hbm>> -> memref<128x384xf32, #tpu.memory_space<hbm>>
        %dma_wait3A_372 = arith.constant 128 : i32
        %dma_wait3A_373 = arith.constant 0 : i32
        %dma_wait3A_374 = tpu.memref_slice %arg2[%run_scoped3A, %run_scoped3A_358, %dma_wait3A_372, %dma_wait3A_373] : memref<3x32x384x384xf32, #tpu.memory_space<hbm>> -> memref<1x1x128x384xf32, #tpu.memory_space<hbm>>
        %dma_wait3A_375 = tpu.memref_squeeze %dma_wait3A_374 : memref<1x1x128x384xf32, #tpu.memory_space<hbm>> -> memref<128x384xf32, #tpu.memory_space<hbm>>
        tpu.wait_dma2 semaphore(%run_scoped3A_361 : memref<!tpu.dma_semaphore, #tpu.memory_space<semaphore_mem>>) src(%dma_wait3A_375 : memref<128x384xf32, #tpu.memory_space<hbm>>) dst(%arg4 : memref<128x384xf32, #tpu.memory_space<vmem>>)
        tpu.yield
      }) : () -> ()
      %run_scoped3A_359 = arith.constant 1 : i32
      %run_scoped3A_360 = arith.constant 5 : i32
      "tpu.region"() ({
        %run_scoped3A_361 = tpu.sem_alloc : memref<!tpu.dma_semaphore, #tpu.memory_space<semaphore_mem>>
        %dma_start3A = arith.constant 128 : i32
        %dma_start3A_362 = arith.constant 0 : i32
        %dma_start3A_363 = tpu.memref_slice %arg3[%run_scoped3A_359, %run_scoped3A_360, %dma_start3A, %dma_start3A_362] : memref<3x8x384x384xf32, #tpu.memory_space<hbm>> -> memref<1x1x128x384xf32, #tpu.memory_space<hbm>>
        %dma_start3A_364 = tpu.memref_squeeze %dma_start3A_363 : memref<1x1x128x384xf32, #tpu.memory_space<hbm>> -> memref<128x384xf32, #tpu.memory_space<hbm>>
        %dma_start3A_365 = arith.constant 128 : i32
        %dma_start3A_366 = arith.constant 0 : i32
        %dma_start3A_367 = tpu.memref_slice %arg3[%run_scoped3A_359, %run_scoped3A_360, %dma_start3A_365, %dma_start3A_366] : memref<3x8x384x384xf32, #tpu.memory_space<hbm>> -> memref<1x1x128x384xf32, #tpu.memory_space<hbm>>
        %dma_start3A_368 = tpu.memref_squeeze %dma_start3A_367 : memref<1x1x128x384xf32, #tpu.memory_space<hbm>> -> memref<128x384xf32, #tpu.memory_space<hbm>>
        tpu.enqueue_dma source(%arg4 : memref<128x384xf32, #tpu.memory_space<vmem>>) target(%dma_start3A_368 : memref<128x384xf32, #tpu.memory_space<hbm>>) target_semaphore(%run_scoped3A_361 : memref<!tpu.dma_semaphore, #tpu.memory_space<semaphore_mem>>)
        %dma_wait3A = arith.constant 128 : i32
        %dma_wait3A_369 = arith.constant 0 : i32
        %dma_wait3A_370 = tpu.memref_slice %arg3[%run_scoped3A_359, %run_scoped3A_360, %dma_wait3A, %dma_wait3A_369] : memref<3x8x384x384xf32, #tpu.memory_space<hbm>> -> memref<1x1x128x384xf32, #tpu.memory_space<hbm>>
        %dma_wait3A_371 = tpu.memref_squeeze %dma_wait3A_370 : memref<1x1x128x384xf32, #tpu.memory_space<hbm>> -> memref<128x384xf32, #tpu.memory_space<hbm>>
        %dma_wait3A_372 = arith.constant 128 : i32
        %dma_wait3A_373 = arith.constant 0 : i32
        %dma_wait3A_374 = tpu.memref_slice %arg3[%run_scoped3A_359, %run_scoped3A_360, %dma_wait3A_372, %dma_wait3A_373] : memref<3x8x384x384xf32, #tpu.memory_space<hbm>> -> memref<1x1x128x384xf32, #tpu.memory_space<hbm>>
        %dma_wait3A_375 = tpu.memref_squeeze %dma_wait3A_374 : memref<1x1x128x384xf32, #tpu.memory_space<hbm>> -> memref<128x384xf32, #tpu.memory_space<hbm>>
        tpu.wait_dma2 semaphore(%run_scoped3A_361 : memref<!tpu.dma_semaphore, #tpu.memory_space<semaphore_mem>>) src(%arg4 : memref<128x384xf32, #tpu.memory_space<vmem>>) dst(%dma_wait3A_375 : memref<128x384xf32, #tpu.memory_space<hbm>>)
        tpu.yield
      }) : () -> ()
    } else {
    }
    %eq3A_203 = arith.constant 9 : i32
    %eq3A_204 = arith.cmpi eq, %add3A, %eq3A_203 : i32
    %convert_element_type3A_205 = arith.extui %eq3A_204 : i1 to i32
    %cond3A_206 = arith.constant 0 : i32
    %cond3A_207 = arith.cmpi ne, %convert_element_type3A_205, %cond3A_206 : i32
    scf.if %cond3A_207 {
      %run_scoped3A = arith.constant 1 : i32
      %run_scoped3A_358 = arith.constant 22 : i32
      "tpu.region"() ({
        %run_scoped3A_361 = tpu.sem_alloc : memref<!tpu.dma_semaphore, #tpu.memory_space<semaphore_mem>>
        %dma_start3A = arith.constant 256 : i32
        %dma_start3A_362 = arith.constant 0 : i32
        %dma_start3A_363 = tpu.memref_slice %arg2[%run_scoped3A, %run_scoped3A_358, %dma_start3A, %dma_start3A_362] : memref<3x32x384x384xf32, #tpu.memory_space<hbm>> -> memref<1x1x128x384xf32, #tpu.memory_space<hbm>>
        %dma_start3A_364 = tpu.memref_squeeze %dma_start3A_363 : memref<1x1x128x384xf32, #tpu.memory_space<hbm>> -> memref<128x384xf32, #tpu.memory_space<hbm>>
        %dma_start3A_365 = arith.constant 256 : i32
        %dma_start3A_366 = arith.constant 0 : i32
        %dma_start3A_367 = tpu.memref_slice %arg2[%run_scoped3A, %run_scoped3A_358, %dma_start3A_365, %dma_start3A_366] : memref<3x32x384x384xf32, #tpu.memory_space<hbm>> -> memref<1x1x128x384xf32, #tpu.memory_space<hbm>>
        %dma_start3A_368 = tpu.memref_squeeze %dma_start3A_367 : memref<1x1x128x384xf32, #tpu.memory_space<hbm>> -> memref<128x384xf32, #tpu.memory_space<hbm>>
        tpu.enqueue_dma source(%dma_start3A_368 : memref<128x384xf32, #tpu.memory_space<hbm>>) target(%arg4 : memref<128x384xf32, #tpu.memory_space<vmem>>) target_semaphore(%run_scoped3A_361 : memref<!tpu.dma_semaphore, #tpu.memory_space<semaphore_mem>>)
        %dma_wait3A = arith.constant 256 : i32
        %dma_wait3A_369 = arith.constant 0 : i32
        %dma_wait3A_370 = tpu.memref_slice %arg2[%run_scoped3A, %run_scoped3A_358, %dma_wait3A, %dma_wait3A_369] : memref<3x32x384x384xf32, #tpu.memory_space<hbm>> -> memref<1x1x128x384xf32, #tpu.memory_space<hbm>>
        %dma_wait3A_371 = tpu.memref_squeeze %dma_wait3A_370 : memref<1x1x128x384xf32, #tpu.memory_space<hbm>> -> memref<128x384xf32, #tpu.memory_space<hbm>>
        %dma_wait3A_372 = arith.constant 256 : i32
        %dma_wait3A_373 = arith.constant 0 : i32
        %dma_wait3A_374 = tpu.memref_slice %arg2[%run_scoped3A, %run_scoped3A_358, %dma_wait3A_372, %dma_wait3A_373] : memref<3x32x384x384xf32, #tpu.memory_space<hbm>> -> memref<1x1x128x384xf32, #tpu.memory_space<hbm>>
        %dma_wait3A_375 = tpu.memref_squeeze %dma_wait3A_374 : memref<1x1x128x384xf32, #tpu.memory_space<hbm>> -> memref<128x384xf32, #tpu.memory_space<hbm>>
        tpu.wait_dma2 semaphore(%run_scoped3A_361 : memref<!tpu.dma_semaphore, #tpu.memory_space<semaphore_mem>>) src(%dma_wait3A_375 : memref<128x384xf32, #tpu.memory_space<hbm>>) dst(%arg4 : memref<128x384xf32, #tpu.memory_space<vmem>>)
        tpu.yield
      }) : () -> ()
      %run_scoped3A_359 = arith.constant 1 : i32
      %run_scoped3A_360 = arith.constant 5 : i32
      "tpu.region"() ({
        %run_scoped3A_361 = tpu.sem_alloc : memref<!tpu.dma_semaphore, #tpu.memory_space<semaphore_mem>>
        %dma_start3A = arith.constant 256 : i32
        %dma_start3A_362 = arith.constant 0 : i32
        %dma_start3A_363 = tpu.memref_slice %arg3[%run_scoped3A_359, %run_scoped3A_360, %dma_start3A, %dma_start3A_362] : memref<3x8x384x384xf32, #tpu.memory_space<hbm>> -> memref<1x1x128x384xf32, #tpu.memory_space<hbm>>
        %dma_start3A_364 = tpu.memref_squeeze %dma_start3A_363 : memref<1x1x128x384xf32, #tpu.memory_space<hbm>> -> memref<128x384xf32, #tpu.memory_space<hbm>>
        %dma_start3A_365 = arith.constant 256 : i32
        %dma_start3A_366 = arith.constant 0 : i32
        %dma_start3A_367 = tpu.memref_slice %arg3[%run_scoped3A_359, %run_scoped3A_360, %dma_start3A_365, %dma_start3A_366] : memref<3x8x384x384xf32, #tpu.memory_space<hbm>> -> memref<1x1x128x384xf32, #tpu.memory_space<hbm>>
        %dma_start3A_368 = tpu.memref_squeeze %dma_start3A_367 : memref<1x1x128x384xf32, #tpu.memory_space<hbm>> -> memref<128x384xf32, #tpu.memory_space<hbm>>
        tpu.enqueue_dma source(%arg4 : memref<128x384xf32, #tpu.memory_space<vmem>>) target(%dma_start3A_368 : memref<128x384xf32, #tpu.memory_space<hbm>>) target_semaphore(%run_scoped3A_361 : memref<!tpu.dma_semaphore, #tpu.memory_space<semaphore_mem>>)
        %dma_wait3A = arith.constant 256 : i32
        %dma_wait3A_369 = arith.constant 0 : i32
        %dma_wait3A_370 = tpu.memref_slice %arg3[%run_scoped3A_359, %run_scoped3A_360, %dma_wait3A, %dma_wait3A_369] : memref<3x8x384x384xf32, #tpu.memory_space<hbm>> -> memref<1x1x128x384xf32, #tpu.memory_space<hbm>>
        %dma_wait3A_371 = tpu.memref_squeeze %dma_wait3A_370 : memref<1x1x128x384xf32, #tpu.memory_space<hbm>> -> memref<128x384xf32, #tpu.memory_space<hbm>>
        %dma_wait3A_372 = arith.constant 256 : i32
        %dma_wait3A_373 = arith.constant 0 : i32
        %dma_wait3A_374 = tpu.memref_slice %arg3[%run_scoped3A_359, %run_scoped3A_360, %dma_wait3A_372, %dma_wait3A_373] : memref<3x8x384x384xf32, #tpu.memory_space<hbm>> -> memref<1x1x128x384xf32, #tpu.memory_space<hbm>>
        %dma_wait3A_375 = tpu.memref_squeeze %dma_wait3A_374 : memref<1x1x128x384xf32, #tpu.memory_space<hbm>> -> memref<128x384xf32, #tpu.memory_space<hbm>>
        tpu.wait_dma2 semaphore(%run_scoped3A_361 : memref<!tpu.dma_semaphore, #tpu.memory_space<semaphore_mem>>) src(%arg4 : memref<128x384xf32, #tpu.memory_space<vmem>>) dst(%dma_wait3A_375 : memref<128x384xf32, #tpu.memory_space<hbm>>)
        tpu.yield
      }) : () -> ()
    } else {
    }
    %eq3A_208 = arith.constant 10 : i32
    %eq3A_209 = arith.cmpi eq, %add3A, %eq3A_208 : i32
    %convert_element_type3A_210 = arith.extui %eq3A_209 : i1 to i32
    %cond3A_211 = arith.constant 0 : i32
    %cond3A_212 = arith.cmpi ne, %convert_element_type3A_210, %cond3A_211 : i32
    scf.if %cond3A_212 {
      %run_scoped3A = arith.constant 1 : i32
      %run_scoped3A_358 = arith.constant 26 : i32
      "tpu.region"() ({
        %run_scoped3A_361 = tpu.sem_alloc : memref<!tpu.dma_semaphore, #tpu.memory_space<semaphore_mem>>
        %dma_start3A = arith.constant 0 : i32
        %dma_start3A_362 = arith.constant 0 : i32
        %dma_start3A_363 = tpu.memref_slice %arg2[%run_scoped3A, %run_scoped3A_358, %dma_start3A, %dma_start3A_362] : memref<3x32x384x384xf32, #tpu.memory_space<hbm>> -> memref<1x1x128x384xf32, #tpu.memory_space<hbm>>
        %dma_start3A_364 = tpu.memref_squeeze %dma_start3A_363 : memref<1x1x128x384xf32, #tpu.memory_space<hbm>> -> memref<128x384xf32, #tpu.memory_space<hbm>>
        %dma_start3A_365 = arith.constant 0 : i32
        %dma_start3A_366 = arith.constant 0 : i32
        %dma_start3A_367 = tpu.memref_slice %arg2[%run_scoped3A, %run_scoped3A_358, %dma_start3A_365, %dma_start3A_366] : memref<3x32x384x384xf32, #tpu.memory_space<hbm>> -> memref<1x1x128x384xf32, #tpu.memory_space<hbm>>
        %dma_start3A_368 = tpu.memref_squeeze %dma_start3A_367 : memref<1x1x128x384xf32, #tpu.memory_space<hbm>> -> memref<128x384xf32, #tpu.memory_space<hbm>>
        tpu.enqueue_dma source(%dma_start3A_368 : memref<128x384xf32, #tpu.memory_space<hbm>>) target(%arg4 : memref<128x384xf32, #tpu.memory_space<vmem>>) target_semaphore(%run_scoped3A_361 : memref<!tpu.dma_semaphore, #tpu.memory_space<semaphore_mem>>)
        %dma_wait3A = arith.constant 0 : i32
        %dma_wait3A_369 = arith.constant 0 : i32
        %dma_wait3A_370 = tpu.memref_slice %arg2[%run_scoped3A, %run_scoped3A_358, %dma_wait3A, %dma_wait3A_369] : memref<3x32x384x384xf32, #tpu.memory_space<hbm>> -> memref<1x1x128x384xf32, #tpu.memory_space<hbm>>
        %dma_wait3A_371 = tpu.memref_squeeze %dma_wait3A_370 : memref<1x1x128x384xf32, #tpu.memory_space<hbm>> -> memref<128x384xf32, #tpu.memory_space<hbm>>
        %dma_wait3A_372 = arith.constant 0 : i32
        %dma_wait3A_373 = arith.constant 0 : i32
        %dma_wait3A_374 = tpu.memref_slice %arg2[%run_scoped3A, %run_scoped3A_358, %dma_wait3A_372, %dma_wait3A_373] : memref<3x32x384x384xf32, #tpu.memory_space<hbm>> -> memref<1x1x128x384xf32, #tpu.memory_space<hbm>>
        %dma_wait3A_375 = tpu.memref_squeeze %dma_wait3A_374 : memref<1x1x128x384xf32, #tpu.memory_space<hbm>> -> memref<128x384xf32, #tpu.memory_space<hbm>>
        tpu.wait_dma2 semaphore(%run_scoped3A_361 : memref<!tpu.dma_semaphore, #tpu.memory_space<semaphore_mem>>) src(%dma_wait3A_375 : memref<128x384xf32, #tpu.memory_space<hbm>>) dst(%arg4 : memref<128x384xf32, #tpu.memory_space<vmem>>)
        tpu.yield
      }) : () -> ()
      %run_scoped3A_359 = arith.constant 1 : i32
      %run_scoped3A_360 = arith.constant 6 : i32
      "tpu.region"() ({
        %run_scoped3A_361 = tpu.sem_alloc : memref<!tpu.dma_semaphore, #tpu.memory_space<semaphore_mem>>
        %dma_start3A = arith.constant 0 : i32
        %dma_start3A_362 = arith.constant 0 : i32
        %dma_start3A_363 = tpu.memref_slice %arg3[%run_scoped3A_359, %run_scoped3A_360, %dma_start3A, %dma_start3A_362] : memref<3x8x384x384xf32, #tpu.memory_space<hbm>> -> memref<1x1x128x384xf32, #tpu.memory_space<hbm>>
        %dma_start3A_364 = tpu.memref_squeeze %dma_start3A_363 : memref<1x1x128x384xf32, #tpu.memory_space<hbm>> -> memref<128x384xf32, #tpu.memory_space<hbm>>
        %dma_start3A_365 = arith.constant 0 : i32
        %dma_start3A_366 = arith.constant 0 : i32
        %dma_start3A_367 = tpu.memref_slice %arg3[%run_scoped3A_359, %run_scoped3A_360, %dma_start3A_365, %dma_start3A_366] : memref<3x8x384x384xf32, #tpu.memory_space<hbm>> -> memref<1x1x128x384xf32, #tpu.memory_space<hbm>>
        %dma_start3A_368 = tpu.memref_squeeze %dma_start3A_367 : memref<1x1x128x384xf32, #tpu.memory_space<hbm>> -> memref<128x384xf32, #tpu.memory_space<hbm>>
        tpu.enqueue_dma source(%arg4 : memref<128x384xf32, #tpu.memory_space<vmem>>) target(%dma_start3A_368 : memref<128x384xf32, #tpu.memory_space<hbm>>) target_semaphore(%run_scoped3A_361 : memref<!tpu.dma_semaphore, #tpu.memory_space<semaphore_mem>>)
        %dma_wait3A = arith.constant 0 : i32
        %dma_wait3A_369 = arith.constant 0 : i32
        %dma_wait3A_370 = tpu.memref_slice %arg3[%run_scoped3A_359, %run_scoped3A_360, %dma_wait3A, %dma_wait3A_369] : memref<3x8x384x384xf32, #tpu.memory_space<hbm>> -> memref<1x1x128x384xf32, #tpu.memory_space<hbm>>
        %dma_wait3A_371 = tpu.memref_squeeze %dma_wait3A_370 : memref<1x1x128x384xf32, #tpu.memory_space<hbm>> -> memref<128x384xf32, #tpu.memory_space<hbm>>
        %dma_wait3A_372 = arith.constant 0 : i32
        %dma_wait3A_373 = arith.constant 0 : i32
        %dma_wait3A_374 = tpu.memref_slice %arg3[%run_scoped3A_359, %run_scoped3A_360, %dma_wait3A_372, %dma_wait3A_373] : memref<3x8x384x384xf32, #tpu.memory_space<hbm>> -> memref<1x1x128x384xf32, #tpu.memory_space<hbm>>
        %dma_wait3A_375 = tpu.memref_squeeze %dma_wait3A_374 : memref<1x1x128x384xf32, #tpu.memory_space<hbm>> -> memref<128x384xf32, #tpu.memory_space<hbm>>
        tpu.wait_dma2 semaphore(%run_scoped3A_361 : memref<!tpu.dma_semaphore, #tpu.memory_space<semaphore_mem>>) src(%arg4 : memref<128x384xf32, #tpu.memory_space<vmem>>) dst(%dma_wait3A_375 : memref<128x384xf32, #tpu.memory_space<hbm>>)
        tpu.yield
      }) : () -> ()
    } else {
    }
    %eq3A_213 = arith.constant 11 : i32
    %eq3A_214 = arith.cmpi eq, %add3A, %eq3A_213 : i32
    %convert_element_type3A_215 = arith.extui %eq3A_214 : i1 to i32
    %cond3A_216 = arith.constant 0 : i32
    %cond3A_217 = arith.cmpi ne, %convert_element_type3A_215, %cond3A_216 : i32
    scf.if %cond3A_217 {
      %run_scoped3A = arith.constant 1 : i32
      %run_scoped3A_358 = arith.constant 26 : i32
      "tpu.region"() ({
        %run_scoped3A_361 = tpu.sem_alloc : memref<!tpu.dma_semaphore, #tpu.memory_space<semaphore_mem>>
        %dma_start3A = arith.constant 128 : i32
        %dma_start3A_362 = arith.constant 0 : i32
        %dma_start3A_363 = tpu.memref_slice %arg2[%run_scoped3A, %run_scoped3A_358, %dma_start3A, %dma_start3A_362] : memref<3x32x384x384xf32, #tpu.memory_space<hbm>> -> memref<1x1x128x384xf32, #tpu.memory_space<hbm>>
        %dma_start3A_364 = tpu.memref_squeeze %dma_start3A_363 : memref<1x1x128x384xf32, #tpu.memory_space<hbm>> -> memref<128x384xf32, #tpu.memory_space<hbm>>
        %dma_start3A_365 = arith.constant 128 : i32
        %dma_start3A_366 = arith.constant 0 : i32
        %dma_start3A_367 = tpu.memref_slice %arg2[%run_scoped3A, %run_scoped3A_358, %dma_start3A_365, %dma_start3A_366] : memref<3x32x384x384xf32, #tpu.memory_space<hbm>> -> memref<1x1x128x384xf32, #tpu.memory_space<hbm>>
        %dma_start3A_368 = tpu.memref_squeeze %dma_start3A_367 : memref<1x1x128x384xf32, #tpu.memory_space<hbm>> -> memref<128x384xf32, #tpu.memory_space<hbm>>
        tpu.enqueue_dma source(%dma_start3A_368 : memref<128x384xf32, #tpu.memory_space<hbm>>) target(%arg4 : memref<128x384xf32, #tpu.memory_space<vmem>>) target_semaphore(%run_scoped3A_361 : memref<!tpu.dma_semaphore, #tpu.memory_space<semaphore_mem>>)
        %dma_wait3A = arith.constant 128 : i32
        %dma_wait3A_369 = arith.constant 0 : i32
        %dma_wait3A_370 = tpu.memref_slice %arg2[%run_scoped3A, %run_scoped3A_358, %dma_wait3A, %dma_wait3A_369] : memref<3x32x384x384xf32, #tpu.memory_space<hbm>> -> memref<1x1x128x384xf32, #tpu.memory_space<hbm>>
        %dma_wait3A_371 = tpu.memref_squeeze %dma_wait3A_370 : memref<1x1x128x384xf32, #tpu.memory_space<hbm>> -> memref<128x384xf32, #tpu.memory_space<hbm>>
        %dma_wait3A_372 = arith.constant 128 : i32
        %dma_wait3A_373 = arith.constant 0 : i32
        %dma_wait3A_374 = tpu.memref_slice %arg2[%run_scoped3A, %run_scoped3A_358, %dma_wait3A_372, %dma_wait3A_373] : memref<3x32x384x384xf32, #tpu.memory_space<hbm>> -> memref<1x1x128x384xf32, #tpu.memory_space<hbm>>
        %dma_wait3A_375 = tpu.memref_squeeze %dma_wait3A_374 : memref<1x1x128x384xf32, #tpu.memory_space<hbm>> -> memref<128x384xf32, #tpu.memory_space<hbm>>
        tpu.wait_dma2 semaphore(%run_scoped3A_361 : memref<!tpu.dma_semaphore, #tpu.memory_space<semaphore_mem>>) src(%dma_wait3A_375 : memref<128x384xf32, #tpu.memory_space<hbm>>) dst(%arg4 : memref<128x384xf32, #tpu.memory_space<vmem>>)
        tpu.yield
      }) : () -> ()
      %run_scoped3A_359 = arith.constant 1 : i32
      %run_scoped3A_360 = arith.constant 6 : i32
      "tpu.region"() ({
        %run_scoped3A_361 = tpu.sem_alloc : memref<!tpu.dma_semaphore, #tpu.memory_space<semaphore_mem>>
        %dma_start3A = arith.constant 128 : i32
        %dma_start3A_362 = arith.constant 0 : i32
        %dma_start3A_363 = tpu.memref_slice %arg3[%run_scoped3A_359, %run_scoped3A_360, %dma_start3A, %dma_start3A_362] : memref<3x8x384x384xf32, #tpu.memory_space<hbm>> -> memref<1x1x128x384xf32, #tpu.memory_space<hbm>>
        %dma_start3A_364 = tpu.memref_squeeze %dma_start3A_363 : memref<1x1x128x384xf32, #tpu.memory_space<hbm>> -> memref<128x384xf32, #tpu.memory_space<hbm>>
        %dma_start3A_365 = arith.constant 128 : i32
        %dma_start3A_366 = arith.constant 0 : i32
        %dma_start3A_367 = tpu.memref_slice %arg3[%run_scoped3A_359, %run_scoped3A_360, %dma_start3A_365, %dma_start3A_366] : memref<3x8x384x384xf32, #tpu.memory_space<hbm>> -> memref<1x1x128x384xf32, #tpu.memory_space<hbm>>
        %dma_start3A_368 = tpu.memref_squeeze %dma_start3A_367 : memref<1x1x128x384xf32, #tpu.memory_space<hbm>> -> memref<128x384xf32, #tpu.memory_space<hbm>>
        tpu.enqueue_dma source(%arg4 : memref<128x384xf32, #tpu.memory_space<vmem>>) target(%dma_start3A_368 : memref<128x384xf32, #tpu.memory_space<hbm>>) target_semaphore(%run_scoped3A_361 : memref<!tpu.dma_semaphore, #tpu.memory_space<semaphore_mem>>)
        %dma_wait3A = arith.constant 128 : i32
        %dma_wait3A_369 = arith.constant 0 : i32
        %dma_wait3A_370 = tpu.memref_slice %arg3[%run_scoped3A_359, %run_scoped3A_360, %dma_wait3A, %dma_wait3A_369] : memref<3x8x384x384xf32, #tpu.memory_space<hbm>> -> memref<1x1x128x384xf32, #tpu.memory_space<hbm>>
        %dma_wait3A_371 = tpu.memref_squeeze %dma_wait3A_370 : memref<1x1x128x384xf32, #tpu.memory_space<hbm>> -> memref<128x384xf32, #tpu.memory_space<hbm>>
        %dma_wait3A_372 = arith.constant 128 : i32
        %dma_wait3A_373 = arith.constant 0 : i32
        %dma_wait3A_374 = tpu.memref_slice %arg3[%run_scoped3A_359, %run_scoped3A_360, %dma_wait3A_372, %dma_wait3A_373] : memref<3x8x384x384xf32, #tpu.memory_space<hbm>> -> memref<1x1x128x384xf32, #tpu.memory_space<hbm>>
        %dma_wait3A_375 = tpu.memref_squeeze %dma_wait3A_374 : memref<1x1x128x384xf32, #tpu.memory_space<hbm>> -> memref<128x384xf32, #tpu.memory_space<hbm>>
        tpu.wait_dma2 semaphore(%run_scoped3A_361 : memref<!tpu.dma_semaphore, #tpu.memory_space<semaphore_mem>>) src(%arg4 : memref<128x384xf32, #tpu.memory_space<vmem>>) dst(%dma_wait3A_375 : memref<128x384xf32, #tpu.memory_space<hbm>>)
        tpu.yield
      }) : () -> ()
    } else {
    }
    %eq3A_218 = arith.constant 12 : i32
    %eq3A_219 = arith.cmpi eq, %add3A, %eq3A_218 : i32
    %convert_element_type3A_220 = arith.extui %eq3A_219 : i1 to i32
    %cond3A_221 = arith.constant 0 : i32
    %cond3A_222 = arith.cmpi ne, %convert_element_type3A_220, %cond3A_221 : i32
    scf.if %cond3A_222 {
      %run_scoped3A = arith.constant 1 : i32
      %run_scoped3A_358 = arith.constant 26 : i32
      "tpu.region"() ({
        %run_scoped3A_361 = tpu.sem_alloc : memref<!tpu.dma_semaphore, #tpu.memory_space<semaphore_mem>>
        %dma_start3A = arith.constant 256 : i32
        %dma_start3A_362 = arith.constant 0 : i32
        %dma_start3A_363 = tpu.memref_slice %arg2[%run_scoped3A, %run_scoped3A_358, %dma_start3A, %dma_start3A_362] : memref<3x32x384x384xf32, #tpu.memory_space<hbm>> -> memref<1x1x128x384xf32, #tpu.memory_space<hbm>>
        %dma_start3A_364 = tpu.memref_squeeze %dma_start3A_363 : memref<1x1x128x384xf32, #tpu.memory_space<hbm>> -> memref<128x384xf32, #tpu.memory_space<hbm>>
        %dma_start3A_365 = arith.constant 256 : i32
        %dma_start3A_366 = arith.constant 0 : i32
        %dma_start3A_367 = tpu.memref_slice %arg2[%run_scoped3A, %run_scoped3A_358, %dma_start3A_365, %dma_start3A_366] : memref<3x32x384x384xf32, #tpu.memory_space<hbm>> -> memref<1x1x128x384xf32, #tpu.memory_space<hbm>>
        %dma_start3A_368 = tpu.memref_squeeze %dma_start3A_367 : memref<1x1x128x384xf32, #tpu.memory_space<hbm>> -> memref<128x384xf32, #tpu.memory_space<hbm>>
        tpu.enqueue_dma source(%dma_start3A_368 : memref<128x384xf32, #tpu.memory_space<hbm>>) target(%arg4 : memref<128x384xf32, #tpu.memory_space<vmem>>) target_semaphore(%run_scoped3A_361 : memref<!tpu.dma_semaphore, #tpu.memory_space<semaphore_mem>>)
        %dma_wait3A = arith.constant 256 : i32
        %dma_wait3A_369 = arith.constant 0 : i32
        %dma_wait3A_370 = tpu.memref_slice %arg2[%run_scoped3A, %run_scoped3A_358, %dma_wait3A, %dma_wait3A_369] : memref<3x32x384x384xf32, #tpu.memory_space<hbm>> -> memref<1x1x128x384xf32, #tpu.memory_space<hbm>>
        %dma_wait3A_371 = tpu.memref_squeeze %dma_wait3A_370 : memref<1x1x128x384xf32, #tpu.memory_space<hbm>> -> memref<128x384xf32, #tpu.memory_space<hbm>>
        %dma_wait3A_372 = arith.constant 256 : i32
        %dma_wait3A_373 = arith.constant 0 : i32
        %dma_wait3A_374 = tpu.memref_slice %arg2[%run_scoped3A, %run_scoped3A_358, %dma_wait3A_372, %dma_wait3A_373] : memref<3x32x384x384xf32, #tpu.memory_space<hbm>> -> memref<1x1x128x384xf32, #tpu.memory_space<hbm>>
        %dma_wait3A_375 = tpu.memref_squeeze %dma_wait3A_374 : memref<1x1x128x384xf32, #tpu.memory_space<hbm>> -> memref<128x384xf32, #tpu.memory_space<hbm>>
        tpu.wait_dma2 semaphore(%run_scoped3A_361 : memref<!tpu.dma_semaphore, #tpu.memory_space<semaphore_mem>>) src(%dma_wait3A_375 : memref<128x384xf32, #tpu.memory_space<hbm>>) dst(%arg4 : memref<128x384xf32, #tpu.memory_space<vmem>>)
        tpu.yield
      }) : () -> ()
      %run_scoped3A_359 = arith.constant 1 : i32
      %run_scoped3A_360 = arith.constant 6 : i32
      "tpu.region"() ({
        %run_scoped3A_361 = tpu.sem_alloc : memref<!tpu.dma_semaphore, #tpu.memory_space<semaphore_mem>>
        %dma_start3A = arith.constant 256 : i32
        %dma_start3A_362 = arith.constant 0 : i32
        %dma_start3A_363 = tpu.memref_slice %arg3[%run_scoped3A_359, %run_scoped3A_360, %dma_start3A, %dma_start3A_362] : memref<3x8x384x384xf32, #tpu.memory_space<hbm>> -> memref<1x1x128x384xf32, #tpu.memory_space<hbm>>
        %dma_start3A_364 = tpu.memref_squeeze %dma_start3A_363 : memref<1x1x128x384xf32, #tpu.memory_space<hbm>> -> memref<128x384xf32, #tpu.memory_space<hbm>>
        %dma_start3A_365 = arith.constant 256 : i32
        %dma_start3A_366 = arith.constant 0 : i32
        %dma_start3A_367 = tpu.memref_slice %arg3[%run_scoped3A_359, %run_scoped3A_360, %dma_start3A_365, %dma_start3A_366] : memref<3x8x384x384xf32, #tpu.memory_space<hbm>> -> memref<1x1x128x384xf32, #tpu.memory_space<hbm>>
        %dma_start3A_368 = tpu.memref_squeeze %dma_start3A_367 : memref<1x1x128x384xf32, #tpu.memory_space<hbm>> -> memref<128x384xf32, #tpu.memory_space<hbm>>
        tpu.enqueue_dma source(%arg4 : memref<128x384xf32, #tpu.memory_space<vmem>>) target(%dma_start3A_368 : memref<128x384xf32, #tpu.memory_space<hbm>>) target_semaphore(%run_scoped3A_361 : memref<!tpu.dma_semaphore, #tpu.memory_space<semaphore_mem>>)
        %dma_wait3A = arith.constant 256 : i32
        %dma_wait3A_369 = arith.constant 0 : i32
        %dma_wait3A_370 = tpu.memref_slice %arg3[%run_scoped3A_359, %run_scoped3A_360, %dma_wait3A, %dma_wait3A_369] : memref<3x8x384x384xf32, #tpu.memory_space<hbm>> -> memref<1x1x128x384xf32, #tpu.memory_space<hbm>>
        %dma_wait3A_371 = tpu.memref_squeeze %dma_wait3A_370 : memref<1x1x128x384xf32, #tpu.memory_space<hbm>> -> memref<128x384xf32, #tpu.memory_space<hbm>>
        %dma_wait3A_372 = arith.constant 256 : i32
        %dma_wait3A_373 = arith.constant 0 : i32
        %dma_wait3A_374 = tpu.memref_slice %arg3[%run_scoped3A_359, %run_scoped3A_360, %dma_wait3A_372, %dma_wait3A_373] : memref<3x8x384x384xf32, #tpu.memory_space<hbm>> -> memref<1x1x128x384xf32, #tpu.memory_space<hbm>>
        %dma_wait3A_375 = tpu.memref_squeeze %dma_wait3A_374 : memref<1x1x128x384xf32, #tpu.memory_space<hbm>> -> memref<128x384xf32, #tpu.memory_space<hbm>>
        tpu.wait_dma2 semaphore(%run_scoped3A_361 : memref<!tpu.dma_semaphore, #tpu.memory_space<semaphore_mem>>) src(%arg4 : memref<128x384xf32, #tpu.memory_space<vmem>>) dst(%dma_wait3A_375 : memref<128x384xf32, #tpu.memory_space<hbm>>)
        tpu.yield
      }) : () -> ()
    } else {
    }
    %eq3A_223 = arith.constant 13 : i32
    %eq3A_224 = arith.cmpi eq, %add3A, %eq3A_223 : i32
    %convert_element_type3A_225 = arith.extui %eq3A_224 : i1 to i32
    %cond3A_226 = arith.constant 0 : i32
    %cond3A_227 = arith.cmpi ne, %convert_element_type3A_225, %cond3A_226 : i32
    scf.if %cond3A_227 {
      %run_scoped3A = arith.constant 1 : i32
      %run_scoped3A_358 = arith.constant 31 : i32
      "tpu.region"() ({
        %run_scoped3A_361 = tpu.sem_alloc : memref<!tpu.dma_semaphore, #tpu.memory_space<semaphore_mem>>
        %dma_start3A = arith.constant 0 : i32
        %dma_start3A_362 = arith.constant 0 : i32
        %dma_start3A_363 = tpu.memref_slice %arg2[%run_scoped3A, %run_scoped3A_358, %dma_start3A, %dma_start3A_362] : memref<3x32x384x384xf32, #tpu.memory_space<hbm>> -> memref<1x1x128x384xf32, #tpu.memory_space<hbm>>
        %dma_start3A_364 = tpu.memref_squeeze %dma_start3A_363 : memref<1x1x128x384xf32, #tpu.memory_space<hbm>> -> memref<128x384xf32, #tpu.memory_space<hbm>>
        %dma_start3A_365 = arith.constant 0 : i32
        %dma_start3A_366 = arith.constant 0 : i32
        %dma_start3A_367 = tpu.memref_slice %arg2[%run_scoped3A, %run_scoped3A_358, %dma_start3A_365, %dma_start3A_366] : memref<3x32x384x384xf32, #tpu.memory_space<hbm>> -> memref<1x1x128x384xf32, #tpu.memory_space<hbm>>
        %dma_start3A_368 = tpu.memref_squeeze %dma_start3A_367 : memref<1x1x128x384xf32, #tpu.memory_space<hbm>> -> memref<128x384xf32, #tpu.memory_space<hbm>>
        tpu.enqueue_dma source(%dma_start3A_368 : memref<128x384xf32, #tpu.memory_space<hbm>>) target(%arg4 : memref<128x384xf32, #tpu.memory_space<vmem>>) target_semaphore(%run_scoped3A_361 : memref<!tpu.dma_semaphore, #tpu.memory_space<semaphore_mem>>)
        %dma_wait3A = arith.constant 0 : i32
        %dma_wait3A_369 = arith.constant 0 : i32
        %dma_wait3A_370 = tpu.memref_slice %arg2[%run_scoped3A, %run_scoped3A_358, %dma_wait3A, %dma_wait3A_369] : memref<3x32x384x384xf32, #tpu.memory_space<hbm>> -> memref<1x1x128x384xf32, #tpu.memory_space<hbm>>
        %dma_wait3A_371 = tpu.memref_squeeze %dma_wait3A_370 : memref<1x1x128x384xf32, #tpu.memory_space<hbm>> -> memref<128x384xf32, #tpu.memory_space<hbm>>
        %dma_wait3A_372 = arith.constant 0 : i32
        %dma_wait3A_373 = arith.constant 0 : i32
        %dma_wait3A_374 = tpu.memref_slice %arg2[%run_scoped3A, %run_scoped3A_358, %dma_wait3A_372, %dma_wait3A_373] : memref<3x32x384x384xf32, #tpu.memory_space<hbm>> -> memref<1x1x128x384xf32, #tpu.memory_space<hbm>>
        %dma_wait3A_375 = tpu.memref_squeeze %dma_wait3A_374 : memref<1x1x128x384xf32, #tpu.memory_space<hbm>> -> memref<128x384xf32, #tpu.memory_space<hbm>>
        tpu.wait_dma2 semaphore(%run_scoped3A_361 : memref<!tpu.dma_semaphore, #tpu.memory_space<semaphore_mem>>) src(%dma_wait3A_375 : memref<128x384xf32, #tpu.memory_space<hbm>>) dst(%arg4 : memref<128x384xf32, #tpu.memory_space<vmem>>)
        tpu.yield
      }) : () -> ()
      %run_scoped3A_359 = arith.constant 1 : i32
      %run_scoped3A_360 = arith.constant 7 : i32
      "tpu.region"() ({
        %run_scoped3A_361 = tpu.sem_alloc : memref<!tpu.dma_semaphore, #tpu.memory_space<semaphore_mem>>
        %dma_start3A = arith.constant 0 : i32
        %dma_start3A_362 = arith.constant 0 : i32
        %dma_start3A_363 = tpu.memref_slice %arg3[%run_scoped3A_359, %run_scoped3A_360, %dma_start3A, %dma_start3A_362] : memref<3x8x384x384xf32, #tpu.memory_space<hbm>> -> memref<1x1x128x384xf32, #tpu.memory_space<hbm>>
        %dma_start3A_364 = tpu.memref_squeeze %dma_start3A_363 : memref<1x1x128x384xf32, #tpu.memory_space<hbm>> -> memref<128x384xf32, #tpu.memory_space<hbm>>
        %dma_start3A_365 = arith.constant 0 : i32
        %dma_start3A_366 = arith.constant 0 : i32
        %dma_start3A_367 = tpu.memref_slice %arg3[%run_scoped3A_359, %run_scoped3A_360, %dma_start3A_365, %dma_start3A_366] : memref<3x8x384x384xf32, #tpu.memory_space<hbm>> -> memref<1x1x128x384xf32, #tpu.memory_space<hbm>>
        %dma_start3A_368 = tpu.memref_squeeze %dma_start3A_367 : memref<1x1x128x384xf32, #tpu.memory_space<hbm>> -> memref<128x384xf32, #tpu.memory_space<hbm>>
        tpu.enqueue_dma source(%arg4 : memref<128x384xf32, #tpu.memory_space<vmem>>) target(%dma_start3A_368 : memref<128x384xf32, #tpu.memory_space<hbm>>) target_semaphore(%run_scoped3A_361 : memref<!tpu.dma_semaphore, #tpu.memory_space<semaphore_mem>>)
        %dma_wait3A = arith.constant 0 : i32
        %dma_wait3A_369 = arith.constant 0 : i32
        %dma_wait3A_370 = tpu.memref_slice %arg3[%run_scoped3A_359, %run_scoped3A_360, %dma_wait3A, %dma_wait3A_369] : memref<3x8x384x384xf32, #tpu.memory_space<hbm>> -> memref<1x1x128x384xf32, #tpu.memory_space<hbm>>
        %dma_wait3A_371 = tpu.memref_squeeze %dma_wait3A_370 : memref<1x1x128x384xf32, #tpu.memory_space<hbm>> -> memref<128x384xf32, #tpu.memory_space<hbm>>
        %dma_wait3A_372 = arith.constant 0 : i32
        %dma_wait3A_373 = arith.constant 0 : i32
        %dma_wait3A_374 = tpu.memref_slice %arg3[%run_scoped3A_359, %run_scoped3A_360, %dma_wait3A_372, %dma_wait3A_373] : memref<3x8x384x384xf32, #tpu.memory_space<hbm>> -> memref<1x1x128x384xf32, #tpu.memory_space<hbm>>
        %dma_wait3A_375 = tpu.memref_squeeze %dma_wait3A_374 : memref<1x1x128x384xf32, #tpu.memory_space<hbm>> -> memref<128x384xf32, #tpu.memory_space<hbm>>
        tpu.wait_dma2 semaphore(%run_scoped3A_361 : memref<!tpu.dma_semaphore, #tpu.memory_space<semaphore_mem>>) src(%arg4 : memref<128x384xf32, #tpu.memory_space<vmem>>) dst(%dma_wait3A_375 : memref<128x384xf32, #tpu.memory_space<hbm>>)
        tpu.yield
      }) : () -> ()
    } else {
    }
    %eq3A_228 = arith.constant 14 : i32
    %eq3A_229 = arith.cmpi eq, %add3A, %eq3A_228 : i32
    %convert_element_type3A_230 = arith.extui %eq3A_229 : i1 to i32
    %cond3A_231 = arith.constant 0 : i32
    %cond3A_232 = arith.cmpi ne, %convert_element_type3A_230, %cond3A_231 : i32
    scf.if %cond3A_232 {
      %run_scoped3A = arith.constant 1 : i32
      %run_scoped3A_358 = arith.constant 31 : i32
      "tpu.region"() ({
        %run_scoped3A_361 = tpu.sem_alloc : memref<!tpu.dma_semaphore, #tpu.memory_space<semaphore_mem>>
        %dma_start3A = arith.constant 128 : i32
        %dma_start3A_362 = arith.constant 0 : i32
        %dma_start3A_363 = tpu.memref_slice %arg2[%run_scoped3A, %run_scoped3A_358, %dma_start3A, %dma_start3A_362] : memref<3x32x384x384xf32, #tpu.memory_space<hbm>> -> memref<1x1x128x384xf32, #tpu.memory_space<hbm>>
        %dma_start3A_364 = tpu.memref_squeeze %dma_start3A_363 : memref<1x1x128x384xf32, #tpu.memory_space<hbm>> -> memref<128x384xf32, #tpu.memory_space<hbm>>
        %dma_start3A_365 = arith.constant 128 : i32
        %dma_start3A_366 = arith.constant 0 : i32
        %dma_start3A_367 = tpu.memref_slice %arg2[%run_scoped3A, %run_scoped3A_358, %dma_start3A_365, %dma_start3A_366] : memref<3x32x384x384xf32, #tpu.memory_space<hbm>> -> memref<1x1x128x384xf32, #tpu.memory_space<hbm>>
        %dma_start3A_368 = tpu.memref_squeeze %dma_start3A_367 : memref<1x1x128x384xf32, #tpu.memory_space<hbm>> -> memref<128x384xf32, #tpu.memory_space<hbm>>
        tpu.enqueue_dma source(%dma_start3A_368 : memref<128x384xf32, #tpu.memory_space<hbm>>) target(%arg4 : memref<128x384xf32, #tpu.memory_space<vmem>>) target_semaphore(%run_scoped3A_361 : memref<!tpu.dma_semaphore, #tpu.memory_space<semaphore_mem>>)
        %dma_wait3A = arith.constant 128 : i32
        %dma_wait3A_369 = arith.constant 0 : i32
        %dma_wait3A_370 = tpu.memref_slice %arg2[%run_scoped3A, %run_scoped3A_358, %dma_wait3A, %dma_wait3A_369] : memref<3x32x384x384xf32, #tpu.memory_space<hbm>> -> memref<1x1x128x384xf32, #tpu.memory_space<hbm>>
        %dma_wait3A_371 = tpu.memref_squeeze %dma_wait3A_370 : memref<1x1x128x384xf32, #tpu.memory_space<hbm>> -> memref<128x384xf32, #tpu.memory_space<hbm>>
        %dma_wait3A_372 = arith.constant 128 : i32
        %dma_wait3A_373 = arith.constant 0 : i32
        %dma_wait3A_374 = tpu.memref_slice %arg2[%run_scoped3A, %run_scoped3A_358, %dma_wait3A_372, %dma_wait3A_373] : memref<3x32x384x384xf32, #tpu.memory_space<hbm>> -> memref<1x1x128x384xf32, #tpu.memory_space<hbm>>
        %dma_wait3A_375 = tpu.memref_squeeze %dma_wait3A_374 : memref<1x1x128x384xf32, #tpu.memory_space<hbm>> -> memref<128x384xf32, #tpu.memory_space<hbm>>
        tpu.wait_dma2 semaphore(%run_scoped3A_361 : memref<!tpu.dma_semaphore, #tpu.memory_space<semaphore_mem>>) src(%dma_wait3A_375 : memref<128x384xf32, #tpu.memory_space<hbm>>) dst(%arg4 : memref<128x384xf32, #tpu.memory_space<vmem>>)
        tpu.yield
      }) : () -> ()
      %run_scoped3A_359 = arith.constant 1 : i32
      %run_scoped3A_360 = arith.constant 7 : i32
      "tpu.region"() ({
        %run_scoped3A_361 = tpu.sem_alloc : memref<!tpu.dma_semaphore, #tpu.memory_space<semaphore_mem>>
        %dma_start3A = arith.constant 128 : i32
        %dma_start3A_362 = arith.constant 0 : i32
        %dma_start3A_363 = tpu.memref_slice %arg3[%run_scoped3A_359, %run_scoped3A_360, %dma_start3A, %dma_start3A_362] : memref<3x8x384x384xf32, #tpu.memory_space<hbm>> -> memref<1x1x128x384xf32, #tpu.memory_space<hbm>>
        %dma_start3A_364 = tpu.memref_squeeze %dma_start3A_363 : memref<1x1x128x384xf32, #tpu.memory_space<hbm>> -> memref<128x384xf32, #tpu.memory_space<hbm>>
        %dma_start3A_365 = arith.constant 128 : i32
        %dma_start3A_366 = arith.constant 0 : i32
        %dma_start3A_367 = tpu.memref_slice %arg3[%run_scoped3A_359, %run_scoped3A_360, %dma_start3A_365, %dma_start3A_366] : memref<3x8x384x384xf32, #tpu.memory_space<hbm>> -> memref<1x1x128x384xf32, #tpu.memory_space<hbm>>
        %dma_start3A_368 = tpu.memref_squeeze %dma_start3A_367 : memref<1x1x128x384xf32, #tpu.memory_space<hbm>> -> memref<128x384xf32, #tpu.memory_space<hbm>>
        tpu.enqueue_dma source(%arg4 : memref<128x384xf32, #tpu.memory_space<vmem>>) target(%dma_start3A_368 : memref<128x384xf32, #tpu.memory_space<hbm>>) target_semaphore(%run_scoped3A_361 : memref<!tpu.dma_semaphore, #tpu.memory_space<semaphore_mem>>)
        %dma_wait3A = arith.constant 128 : i32
        %dma_wait3A_369 = arith.constant 0 : i32
        %dma_wait3A_370 = tpu.memref_slice %arg3[%run_scoped3A_359, %run_scoped3A_360, %dma_wait3A, %dma_wait3A_369] : memref<3x8x384x384xf32, #tpu.memory_space<hbm>> -> memref<1x1x128x384xf32, #tpu.memory_space<hbm>>
        %dma_wait3A_371 = tpu.memref_squeeze %dma_wait3A_370 : memref<1x1x128x384xf32, #tpu.memory_space<hbm>> -> memref<128x384xf32, #tpu.memory_space<hbm>>
        %dma_wait3A_372 = arith.constant 128 : i32
        %dma_wait3A_373 = arith.constant 0 : i32
        %dma_wait3A_374 = tpu.memref_slice %arg3[%run_scoped3A_359, %run_scoped3A_360, %dma_wait3A_372, %dma_wait3A_373] : memref<3x8x384x384xf32, #tpu.memory_space<hbm>> -> memref<1x1x128x384xf32, #tpu.memory_space<hbm>>
        %dma_wait3A_375 = tpu.memref_squeeze %dma_wait3A_374 : memref<1x1x128x384xf32, #tpu.memory_space<hbm>> -> memref<128x384xf32, #tpu.memory_space<hbm>>
        tpu.wait_dma2 semaphore(%run_scoped3A_361 : memref<!tpu.dma_semaphore, #tpu.memory_space<semaphore_mem>>) src(%arg4 : memref<128x384xf32, #tpu.memory_space<vmem>>) dst(%dma_wait3A_375 : memref<128x384xf32, #tpu.memory_space<hbm>>)
        tpu.yield
      }) : () -> ()
    } else {
    }
    %eq3A_233 = arith.constant 15 : i32
    %eq3A_234 = arith.cmpi eq, %add3A, %eq3A_233 : i32
    %convert_element_type3A_235 = arith.extui %eq3A_234 : i1 to i32
    %cond3A_236 = arith.constant 0 : i32
    %cond3A_237 = arith.cmpi ne, %convert_element_type3A_235, %cond3A_236 : i32
    scf.if %cond3A_237 {
      %run_scoped3A = arith.constant 1 : i32
      %run_scoped3A_358 = arith.constant 31 : i32
      "tpu.region"() ({
        %run_scoped3A_361 = tpu.sem_alloc : memref<!tpu.dma_semaphore, #tpu.memory_space<semaphore_mem>>
        %dma_start3A = arith.constant 256 : i32
        %dma_start3A_362 = arith.constant 0 : i32
        %dma_start3A_363 = tpu.memref_slice %arg2[%run_scoped3A, %run_scoped3A_358, %dma_start3A, %dma_start3A_362] : memref<3x32x384x384xf32, #tpu.memory_space<hbm>> -> memref<1x1x128x384xf32, #tpu.memory_space<hbm>>
        %dma_start3A_364 = tpu.memref_squeeze %dma_start3A_363 : memref<1x1x128x384xf32, #tpu.memory_space<hbm>> -> memref<128x384xf32, #tpu.memory_space<hbm>>
        %dma_start3A_365 = arith.constant 256 : i32
        %dma_start3A_366 = arith.constant 0 : i32
        %dma_start3A_367 = tpu.memref_slice %arg2[%run_scoped3A, %run_scoped3A_358, %dma_start3A_365, %dma_start3A_366] : memref<3x32x384x384xf32, #tpu.memory_space<hbm>> -> memref<1x1x128x384xf32, #tpu.memory_space<hbm>>
        %dma_start3A_368 = tpu.memref_squeeze %dma_start3A_367 : memref<1x1x128x384xf32, #tpu.memory_space<hbm>> -> memref<128x384xf32, #tpu.memory_space<hbm>>
        tpu.enqueue_dma source(%dma_start3A_368 : memref<128x384xf32, #tpu.memory_space<hbm>>) target(%arg4 : memref<128x384xf32, #tpu.memory_space<vmem>>) target_semaphore(%run_scoped3A_361 : memref<!tpu.dma_semaphore, #tpu.memory_space<semaphore_mem>>)
        %dma_wait3A = arith.constant 256 : i32
        %dma_wait3A_369 = arith.constant 0 : i32
        %dma_wait3A_370 = tpu.memref_slice %arg2[%run_scoped3A, %run_scoped3A_358, %dma_wait3A, %dma_wait3A_369] : memref<3x32x384x384xf32, #tpu.memory_space<hbm>> -> memref<1x1x128x384xf32, #tpu.memory_space<hbm>>
        %dma_wait3A_371 = tpu.memref_squeeze %dma_wait3A_370 : memref<1x1x128x384xf32, #tpu.memory_space<hbm>> -> memref<128x384xf32, #tpu.memory_space<hbm>>
        %dma_wait3A_372 = arith.constant 256 : i32
        %dma_wait3A_373 = arith.constant 0 : i32
        %dma_wait3A_374 = tpu.memref_slice %arg2[%run_scoped3A, %run_scoped3A_358, %dma_wait3A_372, %dma_wait3A_373] : memref<3x32x384x384xf32, #tpu.memory_space<hbm>> -> memref<1x1x128x384xf32, #tpu.memory_space<hbm>>
        %dma_wait3A_375 = tpu.memref_squeeze %dma_wait3A_374 : memref<1x1x128x384xf32, #tpu.memory_space<hbm>> -> memref<128x384xf32, #tpu.memory_space<hbm>>
        tpu.wait_dma2 semaphore(%run_scoped3A_361 : memref<!tpu.dma_semaphore, #tpu.memory_space<semaphore_mem>>) src(%dma_wait3A_375 : memref<128x384xf32, #tpu.memory_space<hbm>>) dst(%arg4 : memref<128x384xf32, #tpu.memory_space<vmem>>)
        tpu.yield
      }) : () -> ()
      %run_scoped3A_359 = arith.constant 1 : i32
      %run_scoped3A_360 = arith.constant 7 : i32
      "tpu.region"() ({
        %run_scoped3A_361 = tpu.sem_alloc : memref<!tpu.dma_semaphore, #tpu.memory_space<semaphore_mem>>
        %dma_start3A = arith.constant 256 : i32
        %dma_start3A_362 = arith.constant 0 : i32
        %dma_start3A_363 = tpu.memref_slice %arg3[%run_scoped3A_359, %run_scoped3A_360, %dma_start3A, %dma_start3A_362] : memref<3x8x384x384xf32, #tpu.memory_space<hbm>> -> memref<1x1x128x384xf32, #tpu.memory_space<hbm>>
        %dma_start3A_364 = tpu.memref_squeeze %dma_start3A_363 : memref<1x1x128x384xf32, #tpu.memory_space<hbm>> -> memref<128x384xf32, #tpu.memory_space<hbm>>
        %dma_start3A_365 = arith.constant 256 : i32
        %dma_start3A_366 = arith.constant 0 : i32
        %dma_start3A_367 = tpu.memref_slice %arg3[%run_scoped3A_359, %run_scoped3A_360, %dma_start3A_365, %dma_start3A_366] : memref<3x8x384x384xf32, #tpu.memory_space<hbm>> -> memref<1x1x128x384xf32, #tpu.memory_space<hbm>>
        %dma_start3A_368 = tpu.memref_squeeze %dma_start3A_367 : memref<1x1x128x384xf32, #tpu.memory_space<hbm>> -> memref<128x384xf32, #tpu.memory_space<hbm>>
        tpu.enqueue_dma source(%arg4 : memref<128x384xf32, #tpu.memory_space<vmem>>) target(%dma_start3A_368 : memref<128x384xf32, #tpu.memory_space<hbm>>) target_semaphore(%run_scoped3A_361 : memref<!tpu.dma_semaphore, #tpu.memory_space<semaphore_mem>>)
        %dma_wait3A = arith.constant 256 : i32
        %dma_wait3A_369 = arith.constant 0 : i32
        %dma_wait3A_370 = tpu.memref_slice %arg3[%run_scoped3A_359, %run_scoped3A_360, %dma_wait3A, %dma_wait3A_369] : memref<3x8x384x384xf32, #tpu.memory_space<hbm>> -> memref<1x1x128x384xf32, #tpu.memory_space<hbm>>
        %dma_wait3A_371 = tpu.memref_squeeze %dma_wait3A_370 : memref<1x1x128x384xf32, #tpu.memory_space<hbm>> -> memref<128x384xf32, #tpu.memory_space<hbm>>
        %dma_wait3A_372 = arith.constant 256 : i32
        %dma_wait3A_373 = arith.constant 0 : i32
        %dma_wait3A_374 = tpu.memref_slice %arg3[%run_scoped3A_359, %run_scoped3A_360, %dma_wait3A_372, %dma_wait3A_373] : memref<3x8x384x384xf32, #tpu.memory_space<hbm>> -> memref<1x1x128x384xf32, #tpu.memory_space<hbm>>
        %dma_wait3A_375 = tpu.memref_squeeze %dma_wait3A_374 : memref<1x1x128x384xf32, #tpu.memory_space<hbm>> -> memref<128x384xf32, #tpu.memory_space<hbm>>
        tpu.wait_dma2 semaphore(%run_scoped3A_361 : memref<!tpu.dma_semaphore, #tpu.memory_space<semaphore_mem>>) src(%arg4 : memref<128x384xf32, #tpu.memory_space<vmem>>) dst(%dma_wait3A_375 : memref<128x384xf32, #tpu.memory_space<hbm>>)
        tpu.yield
      }) : () -> ()
    } else {
    }
    %eq3A_238 = arith.constant 16 : i32
    %eq3A_239 = arith.cmpi eq, %add3A, %eq3A_238 : i32
    %convert_element_type3A_240 = arith.extui %eq3A_239 : i1 to i32
    %cond3A_241 = arith.constant 0 : i32
    %cond3A_242 = arith.cmpi ne, %convert_element_type3A_240, %cond3A_241 : i32
    scf.if %cond3A_242 {
      %run_scoped3A = arith.constant 2 : i32
      %run_scoped3A_358 = arith.constant 0 : i32
      "tpu.region"() ({
        %run_scoped3A_361 = tpu.sem_alloc : memref<!tpu.dma_semaphore, #tpu.memory_space<semaphore_mem>>
        %dma_start3A = arith.constant 0 : i32
        %dma_start3A_362 = arith.constant 0 : i32
        %dma_start3A_363 = tpu.memref_slice %arg2[%run_scoped3A, %run_scoped3A_358, %dma_start3A, %dma_start3A_362] : memref<3x32x384x384xf32, #tpu.memory_space<hbm>> -> memref<1x1x128x384xf32, #tpu.memory_space<hbm>>
        %dma_start3A_364 = tpu.memref_squeeze %dma_start3A_363 : memref<1x1x128x384xf32, #tpu.memory_space<hbm>> -> memref<128x384xf32, #tpu.memory_space<hbm>>
        %dma_start3A_365 = arith.constant 0 : i32
        %dma_start3A_366 = arith.constant 0 : i32
        %dma_start3A_367 = tpu.memref_slice %arg2[%run_scoped3A, %run_scoped3A_358, %dma_start3A_365, %dma_start3A_366] : memref<3x32x384x384xf32, #tpu.memory_space<hbm>> -> memref<1x1x128x384xf32, #tpu.memory_space<hbm>>
        %dma_start3A_368 = tpu.memref_squeeze %dma_start3A_367 : memref<1x1x128x384xf32, #tpu.memory_space<hbm>> -> memref<128x384xf32, #tpu.memory_space<hbm>>
        tpu.enqueue_dma source(%dma_start3A_368 : memref<128x384xf32, #tpu.memory_space<hbm>>) target(%arg4 : memref<128x384xf32, #tpu.memory_space<vmem>>) target_semaphore(%run_scoped3A_361 : memref<!tpu.dma_semaphore, #tpu.memory_space<semaphore_mem>>)
        %dma_wait3A = arith.constant 0 : i32
        %dma_wait3A_369 = arith.constant 0 : i32
        %dma_wait3A_370 = tpu.memref_slice %arg2[%run_scoped3A, %run_scoped3A_358, %dma_wait3A, %dma_wait3A_369] : memref<3x32x384x384xf32, #tpu.memory_space<hbm>> -> memref<1x1x128x384xf32, #tpu.memory_space<hbm>>
        %dma_wait3A_371 = tpu.memref_squeeze %dma_wait3A_370 : memref<1x1x128x384xf32, #tpu.memory_space<hbm>> -> memref<128x384xf32, #tpu.memory_space<hbm>>
        %dma_wait3A_372 = arith.constant 0 : i32
        %dma_wait3A_373 = arith.constant 0 : i32
        %dma_wait3A_374 = tpu.memref_slice %arg2[%run_scoped3A, %run_scoped3A_358, %dma_wait3A_372, %dma_wait3A_373] : memref<3x32x384x384xf32, #tpu.memory_space<hbm>> -> memref<1x1x128x384xf32, #tpu.memory_space<hbm>>
        %dma_wait3A_375 = tpu.memref_squeeze %dma_wait3A_374 : memref<1x1x128x384xf32, #tpu.memory_space<hbm>> -> memref<128x384xf32, #tpu.memory_space<hbm>>
        tpu.wait_dma2 semaphore(%run_scoped3A_361 : memref<!tpu.dma_semaphore, #tpu.memory_space<semaphore_mem>>) src(%dma_wait3A_375 : memref<128x384xf32, #tpu.memory_space<hbm>>) dst(%arg4 : memref<128x384xf32, #tpu.memory_space<vmem>>)
        tpu.yield
      }) : () -> ()
      %run_scoped3A_359 = arith.constant 2 : i32
      %run_scoped3A_360 = arith.constant 0 : i32
      "tpu.region"() ({
        %run_scoped3A_361 = tpu.sem_alloc : memref<!tpu.dma_semaphore, #tpu.memory_space<semaphore_mem>>
        %dma_start3A = arith.constant 0 : i32
        %dma_start3A_362 = arith.constant 0 : i32
        %dma_start3A_363 = tpu.memref_slice %arg3[%run_scoped3A_359, %run_scoped3A_360, %dma_start3A, %dma_start3A_362] : memref<3x8x384x384xf32, #tpu.memory_space<hbm>> -> memref<1x1x128x384xf32, #tpu.memory_space<hbm>>
        %dma_start3A_364 = tpu.memref_squeeze %dma_start3A_363 : memref<1x1x128x384xf32, #tpu.memory_space<hbm>> -> memref<128x384xf32, #tpu.memory_space<hbm>>
        %dma_start3A_365 = arith.constant 0 : i32
        %dma_start3A_366 = arith.constant 0 : i32
        %dma_start3A_367 = tpu.memref_slice %arg3[%run_scoped3A_359, %run_scoped3A_360, %dma_start3A_365, %dma_start3A_366] : memref<3x8x384x384xf32, #tpu.memory_space<hbm>> -> memref<1x1x128x384xf32, #tpu.memory_space<hbm>>
        %dma_start3A_368 = tpu.memref_squeeze %dma_start3A_367 : memref<1x1x128x384xf32, #tpu.memory_space<hbm>> -> memref<128x384xf32, #tpu.memory_space<hbm>>
        tpu.enqueue_dma source(%arg4 : memref<128x384xf32, #tpu.memory_space<vmem>>) target(%dma_start3A_368 : memref<128x384xf32, #tpu.memory_space<hbm>>) target_semaphore(%run_scoped3A_361 : memref<!tpu.dma_semaphore, #tpu.memory_space<semaphore_mem>>)
        %dma_wait3A = arith.constant 0 : i32
        %dma_wait3A_369 = arith.constant 0 : i32
        %dma_wait3A_370 = tpu.memref_slice %arg3[%run_scoped3A_359, %run_scoped3A_360, %dma_wait3A, %dma_wait3A_369] : memref<3x8x384x384xf32, #tpu.memory_space<hbm>> -> memref<1x1x128x384xf32, #tpu.memory_space<hbm>>
        %dma_wait3A_371 = tpu.memref_squeeze %dma_wait3A_370 : memref<1x1x128x384xf32, #tpu.memory_space<hbm>> -> memref<128x384xf32, #tpu.memory_space<hbm>>
        %dma_wait3A_372 = arith.constant 0 : i32
        %dma_wait3A_373 = arith.constant 0 : i32
        %dma_wait3A_374 = tpu.memref_slice %arg3[%run_scoped3A_359, %run_scoped3A_360, %dma_wait3A_372, %dma_wait3A_373] : memref<3x8x384x384xf32, #tpu.memory_space<hbm>> -> memref<1x1x128x384xf32, #tpu.memory_space<hbm>>
        %dma_wait3A_375 = tpu.memref_squeeze %dma_wait3A_374 : memref<1x1x128x384xf32, #tpu.memory_space<hbm>> -> memref<128x384xf32, #tpu.memory_space<hbm>>
        tpu.wait_dma2 semaphore(%run_scoped3A_361 : memref<!tpu.dma_semaphore, #tpu.memory_space<semaphore_mem>>) src(%arg4 : memref<128x384xf32, #tpu.memory_space<vmem>>) dst(%dma_wait3A_375 : memref<128x384xf32, #tpu.memory_space<hbm>>)
        tpu.yield
      }) : () -> ()
    } else {
    }
    %eq3A_243 = arith.constant 17 : i32
    %eq3A_244 = arith.cmpi eq, %add3A, %eq3A_243 : i32
    %convert_element_type3A_245 = arith.extui %eq3A_244 : i1 to i32
    %cond3A_246 = arith.constant 0 : i32
    %cond3A_247 = arith.cmpi ne, %convert_element_type3A_245, %cond3A_246 : i32
    scf.if %cond3A_247 {
      %run_scoped3A = arith.constant 2 : i32
      %run_scoped3A_358 = arith.constant 0 : i32
      "tpu.region"() ({
        %run_scoped3A_361 = tpu.sem_alloc : memref<!tpu.dma_semaphore, #tpu.memory_space<semaphore_mem>>
        %dma_start3A = arith.constant 128 : i32
        %dma_start3A_362 = arith.constant 0 : i32
        %dma_start3A_363 = tpu.memref_slice %arg2[%run_scoped3A, %run_scoped3A_358, %dma_start3A, %dma_start3A_362] : memref<3x32x384x384xf32, #tpu.memory_space<hbm>> -> memref<1x1x128x384xf32, #tpu.memory_space<hbm>>
        %dma_start3A_364 = tpu.memref_squeeze %dma_start3A_363 : memref<1x1x128x384xf32, #tpu.memory_space<hbm>> -> memref<128x384xf32, #tpu.memory_space<hbm>>
        %dma_start3A_365 = arith.constant 128 : i32
        %dma_start3A_366 = arith.constant 0 : i32
        %dma_start3A_367 = tpu.memref_slice %arg2[%run_scoped3A, %run_scoped3A_358, %dma_start3A_365, %dma_start3A_366] : memref<3x32x384x384xf32, #tpu.memory_space<hbm>> -> memref<1x1x128x384xf32, #tpu.memory_space<hbm>>
        %dma_start3A_368 = tpu.memref_squeeze %dma_start3A_367 : memref<1x1x128x384xf32, #tpu.memory_space<hbm>> -> memref<128x384xf32, #tpu.memory_space<hbm>>
        tpu.enqueue_dma source(%dma_start3A_368 : memref<128x384xf32, #tpu.memory_space<hbm>>) target(%arg4 : memref<128x384xf32, #tpu.memory_space<vmem>>) target_semaphore(%run_scoped3A_361 : memref<!tpu.dma_semaphore, #tpu.memory_space<semaphore_mem>>)
        %dma_wait3A = arith.constant 128 : i32
        %dma_wait3A_369 = arith.constant 0 : i32
        %dma_wait3A_370 = tpu.memref_slice %arg2[%run_scoped3A, %run_scoped3A_358, %dma_wait3A, %dma_wait3A_369] : memref<3x32x384x384xf32, #tpu.memory_space<hbm>> -> memref<1x1x128x384xf32, #tpu.memory_space<hbm>>
        %dma_wait3A_371 = tpu.memref_squeeze %dma_wait3A_370 : memref<1x1x128x384xf32, #tpu.memory_space<hbm>> -> memref<128x384xf32, #tpu.memory_space<hbm>>
        %dma_wait3A_372 = arith.constant 128 : i32
        %dma_wait3A_373 = arith.constant 0 : i32
        %dma_wait3A_374 = tpu.memref_slice %arg2[%run_scoped3A, %run_scoped3A_358, %dma_wait3A_372, %dma_wait3A_373] : memref<3x32x384x384xf32, #tpu.memory_space<hbm>> -> memref<1x1x128x384xf32, #tpu.memory_space<hbm>>
        %dma_wait3A_375 = tpu.memref_squeeze %dma_wait3A_374 : memref<1x1x128x384xf32, #tpu.memory_space<hbm>> -> memref<128x384xf32, #tpu.memory_space<hbm>>
        tpu.wait_dma2 semaphore(%run_scoped3A_361 : memref<!tpu.dma_semaphore, #tpu.memory_space<semaphore_mem>>) src(%dma_wait3A_375 : memref<128x384xf32, #tpu.memory_space<hbm>>) dst(%arg4 : memref<128x384xf32, #tpu.memory_space<vmem>>)
        tpu.yield
      }) : () -> ()
      %run_scoped3A_359 = arith.constant 2 : i32
      %run_scoped3A_360 = arith.constant 0 : i32
      "tpu.region"() ({
        %run_scoped3A_361 = tpu.sem_alloc : memref<!tpu.dma_semaphore, #tpu.memory_space<semaphore_mem>>
        %dma_start3A = arith.constant 128 : i32
        %dma_start3A_362 = arith.constant 0 : i32
        %dma_start3A_363 = tpu.memref_slice %arg3[%run_scoped3A_359, %run_scoped3A_360, %dma_start3A, %dma_start3A_362] : memref<3x8x384x384xf32, #tpu.memory_space<hbm>> -> memref<1x1x128x384xf32, #tpu.memory_space<hbm>>
        %dma_start3A_364 = tpu.memref_squeeze %dma_start3A_363 : memref<1x1x128x384xf32, #tpu.memory_space<hbm>> -> memref<128x384xf32, #tpu.memory_space<hbm>>
        %dma_start3A_365 = arith.constant 128 : i32
        %dma_start3A_366 = arith.constant 0 : i32
        %dma_start3A_367 = tpu.memref_slice %arg3[%run_scoped3A_359, %run_scoped3A_360, %dma_start3A_365, %dma_start3A_366] : memref<3x8x384x384xf32, #tpu.memory_space<hbm>> -> memref<1x1x128x384xf32, #tpu.memory_space<hbm>>
        %dma_start3A_368 = tpu.memref_squeeze %dma_start3A_367 : memref<1x1x128x384xf32, #tpu.memory_space<hbm>> -> memref<128x384xf32, #tpu.memory_space<hbm>>
        tpu.enqueue_dma source(%arg4 : memref<128x384xf32, #tpu.memory_space<vmem>>) target(%dma_start3A_368 : memref<128x384xf32, #tpu.memory_space<hbm>>) target_semaphore(%run_scoped3A_361 : memref<!tpu.dma_semaphore, #tpu.memory_space<semaphore_mem>>)
        %dma_wait3A = arith.constant 128 : i32
        %dma_wait3A_369 = arith.constant 0 : i32
        %dma_wait3A_370 = tpu.memref_slice %arg3[%run_scoped3A_359, %run_scoped3A_360, %dma_wait3A, %dma_wait3A_369] : memref<3x8x384x384xf32, #tpu.memory_space<hbm>> -> memref<1x1x128x384xf32, #tpu.memory_space<hbm>>
        %dma_wait3A_371 = tpu.memref_squeeze %dma_wait3A_370 : memref<1x1x128x384xf32, #tpu.memory_space<hbm>> -> memref<128x384xf32, #tpu.memory_space<hbm>>
        %dma_wait3A_372 = arith.constant 128 : i32
        %dma_wait3A_373 = arith.constant 0 : i32
        %dma_wait3A_374 = tpu.memref_slice %arg3[%run_scoped3A_359, %run_scoped3A_360, %dma_wait3A_372, %dma_wait3A_373] : memref<3x8x384x384xf32, #tpu.memory_space<hbm>> -> memref<1x1x128x384xf32, #tpu.memory_space<hbm>>
        %dma_wait3A_375 = tpu.memref_squeeze %dma_wait3A_374 : memref<1x1x128x384xf32, #tpu.memory_space<hbm>> -> memref<128x384xf32, #tpu.memory_space<hbm>>
        tpu.wait_dma2 semaphore(%run_scoped3A_361 : memref<!tpu.dma_semaphore, #tpu.memory_space<semaphore_mem>>) src(%arg4 : memref<128x384xf32, #tpu.memory_space<vmem>>) dst(%dma_wait3A_375 : memref<128x384xf32, #tpu.memory_space<hbm>>)
        tpu.yield
      }) : () -> ()
    } else {
    }
    %eq3A_248 = arith.constant 18 : i32
    %eq3A_249 = arith.cmpi eq, %add3A, %eq3A_248 : i32
    %convert_element_type3A_250 = arith.extui %eq3A_249 : i1 to i32
    %cond3A_251 = arith.constant 0 : i32
    %cond3A_252 = arith.cmpi ne, %convert_element_type3A_250, %cond3A_251 : i32
    scf.if %cond3A_252 {
      %run_scoped3A = arith.constant 2 : i32
      %run_scoped3A_358 = arith.constant 0 : i32
      "tpu.region"() ({
        %run_scoped3A_361 = tpu.sem_alloc : memref<!tpu.dma_semaphore, #tpu.memory_space<semaphore_mem>>
        %dma_start3A = arith.constant 256 : i32
        %dma_start3A_362 = arith.constant 0 : i32
        %dma_start3A_363 = tpu.memref_slice %arg2[%run_scoped3A, %run_scoped3A_358, %dma_start3A, %dma_start3A_362] : memref<3x32x384x384xf32, #tpu.memory_space<hbm>> -> memref<1x1x128x384xf32, #tpu.memory_space<hbm>>
        %dma_start3A_364 = tpu.memref_squeeze %dma_start3A_363 : memref<1x1x128x384xf32, #tpu.memory_space<hbm>> -> memref<128x384xf32, #tpu.memory_space<hbm>>
        %dma_start3A_365 = arith.constant 256 : i32
        %dma_start3A_366 = arith.constant 0 : i32
        %dma_start3A_367 = tpu.memref_slice %arg2[%run_scoped3A, %run_scoped3A_358, %dma_start3A_365, %dma_start3A_366] : memref<3x32x384x384xf32, #tpu.memory_space<hbm>> -> memref<1x1x128x384xf32, #tpu.memory_space<hbm>>
        %dma_start3A_368 = tpu.memref_squeeze %dma_start3A_367 : memref<1x1x128x384xf32, #tpu.memory_space<hbm>> -> memref<128x384xf32, #tpu.memory_space<hbm>>
        tpu.enqueue_dma source(%dma_start3A_368 : memref<128x384xf32, #tpu.memory_space<hbm>>) target(%arg4 : memref<128x384xf32, #tpu.memory_space<vmem>>) target_semaphore(%run_scoped3A_361 : memref<!tpu.dma_semaphore, #tpu.memory_space<semaphore_mem>>)
        %dma_wait3A = arith.constant 256 : i32
        %dma_wait3A_369 = arith.constant 0 : i32
        %dma_wait3A_370 = tpu.memref_slice %arg2[%run_scoped3A, %run_scoped3A_358, %dma_wait3A, %dma_wait3A_369] : memref<3x32x384x384xf32, #tpu.memory_space<hbm>> -> memref<1x1x128x384xf32, #tpu.memory_space<hbm>>
        %dma_wait3A_371 = tpu.memref_squeeze %dma_wait3A_370 : memref<1x1x128x384xf32, #tpu.memory_space<hbm>> -> memref<128x384xf32, #tpu.memory_space<hbm>>
        %dma_wait3A_372 = arith.constant 256 : i32
        %dma_wait3A_373 = arith.constant 0 : i32
        %dma_wait3A_374 = tpu.memref_slice %arg2[%run_scoped3A, %run_scoped3A_358, %dma_wait3A_372, %dma_wait3A_373] : memref<3x32x384x384xf32, #tpu.memory_space<hbm>> -> memref<1x1x128x384xf32, #tpu.memory_space<hbm>>
        %dma_wait3A_375 = tpu.memref_squeeze %dma_wait3A_374 : memref<1x1x128x384xf32, #tpu.memory_space<hbm>> -> memref<128x384xf32, #tpu.memory_space<hbm>>
        tpu.wait_dma2 semaphore(%run_scoped3A_361 : memref<!tpu.dma_semaphore, #tpu.memory_space<semaphore_mem>>) src(%dma_wait3A_375 : memref<128x384xf32, #tpu.memory_space<hbm>>) dst(%arg4 : memref<128x384xf32, #tpu.memory_space<vmem>>)
        tpu.yield
      }) : () -> ()
      %run_scoped3A_359 = arith.constant 2 : i32
      %run_scoped3A_360 = arith.constant 0 : i32
      "tpu.region"() ({
        %run_scoped3A_361 = tpu.sem_alloc : memref<!tpu.dma_semaphore, #tpu.memory_space<semaphore_mem>>
        %dma_start3A = arith.constant 256 : i32
        %dma_start3A_362 = arith.constant 0 : i32
        %dma_start3A_363 = tpu.memref_slice %arg3[%run_scoped3A_359, %run_scoped3A_360, %dma_start3A, %dma_start3A_362] : memref<3x8x384x384xf32, #tpu.memory_space<hbm>> -> memref<1x1x128x384xf32, #tpu.memory_space<hbm>>
        %dma_start3A_364 = tpu.memref_squeeze %dma_start3A_363 : memref<1x1x128x384xf32, #tpu.memory_space<hbm>> -> memref<128x384xf32, #tpu.memory_space<hbm>>
        %dma_start3A_365 = arith.constant 256 : i32
        %dma_start3A_366 = arith.constant 0 : i32
        %dma_start3A_367 = tpu.memref_slice %arg3[%run_scoped3A_359, %run_scoped3A_360, %dma_start3A_365, %dma_start3A_366] : memref<3x8x384x384xf32, #tpu.memory_space<hbm>> -> memref<1x1x128x384xf32, #tpu.memory_space<hbm>>
        %dma_start3A_368 = tpu.memref_squeeze %dma_start3A_367 : memref<1x1x128x384xf32, #tpu.memory_space<hbm>> -> memref<128x384xf32, #tpu.memory_space<hbm>>
        tpu.enqueue_dma source(%arg4 : memref<128x384xf32, #tpu.memory_space<vmem>>) target(%dma_start3A_368 : memref<128x384xf32, #tpu.memory_space<hbm>>) target_semaphore(%run_scoped3A_361 : memref<!tpu.dma_semaphore, #tpu.memory_space<semaphore_mem>>)
        %dma_wait3A = arith.constant 256 : i32
        %dma_wait3A_369 = arith.constant 0 : i32
        %dma_wait3A_370 = tpu.memref_slice %arg3[%run_scoped3A_359, %run_scoped3A_360, %dma_wait3A, %dma_wait3A_369] : memref<3x8x384x384xf32, #tpu.memory_space<hbm>> -> memref<1x1x128x384xf32, #tpu.memory_space<hbm>>
        %dma_wait3A_371 = tpu.memref_squeeze %dma_wait3A_370 : memref<1x1x128x384xf32, #tpu.memory_space<hbm>> -> memref<128x384xf32, #tpu.memory_space<hbm>>
        %dma_wait3A_372 = arith.constant 256 : i32
        %dma_wait3A_373 = arith.constant 0 : i32
        %dma_wait3A_374 = tpu.memref_slice %arg3[%run_scoped3A_359, %run_scoped3A_360, %dma_wait3A_372, %dma_wait3A_373] : memref<3x8x384x384xf32, #tpu.memory_space<hbm>> -> memref<1x1x128x384xf32, #tpu.memory_space<hbm>>
        %dma_wait3A_375 = tpu.memref_squeeze %dma_wait3A_374 : memref<1x1x128x384xf32, #tpu.memory_space<hbm>> -> memref<128x384xf32, #tpu.memory_space<hbm>>
        tpu.wait_dma2 semaphore(%run_scoped3A_361 : memref<!tpu.dma_semaphore, #tpu.memory_space<semaphore_mem>>) src(%arg4 : memref<128x384xf32, #tpu.memory_space<vmem>>) dst(%dma_wait3A_375 : memref<128x384xf32, #tpu.memory_space<hbm>>)
        tpu.yield
      }) : () -> ()
    } else {
    }
    %eq3A_253 = arith.constant 19 : i32
    %eq3A_254 = arith.cmpi eq, %add3A, %eq3A_253 : i32
    %convert_element_type3A_255 = arith.extui %eq3A_254 : i1 to i32
    %cond3A_256 = arith.constant 0 : i32
    %cond3A_257 = arith.cmpi ne, %convert_element_type3A_255, %cond3A_256 : i32
    scf.if %cond3A_257 {
      %run_scoped3A = arith.constant 2 : i32
      %run_scoped3A_358 = arith.constant 4 : i32
      "tpu.region"() ({
        %run_scoped3A_361 = tpu.sem_alloc : memref<!tpu.dma_semaphore, #tpu.memory_space<semaphore_mem>>
        %dma_start3A = arith.constant 0 : i32
        %dma_start3A_362 = arith.constant 0 : i32
        %dma_start3A_363 = tpu.memref_slice %arg2[%run_scoped3A, %run_scoped3A_358, %dma_start3A, %dma_start3A_362] : memref<3x32x384x384xf32, #tpu.memory_space<hbm>> -> memref<1x1x128x384xf32, #tpu.memory_space<hbm>>
        %dma_start3A_364 = tpu.memref_squeeze %dma_start3A_363 : memref<1x1x128x384xf32, #tpu.memory_space<hbm>> -> memref<128x384xf32, #tpu.memory_space<hbm>>
        %dma_start3A_365 = arith.constant 0 : i32
        %dma_start3A_366 = arith.constant 0 : i32
        %dma_start3A_367 = tpu.memref_slice %arg2[%run_scoped3A, %run_scoped3A_358, %dma_start3A_365, %dma_start3A_366] : memref<3x32x384x384xf32, #tpu.memory_space<hbm>> -> memref<1x1x128x384xf32, #tpu.memory_space<hbm>>
        %dma_start3A_368 = tpu.memref_squeeze %dma_start3A_367 : memref<1x1x128x384xf32, #tpu.memory_space<hbm>> -> memref<128x384xf32, #tpu.memory_space<hbm>>
        tpu.enqueue_dma source(%dma_start3A_368 : memref<128x384xf32, #tpu.memory_space<hbm>>) target(%arg4 : memref<128x384xf32, #tpu.memory_space<vmem>>) target_semaphore(%run_scoped3A_361 : memref<!tpu.dma_semaphore, #tpu.memory_space<semaphore_mem>>)
        %dma_wait3A = arith.constant 0 : i32
        %dma_wait3A_369 = arith.constant 0 : i32
        %dma_wait3A_370 = tpu.memref_slice %arg2[%run_scoped3A, %run_scoped3A_358, %dma_wait3A, %dma_wait3A_369] : memref<3x32x384x384xf32, #tpu.memory_space<hbm>> -> memref<1x1x128x384xf32, #tpu.memory_space<hbm>>
        %dma_wait3A_371 = tpu.memref_squeeze %dma_wait3A_370 : memref<1x1x128x384xf32, #tpu.memory_space<hbm>> -> memref<128x384xf32, #tpu.memory_space<hbm>>
        %dma_wait3A_372 = arith.constant 0 : i32
        %dma_wait3A_373 = arith.constant 0 : i32
        %dma_wait3A_374 = tpu.memref_slice %arg2[%run_scoped3A, %run_scoped3A_358, %dma_wait3A_372, %dma_wait3A_373] : memref<3x32x384x384xf32, #tpu.memory_space<hbm>> -> memref<1x1x128x384xf32, #tpu.memory_space<hbm>>
        %dma_wait3A_375 = tpu.memref_squeeze %dma_wait3A_374 : memref<1x1x128x384xf32, #tpu.memory_space<hbm>> -> memref<128x384xf32, #tpu.memory_space<hbm>>
        tpu.wait_dma2 semaphore(%run_scoped3A_361 : memref<!tpu.dma_semaphore, #tpu.memory_space<semaphore_mem>>) src(%dma_wait3A_375 : memref<128x384xf32, #tpu.memory_space<hbm>>) dst(%arg4 : memref<128x384xf32, #tpu.memory_space<vmem>>)
        tpu.yield
      }) : () -> ()
      %run_scoped3A_359 = arith.constant 2 : i32
      %run_scoped3A_360 = arith.constant 1 : i32
      "tpu.region"() ({
        %run_scoped3A_361 = tpu.sem_alloc : memref<!tpu.dma_semaphore, #tpu.memory_space<semaphore_mem>>
        %dma_start3A = arith.constant 0 : i32
        %dma_start3A_362 = arith.constant 0 : i32
        %dma_start3A_363 = tpu.memref_slice %arg3[%run_scoped3A_359, %run_scoped3A_360, %dma_start3A, %dma_start3A_362] : memref<3x8x384x384xf32, #tpu.memory_space<hbm>> -> memref<1x1x128x384xf32, #tpu.memory_space<hbm>>
        %dma_start3A_364 = tpu.memref_squeeze %dma_start3A_363 : memref<1x1x128x384xf32, #tpu.memory_space<hbm>> -> memref<128x384xf32, #tpu.memory_space<hbm>>
        %dma_start3A_365 = arith.constant 0 : i32
        %dma_start3A_366 = arith.constant 0 : i32
        %dma_start3A_367 = tpu.memref_slice %arg3[%run_scoped3A_359, %run_scoped3A_360, %dma_start3A_365, %dma_start3A_366] : memref<3x8x384x384xf32, #tpu.memory_space<hbm>> -> memref<1x1x128x384xf32, #tpu.memory_space<hbm>>
        %dma_start3A_368 = tpu.memref_squeeze %dma_start3A_367 : memref<1x1x128x384xf32, #tpu.memory_space<hbm>> -> memref<128x384xf32, #tpu.memory_space<hbm>>
        tpu.enqueue_dma source(%arg4 : memref<128x384xf32, #tpu.memory_space<vmem>>) target(%dma_start3A_368 : memref<128x384xf32, #tpu.memory_space<hbm>>) target_semaphore(%run_scoped3A_361 : memref<!tpu.dma_semaphore, #tpu.memory_space<semaphore_mem>>)
        %dma_wait3A = arith.constant 0 : i32
        %dma_wait3A_369 = arith.constant 0 : i32
        %dma_wait3A_370 = tpu.memref_slice %arg3[%run_scoped3A_359, %run_scoped3A_360, %dma_wait3A, %dma_wait3A_369] : memref<3x8x384x384xf32, #tpu.memory_space<hbm>> -> memref<1x1x128x384xf32, #tpu.memory_space<hbm>>
        %dma_wait3A_371 = tpu.memref_squeeze %dma_wait3A_370 : memref<1x1x128x384xf32, #tpu.memory_space<hbm>> -> memref<128x384xf32, #tpu.memory_space<hbm>>
        %dma_wait3A_372 = arith.constant 0 : i32
        %dma_wait3A_373 = arith.constant 0 : i32
        %dma_wait3A_374 = tpu.memref_slice %arg3[%run_scoped3A_359, %run_scoped3A_360, %dma_wait3A_372, %dma_wait3A_373] : memref<3x8x384x384xf32, #tpu.memory_space<hbm>> -> memref<1x1x128x384xf32, #tpu.memory_space<hbm>>
        %dma_wait3A_375 = tpu.memref_squeeze %dma_wait3A_374 : memref<1x1x128x384xf32, #tpu.memory_space<hbm>> -> memref<128x384xf32, #tpu.memory_space<hbm>>
        tpu.wait_dma2 semaphore(%run_scoped3A_361 : memref<!tpu.dma_semaphore, #tpu.memory_space<semaphore_mem>>) src(%arg4 : memref<128x384xf32, #tpu.memory_space<vmem>>) dst(%dma_wait3A_375 : memref<128x384xf32, #tpu.memory_space<hbm>>)
        tpu.yield
      }) : () -> ()
    } else {
    }
    %eq3A_258 = arith.constant 20 : i32
    %eq3A_259 = arith.cmpi eq, %add3A, %eq3A_258 : i32
    %convert_element_type3A_260 = arith.extui %eq3A_259 : i1 to i32
    %cond3A_261 = arith.constant 0 : i32
    %cond3A_262 = arith.cmpi ne, %convert_element_type3A_260, %cond3A_261 : i32
    scf.if %cond3A_262 {
      %run_scoped3A = arith.constant 2 : i32
      %run_scoped3A_358 = arith.constant 4 : i32
      "tpu.region"() ({
        %run_scoped3A_361 = tpu.sem_alloc : memref<!tpu.dma_semaphore, #tpu.memory_space<semaphore_mem>>
        %dma_start3A = arith.constant 128 : i32
        %dma_start3A_362 = arith.constant 0 : i32
        %dma_start3A_363 = tpu.memref_slice %arg2[%run_scoped3A, %run_scoped3A_358, %dma_start3A, %dma_start3A_362] : memref<3x32x384x384xf32, #tpu.memory_space<hbm>> -> memref<1x1x128x384xf32, #tpu.memory_space<hbm>>
        %dma_start3A_364 = tpu.memref_squeeze %dma_start3A_363 : memref<1x1x128x384xf32, #tpu.memory_space<hbm>> -> memref<128x384xf32, #tpu.memory_space<hbm>>
        %dma_start3A_365 = arith.constant 128 : i32
        %dma_start3A_366 = arith.constant 0 : i32
        %dma_start3A_367 = tpu.memref_slice %arg2[%run_scoped3A, %run_scoped3A_358, %dma_start3A_365, %dma_start3A_366] : memref<3x32x384x384xf32, #tpu.memory_space<hbm>> -> memref<1x1x128x384xf32, #tpu.memory_space<hbm>>
        %dma_start3A_368 = tpu.memref_squeeze %dma_start3A_367 : memref<1x1x128x384xf32, #tpu.memory_space<hbm>> -> memref<128x384xf32, #tpu.memory_space<hbm>>
        tpu.enqueue_dma source(%dma_start3A_368 : memref<128x384xf32, #tpu.memory_space<hbm>>) target(%arg4 : memref<128x384xf32, #tpu.memory_space<vmem>>) target_semaphore(%run_scoped3A_361 : memref<!tpu.dma_semaphore, #tpu.memory_space<semaphore_mem>>)
        %dma_wait3A = arith.constant 128 : i32
        %dma_wait3A_369 = arith.constant 0 : i32
        %dma_wait3A_370 = tpu.memref_slice %arg2[%run_scoped3A, %run_scoped3A_358, %dma_wait3A, %dma_wait3A_369] : memref<3x32x384x384xf32, #tpu.memory_space<hbm>> -> memref<1x1x128x384xf32, #tpu.memory_space<hbm>>
        %dma_wait3A_371 = tpu.memref_squeeze %dma_wait3A_370 : memref<1x1x128x384xf32, #tpu.memory_space<hbm>> -> memref<128x384xf32, #tpu.memory_space<hbm>>
        %dma_wait3A_372 = arith.constant 128 : i32
        %dma_wait3A_373 = arith.constant 0 : i32
        %dma_wait3A_374 = tpu.memref_slice %arg2[%run_scoped3A, %run_scoped3A_358, %dma_wait3A_372, %dma_wait3A_373] : memref<3x32x384x384xf32, #tpu.memory_space<hbm>> -> memref<1x1x128x384xf32, #tpu.memory_space<hbm>>
        %dma_wait3A_375 = tpu.memref_squeeze %dma_wait3A_374 : memref<1x1x128x384xf32, #tpu.memory_space<hbm>> -> memref<128x384xf32, #tpu.memory_space<hbm>>
        tpu.wait_dma2 semaphore(%run_scoped3A_361 : memref<!tpu.dma_semaphore, #tpu.memory_space<semaphore_mem>>) src(%dma_wait3A_375 : memref<128x384xf32, #tpu.memory_space<hbm>>) dst(%arg4 : memref<128x384xf32, #tpu.memory_space<vmem>>)
        tpu.yield
      }) : () -> ()
      %run_scoped3A_359 = arith.constant 2 : i32
      %run_scoped3A_360 = arith.constant 1 : i32
      "tpu.region"() ({
        %run_scoped3A_361 = tpu.sem_alloc : memref<!tpu.dma_semaphore, #tpu.memory_space<semaphore_mem>>
        %dma_start3A = arith.constant 128 : i32
        %dma_start3A_362 = arith.constant 0 : i32
        %dma_start3A_363 = tpu.memref_slice %arg3[%run_scoped3A_359, %run_scoped3A_360, %dma_start3A, %dma_start3A_362] : memref<3x8x384x384xf32, #tpu.memory_space<hbm>> -> memref<1x1x128x384xf32, #tpu.memory_space<hbm>>
        %dma_start3A_364 = tpu.memref_squeeze %dma_start3A_363 : memref<1x1x128x384xf32, #tpu.memory_space<hbm>> -> memref<128x384xf32, #tpu.memory_space<hbm>>
        %dma_start3A_365 = arith.constant 128 : i32
        %dma_start3A_366 = arith.constant 0 : i32
        %dma_start3A_367 = tpu.memref_slice %arg3[%run_scoped3A_359, %run_scoped3A_360, %dma_start3A_365, %dma_start3A_366] : memref<3x8x384x384xf32, #tpu.memory_space<hbm>> -> memref<1x1x128x384xf32, #tpu.memory_space<hbm>>
        %dma_start3A_368 = tpu.memref_squeeze %dma_start3A_367 : memref<1x1x128x384xf32, #tpu.memory_space<hbm>> -> memref<128x384xf32, #tpu.memory_space<hbm>>
        tpu.enqueue_dma source(%arg4 : memref<128x384xf32, #tpu.memory_space<vmem>>) target(%dma_start3A_368 : memref<128x384xf32, #tpu.memory_space<hbm>>) target_semaphore(%run_scoped3A_361 : memref<!tpu.dma_semaphore, #tpu.memory_space<semaphore_mem>>)
        %dma_wait3A = arith.constant 128 : i32
        %dma_wait3A_369 = arith.constant 0 : i32
        %dma_wait3A_370 = tpu.memref_slice %arg3[%run_scoped3A_359, %run_scoped3A_360, %dma_wait3A, %dma_wait3A_369] : memref<3x8x384x384xf32, #tpu.memory_space<hbm>> -> memref<1x1x128x384xf32, #tpu.memory_space<hbm>>
        %dma_wait3A_371 = tpu.memref_squeeze %dma_wait3A_370 : memref<1x1x128x384xf32, #tpu.memory_space<hbm>> -> memref<128x384xf32, #tpu.memory_space<hbm>>
        %dma_wait3A_372 = arith.constant 128 : i32
        %dma_wait3A_373 = arith.constant 0 : i32
        %dma_wait3A_374 = tpu.memref_slice %arg3[%run_scoped3A_359, %run_scoped3A_360, %dma_wait3A_372, %dma_wait3A_373] : memref<3x8x384x384xf32, #tpu.memory_space<hbm>> -> memref<1x1x128x384xf32, #tpu.memory_space<hbm>>
        %dma_wait3A_375 = tpu.memref_squeeze %dma_wait3A_374 : memref<1x1x128x384xf32, #tpu.memory_space<hbm>> -> memref<128x384xf32, #tpu.memory_space<hbm>>
        tpu.wait_dma2 semaphore(%run_scoped3A_361 : memref<!tpu.dma_semaphore, #tpu.memory_space<semaphore_mem>>) src(%arg4 : memref<128x384xf32, #tpu.memory_space<vmem>>) dst(%dma_wait3A_375 : memref<128x384xf32, #tpu.memory_space<hbm>>)
        tpu.yield
      }) : () -> ()
    } else {
    }
    %eq3A_263 = arith.constant 21 : i32
    %eq3A_264 = arith.cmpi eq, %add3A, %eq3A_263 : i32
    %convert_element_type3A_265 = arith.extui %eq3A_264 : i1 to i32
    %cond3A_266 = arith.constant 0 : i32
    %cond3A_267 = arith.cmpi ne, %convert_element_type3A_265, %cond3A_266 : i32
    scf.if %cond3A_267 {
      %run_scoped3A = arith.constant 2 : i32
      %run_scoped3A_358 = arith.constant 4 : i32
      "tpu.region"() ({
        %run_scoped3A_361 = tpu.sem_alloc : memref<!tpu.dma_semaphore, #tpu.memory_space<semaphore_mem>>
        %dma_start3A = arith.constant 256 : i32
        %dma_start3A_362 = arith.constant 0 : i32
        %dma_start3A_363 = tpu.memref_slice %arg2[%run_scoped3A, %run_scoped3A_358, %dma_start3A, %dma_start3A_362] : memref<3x32x384x384xf32, #tpu.memory_space<hbm>> -> memref<1x1x128x384xf32, #tpu.memory_space<hbm>>
        %dma_start3A_364 = tpu.memref_squeeze %dma_start3A_363 : memref<1x1x128x384xf32, #tpu.memory_space<hbm>> -> memref<128x384xf32, #tpu.memory_space<hbm>>
        %dma_start3A_365 = arith.constant 256 : i32
        %dma_start3A_366 = arith.constant 0 : i32
        %dma_start3A_367 = tpu.memref_slice %arg2[%run_scoped3A, %run_scoped3A_358, %dma_start3A_365, %dma_start3A_366] : memref<3x32x384x384xf32, #tpu.memory_space<hbm>> -> memref<1x1x128x384xf32, #tpu.memory_space<hbm>>
        %dma_start3A_368 = tpu.memref_squeeze %dma_start3A_367 : memref<1x1x128x384xf32, #tpu.memory_space<hbm>> -> memref<128x384xf32, #tpu.memory_space<hbm>>
        tpu.enqueue_dma source(%dma_start3A_368 : memref<128x384xf32, #tpu.memory_space<hbm>>) target(%arg4 : memref<128x384xf32, #tpu.memory_space<vmem>>) target_semaphore(%run_scoped3A_361 : memref<!tpu.dma_semaphore, #tpu.memory_space<semaphore_mem>>)
        %dma_wait3A = arith.constant 256 : i32
        %dma_wait3A_369 = arith.constant 0 : i32
        %dma_wait3A_370 = tpu.memref_slice %arg2[%run_scoped3A, %run_scoped3A_358, %dma_wait3A, %dma_wait3A_369] : memref<3x32x384x384xf32, #tpu.memory_space<hbm>> -> memref<1x1x128x384xf32, #tpu.memory_space<hbm>>
        %dma_wait3A_371 = tpu.memref_squeeze %dma_wait3A_370 : memref<1x1x128x384xf32, #tpu.memory_space<hbm>> -> memref<128x384xf32, #tpu.memory_space<hbm>>
        %dma_wait3A_372 = arith.constant 256 : i32
        %dma_wait3A_373 = arith.constant 0 : i32
        %dma_wait3A_374 = tpu.memref_slice %arg2[%run_scoped3A, %run_scoped3A_358, %dma_wait3A_372, %dma_wait3A_373] : memref<3x32x384x384xf32, #tpu.memory_space<hbm>> -> memref<1x1x128x384xf32, #tpu.memory_space<hbm>>
        %dma_wait3A_375 = tpu.memref_squeeze %dma_wait3A_374 : memref<1x1x128x384xf32, #tpu.memory_space<hbm>> -> memref<128x384xf32, #tpu.memory_space<hbm>>
        tpu.wait_dma2 semaphore(%run_scoped3A_361 : memref<!tpu.dma_semaphore, #tpu.memory_space<semaphore_mem>>) src(%dma_wait3A_375 : memref<128x384xf32, #tpu.memory_space<hbm>>) dst(%arg4 : memref<128x384xf32, #tpu.memory_space<vmem>>)
        tpu.yield
      }) : () -> ()
      %run_scoped3A_359 = arith.constant 2 : i32
      %run_scoped3A_360 = arith.constant 1 : i32
      "tpu.region"() ({
        %run_scoped3A_361 = tpu.sem_alloc : memref<!tpu.dma_semaphore, #tpu.memory_space<semaphore_mem>>
        %dma_start3A = arith.constant 256 : i32
        %dma_start3A_362 = arith.constant 0 : i32
        %dma_start3A_363 = tpu.memref_slice %arg3[%run_scoped3A_359, %run_scoped3A_360, %dma_start3A, %dma_start3A_362] : memref<3x8x384x384xf32, #tpu.memory_space<hbm>> -> memref<1x1x128x384xf32, #tpu.memory_space<hbm>>
        %dma_start3A_364 = tpu.memref_squeeze %dma_start3A_363 : memref<1x1x128x384xf32, #tpu.memory_space<hbm>> -> memref<128x384xf32, #tpu.memory_space<hbm>>
        %dma_start3A_365 = arith.constant 256 : i32
        %dma_start3A_366 = arith.constant 0 : i32
        %dma_start3A_367 = tpu.memref_slice %arg3[%run_scoped3A_359, %run_scoped3A_360, %dma_start3A_365, %dma_start3A_366] : memref<3x8x384x384xf32, #tpu.memory_space<hbm>> -> memref<1x1x128x384xf32, #tpu.memory_space<hbm>>
        %dma_start3A_368 = tpu.memref_squeeze %dma_start3A_367 : memref<1x1x128x384xf32, #tpu.memory_space<hbm>> -> memref<128x384xf32, #tpu.memory_space<hbm>>
        tpu.enqueue_dma source(%arg4 : memref<128x384xf32, #tpu.memory_space<vmem>>) target(%dma_start3A_368 : memref<128x384xf32, #tpu.memory_space<hbm>>) target_semaphore(%run_scoped3A_361 : memref<!tpu.dma_semaphore, #tpu.memory_space<semaphore_mem>>)
        %dma_wait3A = arith.constant 256 : i32
        %dma_wait3A_369 = arith.constant 0 : i32
        %dma_wait3A_370 = tpu.memref_slice %arg3[%run_scoped3A_359, %run_scoped3A_360, %dma_wait3A, %dma_wait3A_369] : memref<3x8x384x384xf32, #tpu.memory_space<hbm>> -> memref<1x1x128x384xf32, #tpu.memory_space<hbm>>
        %dma_wait3A_371 = tpu.memref_squeeze %dma_wait3A_370 : memref<1x1x128x384xf32, #tpu.memory_space<hbm>> -> memref<128x384xf32, #tpu.memory_space<hbm>>
        %dma_wait3A_372 = arith.constant 256 : i32
        %dma_wait3A_373 = arith.constant 0 : i32
        %dma_wait3A_374 = tpu.memref_slice %arg3[%run_scoped3A_359, %run_scoped3A_360, %dma_wait3A_372, %dma_wait3A_373] : memref<3x8x384x384xf32, #tpu.memory_space<hbm>> -> memref<1x1x128x384xf32, #tpu.memory_space<hbm>>
        %dma_wait3A_375 = tpu.memref_squeeze %dma_wait3A_374 : memref<1x1x128x384xf32, #tpu.memory_space<hbm>> -> memref<128x384xf32, #tpu.memory_space<hbm>>
        tpu.wait_dma2 semaphore(%run_scoped3A_361 : memref<!tpu.dma_semaphore, #tpu.memory_space<semaphore_mem>>) src(%arg4 : memref<128x384xf32, #tpu.memory_space<vmem>>) dst(%dma_wait3A_375 : memref<128x384xf32, #tpu.memory_space<hbm>>)
        tpu.yield
      }) : () -> ()
    } else {
    }
    %eq3A_268 = arith.constant 22 : i32
    %eq3A_269 = arith.cmpi eq, %add3A, %eq3A_268 : i32
    %convert_element_type3A_270 = arith.extui %eq3A_269 : i1 to i32
    %cond3A_271 = arith.constant 0 : i32
    %cond3A_272 = arith.cmpi ne, %convert_element_type3A_270, %cond3A_271 : i32
    scf.if %cond3A_272 {
      %run_scoped3A = arith.constant 2 : i32
      %run_scoped3A_358 = arith.constant 8 : i32
      "tpu.region"() ({
        %run_scoped3A_361 = tpu.sem_alloc : memref<!tpu.dma_semaphore, #tpu.memory_space<semaphore_mem>>
        %dma_start3A = arith.constant 0 : i32
        %dma_start3A_362 = arith.constant 0 : i32
        %dma_start3A_363 = tpu.memref_slice %arg2[%run_scoped3A, %run_scoped3A_358, %dma_start3A, %dma_start3A_362] : memref<3x32x384x384xf32, #tpu.memory_space<hbm>> -> memref<1x1x128x384xf32, #tpu.memory_space<hbm>>
        %dma_start3A_364 = tpu.memref_squeeze %dma_start3A_363 : memref<1x1x128x384xf32, #tpu.memory_space<hbm>> -> memref<128x384xf32, #tpu.memory_space<hbm>>
        %dma_start3A_365 = arith.constant 0 : i32
        %dma_start3A_366 = arith.constant 0 : i32
        %dma_start3A_367 = tpu.memref_slice %arg2[%run_scoped3A, %run_scoped3A_358, %dma_start3A_365, %dma_start3A_366] : memref<3x32x384x384xf32, #tpu.memory_space<hbm>> -> memref<1x1x128x384xf32, #tpu.memory_space<hbm>>
        %dma_start3A_368 = tpu.memref_squeeze %dma_start3A_367 : memref<1x1x128x384xf32, #tpu.memory_space<hbm>> -> memref<128x384xf32, #tpu.memory_space<hbm>>
        tpu.enqueue_dma source(%dma_start3A_368 : memref<128x384xf32, #tpu.memory_space<hbm>>) target(%arg4 : memref<128x384xf32, #tpu.memory_space<vmem>>) target_semaphore(%run_scoped3A_361 : memref<!tpu.dma_semaphore, #tpu.memory_space<semaphore_mem>>)
        %dma_wait3A = arith.constant 0 : i32
        %dma_wait3A_369 = arith.constant 0 : i32
        %dma_wait3A_370 = tpu.memref_slice %arg2[%run_scoped3A, %run_scoped3A_358, %dma_wait3A, %dma_wait3A_369] : memref<3x32x384x384xf32, #tpu.memory_space<hbm>> -> memref<1x1x128x384xf32, #tpu.memory_space<hbm>>
        %dma_wait3A_371 = tpu.memref_squeeze %dma_wait3A_370 : memref<1x1x128x384xf32, #tpu.memory_space<hbm>> -> memref<128x384xf32, #tpu.memory_space<hbm>>
        %dma_wait3A_372 = arith.constant 0 : i32
        %dma_wait3A_373 = arith.constant 0 : i32
        %dma_wait3A_374 = tpu.memref_slice %arg2[%run_scoped3A, %run_scoped3A_358, %dma_wait3A_372, %dma_wait3A_373] : memref<3x32x384x384xf32, #tpu.memory_space<hbm>> -> memref<1x1x128x384xf32, #tpu.memory_space<hbm>>
        %dma_wait3A_375 = tpu.memref_squeeze %dma_wait3A_374 : memref<1x1x128x384xf32, #tpu.memory_space<hbm>> -> memref<128x384xf32, #tpu.memory_space<hbm>>
        tpu.wait_dma2 semaphore(%run_scoped3A_361 : memref<!tpu.dma_semaphore, #tpu.memory_space<semaphore_mem>>) src(%dma_wait3A_375 : memref<128x384xf32, #tpu.memory_space<hbm>>) dst(%arg4 : memref<128x384xf32, #tpu.memory_space<vmem>>)
        tpu.yield
      }) : () -> ()
      %run_scoped3A_359 = arith.constant 2 : i32
      %run_scoped3A_360 = arith.constant 2 : i32
      "tpu.region"() ({
        %run_scoped3A_361 = tpu.sem_alloc : memref<!tpu.dma_semaphore, #tpu.memory_space<semaphore_mem>>
        %dma_start3A = arith.constant 0 : i32
        %dma_start3A_362 = arith.constant 0 : i32
        %dma_start3A_363 = tpu.memref_slice %arg3[%run_scoped3A_359, %run_scoped3A_360, %dma_start3A, %dma_start3A_362] : memref<3x8x384x384xf32, #tpu.memory_space<hbm>> -> memref<1x1x128x384xf32, #tpu.memory_space<hbm>>
        %dma_start3A_364 = tpu.memref_squeeze %dma_start3A_363 : memref<1x1x128x384xf32, #tpu.memory_space<hbm>> -> memref<128x384xf32, #tpu.memory_space<hbm>>
        %dma_start3A_365 = arith.constant 0 : i32
        %dma_start3A_366 = arith.constant 0 : i32
        %dma_start3A_367 = tpu.memref_slice %arg3[%run_scoped3A_359, %run_scoped3A_360, %dma_start3A_365, %dma_start3A_366] : memref<3x8x384x384xf32, #tpu.memory_space<hbm>> -> memref<1x1x128x384xf32, #tpu.memory_space<hbm>>
        %dma_start3A_368 = tpu.memref_squeeze %dma_start3A_367 : memref<1x1x128x384xf32, #tpu.memory_space<hbm>> -> memref<128x384xf32, #tpu.memory_space<hbm>>
        tpu.enqueue_dma source(%arg4 : memref<128x384xf32, #tpu.memory_space<vmem>>) target(%dma_start3A_368 : memref<128x384xf32, #tpu.memory_space<hbm>>) target_semaphore(%run_scoped3A_361 : memref<!tpu.dma_semaphore, #tpu.memory_space<semaphore_mem>>)
        %dma_wait3A = arith.constant 0 : i32
        %dma_wait3A_369 = arith.constant 0 : i32
        %dma_wait3A_370 = tpu.memref_slice %arg3[%run_scoped3A_359, %run_scoped3A_360, %dma_wait3A, %dma_wait3A_369] : memref<3x8x384x384xf32, #tpu.memory_space<hbm>> -> memref<1x1x128x384xf32, #tpu.memory_space<hbm>>
        %dma_wait3A_371 = tpu.memref_squeeze %dma_wait3A_370 : memref<1x1x128x384xf32, #tpu.memory_space<hbm>> -> memref<128x384xf32, #tpu.memory_space<hbm>>
        %dma_wait3A_372 = arith.constant 0 : i32
        %dma_wait3A_373 = arith.constant 0 : i32
        %dma_wait3A_374 = tpu.memref_slice %arg3[%run_scoped3A_359, %run_scoped3A_360, %dma_wait3A_372, %dma_wait3A_373] : memref<3x8x384x384xf32, #tpu.memory_space<hbm>> -> memref<1x1x128x384xf32, #tpu.memory_space<hbm>>
        %dma_wait3A_375 = tpu.memref_squeeze %dma_wait3A_374 : memref<1x1x128x384xf32, #tpu.memory_space<hbm>> -> memref<128x384xf32, #tpu.memory_space<hbm>>
        tpu.wait_dma2 semaphore(%run_scoped3A_361 : memref<!tpu.dma_semaphore, #tpu.memory_space<semaphore_mem>>) src(%arg4 : memref<128x384xf32, #tpu.memory_space<vmem>>) dst(%dma_wait3A_375 : memref<128x384xf32, #tpu.memory_space<hbm>>)
        tpu.yield
      }) : () -> ()
    } else {
    }
    %eq3A_273 = arith.constant 23 : i32
    %eq3A_274 = arith.cmpi eq, %add3A, %eq3A_273 : i32
    %convert_element_type3A_275 = arith.extui %eq3A_274 : i1 to i32
    %cond3A_276 = arith.constant 0 : i32
    %cond3A_277 = arith.cmpi ne, %convert_element_type3A_275, %cond3A_276 : i32
    scf.if %cond3A_277 {
      %run_scoped3A = arith.constant 2 : i32
      %run_scoped3A_358 = arith.constant 8 : i32
      "tpu.region"() ({
        %run_scoped3A_361 = tpu.sem_alloc : memref<!tpu.dma_semaphore, #tpu.memory_space<semaphore_mem>>
        %dma_start3A = arith.constant 128 : i32
        %dma_start3A_362 = arith.constant 0 : i32
        %dma_start3A_363 = tpu.memref_slice %arg2[%run_scoped3A, %run_scoped3A_358, %dma_start3A, %dma_start3A_362] : memref<3x32x384x384xf32, #tpu.memory_space<hbm>> -> memref<1x1x128x384xf32, #tpu.memory_space<hbm>>
        %dma_start3A_364 = tpu.memref_squeeze %dma_start3A_363 : memref<1x1x128x384xf32, #tpu.memory_space<hbm>> -> memref<128x384xf32, #tpu.memory_space<hbm>>
        %dma_start3A_365 = arith.constant 128 : i32
        %dma_start3A_366 = arith.constant 0 : i32
        %dma_start3A_367 = tpu.memref_slice %arg2[%run_scoped3A, %run_scoped3A_358, %dma_start3A_365, %dma_start3A_366] : memref<3x32x384x384xf32, #tpu.memory_space<hbm>> -> memref<1x1x128x384xf32, #tpu.memory_space<hbm>>
        %dma_start3A_368 = tpu.memref_squeeze %dma_start3A_367 : memref<1x1x128x384xf32, #tpu.memory_space<hbm>> -> memref<128x384xf32, #tpu.memory_space<hbm>>
        tpu.enqueue_dma source(%dma_start3A_368 : memref<128x384xf32, #tpu.memory_space<hbm>>) target(%arg4 : memref<128x384xf32, #tpu.memory_space<vmem>>) target_semaphore(%run_scoped3A_361 : memref<!tpu.dma_semaphore, #tpu.memory_space<semaphore_mem>>)
        %dma_wait3A = arith.constant 128 : i32
        %dma_wait3A_369 = arith.constant 0 : i32
        %dma_wait3A_370 = tpu.memref_slice %arg2[%run_scoped3A, %run_scoped3A_358, %dma_wait3A, %dma_wait3A_369] : memref<3x32x384x384xf32, #tpu.memory_space<hbm>> -> memref<1x1x128x384xf32, #tpu.memory_space<hbm>>
        %dma_wait3A_371 = tpu.memref_squeeze %dma_wait3A_370 : memref<1x1x128x384xf32, #tpu.memory_space<hbm>> -> memref<128x384xf32, #tpu.memory_space<hbm>>
        %dma_wait3A_372 = arith.constant 128 : i32
        %dma_wait3A_373 = arith.constant 0 : i32
        %dma_wait3A_374 = tpu.memref_slice %arg2[%run_scoped3A, %run_scoped3A_358, %dma_wait3A_372, %dma_wait3A_373] : memref<3x32x384x384xf32, #tpu.memory_space<hbm>> -> memref<1x1x128x384xf32, #tpu.memory_space<hbm>>
        %dma_wait3A_375 = tpu.memref_squeeze %dma_wait3A_374 : memref<1x1x128x384xf32, #tpu.memory_space<hbm>> -> memref<128x384xf32, #tpu.memory_space<hbm>>
        tpu.wait_dma2 semaphore(%run_scoped3A_361 : memref<!tpu.dma_semaphore, #tpu.memory_space<semaphore_mem>>) src(%dma_wait3A_375 : memref<128x384xf32, #tpu.memory_space<hbm>>) dst(%arg4 : memref<128x384xf32, #tpu.memory_space<vmem>>)
        tpu.yield
      }) : () -> ()
      %run_scoped3A_359 = arith.constant 2 : i32
      %run_scoped3A_360 = arith.constant 2 : i32
      "tpu.region"() ({
        %run_scoped3A_361 = tpu.sem_alloc : memref<!tpu.dma_semaphore, #tpu.memory_space<semaphore_mem>>
        %dma_start3A = arith.constant 128 : i32
        %dma_start3A_362 = arith.constant 0 : i32
        %dma_start3A_363 = tpu.memref_slice %arg3[%run_scoped3A_359, %run_scoped3A_360, %dma_start3A, %dma_start3A_362] : memref<3x8x384x384xf32, #tpu.memory_space<hbm>> -> memref<1x1x128x384xf32, #tpu.memory_space<hbm>>
        %dma_start3A_364 = tpu.memref_squeeze %dma_start3A_363 : memref<1x1x128x384xf32, #tpu.memory_space<hbm>> -> memref<128x384xf32, #tpu.memory_space<hbm>>
        %dma_start3A_365 = arith.constant 128 : i32
        %dma_start3A_366 = arith.constant 0 : i32
        %dma_start3A_367 = tpu.memref_slice %arg3[%run_scoped3A_359, %run_scoped3A_360, %dma_start3A_365, %dma_start3A_366] : memref<3x8x384x384xf32, #tpu.memory_space<hbm>> -> memref<1x1x128x384xf32, #tpu.memory_space<hbm>>
        %dma_start3A_368 = tpu.memref_squeeze %dma_start3A_367 : memref<1x1x128x384xf32, #tpu.memory_space<hbm>> -> memref<128x384xf32, #tpu.memory_space<hbm>>
        tpu.enqueue_dma source(%arg4 : memref<128x384xf32, #tpu.memory_space<vmem>>) target(%dma_start3A_368 : memref<128x384xf32, #tpu.memory_space<hbm>>) target_semaphore(%run_scoped3A_361 : memref<!tpu.dma_semaphore, #tpu.memory_space<semaphore_mem>>)
        %dma_wait3A = arith.constant 128 : i32
        %dma_wait3A_369 = arith.constant 0 : i32
        %dma_wait3A_370 = tpu.memref_slice %arg3[%run_scoped3A_359, %run_scoped3A_360, %dma_wait3A, %dma_wait3A_369] : memref<3x8x384x384xf32, #tpu.memory_space<hbm>> -> memref<1x1x128x384xf32, #tpu.memory_space<hbm>>
        %dma_wait3A_371 = tpu.memref_squeeze %dma_wait3A_370 : memref<1x1x128x384xf32, #tpu.memory_space<hbm>> -> memref<128x384xf32, #tpu.memory_space<hbm>>
        %dma_wait3A_372 = arith.constant 128 : i32
        %dma_wait3A_373 = arith.constant 0 : i32
        %dma_wait3A_374 = tpu.memref_slice %arg3[%run_scoped3A_359, %run_scoped3A_360, %dma_wait3A_372, %dma_wait3A_373] : memref<3x8x384x384xf32, #tpu.memory_space<hbm>> -> memref<1x1x128x384xf32, #tpu.memory_space<hbm>>
        %dma_wait3A_375 = tpu.memref_squeeze %dma_wait3A_374 : memref<1x1x128x384xf32, #tpu.memory_space<hbm>> -> memref<128x384xf32, #tpu.memory_space<hbm>>
        tpu.wait_dma2 semaphore(%run_scoped3A_361 : memref<!tpu.dma_semaphore, #tpu.memory_space<semaphore_mem>>) src(%arg4 : memref<128x384xf32, #tpu.memory_space<vmem>>) dst(%dma_wait3A_375 : memref<128x384xf32, #tpu.memory_space<hbm>>)
        tpu.yield
      }) : () -> ()
    } else {
    }
    %eq3A_278 = arith.constant 24 : i32
    %eq3A_279 = arith.cmpi eq, %add3A, %eq3A_278 : i32
    %convert_element_type3A_280 = arith.extui %eq3A_279 : i1 to i32
    %cond3A_281 = arith.constant 0 : i32
    %cond3A_282 = arith.cmpi ne, %convert_element_type3A_280, %cond3A_281 : i32
    scf.if %cond3A_282 {
      %run_scoped3A = arith.constant 2 : i32
      %run_scoped3A_358 = arith.constant 8 : i32
      "tpu.region"() ({
        %run_scoped3A_361 = tpu.sem_alloc : memref<!tpu.dma_semaphore, #tpu.memory_space<semaphore_mem>>
        %dma_start3A = arith.constant 256 : i32
        %dma_start3A_362 = arith.constant 0 : i32
        %dma_start3A_363 = tpu.memref_slice %arg2[%run_scoped3A, %run_scoped3A_358, %dma_start3A, %dma_start3A_362] : memref<3x32x384x384xf32, #tpu.memory_space<hbm>> -> memref<1x1x128x384xf32, #tpu.memory_space<hbm>>
        %dma_start3A_364 = tpu.memref_squeeze %dma_start3A_363 : memref<1x1x128x384xf32, #tpu.memory_space<hbm>> -> memref<128x384xf32, #tpu.memory_space<hbm>>
        %dma_start3A_365 = arith.constant 256 : i32
        %dma_start3A_366 = arith.constant 0 : i32
        %dma_start3A_367 = tpu.memref_slice %arg2[%run_scoped3A, %run_scoped3A_358, %dma_start3A_365, %dma_start3A_366] : memref<3x32x384x384xf32, #tpu.memory_space<hbm>> -> memref<1x1x128x384xf32, #tpu.memory_space<hbm>>
        %dma_start3A_368 = tpu.memref_squeeze %dma_start3A_367 : memref<1x1x128x384xf32, #tpu.memory_space<hbm>> -> memref<128x384xf32, #tpu.memory_space<hbm>>
        tpu.enqueue_dma source(%dma_start3A_368 : memref<128x384xf32, #tpu.memory_space<hbm>>) target(%arg4 : memref<128x384xf32, #tpu.memory_space<vmem>>) target_semaphore(%run_scoped3A_361 : memref<!tpu.dma_semaphore, #tpu.memory_space<semaphore_mem>>)
        %dma_wait3A = arith.constant 256 : i32
        %dma_wait3A_369 = arith.constant 0 : i32
        %dma_wait3A_370 = tpu.memref_slice %arg2[%run_scoped3A, %run_scoped3A_358, %dma_wait3A, %dma_wait3A_369] : memref<3x32x384x384xf32, #tpu.memory_space<hbm>> -> memref<1x1x128x384xf32, #tpu.memory_space<hbm>>
        %dma_wait3A_371 = tpu.memref_squeeze %dma_wait3A_370 : memref<1x1x128x384xf32, #tpu.memory_space<hbm>> -> memref<128x384xf32, #tpu.memory_space<hbm>>
        %dma_wait3A_372 = arith.constant 256 : i32
        %dma_wait3A_373 = arith.constant 0 : i32
        %dma_wait3A_374 = tpu.memref_slice %arg2[%run_scoped3A, %run_scoped3A_358, %dma_wait3A_372, %dma_wait3A_373] : memref<3x32x384x384xf32, #tpu.memory_space<hbm>> -> memref<1x1x128x384xf32, #tpu.memory_space<hbm>>
        %dma_wait3A_375 = tpu.memref_squeeze %dma_wait3A_374 : memref<1x1x128x384xf32, #tpu.memory_space<hbm>> -> memref<128x384xf32, #tpu.memory_space<hbm>>
        tpu.wait_dma2 semaphore(%run_scoped3A_361 : memref<!tpu.dma_semaphore, #tpu.memory_space<semaphore_mem>>) src(%dma_wait3A_375 : memref<128x384xf32, #tpu.memory_space<hbm>>) dst(%arg4 : memref<128x384xf32, #tpu.memory_space<vmem>>)
        tpu.yield
      }) : () -> ()
      %run_scoped3A_359 = arith.constant 2 : i32
      %run_scoped3A_360 = arith.constant 2 : i32
      "tpu.region"() ({
        %run_scoped3A_361 = tpu.sem_alloc : memref<!tpu.dma_semaphore, #tpu.memory_space<semaphore_mem>>
        %dma_start3A = arith.constant 256 : i32
        %dma_start3A_362 = arith.constant 0 : i32
        %dma_start3A_363 = tpu.memref_slice %arg3[%run_scoped3A_359, %run_scoped3A_360, %dma_start3A, %dma_start3A_362] : memref<3x8x384x384xf32, #tpu.memory_space<hbm>> -> memref<1x1x128x384xf32, #tpu.memory_space<hbm>>
        %dma_start3A_364 = tpu.memref_squeeze %dma_start3A_363 : memref<1x1x128x384xf32, #tpu.memory_space<hbm>> -> memref<128x384xf32, #tpu.memory_space<hbm>>
        %dma_start3A_365 = arith.constant 256 : i32
        %dma_start3A_366 = arith.constant 0 : i32
        %dma_start3A_367 = tpu.memref_slice %arg3[%run_scoped3A_359, %run_scoped3A_360, %dma_start3A_365, %dma_start3A_366] : memref<3x8x384x384xf32, #tpu.memory_space<hbm>> -> memref<1x1x128x384xf32, #tpu.memory_space<hbm>>
        %dma_start3A_368 = tpu.memref_squeeze %dma_start3A_367 : memref<1x1x128x384xf32, #tpu.memory_space<hbm>> -> memref<128x384xf32, #tpu.memory_space<hbm>>
        tpu.enqueue_dma source(%arg4 : memref<128x384xf32, #tpu.memory_space<vmem>>) target(%dma_start3A_368 : memref<128x384xf32, #tpu.memory_space<hbm>>) target_semaphore(%run_scoped3A_361 : memref<!tpu.dma_semaphore, #tpu.memory_space<semaphore_mem>>)
        %dma_wait3A = arith.constant 256 : i32
        %dma_wait3A_369 = arith.constant 0 : i32
        %dma_wait3A_370 = tpu.memref_slice %arg3[%run_scoped3A_359, %run_scoped3A_360, %dma_wait3A, %dma_wait3A_369] : memref<3x8x384x384xf32, #tpu.memory_space<hbm>> -> memref<1x1x128x384xf32, #tpu.memory_space<hbm>>
        %dma_wait3A_371 = tpu.memref_squeeze %dma_wait3A_370 : memref<1x1x128x384xf32, #tpu.memory_space<hbm>> -> memref<128x384xf32, #tpu.memory_space<hbm>>
        %dma_wait3A_372 = arith.constant 256 : i32
        %dma_wait3A_373 = arith.constant 0 : i32
        %dma_wait3A_374 = tpu.memref_slice %arg3[%run_scoped3A_359, %run_scoped3A_360, %dma_wait3A_372, %dma_wait3A_373] : memref<3x8x384x384xf32, #tpu.memory_space<hbm>> -> memref<1x1x128x384xf32, #tpu.memory_space<hbm>>
        %dma_wait3A_375 = tpu.memref_squeeze %dma_wait3A_374 : memref<1x1x128x384xf32, #tpu.memory_space<hbm>> -> memref<128x384xf32, #tpu.memory_space<hbm>>
        tpu.wait_dma2 semaphore(%run_scoped3A_361 : memref<!tpu.dma_semaphore, #tpu.memory_space<semaphore_mem>>) src(%arg4 : memref<128x384xf32, #tpu.memory_space<vmem>>) dst(%dma_wait3A_375 : memref<128x384xf32, #tpu.memory_space<hbm>>)
        tpu.yield
      }) : () -> ()
    } else {
    }
    %eq3A_283 = arith.constant 25 : i32
    %eq3A_284 = arith.cmpi eq, %add3A, %eq3A_283 : i32
    %convert_element_type3A_285 = arith.extui %eq3A_284 : i1 to i32
    %cond3A_286 = arith.constant 0 : i32
    %cond3A_287 = arith.cmpi ne, %convert_element_type3A_285, %cond3A_286 : i32
    scf.if %cond3A_287 {
      %run_scoped3A = arith.constant 2 : i32
      %run_scoped3A_358 = arith.constant 13 : i32
      "tpu.region"() ({
        %run_scoped3A_361 = tpu.sem_alloc : memref<!tpu.dma_semaphore, #tpu.memory_space<semaphore_mem>>
        %dma_start3A = arith.constant 0 : i32
        %dma_start3A_362 = arith.constant 0 : i32
        %dma_start3A_363 = tpu.memref_slice %arg2[%run_scoped3A, %run_scoped3A_358, %dma_start3A, %dma_start3A_362] : memref<3x32x384x384xf32, #tpu.memory_space<hbm>> -> memref<1x1x128x384xf32, #tpu.memory_space<hbm>>
        %dma_start3A_364 = tpu.memref_squeeze %dma_start3A_363 : memref<1x1x128x384xf32, #tpu.memory_space<hbm>> -> memref<128x384xf32, #tpu.memory_space<hbm>>
        %dma_start3A_365 = arith.constant 0 : i32
        %dma_start3A_366 = arith.constant 0 : i32
        %dma_start3A_367 = tpu.memref_slice %arg2[%run_scoped3A, %run_scoped3A_358, %dma_start3A_365, %dma_start3A_366] : memref<3x32x384x384xf32, #tpu.memory_space<hbm>> -> memref<1x1x128x384xf32, #tpu.memory_space<hbm>>
        %dma_start3A_368 = tpu.memref_squeeze %dma_start3A_367 : memref<1x1x128x384xf32, #tpu.memory_space<hbm>> -> memref<128x384xf32, #tpu.memory_space<hbm>>
        tpu.enqueue_dma source(%dma_start3A_368 : memref<128x384xf32, #tpu.memory_space<hbm>>) target(%arg4 : memref<128x384xf32, #tpu.memory_space<vmem>>) target_semaphore(%run_scoped3A_361 : memref<!tpu.dma_semaphore, #tpu.memory_space<semaphore_mem>>)
        %dma_wait3A = arith.constant 0 : i32
        %dma_wait3A_369 = arith.constant 0 : i32
        %dma_wait3A_370 = tpu.memref_slice %arg2[%run_scoped3A, %run_scoped3A_358, %dma_wait3A, %dma_wait3A_369] : memref<3x32x384x384xf32, #tpu.memory_space<hbm>> -> memref<1x1x128x384xf32, #tpu.memory_space<hbm>>
        %dma_wait3A_371 = tpu.memref_squeeze %dma_wait3A_370 : memref<1x1x128x384xf32, #tpu.memory_space<hbm>> -> memref<128x384xf32, #tpu.memory_space<hbm>>
        %dma_wait3A_372 = arith.constant 0 : i32
        %dma_wait3A_373 = arith.constant 0 : i32
        %dma_wait3A_374 = tpu.memref_slice %arg2[%run_scoped3A, %run_scoped3A_358, %dma_wait3A_372, %dma_wait3A_373] : memref<3x32x384x384xf32, #tpu.memory_space<hbm>> -> memref<1x1x128x384xf32, #tpu.memory_space<hbm>>
        %dma_wait3A_375 = tpu.memref_squeeze %dma_wait3A_374 : memref<1x1x128x384xf32, #tpu.memory_space<hbm>> -> memref<128x384xf32, #tpu.memory_space<hbm>>
        tpu.wait_dma2 semaphore(%run_scoped3A_361 : memref<!tpu.dma_semaphore, #tpu.memory_space<semaphore_mem>>) src(%dma_wait3A_375 : memref<128x384xf32, #tpu.memory_space<hbm>>) dst(%arg4 : memref<128x384xf32, #tpu.memory_space<vmem>>)
        tpu.yield
      }) : () -> ()
      %run_scoped3A_359 = arith.constant 2 : i32
      %run_scoped3A_360 = arith.constant 3 : i32
      "tpu.region"() ({
        %run_scoped3A_361 = tpu.sem_alloc : memref<!tpu.dma_semaphore, #tpu.memory_space<semaphore_mem>>
        %dma_start3A = arith.constant 0 : i32
        %dma_start3A_362 = arith.constant 0 : i32
        %dma_start3A_363 = tpu.memref_slice %arg3[%run_scoped3A_359, %run_scoped3A_360, %dma_start3A, %dma_start3A_362] : memref<3x8x384x384xf32, #tpu.memory_space<hbm>> -> memref<1x1x128x384xf32, #tpu.memory_space<hbm>>
        %dma_start3A_364 = tpu.memref_squeeze %dma_start3A_363 : memref<1x1x128x384xf32, #tpu.memory_space<hbm>> -> memref<128x384xf32, #tpu.memory_space<hbm>>
        %dma_start3A_365 = arith.constant 0 : i32
        %dma_start3A_366 = arith.constant 0 : i32
        %dma_start3A_367 = tpu.memref_slice %arg3[%run_scoped3A_359, %run_scoped3A_360, %dma_start3A_365, %dma_start3A_366] : memref<3x8x384x384xf32, #tpu.memory_space<hbm>> -> memref<1x1x128x384xf32, #tpu.memory_space<hbm>>
        %dma_start3A_368 = tpu.memref_squeeze %dma_start3A_367 : memref<1x1x128x384xf32, #tpu.memory_space<hbm>> -> memref<128x384xf32, #tpu.memory_space<hbm>>
        tpu.enqueue_dma source(%arg4 : memref<128x384xf32, #tpu.memory_space<vmem>>) target(%dma_start3A_368 : memref<128x384xf32, #tpu.memory_space<hbm>>) target_semaphore(%run_scoped3A_361 : memref<!tpu.dma_semaphore, #tpu.memory_space<semaphore_mem>>)
        %dma_wait3A = arith.constant 0 : i32
        %dma_wait3A_369 = arith.constant 0 : i32
        %dma_wait3A_370 = tpu.memref_slice %arg3[%run_scoped3A_359, %run_scoped3A_360, %dma_wait3A, %dma_wait3A_369] : memref<3x8x384x384xf32, #tpu.memory_space<hbm>> -> memref<1x1x128x384xf32, #tpu.memory_space<hbm>>
        %dma_wait3A_371 = tpu.memref_squeeze %dma_wait3A_370 : memref<1x1x128x384xf32, #tpu.memory_space<hbm>> -> memref<128x384xf32, #tpu.memory_space<hbm>>
        %dma_wait3A_372 = arith.constant 0 : i32
        %dma_wait3A_373 = arith.constant 0 : i32
        %dma_wait3A_374 = tpu.memref_slice %arg3[%run_scoped3A_359, %run_scoped3A_360, %dma_wait3A_372, %dma_wait3A_373] : memref<3x8x384x384xf32, #tpu.memory_space<hbm>> -> memref<1x1x128x384xf32, #tpu.memory_space<hbm>>
        %dma_wait3A_375 = tpu.memref_squeeze %dma_wait3A_374 : memref<1x1x128x384xf32, #tpu.memory_space<hbm>> -> memref<128x384xf32, #tpu.memory_space<hbm>>
        tpu.wait_dma2 semaphore(%run_scoped3A_361 : memref<!tpu.dma_semaphore, #tpu.memory_space<semaphore_mem>>) src(%arg4 : memref<128x384xf32, #tpu.memory_space<vmem>>) dst(%dma_wait3A_375 : memref<128x384xf32, #tpu.memory_space<hbm>>)
        tpu.yield
      }) : () -> ()
    } else {
    }
    %eq3A_288 = arith.constant 26 : i32
    %eq3A_289 = arith.cmpi eq, %add3A, %eq3A_288 : i32
    %convert_element_type3A_290 = arith.extui %eq3A_289 : i1 to i32
    %cond3A_291 = arith.constant 0 : i32
    %cond3A_292 = arith.cmpi ne, %convert_element_type3A_290, %cond3A_291 : i32
    scf.if %cond3A_292 {
      %run_scoped3A = arith.constant 2 : i32
      %run_scoped3A_358 = arith.constant 13 : i32
      "tpu.region"() ({
        %run_scoped3A_361 = tpu.sem_alloc : memref<!tpu.dma_semaphore, #tpu.memory_space<semaphore_mem>>
        %dma_start3A = arith.constant 128 : i32
        %dma_start3A_362 = arith.constant 0 : i32
        %dma_start3A_363 = tpu.memref_slice %arg2[%run_scoped3A, %run_scoped3A_358, %dma_start3A, %dma_start3A_362] : memref<3x32x384x384xf32, #tpu.memory_space<hbm>> -> memref<1x1x128x384xf32, #tpu.memory_space<hbm>>
        %dma_start3A_364 = tpu.memref_squeeze %dma_start3A_363 : memref<1x1x128x384xf32, #tpu.memory_space<hbm>> -> memref<128x384xf32, #tpu.memory_space<hbm>>
        %dma_start3A_365 = arith.constant 128 : i32
        %dma_start3A_366 = arith.constant 0 : i32
        %dma_start3A_367 = tpu.memref_slice %arg2[%run_scoped3A, %run_scoped3A_358, %dma_start3A_365, %dma_start3A_366] : memref<3x32x384x384xf32, #tpu.memory_space<hbm>> -> memref<1x1x128x384xf32, #tpu.memory_space<hbm>>
        %dma_start3A_368 = tpu.memref_squeeze %dma_start3A_367 : memref<1x1x128x384xf32, #tpu.memory_space<hbm>> -> memref<128x384xf32, #tpu.memory_space<hbm>>
        tpu.enqueue_dma source(%dma_start3A_368 : memref<128x384xf32, #tpu.memory_space<hbm>>) target(%arg4 : memref<128x384xf32, #tpu.memory_space<vmem>>) target_semaphore(%run_scoped3A_361 : memref<!tpu.dma_semaphore, #tpu.memory_space<semaphore_mem>>)
        %dma_wait3A = arith.constant 128 : i32
        %dma_wait3A_369 = arith.constant 0 : i32
        %dma_wait3A_370 = tpu.memref_slice %arg2[%run_scoped3A, %run_scoped3A_358, %dma_wait3A, %dma_wait3A_369] : memref<3x32x384x384xf32, #tpu.memory_space<hbm>> -> memref<1x1x128x384xf32, #tpu.memory_space<hbm>>
        %dma_wait3A_371 = tpu.memref_squeeze %dma_wait3A_370 : memref<1x1x128x384xf32, #tpu.memory_space<hbm>> -> memref<128x384xf32, #tpu.memory_space<hbm>>
        %dma_wait3A_372 = arith.constant 128 : i32
        %dma_wait3A_373 = arith.constant 0 : i32
        %dma_wait3A_374 = tpu.memref_slice %arg2[%run_scoped3A, %run_scoped3A_358, %dma_wait3A_372, %dma_wait3A_373] : memref<3x32x384x384xf32, #tpu.memory_space<hbm>> -> memref<1x1x128x384xf32, #tpu.memory_space<hbm>>
        %dma_wait3A_375 = tpu.memref_squeeze %dma_wait3A_374 : memref<1x1x128x384xf32, #tpu.memory_space<hbm>> -> memref<128x384xf32, #tpu.memory_space<hbm>>
        tpu.wait_dma2 semaphore(%run_scoped3A_361 : memref<!tpu.dma_semaphore, #tpu.memory_space<semaphore_mem>>) src(%dma_wait3A_375 : memref<128x384xf32, #tpu.memory_space<hbm>>) dst(%arg4 : memref<128x384xf32, #tpu.memory_space<vmem>>)
        tpu.yield
      }) : () -> ()
      %run_scoped3A_359 = arith.constant 2 : i32
      %run_scoped3A_360 = arith.constant 3 : i32
      "tpu.region"() ({
        %run_scoped3A_361 = tpu.sem_alloc : memref<!tpu.dma_semaphore, #tpu.memory_space<semaphore_mem>>
        %dma_start3A = arith.constant 128 : i32
        %dma_start3A_362 = arith.constant 0 : i32
        %dma_start3A_363 = tpu.memref_slice %arg3[%run_scoped3A_359, %run_scoped3A_360, %dma_start3A, %dma_start3A_362] : memref<3x8x384x384xf32, #tpu.memory_space<hbm>> -> memref<1x1x128x384xf32, #tpu.memory_space<hbm>>
        %dma_start3A_364 = tpu.memref_squeeze %dma_start3A_363 : memref<1x1x128x384xf32, #tpu.memory_space<hbm>> -> memref<128x384xf32, #tpu.memory_space<hbm>>
        %dma_start3A_365 = arith.constant 128 : i32
        %dma_start3A_366 = arith.constant 0 : i32
        %dma_start3A_367 = tpu.memref_slice %arg3[%run_scoped3A_359, %run_scoped3A_360, %dma_start3A_365, %dma_start3A_366] : memref<3x8x384x384xf32, #tpu.memory_space<hbm>> -> memref<1x1x128x384xf32, #tpu.memory_space<hbm>>
        %dma_start3A_368 = tpu.memref_squeeze %dma_start3A_367 : memref<1x1x128x384xf32, #tpu.memory_space<hbm>> -> memref<128x384xf32, #tpu.memory_space<hbm>>
        tpu.enqueue_dma source(%arg4 : memref<128x384xf32, #tpu.memory_space<vmem>>) target(%dma_start3A_368 : memref<128x384xf32, #tpu.memory_space<hbm>>) target_semaphore(%run_scoped3A_361 : memref<!tpu.dma_semaphore, #tpu.memory_space<semaphore_mem>>)
        %dma_wait3A = arith.constant 128 : i32
        %dma_wait3A_369 = arith.constant 0 : i32
        %dma_wait3A_370 = tpu.memref_slice %arg3[%run_scoped3A_359, %run_scoped3A_360, %dma_wait3A, %dma_wait3A_369] : memref<3x8x384x384xf32, #tpu.memory_space<hbm>> -> memref<1x1x128x384xf32, #tpu.memory_space<hbm>>
        %dma_wait3A_371 = tpu.memref_squeeze %dma_wait3A_370 : memref<1x1x128x384xf32, #tpu.memory_space<hbm>> -> memref<128x384xf32, #tpu.memory_space<hbm>>
        %dma_wait3A_372 = arith.constant 128 : i32
        %dma_wait3A_373 = arith.constant 0 : i32
        %dma_wait3A_374 = tpu.memref_slice %arg3[%run_scoped3A_359, %run_scoped3A_360, %dma_wait3A_372, %dma_wait3A_373] : memref<3x8x384x384xf32, #tpu.memory_space<hbm>> -> memref<1x1x128x384xf32, #tpu.memory_space<hbm>>
        %dma_wait3A_375 = tpu.memref_squeeze %dma_wait3A_374 : memref<1x1x128x384xf32, #tpu.memory_space<hbm>> -> memref<128x384xf32, #tpu.memory_space<hbm>>
        tpu.wait_dma2 semaphore(%run_scoped3A_361 : memref<!tpu.dma_semaphore, #tpu.memory_space<semaphore_mem>>) src(%arg4 : memref<128x384xf32, #tpu.memory_space<vmem>>) dst(%dma_wait3A_375 : memref<128x384xf32, #tpu.memory_space<hbm>>)
        tpu.yield
      }) : () -> ()
    } else {
    }
    %eq3A_293 = arith.constant 27 : i32
    %eq3A_294 = arith.cmpi eq, %add3A, %eq3A_293 : i32
    %convert_element_type3A_295 = arith.extui %eq3A_294 : i1 to i32
    %cond3A_296 = arith.constant 0 : i32
    %cond3A_297 = arith.cmpi ne, %convert_element_type3A_295, %cond3A_296 : i32
    scf.if %cond3A_297 {
      %run_scoped3A = arith.constant 2 : i32
      %run_scoped3A_358 = arith.constant 13 : i32
      "tpu.region"() ({
        %run_scoped3A_361 = tpu.sem_alloc : memref<!tpu.dma_semaphore, #tpu.memory_space<semaphore_mem>>
        %dma_start3A = arith.constant 256 : i32
        %dma_start3A_362 = arith.constant 0 : i32
        %dma_start3A_363 = tpu.memref_slice %arg2[%run_scoped3A, %run_scoped3A_358, %dma_start3A, %dma_start3A_362] : memref<3x32x384x384xf32, #tpu.memory_space<hbm>> -> memref<1x1x128x384xf32, #tpu.memory_space<hbm>>
        %dma_start3A_364 = tpu.memref_squeeze %dma_start3A_363 : memref<1x1x128x384xf32, #tpu.memory_space<hbm>> -> memref<128x384xf32, #tpu.memory_space<hbm>>
        %dma_start3A_365 = arith.constant 256 : i32
        %dma_start3A_366 = arith.constant 0 : i32
        %dma_start3A_367 = tpu.memref_slice %arg2[%run_scoped3A, %run_scoped3A_358, %dma_start3A_365, %dma_start3A_366] : memref<3x32x384x384xf32, #tpu.memory_space<hbm>> -> memref<1x1x128x384xf32, #tpu.memory_space<hbm>>
        %dma_start3A_368 = tpu.memref_squeeze %dma_start3A_367 : memref<1x1x128x384xf32, #tpu.memory_space<hbm>> -> memref<128x384xf32, #tpu.memory_space<hbm>>
        tpu.enqueue_dma source(%dma_start3A_368 : memref<128x384xf32, #tpu.memory_space<hbm>>) target(%arg4 : memref<128x384xf32, #tpu.memory_space<vmem>>) target_semaphore(%run_scoped3A_361 : memref<!tpu.dma_semaphore, #tpu.memory_space<semaphore_mem>>)
        %dma_wait3A = arith.constant 256 : i32
        %dma_wait3A_369 = arith.constant 0 : i32
        %dma_wait3A_370 = tpu.memref_slice %arg2[%run_scoped3A, %run_scoped3A_358, %dma_wait3A, %dma_wait3A_369] : memref<3x32x384x384xf32, #tpu.memory_space<hbm>> -> memref<1x1x128x384xf32, #tpu.memory_space<hbm>>
        %dma_wait3A_371 = tpu.memref_squeeze %dma_wait3A_370 : memref<1x1x128x384xf32, #tpu.memory_space<hbm>> -> memref<128x384xf32, #tpu.memory_space<hbm>>
        %dma_wait3A_372 = arith.constant 256 : i32
        %dma_wait3A_373 = arith.constant 0 : i32
        %dma_wait3A_374 = tpu.memref_slice %arg2[%run_scoped3A, %run_scoped3A_358, %dma_wait3A_372, %dma_wait3A_373] : memref<3x32x384x384xf32, #tpu.memory_space<hbm>> -> memref<1x1x128x384xf32, #tpu.memory_space<hbm>>
        %dma_wait3A_375 = tpu.memref_squeeze %dma_wait3A_374 : memref<1x1x128x384xf32, #tpu.memory_space<hbm>> -> memref<128x384xf32, #tpu.memory_space<hbm>>
        tpu.wait_dma2 semaphore(%run_scoped3A_361 : memref<!tpu.dma_semaphore, #tpu.memory_space<semaphore_mem>>) src(%dma_wait3A_375 : memref<128x384xf32, #tpu.memory_space<hbm>>) dst(%arg4 : memref<128x384xf32, #tpu.memory_space<vmem>>)
        tpu.yield
      }) : () -> ()
      %run_scoped3A_359 = arith.constant 2 : i32
      %run_scoped3A_360 = arith.constant 3 : i32
      "tpu.region"() ({
        %run_scoped3A_361 = tpu.sem_alloc : memref<!tpu.dma_semaphore, #tpu.memory_space<semaphore_mem>>
        %dma_start3A = arith.constant 256 : i32
        %dma_start3A_362 = arith.constant 0 : i32
        %dma_start3A_363 = tpu.memref_slice %arg3[%run_scoped3A_359, %run_scoped3A_360, %dma_start3A, %dma_start3A_362] : memref<3x8x384x384xf32, #tpu.memory_space<hbm>> -> memref<1x1x128x384xf32, #tpu.memory_space<hbm>>
        %dma_start3A_364 = tpu.memref_squeeze %dma_start3A_363 : memref<1x1x128x384xf32, #tpu.memory_space<hbm>> -> memref<128x384xf32, #tpu.memory_space<hbm>>
        %dma_start3A_365 = arith.constant 256 : i32
        %dma_start3A_366 = arith.constant 0 : i32
        %dma_start3A_367 = tpu.memref_slice %arg3[%run_scoped3A_359, %run_scoped3A_360, %dma_start3A_365, %dma_start3A_366] : memref<3x8x384x384xf32, #tpu.memory_space<hbm>> -> memref<1x1x128x384xf32, #tpu.memory_space<hbm>>
        %dma_start3A_368 = tpu.memref_squeeze %dma_start3A_367 : memref<1x1x128x384xf32, #tpu.memory_space<hbm>> -> memref<128x384xf32, #tpu.memory_space<hbm>>
        tpu.enqueue_dma source(%arg4 : memref<128x384xf32, #tpu.memory_space<vmem>>) target(%dma_start3A_368 : memref<128x384xf32, #tpu.memory_space<hbm>>) target_semaphore(%run_scoped3A_361 : memref<!tpu.dma_semaphore, #tpu.memory_space<semaphore_mem>>)
        %dma_wait3A = arith.constant 256 : i32
        %dma_wait3A_369 = arith.constant 0 : i32
        %dma_wait3A_370 = tpu.memref_slice %arg3[%run_scoped3A_359, %run_scoped3A_360, %dma_wait3A, %dma_wait3A_369] : memref<3x8x384x384xf32, #tpu.memory_space<hbm>> -> memref<1x1x128x384xf32, #tpu.memory_space<hbm>>
        %dma_wait3A_371 = tpu.memref_squeeze %dma_wait3A_370 : memref<1x1x128x384xf32, #tpu.memory_space<hbm>> -> memref<128x384xf32, #tpu.memory_space<hbm>>
        %dma_wait3A_372 = arith.constant 256 : i32
        %dma_wait3A_373 = arith.constant 0 : i32
        %dma_wait3A_374 = tpu.memref_slice %arg3[%run_scoped3A_359, %run_scoped3A_360, %dma_wait3A_372, %dma_wait3A_373] : memref<3x8x384x384xf32, #tpu.memory_space<hbm>> -> memref<1x1x128x384xf32, #tpu.memory_space<hbm>>
        %dma_wait3A_375 = tpu.memref_squeeze %dma_wait3A_374 : memref<1x1x128x384xf32, #tpu.memory_space<hbm>> -> memref<128x384xf32, #tpu.memory_space<hbm>>
        tpu.wait_dma2 semaphore(%run_scoped3A_361 : memref<!tpu.dma_semaphore, #tpu.memory_space<semaphore_mem>>) src(%arg4 : memref<128x384xf32, #tpu.memory_space<vmem>>) dst(%dma_wait3A_375 : memref<128x384xf32, #tpu.memory_space<hbm>>)
        tpu.yield
      }) : () -> ()
    } else {
    }
    %eq3A_298 = arith.constant 28 : i32
    %eq3A_299 = arith.cmpi eq, %add3A, %eq3A_298 : i32
    %convert_element_type3A_300 = arith.extui %eq3A_299 : i1 to i32
    %cond3A_301 = arith.constant 0 : i32
    %cond3A_302 = arith.cmpi ne, %convert_element_type3A_300, %cond3A_301 : i32
    scf.if %cond3A_302 {
      %run_scoped3A = arith.constant 2 : i32
      %run_scoped3A_358 = arith.constant 17 : i32
      "tpu.region"() ({
        %run_scoped3A_361 = tpu.sem_alloc : memref<!tpu.dma_semaphore, #tpu.memory_space<semaphore_mem>>
        %dma_start3A = arith.constant 0 : i32
        %dma_start3A_362 = arith.constant 0 : i32
        %dma_start3A_363 = tpu.memref_slice %arg2[%run_scoped3A, %run_scoped3A_358, %dma_start3A, %dma_start3A_362] : memref<3x32x384x384xf32, #tpu.memory_space<hbm>> -> memref<1x1x128x384xf32, #tpu.memory_space<hbm>>
        %dma_start3A_364 = tpu.memref_squeeze %dma_start3A_363 : memref<1x1x128x384xf32, #tpu.memory_space<hbm>> -> memref<128x384xf32, #tpu.memory_space<hbm>>
        %dma_start3A_365 = arith.constant 0 : i32
        %dma_start3A_366 = arith.constant 0 : i32
        %dma_start3A_367 = tpu.memref_slice %arg2[%run_scoped3A, %run_scoped3A_358, %dma_start3A_365, %dma_start3A_366] : memref<3x32x384x384xf32, #tpu.memory_space<hbm>> -> memref<1x1x128x384xf32, #tpu.memory_space<hbm>>
        %dma_start3A_368 = tpu.memref_squeeze %dma_start3A_367 : memref<1x1x128x384xf32, #tpu.memory_space<hbm>> -> memref<128x384xf32, #tpu.memory_space<hbm>>
        tpu.enqueue_dma source(%dma_start3A_368 : memref<128x384xf32, #tpu.memory_space<hbm>>) target(%arg4 : memref<128x384xf32, #tpu.memory_space<vmem>>) target_semaphore(%run_scoped3A_361 : memref<!tpu.dma_semaphore, #tpu.memory_space<semaphore_mem>>)
        %dma_wait3A = arith.constant 0 : i32
        %dma_wait3A_369 = arith.constant 0 : i32
        %dma_wait3A_370 = tpu.memref_slice %arg2[%run_scoped3A, %run_scoped3A_358, %dma_wait3A, %dma_wait3A_369] : memref<3x32x384x384xf32, #tpu.memory_space<hbm>> -> memref<1x1x128x384xf32, #tpu.memory_space<hbm>>
        %dma_wait3A_371 = tpu.memref_squeeze %dma_wait3A_370 : memref<1x1x128x384xf32, #tpu.memory_space<hbm>> -> memref<128x384xf32, #tpu.memory_space<hbm>>
        %dma_wait3A_372 = arith.constant 0 : i32
        %dma_wait3A_373 = arith.constant 0 : i32
        %dma_wait3A_374 = tpu.memref_slice %arg2[%run_scoped3A, %run_scoped3A_358, %dma_wait3A_372, %dma_wait3A_373] : memref<3x32x384x384xf32, #tpu.memory_space<hbm>> -> memref<1x1x128x384xf32, #tpu.memory_space<hbm>>
        %dma_wait3A_375 = tpu.memref_squeeze %dma_wait3A_374 : memref<1x1x128x384xf32, #tpu.memory_space<hbm>> -> memref<128x384xf32, #tpu.memory_space<hbm>>
        tpu.wait_dma2 semaphore(%run_scoped3A_361 : memref<!tpu.dma_semaphore, #tpu.memory_space<semaphore_mem>>) src(%dma_wait3A_375 : memref<128x384xf32, #tpu.memory_space<hbm>>) dst(%arg4 : memref<128x384xf32, #tpu.memory_space<vmem>>)
        tpu.yield
      }) : () -> ()
      %run_scoped3A_359 = arith.constant 2 : i32
      %run_scoped3A_360 = arith.constant 4 : i32
      "tpu.region"() ({
        %run_scoped3A_361 = tpu.sem_alloc : memref<!tpu.dma_semaphore, #tpu.memory_space<semaphore_mem>>
        %dma_start3A = arith.constant 0 : i32
        %dma_start3A_362 = arith.constant 0 : i32
        %dma_start3A_363 = tpu.memref_slice %arg3[%run_scoped3A_359, %run_scoped3A_360, %dma_start3A, %dma_start3A_362] : memref<3x8x384x384xf32, #tpu.memory_space<hbm>> -> memref<1x1x128x384xf32, #tpu.memory_space<hbm>>
        %dma_start3A_364 = tpu.memref_squeeze %dma_start3A_363 : memref<1x1x128x384xf32, #tpu.memory_space<hbm>> -> memref<128x384xf32, #tpu.memory_space<hbm>>
        %dma_start3A_365 = arith.constant 0 : i32
        %dma_start3A_366 = arith.constant 0 : i32
        %dma_start3A_367 = tpu.memref_slice %arg3[%run_scoped3A_359, %run_scoped3A_360, %dma_start3A_365, %dma_start3A_366] : memref<3x8x384x384xf32, #tpu.memory_space<hbm>> -> memref<1x1x128x384xf32, #tpu.memory_space<hbm>>
        %dma_start3A_368 = tpu.memref_squeeze %dma_start3A_367 : memref<1x1x128x384xf32, #tpu.memory_space<hbm>> -> memref<128x384xf32, #tpu.memory_space<hbm>>
        tpu.enqueue_dma source(%arg4 : memref<128x384xf32, #tpu.memory_space<vmem>>) target(%dma_start3A_368 : memref<128x384xf32, #tpu.memory_space<hbm>>) target_semaphore(%run_scoped3A_361 : memref<!tpu.dma_semaphore, #tpu.memory_space<semaphore_mem>>)
        %dma_wait3A = arith.constant 0 : i32
        %dma_wait3A_369 = arith.constant 0 : i32
        %dma_wait3A_370 = tpu.memref_slice %arg3[%run_scoped3A_359, %run_scoped3A_360, %dma_wait3A, %dma_wait3A_369] : memref<3x8x384x384xf32, #tpu.memory_space<hbm>> -> memref<1x1x128x384xf32, #tpu.memory_space<hbm>>
        %dma_wait3A_371 = tpu.memref_squeeze %dma_wait3A_370 : memref<1x1x128x384xf32, #tpu.memory_space<hbm>> -> memref<128x384xf32, #tpu.memory_space<hbm>>
        %dma_wait3A_372 = arith.constant 0 : i32
        %dma_wait3A_373 = arith.constant 0 : i32
        %dma_wait3A_374 = tpu.memref_slice %arg3[%run_scoped3A_359, %run_scoped3A_360, %dma_wait3A_372, %dma_wait3A_373] : memref<3x8x384x384xf32, #tpu.memory_space<hbm>> -> memref<1x1x128x384xf32, #tpu.memory_space<hbm>>
        %dma_wait3A_375 = tpu.memref_squeeze %dma_wait3A_374 : memref<1x1x128x384xf32, #tpu.memory_space<hbm>> -> memref<128x384xf32, #tpu.memory_space<hbm>>
        tpu.wait_dma2 semaphore(%run_scoped3A_361 : memref<!tpu.dma_semaphore, #tpu.memory_space<semaphore_mem>>) src(%arg4 : memref<128x384xf32, #tpu.memory_space<vmem>>) dst(%dma_wait3A_375 : memref<128x384xf32, #tpu.memory_space<hbm>>)
        tpu.yield
      }) : () -> ()
    } else {
    }
    %eq3A_303 = arith.constant 29 : i32
    %eq3A_304 = arith.cmpi eq, %add3A, %eq3A_303 : i32
    %convert_element_type3A_305 = arith.extui %eq3A_304 : i1 to i32
    %cond3A_306 = arith.constant 0 : i32
    %cond3A_307 = arith.cmpi ne, %convert_element_type3A_305, %cond3A_306 : i32
    scf.if %cond3A_307 {
      %run_scoped3A = arith.constant 2 : i32
      %run_scoped3A_358 = arith.constant 17 : i32
      "tpu.region"() ({
        %run_scoped3A_361 = tpu.sem_alloc : memref<!tpu.dma_semaphore, #tpu.memory_space<semaphore_mem>>
        %dma_start3A = arith.constant 128 : i32
        %dma_start3A_362 = arith.constant 0 : i32
        %dma_start3A_363 = tpu.memref_slice %arg2[%run_scoped3A, %run_scoped3A_358, %dma_start3A, %dma_start3A_362] : memref<3x32x384x384xf32, #tpu.memory_space<hbm>> -> memref<1x1x128x384xf32, #tpu.memory_space<hbm>>
        %dma_start3A_364 = tpu.memref_squeeze %dma_start3A_363 : memref<1x1x128x384xf32, #tpu.memory_space<hbm>> -> memref<128x384xf32, #tpu.memory_space<hbm>>
        %dma_start3A_365 = arith.constant 128 : i32
        %dma_start3A_366 = arith.constant 0 : i32
        %dma_start3A_367 = tpu.memref_slice %arg2[%run_scoped3A, %run_scoped3A_358, %dma_start3A_365, %dma_start3A_366] : memref<3x32x384x384xf32, #tpu.memory_space<hbm>> -> memref<1x1x128x384xf32, #tpu.memory_space<hbm>>
        %dma_start3A_368 = tpu.memref_squeeze %dma_start3A_367 : memref<1x1x128x384xf32, #tpu.memory_space<hbm>> -> memref<128x384xf32, #tpu.memory_space<hbm>>
        tpu.enqueue_dma source(%dma_start3A_368 : memref<128x384xf32, #tpu.memory_space<hbm>>) target(%arg4 : memref<128x384xf32, #tpu.memory_space<vmem>>) target_semaphore(%run_scoped3A_361 : memref<!tpu.dma_semaphore, #tpu.memory_space<semaphore_mem>>)
        %dma_wait3A = arith.constant 128 : i32
        %dma_wait3A_369 = arith.constant 0 : i32
        %dma_wait3A_370 = tpu.memref_slice %arg2[%run_scoped3A, %run_scoped3A_358, %dma_wait3A, %dma_wait3A_369] : memref<3x32x384x384xf32, #tpu.memory_space<hbm>> -> memref<1x1x128x384xf32, #tpu.memory_space<hbm>>
        %dma_wait3A_371 = tpu.memref_squeeze %dma_wait3A_370 : memref<1x1x128x384xf32, #tpu.memory_space<hbm>> -> memref<128x384xf32, #tpu.memory_space<hbm>>
        %dma_wait3A_372 = arith.constant 128 : i32
        %dma_wait3A_373 = arith.constant 0 : i32
        %dma_wait3A_374 = tpu.memref_slice %arg2[%run_scoped3A, %run_scoped3A_358, %dma_wait3A_372, %dma_wait3A_373] : memref<3x32x384x384xf32, #tpu.memory_space<hbm>> -> memref<1x1x128x384xf32, #tpu.memory_space<hbm>>
        %dma_wait3A_375 = tpu.memref_squeeze %dma_wait3A_374 : memref<1x1x128x384xf32, #tpu.memory_space<hbm>> -> memref<128x384xf32, #tpu.memory_space<hbm>>
        tpu.wait_dma2 semaphore(%run_scoped3A_361 : memref<!tpu.dma_semaphore, #tpu.memory_space<semaphore_mem>>) src(%dma_wait3A_375 : memref<128x384xf32, #tpu.memory_space<hbm>>) dst(%arg4 : memref<128x384xf32, #tpu.memory_space<vmem>>)
        tpu.yield
      }) : () -> ()
      %run_scoped3A_359 = arith.constant 2 : i32
      %run_scoped3A_360 = arith.constant 4 : i32
      "tpu.region"() ({
        %run_scoped3A_361 = tpu.sem_alloc : memref<!tpu.dma_semaphore, #tpu.memory_space<semaphore_mem>>
        %dma_start3A = arith.constant 128 : i32
        %dma_start3A_362 = arith.constant 0 : i32
        %dma_start3A_363 = tpu.memref_slice %arg3[%run_scoped3A_359, %run_scoped3A_360, %dma_start3A, %dma_start3A_362] : memref<3x8x384x384xf32, #tpu.memory_space<hbm>> -> memref<1x1x128x384xf32, #tpu.memory_space<hbm>>
        %dma_start3A_364 = tpu.memref_squeeze %dma_start3A_363 : memref<1x1x128x384xf32, #tpu.memory_space<hbm>> -> memref<128x384xf32, #tpu.memory_space<hbm>>
        %dma_start3A_365 = arith.constant 128 : i32
        %dma_start3A_366 = arith.constant 0 : i32
        %dma_start3A_367 = tpu.memref_slice %arg3[%run_scoped3A_359, %run_scoped3A_360, %dma_start3A_365, %dma_start3A_366] : memref<3x8x384x384xf32, #tpu.memory_space<hbm>> -> memref<1x1x128x384xf32, #tpu.memory_space<hbm>>
        %dma_start3A_368 = tpu.memref_squeeze %dma_start3A_367 : memref<1x1x128x384xf32, #tpu.memory_space<hbm>> -> memref<128x384xf32, #tpu.memory_space<hbm>>
        tpu.enqueue_dma source(%arg4 : memref<128x384xf32, #tpu.memory_space<vmem>>) target(%dma_start3A_368 : memref<128x384xf32, #tpu.memory_space<hbm>>) target_semaphore(%run_scoped3A_361 : memref<!tpu.dma_semaphore, #tpu.memory_space<semaphore_mem>>)
        %dma_wait3A = arith.constant 128 : i32
        %dma_wait3A_369 = arith.constant 0 : i32
        %dma_wait3A_370 = tpu.memref_slice %arg3[%run_scoped3A_359, %run_scoped3A_360, %dma_wait3A, %dma_wait3A_369] : memref<3x8x384x384xf32, #tpu.memory_space<hbm>> -> memref<1x1x128x384xf32, #tpu.memory_space<hbm>>
        %dma_wait3A_371 = tpu.memref_squeeze %dma_wait3A_370 : memref<1x1x128x384xf32, #tpu.memory_space<hbm>> -> memref<128x384xf32, #tpu.memory_space<hbm>>
        %dma_wait3A_372 = arith.constant 128 : i32
        %dma_wait3A_373 = arith.constant 0 : i32
        %dma_wait3A_374 = tpu.memref_slice %arg3[%run_scoped3A_359, %run_scoped3A_360, %dma_wait3A_372, %dma_wait3A_373] : memref<3x8x384x384xf32, #tpu.memory_space<hbm>> -> memref<1x1x128x384xf32, #tpu.memory_space<hbm>>
        %dma_wait3A_375 = tpu.memref_squeeze %dma_wait3A_374 : memref<1x1x128x384xf32, #tpu.memory_space<hbm>> -> memref<128x384xf32, #tpu.memory_space<hbm>>
        tpu.wait_dma2 semaphore(%run_scoped3A_361 : memref<!tpu.dma_semaphore, #tpu.memory_space<semaphore_mem>>) src(%arg4 : memref<128x384xf32, #tpu.memory_space<vmem>>) dst(%dma_wait3A_375 : memref<128x384xf32, #tpu.memory_space<hbm>>)
        tpu.yield
      }) : () -> ()
    } else {
    }
    %eq3A_308 = arith.constant 30 : i32
    %eq3A_309 = arith.cmpi eq, %add3A, %eq3A_308 : i32
    %convert_element_type3A_310 = arith.extui %eq3A_309 : i1 to i32
    %cond3A_311 = arith.constant 0 : i32
    %cond3A_312 = arith.cmpi ne, %convert_element_type3A_310, %cond3A_311 : i32
    scf.if %cond3A_312 {
      %run_scoped3A = arith.constant 2 : i32
      %run_scoped3A_358 = arith.constant 17 : i32
      "tpu.region"() ({
        %run_scoped3A_361 = tpu.sem_alloc : memref<!tpu.dma_semaphore, #tpu.memory_space<semaphore_mem>>
        %dma_start3A = arith.constant 256 : i32
        %dma_start3A_362 = arith.constant 0 : i32
        %dma_start3A_363 = tpu.memref_slice %arg2[%run_scoped3A, %run_scoped3A_358, %dma_start3A, %dma_start3A_362] : memref<3x32x384x384xf32, #tpu.memory_space<hbm>> -> memref<1x1x128x384xf32, #tpu.memory_space<hbm>>
        %dma_start3A_364 = tpu.memref_squeeze %dma_start3A_363 : memref<1x1x128x384xf32, #tpu.memory_space<hbm>> -> memref<128x384xf32, #tpu.memory_space<hbm>>
        %dma_start3A_365 = arith.constant 256 : i32
        %dma_start3A_366 = arith.constant 0 : i32
        %dma_start3A_367 = tpu.memref_slice %arg2[%run_scoped3A, %run_scoped3A_358, %dma_start3A_365, %dma_start3A_366] : memref<3x32x384x384xf32, #tpu.memory_space<hbm>> -> memref<1x1x128x384xf32, #tpu.memory_space<hbm>>
        %dma_start3A_368 = tpu.memref_squeeze %dma_start3A_367 : memref<1x1x128x384xf32, #tpu.memory_space<hbm>> -> memref<128x384xf32, #tpu.memory_space<hbm>>
        tpu.enqueue_dma source(%dma_start3A_368 : memref<128x384xf32, #tpu.memory_space<hbm>>) target(%arg4 : memref<128x384xf32, #tpu.memory_space<vmem>>) target_semaphore(%run_scoped3A_361 : memref<!tpu.dma_semaphore, #tpu.memory_space<semaphore_mem>>)
        %dma_wait3A = arith.constant 256 : i32
        %dma_wait3A_369 = arith.constant 0 : i32
        %dma_wait3A_370 = tpu.memref_slice %arg2[%run_scoped3A, %run_scoped3A_358, %dma_wait3A, %dma_wait3A_369] : memref<3x32x384x384xf32, #tpu.memory_space<hbm>> -> memref<1x1x128x384xf32, #tpu.memory_space<hbm>>
        %dma_wait3A_371 = tpu.memref_squeeze %dma_wait3A_370 : memref<1x1x128x384xf32, #tpu.memory_space<hbm>> -> memref<128x384xf32, #tpu.memory_space<hbm>>
        %dma_wait3A_372 = arith.constant 256 : i32
        %dma_wait3A_373 = arith.constant 0 : i32
        %dma_wait3A_374 = tpu.memref_slice %arg2[%run_scoped3A, %run_scoped3A_358, %dma_wait3A_372, %dma_wait3A_373] : memref<3x32x384x384xf32, #tpu.memory_space<hbm>> -> memref<1x1x128x384xf32, #tpu.memory_space<hbm>>
        %dma_wait3A_375 = tpu.memref_squeeze %dma_wait3A_374 : memref<1x1x128x384xf32, #tpu.memory_space<hbm>> -> memref<128x384xf32, #tpu.memory_space<hbm>>
        tpu.wait_dma2 semaphore(%run_scoped3A_361 : memref<!tpu.dma_semaphore, #tpu.memory_space<semaphore_mem>>) src(%dma_wait3A_375 : memref<128x384xf32, #tpu.memory_space<hbm>>) dst(%arg4 : memref<128x384xf32, #tpu.memory_space<vmem>>)
        tpu.yield
      }) : () -> ()
      %run_scoped3A_359 = arith.constant 2 : i32
      %run_scoped3A_360 = arith.constant 4 : i32
      "tpu.region"() ({
        %run_scoped3A_361 = tpu.sem_alloc : memref<!tpu.dma_semaphore, #tpu.memory_space<semaphore_mem>>
        %dma_start3A = arith.constant 256 : i32
        %dma_start3A_362 = arith.constant 0 : i32
        %dma_start3A_363 = tpu.memref_slice %arg3[%run_scoped3A_359, %run_scoped3A_360, %dma_start3A, %dma_start3A_362] : memref<3x8x384x384xf32, #tpu.memory_space<hbm>> -> memref<1x1x128x384xf32, #tpu.memory_space<hbm>>
        %dma_start3A_364 = tpu.memref_squeeze %dma_start3A_363 : memref<1x1x128x384xf32, #tpu.memory_space<hbm>> -> memref<128x384xf32, #tpu.memory_space<hbm>>
        %dma_start3A_365 = arith.constant 256 : i32
        %dma_start3A_366 = arith.constant 0 : i32
        %dma_start3A_367 = tpu.memref_slice %arg3[%run_scoped3A_359, %run_scoped3A_360, %dma_start3A_365, %dma_start3A_366] : memref<3x8x384x384xf32, #tpu.memory_space<hbm>> -> memref<1x1x128x384xf32, #tpu.memory_space<hbm>>
        %dma_start3A_368 = tpu.memref_squeeze %dma_start3A_367 : memref<1x1x128x384xf32, #tpu.memory_space<hbm>> -> memref<128x384xf32, #tpu.memory_space<hbm>>
        tpu.enqueue_dma source(%arg4 : memref<128x384xf32, #tpu.memory_space<vmem>>) target(%dma_start3A_368 : memref<128x384xf32, #tpu.memory_space<hbm>>) target_semaphore(%run_scoped3A_361 : memref<!tpu.dma_semaphore, #tpu.memory_space<semaphore_mem>>)
        %dma_wait3A = arith.constant 256 : i32
        %dma_wait3A_369 = arith.constant 0 : i32
        %dma_wait3A_370 = tpu.memref_slice %arg3[%run_scoped3A_359, %run_scoped3A_360, %dma_wait3A, %dma_wait3A_369] : memref<3x8x384x384xf32, #tpu.memory_space<hbm>> -> memref<1x1x128x384xf32, #tpu.memory_space<hbm>>
        %dma_wait3A_371 = tpu.memref_squeeze %dma_wait3A_370 : memref<1x1x128x384xf32, #tpu.memory_space<hbm>> -> memref<128x384xf32, #tpu.memory_space<hbm>>
        %dma_wait3A_372 = arith.constant 256 : i32
        %dma_wait3A_373 = arith.constant 0 : i32
        %dma_wait3A_374 = tpu.memref_slice %arg3[%run_scoped3A_359, %run_scoped3A_360, %dma_wait3A_372, %dma_wait3A_373] : memref<3x8x384x384xf32, #tpu.memory_space<hbm>> -> memref<1x1x128x384xf32, #tpu.memory_space<hbm>>
        %dma_wait3A_375 = tpu.memref_squeeze %dma_wait3A_374 : memref<1x1x128x384xf32, #tpu.memory_space<hbm>> -> memref<128x384xf32, #tpu.memory_space<hbm>>
        tpu.wait_dma2 semaphore(%run_scoped3A_361 : memref<!tpu.dma_semaphore, #tpu.memory_space<semaphore_mem>>) src(%arg4 : memref<128x384xf32, #tpu.memory_space<vmem>>) dst(%dma_wait3A_375 : memref<128x384xf32, #tpu.memory_space<hbm>>)
        tpu.yield
      }) : () -> ()
    } else {
    }
    %eq3A_313 = arith.constant 31 : i32
    %eq3A_314 = arith.cmpi eq, %add3A, %eq3A_313 : i32
    %convert_element_type3A_315 = arith.extui %eq3A_314 : i1 to i32
    %cond3A_316 = arith.constant 0 : i32
    %cond3A_317 = arith.cmpi ne, %convert_element_type3A_315, %cond3A_316 : i32
    scf.if %cond3A_317 {
      %run_scoped3A = arith.constant 2 : i32
      %run_scoped3A_358 = arith.constant 22 : i32
      "tpu.region"() ({
        %run_scoped3A_361 = tpu.sem_alloc : memref<!tpu.dma_semaphore, #tpu.memory_space<semaphore_mem>>
        %dma_start3A = arith.constant 0 : i32
        %dma_start3A_362 = arith.constant 0 : i32
        %dma_start3A_363 = tpu.memref_slice %arg2[%run_scoped3A, %run_scoped3A_358, %dma_start3A, %dma_start3A_362] : memref<3x32x384x384xf32, #tpu.memory_space<hbm>> -> memref<1x1x128x384xf32, #tpu.memory_space<hbm>>
        %dma_start3A_364 = tpu.memref_squeeze %dma_start3A_363 : memref<1x1x128x384xf32, #tpu.memory_space<hbm>> -> memref<128x384xf32, #tpu.memory_space<hbm>>
        %dma_start3A_365 = arith.constant 0 : i32
        %dma_start3A_366 = arith.constant 0 : i32
        %dma_start3A_367 = tpu.memref_slice %arg2[%run_scoped3A, %run_scoped3A_358, %dma_start3A_365, %dma_start3A_366] : memref<3x32x384x384xf32, #tpu.memory_space<hbm>> -> memref<1x1x128x384xf32, #tpu.memory_space<hbm>>
        %dma_start3A_368 = tpu.memref_squeeze %dma_start3A_367 : memref<1x1x128x384xf32, #tpu.memory_space<hbm>> -> memref<128x384xf32, #tpu.memory_space<hbm>>
        tpu.enqueue_dma source(%dma_start3A_368 : memref<128x384xf32, #tpu.memory_space<hbm>>) target(%arg4 : memref<128x384xf32, #tpu.memory_space<vmem>>) target_semaphore(%run_scoped3A_361 : memref<!tpu.dma_semaphore, #tpu.memory_space<semaphore_mem>>)
        %dma_wait3A = arith.constant 0 : i32
        %dma_wait3A_369 = arith.constant 0 : i32
        %dma_wait3A_370 = tpu.memref_slice %arg2[%run_scoped3A, %run_scoped3A_358, %dma_wait3A, %dma_wait3A_369] : memref<3x32x384x384xf32, #tpu.memory_space<hbm>> -> memref<1x1x128x384xf32, #tpu.memory_space<hbm>>
        %dma_wait3A_371 = tpu.memref_squeeze %dma_wait3A_370 : memref<1x1x128x384xf32, #tpu.memory_space<hbm>> -> memref<128x384xf32, #tpu.memory_space<hbm>>
        %dma_wait3A_372 = arith.constant 0 : i32
        %dma_wait3A_373 = arith.constant 0 : i32
        %dma_wait3A_374 = tpu.memref_slice %arg2[%run_scoped3A, %run_scoped3A_358, %dma_wait3A_372, %dma_wait3A_373] : memref<3x32x384x384xf32, #tpu.memory_space<hbm>> -> memref<1x1x128x384xf32, #tpu.memory_space<hbm>>
        %dma_wait3A_375 = tpu.memref_squeeze %dma_wait3A_374 : memref<1x1x128x384xf32, #tpu.memory_space<hbm>> -> memref<128x384xf32, #tpu.memory_space<hbm>>
        tpu.wait_dma2 semaphore(%run_scoped3A_361 : memref<!tpu.dma_semaphore, #tpu.memory_space<semaphore_mem>>) src(%dma_wait3A_375 : memref<128x384xf32, #tpu.memory_space<hbm>>) dst(%arg4 : memref<128x384xf32, #tpu.memory_space<vmem>>)
        tpu.yield
      }) : () -> ()
      %run_scoped3A_359 = arith.constant 2 : i32
      %run_scoped3A_360 = arith.constant 5 : i32
      "tpu.region"() ({
        %run_scoped3A_361 = tpu.sem_alloc : memref<!tpu.dma_semaphore, #tpu.memory_space<semaphore_mem>>
        %dma_start3A = arith.constant 0 : i32
        %dma_start3A_362 = arith.constant 0 : i32
        %dma_start3A_363 = tpu.memref_slice %arg3[%run_scoped3A_359, %run_scoped3A_360, %dma_start3A, %dma_start3A_362] : memref<3x8x384x384xf32, #tpu.memory_space<hbm>> -> memref<1x1x128x384xf32, #tpu.memory_space<hbm>>
        %dma_start3A_364 = tpu.memref_squeeze %dma_start3A_363 : memref<1x1x128x384xf32, #tpu.memory_space<hbm>> -> memref<128x384xf32, #tpu.memory_space<hbm>>
        %dma_start3A_365 = arith.constant 0 : i32
        %dma_start3A_366 = arith.constant 0 : i32
        %dma_start3A_367 = tpu.memref_slice %arg3[%run_scoped3A_359, %run_scoped3A_360, %dma_start3A_365, %dma_start3A_366] : memref<3x8x384x384xf32, #tpu.memory_space<hbm>> -> memref<1x1x128x384xf32, #tpu.memory_space<hbm>>
        %dma_start3A_368 = tpu.memref_squeeze %dma_start3A_367 : memref<1x1x128x384xf32, #tpu.memory_space<hbm>> -> memref<128x384xf32, #tpu.memory_space<hbm>>
        tpu.enqueue_dma source(%arg4 : memref<128x384xf32, #tpu.memory_space<vmem>>) target(%dma_start3A_368 : memref<128x384xf32, #tpu.memory_space<hbm>>) target_semaphore(%run_scoped3A_361 : memref<!tpu.dma_semaphore, #tpu.memory_space<semaphore_mem>>)
        %dma_wait3A = arith.constant 0 : i32
        %dma_wait3A_369 = arith.constant 0 : i32
        %dma_wait3A_370 = tpu.memref_slice %arg3[%run_scoped3A_359, %run_scoped3A_360, %dma_wait3A, %dma_wait3A_369] : memref<3x8x384x384xf32, #tpu.memory_space<hbm>> -> memref<1x1x128x384xf32, #tpu.memory_space<hbm>>
        %dma_wait3A_371 = tpu.memref_squeeze %dma_wait3A_370 : memref<1x1x128x384xf32, #tpu.memory_space<hbm>> -> memref<128x384xf32, #tpu.memory_space<hbm>>
        %dma_wait3A_372 = arith.constant 0 : i32
        %dma_wait3A_373 = arith.constant 0 : i32
        %dma_wait3A_374 = tpu.memref_slice %arg3[%run_scoped3A_359, %run_scoped3A_360, %dma_wait3A_372, %dma_wait3A_373] : memref<3x8x384x384xf32, #tpu.memory_space<hbm>> -> memref<1x1x128x384xf32, #tpu.memory_space<hbm>>
        %dma_wait3A_375 = tpu.memref_squeeze %dma_wait3A_374 : memref<1x1x128x384xf32, #tpu.memory_space<hbm>> -> memref<128x384xf32, #tpu.memory_space<hbm>>
        tpu.wait_dma2 semaphore(%run_scoped3A_361 : memref<!tpu.dma_semaphore, #tpu.memory_space<semaphore_mem>>) src(%arg4 : memref<128x384xf32, #tpu.memory_space<vmem>>) dst(%dma_wait3A_375 : memref<128x384xf32, #tpu.memory_space<hbm>>)
        tpu.yield
      }) : () -> ()
    } else {
    }
    %eq3A_318 = arith.constant 0 : i32
    %eq3A_319 = arith.cmpi eq, %add3A, %eq3A_318 : i32
    %convert_element_type3A_320 = arith.extui %eq3A_319 : i1 to i32
    %cond3A_321 = arith.constant 0 : i32
    %cond3A_322 = arith.cmpi ne, %convert_element_type3A_320, %cond3A_321 : i32
    scf.if %cond3A_322 {
      %run_scoped3A = arith.constant 2 : i32
      %run_scoped3A_358 = arith.constant 22 : i32
      "tpu.region"() ({
        %run_scoped3A_361 = tpu.sem_alloc : memref<!tpu.dma_semaphore, #tpu.memory_space<semaphore_mem>>
        %dma_start3A = arith.constant 128 : i32
        %dma_start3A_362 = arith.constant 0 : i32
        %dma_start3A_363 = tpu.memref_slice %arg2[%run_scoped3A, %run_scoped3A_358, %dma_start3A, %dma_start3A_362] : memref<3x32x384x384xf32, #tpu.memory_space<hbm>> -> memref<1x1x128x384xf32, #tpu.memory_space<hbm>>
        %dma_start3A_364 = tpu.memref_squeeze %dma_start3A_363 : memref<1x1x128x384xf32, #tpu.memory_space<hbm>> -> memref<128x384xf32, #tpu.memory_space<hbm>>
        %dma_start3A_365 = arith.constant 128 : i32
        %dma_start3A_366 = arith.constant 0 : i32
        %dma_start3A_367 = tpu.memref_slice %arg2[%run_scoped3A, %run_scoped3A_358, %dma_start3A_365, %dma_start3A_366] : memref<3x32x384x384xf32, #tpu.memory_space<hbm>> -> memref<1x1x128x384xf32, #tpu.memory_space<hbm>>
        %dma_start3A_368 = tpu.memref_squeeze %dma_start3A_367 : memref<1x1x128x384xf32, #tpu.memory_space<hbm>> -> memref<128x384xf32, #tpu.memory_space<hbm>>
        tpu.enqueue_dma source(%dma_start3A_368 : memref<128x384xf32, #tpu.memory_space<hbm>>) target(%arg4 : memref<128x384xf32, #tpu.memory_space<vmem>>) target_semaphore(%run_scoped3A_361 : memref<!tpu.dma_semaphore, #tpu.memory_space<semaphore_mem>>)
        %dma_wait3A = arith.constant 128 : i32
        %dma_wait3A_369 = arith.constant 0 : i32
        %dma_wait3A_370 = tpu.memref_slice %arg2[%run_scoped3A, %run_scoped3A_358, %dma_wait3A, %dma_wait3A_369] : memref<3x32x384x384xf32, #tpu.memory_space<hbm>> -> memref<1x1x128x384xf32, #tpu.memory_space<hbm>>
        %dma_wait3A_371 = tpu.memref_squeeze %dma_wait3A_370 : memref<1x1x128x384xf32, #tpu.memory_space<hbm>> -> memref<128x384xf32, #tpu.memory_space<hbm>>
        %dma_wait3A_372 = arith.constant 128 : i32
        %dma_wait3A_373 = arith.constant 0 : i32
        %dma_wait3A_374 = tpu.memref_slice %arg2[%run_scoped3A, %run_scoped3A_358, %dma_wait3A_372, %dma_wait3A_373] : memref<3x32x384x384xf32, #tpu.memory_space<hbm>> -> memref<1x1x128x384xf32, #tpu.memory_space<hbm>>
        %dma_wait3A_375 = tpu.memref_squeeze %dma_wait3A_374 : memref<1x1x128x384xf32, #tpu.memory_space<hbm>> -> memref<128x384xf32, #tpu.memory_space<hbm>>
        tpu.wait_dma2 semaphore(%run_scoped3A_361 : memref<!tpu.dma_semaphore, #tpu.memory_space<semaphore_mem>>) src(%dma_wait3A_375 : memref<128x384xf32, #tpu.memory_space<hbm>>) dst(%arg4 : memref<128x384xf32, #tpu.memory_space<vmem>>)
        tpu.yield
      }) : () -> ()
      %run_scoped3A_359 = arith.constant 2 : i32
      %run_scoped3A_360 = arith.constant 5 : i32
      "tpu.region"() ({
        %run_scoped3A_361 = tpu.sem_alloc : memref<!tpu.dma_semaphore, #tpu.memory_space<semaphore_mem>>
        %dma_start3A = arith.constant 128 : i32
        %dma_start3A_362 = arith.constant 0 : i32
        %dma_start3A_363 = tpu.memref_slice %arg3[%run_scoped3A_359, %run_scoped3A_360, %dma_start3A, %dma_start3A_362] : memref<3x8x384x384xf32, #tpu.memory_space<hbm>> -> memref<1x1x128x384xf32, #tpu.memory_space<hbm>>
        %dma_start3A_364 = tpu.memref_squeeze %dma_start3A_363 : memref<1x1x128x384xf32, #tpu.memory_space<hbm>> -> memref<128x384xf32, #tpu.memory_space<hbm>>
        %dma_start3A_365 = arith.constant 128 : i32
        %dma_start3A_366 = arith.constant 0 : i32
        %dma_start3A_367 = tpu.memref_slice %arg3[%run_scoped3A_359, %run_scoped3A_360, %dma_start3A_365, %dma_start3A_366] : memref<3x8x384x384xf32, #tpu.memory_space<hbm>> -> memref<1x1x128x384xf32, #tpu.memory_space<hbm>>
        %dma_start3A_368 = tpu.memref_squeeze %dma_start3A_367 : memref<1x1x128x384xf32, #tpu.memory_space<hbm>> -> memref<128x384xf32, #tpu.memory_space<hbm>>
        tpu.enqueue_dma source(%arg4 : memref<128x384xf32, #tpu.memory_space<vmem>>) target(%dma_start3A_368 : memref<128x384xf32, #tpu.memory_space<hbm>>) target_semaphore(%run_scoped3A_361 : memref<!tpu.dma_semaphore, #tpu.memory_space<semaphore_mem>>)
        %dma_wait3A = arith.constant 128 : i32
        %dma_wait3A_369 = arith.constant 0 : i32
        %dma_wait3A_370 = tpu.memref_slice %arg3[%run_scoped3A_359, %run_scoped3A_360, %dma_wait3A, %dma_wait3A_369] : memref<3x8x384x384xf32, #tpu.memory_space<hbm>> -> memref<1x1x128x384xf32, #tpu.memory_space<hbm>>
        %dma_wait3A_371 = tpu.memref_squeeze %dma_wait3A_370 : memref<1x1x128x384xf32, #tpu.memory_space<hbm>> -> memref<128x384xf32, #tpu.memory_space<hbm>>
        %dma_wait3A_372 = arith.constant 128 : i32
        %dma_wait3A_373 = arith.constant 0 : i32
        %dma_wait3A_374 = tpu.memref_slice %arg3[%run_scoped3A_359, %run_scoped3A_360, %dma_wait3A_372, %dma_wait3A_373] : memref<3x8x384x384xf32, #tpu.memory_space<hbm>> -> memref<1x1x128x384xf32, #tpu.memory_space<hbm>>
        %dma_wait3A_375 = tpu.memref_squeeze %dma_wait3A_374 : memref<1x1x128x384xf32, #tpu.memory_space<hbm>> -> memref<128x384xf32, #tpu.memory_space<hbm>>
        tpu.wait_dma2 semaphore(%run_scoped3A_361 : memref<!tpu.dma_semaphore, #tpu.memory_space<semaphore_mem>>) src(%arg4 : memref<128x384xf32, #tpu.memory_space<vmem>>) dst(%dma_wait3A_375 : memref<128x384xf32, #tpu.memory_space<hbm>>)
        tpu.yield
      }) : () -> ()
    } else {
    }
    %eq3A_323 = arith.constant 1 : i32
    %eq3A_324 = arith.cmpi eq, %add3A, %eq3A_323 : i32
    %convert_element_type3A_325 = arith.extui %eq3A_324 : i1 to i32
    %cond3A_326 = arith.constant 0 : i32
    %cond3A_327 = arith.cmpi ne, %convert_element_type3A_325, %cond3A_326 : i32
    scf.if %cond3A_327 {
      %run_scoped3A = arith.constant 2 : i32
      %run_scoped3A_358 = arith.constant 22 : i32
      "tpu.region"() ({
        %run_scoped3A_361 = tpu.sem_alloc : memref<!tpu.dma_semaphore, #tpu.memory_space<semaphore_mem>>
        %dma_start3A = arith.constant 256 : i32
        %dma_start3A_362 = arith.constant 0 : i32
        %dma_start3A_363 = tpu.memref_slice %arg2[%run_scoped3A, %run_scoped3A_358, %dma_start3A, %dma_start3A_362] : memref<3x32x384x384xf32, #tpu.memory_space<hbm>> -> memref<1x1x128x384xf32, #tpu.memory_space<hbm>>
        %dma_start3A_364 = tpu.memref_squeeze %dma_start3A_363 : memref<1x1x128x384xf32, #tpu.memory_space<hbm>> -> memref<128x384xf32, #tpu.memory_space<hbm>>
        %dma_start3A_365 = arith.constant 256 : i32
        %dma_start3A_366 = arith.constant 0 : i32
        %dma_start3A_367 = tpu.memref_slice %arg2[%run_scoped3A, %run_scoped3A_358, %dma_start3A_365, %dma_start3A_366] : memref<3x32x384x384xf32, #tpu.memory_space<hbm>> -> memref<1x1x128x384xf32, #tpu.memory_space<hbm>>
        %dma_start3A_368 = tpu.memref_squeeze %dma_start3A_367 : memref<1x1x128x384xf32, #tpu.memory_space<hbm>> -> memref<128x384xf32, #tpu.memory_space<hbm>>
        tpu.enqueue_dma source(%dma_start3A_368 : memref<128x384xf32, #tpu.memory_space<hbm>>) target(%arg4 : memref<128x384xf32, #tpu.memory_space<vmem>>) target_semaphore(%run_scoped3A_361 : memref<!tpu.dma_semaphore, #tpu.memory_space<semaphore_mem>>)
        %dma_wait3A = arith.constant 256 : i32
        %dma_wait3A_369 = arith.constant 0 : i32
        %dma_wait3A_370 = tpu.memref_slice %arg2[%run_scoped3A, %run_scoped3A_358, %dma_wait3A, %dma_wait3A_369] : memref<3x32x384x384xf32, #tpu.memory_space<hbm>> -> memref<1x1x128x384xf32, #tpu.memory_space<hbm>>
        %dma_wait3A_371 = tpu.memref_squeeze %dma_wait3A_370 : memref<1x1x128x384xf32, #tpu.memory_space<hbm>> -> memref<128x384xf32, #tpu.memory_space<hbm>>
        %dma_wait3A_372 = arith.constant 256 : i32
        %dma_wait3A_373 = arith.constant 0 : i32
        %dma_wait3A_374 = tpu.memref_slice %arg2[%run_scoped3A, %run_scoped3A_358, %dma_wait3A_372, %dma_wait3A_373] : memref<3x32x384x384xf32, #tpu.memory_space<hbm>> -> memref<1x1x128x384xf32, #tpu.memory_space<hbm>>
        %dma_wait3A_375 = tpu.memref_squeeze %dma_wait3A_374 : memref<1x1x128x384xf32, #tpu.memory_space<hbm>> -> memref<128x384xf32, #tpu.memory_space<hbm>>
        tpu.wait_dma2 semaphore(%run_scoped3A_361 : memref<!tpu.dma_semaphore, #tpu.memory_space<semaphore_mem>>) src(%dma_wait3A_375 : memref<128x384xf32, #tpu.memory_space<hbm>>) dst(%arg4 : memref<128x384xf32, #tpu.memory_space<vmem>>)
        tpu.yield
      }) : () -> ()
      %run_scoped3A_359 = arith.constant 2 : i32
      %run_scoped3A_360 = arith.constant 5 : i32
      "tpu.region"() ({
        %run_scoped3A_361 = tpu.sem_alloc : memref<!tpu.dma_semaphore, #tpu.memory_space<semaphore_mem>>
        %dma_start3A = arith.constant 256 : i32
        %dma_start3A_362 = arith.constant 0 : i32
        %dma_start3A_363 = tpu.memref_slice %arg3[%run_scoped3A_359, %run_scoped3A_360, %dma_start3A, %dma_start3A_362] : memref<3x8x384x384xf32, #tpu.memory_space<hbm>> -> memref<1x1x128x384xf32, #tpu.memory_space<hbm>>
        %dma_start3A_364 = tpu.memref_squeeze %dma_start3A_363 : memref<1x1x128x384xf32, #tpu.memory_space<hbm>> -> memref<128x384xf32, #tpu.memory_space<hbm>>
        %dma_start3A_365 = arith.constant 256 : i32
        %dma_start3A_366 = arith.constant 0 : i32
        %dma_start3A_367 = tpu.memref_slice %arg3[%run_scoped3A_359, %run_scoped3A_360, %dma_start3A_365, %dma_start3A_366] : memref<3x8x384x384xf32, #tpu.memory_space<hbm>> -> memref<1x1x128x384xf32, #tpu.memory_space<hbm>>
        %dma_start3A_368 = tpu.memref_squeeze %dma_start3A_367 : memref<1x1x128x384xf32, #tpu.memory_space<hbm>> -> memref<128x384xf32, #tpu.memory_space<hbm>>
        tpu.enqueue_dma source(%arg4 : memref<128x384xf32, #tpu.memory_space<vmem>>) target(%dma_start3A_368 : memref<128x384xf32, #tpu.memory_space<hbm>>) target_semaphore(%run_scoped3A_361 : memref<!tpu.dma_semaphore, #tpu.memory_space<semaphore_mem>>)
        %dma_wait3A = arith.constant 256 : i32
        %dma_wait3A_369 = arith.constant 0 : i32
        %dma_wait3A_370 = tpu.memref_slice %arg3[%run_scoped3A_359, %run_scoped3A_360, %dma_wait3A, %dma_wait3A_369] : memref<3x8x384x384xf32, #tpu.memory_space<hbm>> -> memref<1x1x128x384xf32, #tpu.memory_space<hbm>>
        %dma_wait3A_371 = tpu.memref_squeeze %dma_wait3A_370 : memref<1x1x128x384xf32, #tpu.memory_space<hbm>> -> memref<128x384xf32, #tpu.memory_space<hbm>>
        %dma_wait3A_372 = arith.constant 256 : i32
        %dma_wait3A_373 = arith.constant 0 : i32
        %dma_wait3A_374 = tpu.memref_slice %arg3[%run_scoped3A_359, %run_scoped3A_360, %dma_wait3A_372, %dma_wait3A_373] : memref<3x8x384x384xf32, #tpu.memory_space<hbm>> -> memref<1x1x128x384xf32, #tpu.memory_space<hbm>>
        %dma_wait3A_375 = tpu.memref_squeeze %dma_wait3A_374 : memref<1x1x128x384xf32, #tpu.memory_space<hbm>> -> memref<128x384xf32, #tpu.memory_space<hbm>>
        tpu.wait_dma2 semaphore(%run_scoped3A_361 : memref<!tpu.dma_semaphore, #tpu.memory_space<semaphore_mem>>) src(%arg4 : memref<128x384xf32, #tpu.memory_space<vmem>>) dst(%dma_wait3A_375 : memref<128x384xf32, #tpu.memory_space<hbm>>)
        tpu.yield
      }) : () -> ()
    } else {
    }
    %eq3A_328 = arith.constant 2 : i32
    %eq3A_329 = arith.cmpi eq, %add3A, %eq3A_328 : i32
    %convert_element_type3A_330 = arith.extui %eq3A_329 : i1 to i32
    %cond3A_331 = arith.constant 0 : i32
    %cond3A_332 = arith.cmpi ne, %convert_element_type3A_330, %cond3A_331 : i32
    scf.if %cond3A_332 {
      %run_scoped3A = arith.constant 2 : i32
      %run_scoped3A_358 = arith.constant 26 : i32
      "tpu.region"() ({
        %run_scoped3A_361 = tpu.sem_alloc : memref<!tpu.dma_semaphore, #tpu.memory_space<semaphore_mem>>
        %dma_start3A = arith.constant 0 : i32
        %dma_start3A_362 = arith.constant 0 : i32
        %dma_start3A_363 = tpu.memref_slice %arg2[%run_scoped3A, %run_scoped3A_358, %dma_start3A, %dma_start3A_362] : memref<3x32x384x384xf32, #tpu.memory_space<hbm>> -> memref<1x1x128x384xf32, #tpu.memory_space<hbm>>
        %dma_start3A_364 = tpu.memref_squeeze %dma_start3A_363 : memref<1x1x128x384xf32, #tpu.memory_space<hbm>> -> memref<128x384xf32, #tpu.memory_space<hbm>>
        %dma_start3A_365 = arith.constant 0 : i32
        %dma_start3A_366 = arith.constant 0 : i32
        %dma_start3A_367 = tpu.memref_slice %arg2[%run_scoped3A, %run_scoped3A_358, %dma_start3A_365, %dma_start3A_366] : memref<3x32x384x384xf32, #tpu.memory_space<hbm>> -> memref<1x1x128x384xf32, #tpu.memory_space<hbm>>
        %dma_start3A_368 = tpu.memref_squeeze %dma_start3A_367 : memref<1x1x128x384xf32, #tpu.memory_space<hbm>> -> memref<128x384xf32, #tpu.memory_space<hbm>>
        tpu.enqueue_dma source(%dma_start3A_368 : memref<128x384xf32, #tpu.memory_space<hbm>>) target(%arg4 : memref<128x384xf32, #tpu.memory_space<vmem>>) target_semaphore(%run_scoped3A_361 : memref<!tpu.dma_semaphore, #tpu.memory_space<semaphore_mem>>)
        %dma_wait3A = arith.constant 0 : i32
        %dma_wait3A_369 = arith.constant 0 : i32
        %dma_wait3A_370 = tpu.memref_slice %arg2[%run_scoped3A, %run_scoped3A_358, %dma_wait3A, %dma_wait3A_369] : memref<3x32x384x384xf32, #tpu.memory_space<hbm>> -> memref<1x1x128x384xf32, #tpu.memory_space<hbm>>
        %dma_wait3A_371 = tpu.memref_squeeze %dma_wait3A_370 : memref<1x1x128x384xf32, #tpu.memory_space<hbm>> -> memref<128x384xf32, #tpu.memory_space<hbm>>
        %dma_wait3A_372 = arith.constant 0 : i32
        %dma_wait3A_373 = arith.constant 0 : i32
        %dma_wait3A_374 = tpu.memref_slice %arg2[%run_scoped3A, %run_scoped3A_358, %dma_wait3A_372, %dma_wait3A_373] : memref<3x32x384x384xf32, #tpu.memory_space<hbm>> -> memref<1x1x128x384xf32, #tpu.memory_space<hbm>>
        %dma_wait3A_375 = tpu.memref_squeeze %dma_wait3A_374 : memref<1x1x128x384xf32, #tpu.memory_space<hbm>> -> memref<128x384xf32, #tpu.memory_space<hbm>>
        tpu.wait_dma2 semaphore(%run_scoped3A_361 : memref<!tpu.dma_semaphore, #tpu.memory_space<semaphore_mem>>) src(%dma_wait3A_375 : memref<128x384xf32, #tpu.memory_space<hbm>>) dst(%arg4 : memref<128x384xf32, #tpu.memory_space<vmem>>)
        tpu.yield
      }) : () -> ()
      %run_scoped3A_359 = arith.constant 2 : i32
      %run_scoped3A_360 = arith.constant 6 : i32
      "tpu.region"() ({
        %run_scoped3A_361 = tpu.sem_alloc : memref<!tpu.dma_semaphore, #tpu.memory_space<semaphore_mem>>
        %dma_start3A = arith.constant 0 : i32
        %dma_start3A_362 = arith.constant 0 : i32
        %dma_start3A_363 = tpu.memref_slice %arg3[%run_scoped3A_359, %run_scoped3A_360, %dma_start3A, %dma_start3A_362] : memref<3x8x384x384xf32, #tpu.memory_space<hbm>> -> memref<1x1x128x384xf32, #tpu.memory_space<hbm>>
        %dma_start3A_364 = tpu.memref_squeeze %dma_start3A_363 : memref<1x1x128x384xf32, #tpu.memory_space<hbm>> -> memref<128x384xf32, #tpu.memory_space<hbm>>
        %dma_start3A_365 = arith.constant 0 : i32
        %dma_start3A_366 = arith.constant 0 : i32
        %dma_start3A_367 = tpu.memref_slice %arg3[%run_scoped3A_359, %run_scoped3A_360, %dma_start3A_365, %dma_start3A_366] : memref<3x8x384x384xf32, #tpu.memory_space<hbm>> -> memref<1x1x128x384xf32, #tpu.memory_space<hbm>>
        %dma_start3A_368 = tpu.memref_squeeze %dma_start3A_367 : memref<1x1x128x384xf32, #tpu.memory_space<hbm>> -> memref<128x384xf32, #tpu.memory_space<hbm>>
        tpu.enqueue_dma source(%arg4 : memref<128x384xf32, #tpu.memory_space<vmem>>) target(%dma_start3A_368 : memref<128x384xf32, #tpu.memory_space<hbm>>) target_semaphore(%run_scoped3A_361 : memref<!tpu.dma_semaphore, #tpu.memory_space<semaphore_mem>>)
        %dma_wait3A = arith.constant 0 : i32
        %dma_wait3A_369 = arith.constant 0 : i32
        %dma_wait3A_370 = tpu.memref_slice %arg3[%run_scoped3A_359, %run_scoped3A_360, %dma_wait3A, %dma_wait3A_369] : memref<3x8x384x384xf32, #tpu.memory_space<hbm>> -> memref<1x1x128x384xf32, #tpu.memory_space<hbm>>
        %dma_wait3A_371 = tpu.memref_squeeze %dma_wait3A_370 : memref<1x1x128x384xf32, #tpu.memory_space<hbm>> -> memref<128x384xf32, #tpu.memory_space<hbm>>
        %dma_wait3A_372 = arith.constant 0 : i32
        %dma_wait3A_373 = arith.constant 0 : i32
        %dma_wait3A_374 = tpu.memref_slice %arg3[%run_scoped3A_359, %run_scoped3A_360, %dma_wait3A_372, %dma_wait3A_373] : memref<3x8x384x384xf32, #tpu.memory_space<hbm>> -> memref<1x1x128x384xf32, #tpu.memory_space<hbm>>
        %dma_wait3A_375 = tpu.memref_squeeze %dma_wait3A_374 : memref<1x1x128x384xf32, #tpu.memory_space<hbm>> -> memref<128x384xf32, #tpu.memory_space<hbm>>
        tpu.wait_dma2 semaphore(%run_scoped3A_361 : memref<!tpu.dma_semaphore, #tpu.memory_space<semaphore_mem>>) src(%arg4 : memref<128x384xf32, #tpu.memory_space<vmem>>) dst(%dma_wait3A_375 : memref<128x384xf32, #tpu.memory_space<hbm>>)
        tpu.yield
      }) : () -> ()
    } else {
    }
    %eq3A_333 = arith.constant 3 : i32
    %eq3A_334 = arith.cmpi eq, %add3A, %eq3A_333 : i32
    %convert_element_type3A_335 = arith.extui %eq3A_334 : i1 to i32
    %cond3A_336 = arith.constant 0 : i32
    %cond3A_337 = arith.cmpi ne, %convert_element_type3A_335, %cond3A_336 : i32
    scf.if %cond3A_337 {
      %run_scoped3A = arith.constant 2 : i32
      %run_scoped3A_358 = arith.constant 26 : i32
      "tpu.region"() ({
        %run_scoped3A_361 = tpu.sem_alloc : memref<!tpu.dma_semaphore, #tpu.memory_space<semaphore_mem>>
        %dma_start3A = arith.constant 128 : i32
        %dma_start3A_362 = arith.constant 0 : i32
        %dma_start3A_363 = tpu.memref_slice %arg2[%run_scoped3A, %run_scoped3A_358, %dma_start3A, %dma_start3A_362] : memref<3x32x384x384xf32, #tpu.memory_space<hbm>> -> memref<1x1x128x384xf32, #tpu.memory_space<hbm>>
        %dma_start3A_364 = tpu.memref_squeeze %dma_start3A_363 : memref<1x1x128x384xf32, #tpu.memory_space<hbm>> -> memref<128x384xf32, #tpu.memory_space<hbm>>
        %dma_start3A_365 = arith.constant 128 : i32
        %dma_start3A_366 = arith.constant 0 : i32
        %dma_start3A_367 = tpu.memref_slice %arg2[%run_scoped3A, %run_scoped3A_358, %dma_start3A_365, %dma_start3A_366] : memref<3x32x384x384xf32, #tpu.memory_space<hbm>> -> memref<1x1x128x384xf32, #tpu.memory_space<hbm>>
        %dma_start3A_368 = tpu.memref_squeeze %dma_start3A_367 : memref<1x1x128x384xf32, #tpu.memory_space<hbm>> -> memref<128x384xf32, #tpu.memory_space<hbm>>
        tpu.enqueue_dma source(%dma_start3A_368 : memref<128x384xf32, #tpu.memory_space<hbm>>) target(%arg4 : memref<128x384xf32, #tpu.memory_space<vmem>>) target_semaphore(%run_scoped3A_361 : memref<!tpu.dma_semaphore, #tpu.memory_space<semaphore_mem>>)
        %dma_wait3A = arith.constant 128 : i32
        %dma_wait3A_369 = arith.constant 0 : i32
        %dma_wait3A_370 = tpu.memref_slice %arg2[%run_scoped3A, %run_scoped3A_358, %dma_wait3A, %dma_wait3A_369] : memref<3x32x384x384xf32, #tpu.memory_space<hbm>> -> memref<1x1x128x384xf32, #tpu.memory_space<hbm>>
        %dma_wait3A_371 = tpu.memref_squeeze %dma_wait3A_370 : memref<1x1x128x384xf32, #tpu.memory_space<hbm>> -> memref<128x384xf32, #tpu.memory_space<hbm>>
        %dma_wait3A_372 = arith.constant 128 : i32
        %dma_wait3A_373 = arith.constant 0 : i32
        %dma_wait3A_374 = tpu.memref_slice %arg2[%run_scoped3A, %run_scoped3A_358, %dma_wait3A_372, %dma_wait3A_373] : memref<3x32x384x384xf32, #tpu.memory_space<hbm>> -> memref<1x1x128x384xf32, #tpu.memory_space<hbm>>
        %dma_wait3A_375 = tpu.memref_squeeze %dma_wait3A_374 : memref<1x1x128x384xf32, #tpu.memory_space<hbm>> -> memref<128x384xf32, #tpu.memory_space<hbm>>
        tpu.wait_dma2 semaphore(%run_scoped3A_361 : memref<!tpu.dma_semaphore, #tpu.memory_space<semaphore_mem>>) src(%dma_wait3A_375 : memref<128x384xf32, #tpu.memory_space<hbm>>) dst(%arg4 : memref<128x384xf32, #tpu.memory_space<vmem>>)
        tpu.yield
      }) : () -> ()
      %run_scoped3A_359 = arith.constant 2 : i32
      %run_scoped3A_360 = arith.constant 6 : i32
      "tpu.region"() ({
        %run_scoped3A_361 = tpu.sem_alloc : memref<!tpu.dma_semaphore, #tpu.memory_space<semaphore_mem>>
        %dma_start3A = arith.constant 128 : i32
        %dma_start3A_362 = arith.constant 0 : i32
        %dma_start3A_363 = tpu.memref_slice %arg3[%run_scoped3A_359, %run_scoped3A_360, %dma_start3A, %dma_start3A_362] : memref<3x8x384x384xf32, #tpu.memory_space<hbm>> -> memref<1x1x128x384xf32, #tpu.memory_space<hbm>>
        %dma_start3A_364 = tpu.memref_squeeze %dma_start3A_363 : memref<1x1x128x384xf32, #tpu.memory_space<hbm>> -> memref<128x384xf32, #tpu.memory_space<hbm>>
        %dma_start3A_365 = arith.constant 128 : i32
        %dma_start3A_366 = arith.constant 0 : i32
        %dma_start3A_367 = tpu.memref_slice %arg3[%run_scoped3A_359, %run_scoped3A_360, %dma_start3A_365, %dma_start3A_366] : memref<3x8x384x384xf32, #tpu.memory_space<hbm>> -> memref<1x1x128x384xf32, #tpu.memory_space<hbm>>
        %dma_start3A_368 = tpu.memref_squeeze %dma_start3A_367 : memref<1x1x128x384xf32, #tpu.memory_space<hbm>> -> memref<128x384xf32, #tpu.memory_space<hbm>>
        tpu.enqueue_dma source(%arg4 : memref<128x384xf32, #tpu.memory_space<vmem>>) target(%dma_start3A_368 : memref<128x384xf32, #tpu.memory_space<hbm>>) target_semaphore(%run_scoped3A_361 : memref<!tpu.dma_semaphore, #tpu.memory_space<semaphore_mem>>)
        %dma_wait3A = arith.constant 128 : i32
        %dma_wait3A_369 = arith.constant 0 : i32
        %dma_wait3A_370 = tpu.memref_slice %arg3[%run_scoped3A_359, %run_scoped3A_360, %dma_wait3A, %dma_wait3A_369] : memref<3x8x384x384xf32, #tpu.memory_space<hbm>> -> memref<1x1x128x384xf32, #tpu.memory_space<hbm>>
        %dma_wait3A_371 = tpu.memref_squeeze %dma_wait3A_370 : memref<1x1x128x384xf32, #tpu.memory_space<hbm>> -> memref<128x384xf32, #tpu.memory_space<hbm>>
        %dma_wait3A_372 = arith.constant 128 : i32
        %dma_wait3A_373 = arith.constant 0 : i32
        %dma_wait3A_374 = tpu.memref_slice %arg3[%run_scoped3A_359, %run_scoped3A_360, %dma_wait3A_372, %dma_wait3A_373] : memref<3x8x384x384xf32, #tpu.memory_space<hbm>> -> memref<1x1x128x384xf32, #tpu.memory_space<hbm>>
        %dma_wait3A_375 = tpu.memref_squeeze %dma_wait3A_374 : memref<1x1x128x384xf32, #tpu.memory_space<hbm>> -> memref<128x384xf32, #tpu.memory_space<hbm>>
        tpu.wait_dma2 semaphore(%run_scoped3A_361 : memref<!tpu.dma_semaphore, #tpu.memory_space<semaphore_mem>>) src(%arg4 : memref<128x384xf32, #tpu.memory_space<vmem>>) dst(%dma_wait3A_375 : memref<128x384xf32, #tpu.memory_space<hbm>>)
        tpu.yield
      }) : () -> ()
    } else {
    }
    %eq3A_338 = arith.constant 4 : i32
    %eq3A_339 = arith.cmpi eq, %add3A, %eq3A_338 : i32
    %convert_element_type3A_340 = arith.extui %eq3A_339 : i1 to i32
    %cond3A_341 = arith.constant 0 : i32
    %cond3A_342 = arith.cmpi ne, %convert_element_type3A_340, %cond3A_341 : i32
    scf.if %cond3A_342 {
      %run_scoped3A = arith.constant 2 : i32
      %run_scoped3A_358 = arith.constant 26 : i32
      "tpu.region"() ({
        %run_scoped3A_361 = tpu.sem_alloc : memref<!tpu.dma_semaphore, #tpu.memory_space<semaphore_mem>>
        %dma_start3A = arith.constant 256 : i32
        %dma_start3A_362 = arith.constant 0 : i32
        %dma_start3A_363 = tpu.memref_slice %arg2[%run_scoped3A, %run_scoped3A_358, %dma_start3A, %dma_start3A_362] : memref<3x32x384x384xf32, #tpu.memory_space<hbm>> -> memref<1x1x128x384xf32, #tpu.memory_space<hbm>>
        %dma_start3A_364 = tpu.memref_squeeze %dma_start3A_363 : memref<1x1x128x384xf32, #tpu.memory_space<hbm>> -> memref<128x384xf32, #tpu.memory_space<hbm>>
        %dma_start3A_365 = arith.constant 256 : i32
        %dma_start3A_366 = arith.constant 0 : i32
        %dma_start3A_367 = tpu.memref_slice %arg2[%run_scoped3A, %run_scoped3A_358, %dma_start3A_365, %dma_start3A_366] : memref<3x32x384x384xf32, #tpu.memory_space<hbm>> -> memref<1x1x128x384xf32, #tpu.memory_space<hbm>>
        %dma_start3A_368 = tpu.memref_squeeze %dma_start3A_367 : memref<1x1x128x384xf32, #tpu.memory_space<hbm>> -> memref<128x384xf32, #tpu.memory_space<hbm>>
        tpu.enqueue_dma source(%dma_start3A_368 : memref<128x384xf32, #tpu.memory_space<hbm>>) target(%arg4 : memref<128x384xf32, #tpu.memory_space<vmem>>) target_semaphore(%run_scoped3A_361 : memref<!tpu.dma_semaphore, #tpu.memory_space<semaphore_mem>>)
        %dma_wait3A = arith.constant 256 : i32
        %dma_wait3A_369 = arith.constant 0 : i32
        %dma_wait3A_370 = tpu.memref_slice %arg2[%run_scoped3A, %run_scoped3A_358, %dma_wait3A, %dma_wait3A_369] : memref<3x32x384x384xf32, #tpu.memory_space<hbm>> -> memref<1x1x128x384xf32, #tpu.memory_space<hbm>>
        %dma_wait3A_371 = tpu.memref_squeeze %dma_wait3A_370 : memref<1x1x128x384xf32, #tpu.memory_space<hbm>> -> memref<128x384xf32, #tpu.memory_space<hbm>>
        %dma_wait3A_372 = arith.constant 256 : i32
        %dma_wait3A_373 = arith.constant 0 : i32
        %dma_wait3A_374 = tpu.memref_slice %arg2[%run_scoped3A, %run_scoped3A_358, %dma_wait3A_372, %dma_wait3A_373] : memref<3x32x384x384xf32, #tpu.memory_space<hbm>> -> memref<1x1x128x384xf32, #tpu.memory_space<hbm>>
        %dma_wait3A_375 = tpu.memref_squeeze %dma_wait3A_374 : memref<1x1x128x384xf32, #tpu.memory_space<hbm>> -> memref<128x384xf32, #tpu.memory_space<hbm>>
        tpu.wait_dma2 semaphore(%run_scoped3A_361 : memref<!tpu.dma_semaphore, #tpu.memory_space<semaphore_mem>>) src(%dma_wait3A_375 : memref<128x384xf32, #tpu.memory_space<hbm>>) dst(%arg4 : memref<128x384xf32, #tpu.memory_space<vmem>>)
        tpu.yield
      }) : () -> ()
      %run_scoped3A_359 = arith.constant 2 : i32
      %run_scoped3A_360 = arith.constant 6 : i32
      "tpu.region"() ({
        %run_scoped3A_361 = tpu.sem_alloc : memref<!tpu.dma_semaphore, #tpu.memory_space<semaphore_mem>>
        %dma_start3A = arith.constant 256 : i32
        %dma_start3A_362 = arith.constant 0 : i32
        %dma_start3A_363 = tpu.memref_slice %arg3[%run_scoped3A_359, %run_scoped3A_360, %dma_start3A, %dma_start3A_362] : memref<3x8x384x384xf32, #tpu.memory_space<hbm>> -> memref<1x1x128x384xf32, #tpu.memory_space<hbm>>
        %dma_start3A_364 = tpu.memref_squeeze %dma_start3A_363 : memref<1x1x128x384xf32, #tpu.memory_space<hbm>> -> memref<128x384xf32, #tpu.memory_space<hbm>>
        %dma_start3A_365 = arith.constant 256 : i32
        %dma_start3A_366 = arith.constant 0 : i32
        %dma_start3A_367 = tpu.memref_slice %arg3[%run_scoped3A_359, %run_scoped3A_360, %dma_start3A_365, %dma_start3A_366] : memref<3x8x384x384xf32, #tpu.memory_space<hbm>> -> memref<1x1x128x384xf32, #tpu.memory_space<hbm>>
        %dma_start3A_368 = tpu.memref_squeeze %dma_start3A_367 : memref<1x1x128x384xf32, #tpu.memory_space<hbm>> -> memref<128x384xf32, #tpu.memory_space<hbm>>
        tpu.enqueue_dma source(%arg4 : memref<128x384xf32, #tpu.memory_space<vmem>>) target(%dma_start3A_368 : memref<128x384xf32, #tpu.memory_space<hbm>>) target_semaphore(%run_scoped3A_361 : memref<!tpu.dma_semaphore, #tpu.memory_space<semaphore_mem>>)
        %dma_wait3A = arith.constant 256 : i32
        %dma_wait3A_369 = arith.constant 0 : i32
        %dma_wait3A_370 = tpu.memref_slice %arg3[%run_scoped3A_359, %run_scoped3A_360, %dma_wait3A, %dma_wait3A_369] : memref<3x8x384x384xf32, #tpu.memory_space<hbm>> -> memref<1x1x128x384xf32, #tpu.memory_space<hbm>>
        %dma_wait3A_371 = tpu.memref_squeeze %dma_wait3A_370 : memref<1x1x128x384xf32, #tpu.memory_space<hbm>> -> memref<128x384xf32, #tpu.memory_space<hbm>>
        %dma_wait3A_372 = arith.constant 256 : i32
        %dma_wait3A_373 = arith.constant 0 : i32
        %dma_wait3A_374 = tpu.memref_slice %arg3[%run_scoped3A_359, %run_scoped3A_360, %dma_wait3A_372, %dma_wait3A_373] : memref<3x8x384x384xf32, #tpu.memory_space<hbm>> -> memref<1x1x128x384xf32, #tpu.memory_space<hbm>>
        %dma_wait3A_375 = tpu.memref_squeeze %dma_wait3A_374 : memref<1x1x128x384xf32, #tpu.memory_space<hbm>> -> memref<128x384xf32, #tpu.memory_space<hbm>>
        tpu.wait_dma2 semaphore(%run_scoped3A_361 : memref<!tpu.dma_semaphore, #tpu.memory_space<semaphore_mem>>) src(%arg4 : memref<128x384xf32, #tpu.memory_space<vmem>>) dst(%dma_wait3A_375 : memref<128x384xf32, #tpu.memory_space<hbm>>)
        tpu.yield
      }) : () -> ()
    } else {
    }
    %eq3A_343 = arith.constant 5 : i32
    %eq3A_344 = arith.cmpi eq, %add3A, %eq3A_343 : i32
    %convert_element_type3A_345 = arith.extui %eq3A_344 : i1 to i32
    %cond3A_346 = arith.constant 0 : i32
    %cond3A_347 = arith.cmpi ne, %convert_element_type3A_345, %cond3A_346 : i32
    scf.if %cond3A_347 {
      %run_scoped3A = arith.constant 2 : i32
      %run_scoped3A_358 = arith.constant 31 : i32
      "tpu.region"() ({
        %run_scoped3A_361 = tpu.sem_alloc : memref<!tpu.dma_semaphore, #tpu.memory_space<semaphore_mem>>
        %dma_start3A = arith.constant 0 : i32
        %dma_start3A_362 = arith.constant 0 : i32
        %dma_start3A_363 = tpu.memref_slice %arg2[%run_scoped3A, %run_scoped3A_358, %dma_start3A, %dma_start3A_362] : memref<3x32x384x384xf32, #tpu.memory_space<hbm>> -> memref<1x1x128x384xf32, #tpu.memory_space<hbm>>
        %dma_start3A_364 = tpu.memref_squeeze %dma_start3A_363 : memref<1x1x128x384xf32, #tpu.memory_space<hbm>> -> memref<128x384xf32, #tpu.memory_space<hbm>>
        %dma_start3A_365 = arith.constant 0 : i32
        %dma_start3A_366 = arith.constant 0 : i32
        %dma_start3A_367 = tpu.memref_slice %arg2[%run_scoped3A, %run_scoped3A_358, %dma_start3A_365, %dma_start3A_366] : memref<3x32x384x384xf32, #tpu.memory_space<hbm>> -> memref<1x1x128x384xf32, #tpu.memory_space<hbm>>
        %dma_start3A_368 = tpu.memref_squeeze %dma_start3A_367 : memref<1x1x128x384xf32, #tpu.memory_space<hbm>> -> memref<128x384xf32, #tpu.memory_space<hbm>>
        tpu.enqueue_dma source(%dma_start3A_368 : memref<128x384xf32, #tpu.memory_space<hbm>>) target(%arg4 : memref<128x384xf32, #tpu.memory_space<vmem>>) target_semaphore(%run_scoped3A_361 : memref<!tpu.dma_semaphore, #tpu.memory_space<semaphore_mem>>)
        %dma_wait3A = arith.constant 0 : i32
        %dma_wait3A_369 = arith.constant 0 : i32
        %dma_wait3A_370 = tpu.memref_slice %arg2[%run_scoped3A, %run_scoped3A_358, %dma_wait3A, %dma_wait3A_369] : memref<3x32x384x384xf32, #tpu.memory_space<hbm>> -> memref<1x1x128x384xf32, #tpu.memory_space<hbm>>
        %dma_wait3A_371 = tpu.memref_squeeze %dma_wait3A_370 : memref<1x1x128x384xf32, #tpu.memory_space<hbm>> -> memref<128x384xf32, #tpu.memory_space<hbm>>
        %dma_wait3A_372 = arith.constant 0 : i32
        %dma_wait3A_373 = arith.constant 0 : i32
        %dma_wait3A_374 = tpu.memref_slice %arg2[%run_scoped3A, %run_scoped3A_358, %dma_wait3A_372, %dma_wait3A_373] : memref<3x32x384x384xf32, #tpu.memory_space<hbm>> -> memref<1x1x128x384xf32, #tpu.memory_space<hbm>>
        %dma_wait3A_375 = tpu.memref_squeeze %dma_wait3A_374 : memref<1x1x128x384xf32, #tpu.memory_space<hbm>> -> memref<128x384xf32, #tpu.memory_space<hbm>>
        tpu.wait_dma2 semaphore(%run_scoped3A_361 : memref<!tpu.dma_semaphore, #tpu.memory_space<semaphore_mem>>) src(%dma_wait3A_375 : memref<128x384xf32, #tpu.memory_space<hbm>>) dst(%arg4 : memref<128x384xf32, #tpu.memory_space<vmem>>)
        tpu.yield
      }) : () -> ()
      %run_scoped3A_359 = arith.constant 2 : i32
      %run_scoped3A_360 = arith.constant 7 : i32
      "tpu.region"() ({
        %run_scoped3A_361 = tpu.sem_alloc : memref<!tpu.dma_semaphore, #tpu.memory_space<semaphore_mem>>
        %dma_start3A = arith.constant 0 : i32
        %dma_start3A_362 = arith.constant 0 : i32
        %dma_start3A_363 = tpu.memref_slice %arg3[%run_scoped3A_359, %run_scoped3A_360, %dma_start3A, %dma_start3A_362] : memref<3x8x384x384xf32, #tpu.memory_space<hbm>> -> memref<1x1x128x384xf32, #tpu.memory_space<hbm>>
        %dma_start3A_364 = tpu.memref_squeeze %dma_start3A_363 : memref<1x1x128x384xf32, #tpu.memory_space<hbm>> -> memref<128x384xf32, #tpu.memory_space<hbm>>
        %dma_start3A_365 = arith.constant 0 : i32
        %dma_start3A_366 = arith.constant 0 : i32
        %dma_start3A_367 = tpu.memref_slice %arg3[%run_scoped3A_359, %run_scoped3A_360, %dma_start3A_365, %dma_start3A_366] : memref<3x8x384x384xf32, #tpu.memory_space<hbm>> -> memref<1x1x128x384xf32, #tpu.memory_space<hbm>>
        %dma_start3A_368 = tpu.memref_squeeze %dma_start3A_367 : memref<1x1x128x384xf32, #tpu.memory_space<hbm>> -> memref<128x384xf32, #tpu.memory_space<hbm>>
        tpu.enqueue_dma source(%arg4 : memref<128x384xf32, #tpu.memory_space<vmem>>) target(%dma_start3A_368 : memref<128x384xf32, #tpu.memory_space<hbm>>) target_semaphore(%run_scoped3A_361 : memref<!tpu.dma_semaphore, #tpu.memory_space<semaphore_mem>>)
        %dma_wait3A = arith.constant 0 : i32
        %dma_wait3A_369 = arith.constant 0 : i32
        %dma_wait3A_370 = tpu.memref_slice %arg3[%run_scoped3A_359, %run_scoped3A_360, %dma_wait3A, %dma_wait3A_369] : memref<3x8x384x384xf32, #tpu.memory_space<hbm>> -> memref<1x1x128x384xf32, #tpu.memory_space<hbm>>
        %dma_wait3A_371 = tpu.memref_squeeze %dma_wait3A_370 : memref<1x1x128x384xf32, #tpu.memory_space<hbm>> -> memref<128x384xf32, #tpu.memory_space<hbm>>
        %dma_wait3A_372 = arith.constant 0 : i32
        %dma_wait3A_373 = arith.constant 0 : i32
        %dma_wait3A_374 = tpu.memref_slice %arg3[%run_scoped3A_359, %run_scoped3A_360, %dma_wait3A_372, %dma_wait3A_373] : memref<3x8x384x384xf32, #tpu.memory_space<hbm>> -> memref<1x1x128x384xf32, #tpu.memory_space<hbm>>
        %dma_wait3A_375 = tpu.memref_squeeze %dma_wait3A_374 : memref<1x1x128x384xf32, #tpu.memory_space<hbm>> -> memref<128x384xf32, #tpu.memory_space<hbm>>
        tpu.wait_dma2 semaphore(%run_scoped3A_361 : memref<!tpu.dma_semaphore, #tpu.memory_space<semaphore_mem>>) src(%arg4 : memref<128x384xf32, #tpu.memory_space<vmem>>) dst(%dma_wait3A_375 : memref<128x384xf32, #tpu.memory_space<hbm>>)
        tpu.yield
      }) : () -> ()
    } else {
    }
    %eq3A_348 = arith.constant 6 : i32
    %eq3A_349 = arith.cmpi eq, %add3A, %eq3A_348 : i32
    %convert_element_type3A_350 = arith.extui %eq3A_349 : i1 to i32
    %cond3A_351 = arith.constant 0 : i32
    %cond3A_352 = arith.cmpi ne, %convert_element_type3A_350, %cond3A_351 : i32
    scf.if %cond3A_352 {
      %run_scoped3A = arith.constant 2 : i32
      %run_scoped3A_358 = arith.constant 31 : i32
      "tpu.region"() ({
        %run_scoped3A_361 = tpu.sem_alloc : memref<!tpu.dma_semaphore, #tpu.memory_space<semaphore_mem>>
        %dma_start3A = arith.constant 128 : i32
        %dma_start3A_362 = arith.constant 0 : i32
        %dma_start3A_363 = tpu.memref_slice %arg2[%run_scoped3A, %run_scoped3A_358, %dma_start3A, %dma_start3A_362] : memref<3x32x384x384xf32, #tpu.memory_space<hbm>> -> memref<1x1x128x384xf32, #tpu.memory_space<hbm>>
        %dma_start3A_364 = tpu.memref_squeeze %dma_start3A_363 : memref<1x1x128x384xf32, #tpu.memory_space<hbm>> -> memref<128x384xf32, #tpu.memory_space<hbm>>
        %dma_start3A_365 = arith.constant 128 : i32
        %dma_start3A_366 = arith.constant 0 : i32
        %dma_start3A_367 = tpu.memref_slice %arg2[%run_scoped3A, %run_scoped3A_358, %dma_start3A_365, %dma_start3A_366] : memref<3x32x384x384xf32, #tpu.memory_space<hbm>> -> memref<1x1x128x384xf32, #tpu.memory_space<hbm>>
        %dma_start3A_368 = tpu.memref_squeeze %dma_start3A_367 : memref<1x1x128x384xf32, #tpu.memory_space<hbm>> -> memref<128x384xf32, #tpu.memory_space<hbm>>
        tpu.enqueue_dma source(%dma_start3A_368 : memref<128x384xf32, #tpu.memory_space<hbm>>) target(%arg4 : memref<128x384xf32, #tpu.memory_space<vmem>>) target_semaphore(%run_scoped3A_361 : memref<!tpu.dma_semaphore, #tpu.memory_space<semaphore_mem>>)
        %dma_wait3A = arith.constant 128 : i32
        %dma_wait3A_369 = arith.constant 0 : i32
        %dma_wait3A_370 = tpu.memref_slice %arg2[%run_scoped3A, %run_scoped3A_358, %dma_wait3A, %dma_wait3A_369] : memref<3x32x384x384xf32, #tpu.memory_space<hbm>> -> memref<1x1x128x384xf32, #tpu.memory_space<hbm>>
        %dma_wait3A_371 = tpu.memref_squeeze %dma_wait3A_370 : memref<1x1x128x384xf32, #tpu.memory_space<hbm>> -> memref<128x384xf32, #tpu.memory_space<hbm>>
        %dma_wait3A_372 = arith.constant 128 : i32
        %dma_wait3A_373 = arith.constant 0 : i32
        %dma_wait3A_374 = tpu.memref_slice %arg2[%run_scoped3A, %run_scoped3A_358, %dma_wait3A_372, %dma_wait3A_373] : memref<3x32x384x384xf32, #tpu.memory_space<hbm>> -> memref<1x1x128x384xf32, #tpu.memory_space<hbm>>
        %dma_wait3A_375 = tpu.memref_squeeze %dma_wait3A_374 : memref<1x1x128x384xf32, #tpu.memory_space<hbm>> -> memref<128x384xf32, #tpu.memory_space<hbm>>
        tpu.wait_dma2 semaphore(%run_scoped3A_361 : memref<!tpu.dma_semaphore, #tpu.memory_space<semaphore_mem>>) src(%dma_wait3A_375 : memref<128x384xf32, #tpu.memory_space<hbm>>) dst(%arg4 : memref<128x384xf32, #tpu.memory_space<vmem>>)
        tpu.yield
      }) : () -> ()
      %run_scoped3A_359 = arith.constant 2 : i32
      %run_scoped3A_360 = arith.constant 7 : i32
      "tpu.region"() ({
        %run_scoped3A_361 = tpu.sem_alloc : memref<!tpu.dma_semaphore, #tpu.memory_space<semaphore_mem>>
        %dma_start3A = arith.constant 128 : i32
        %dma_start3A_362 = arith.constant 0 : i32
        %dma_start3A_363 = tpu.memref_slice %arg3[%run_scoped3A_359, %run_scoped3A_360, %dma_start3A, %dma_start3A_362] : memref<3x8x384x384xf32, #tpu.memory_space<hbm>> -> memref<1x1x128x384xf32, #tpu.memory_space<hbm>>
        %dma_start3A_364 = tpu.memref_squeeze %dma_start3A_363 : memref<1x1x128x384xf32, #tpu.memory_space<hbm>> -> memref<128x384xf32, #tpu.memory_space<hbm>>
        %dma_start3A_365 = arith.constant 128 : i32
        %dma_start3A_366 = arith.constant 0 : i32
        %dma_start3A_367 = tpu.memref_slice %arg3[%run_scoped3A_359, %run_scoped3A_360, %dma_start3A_365, %dma_start3A_366] : memref<3x8x384x384xf32, #tpu.memory_space<hbm>> -> memref<1x1x128x384xf32, #tpu.memory_space<hbm>>
        %dma_start3A_368 = tpu.memref_squeeze %dma_start3A_367 : memref<1x1x128x384xf32, #tpu.memory_space<hbm>> -> memref<128x384xf32, #tpu.memory_space<hbm>>
        tpu.enqueue_dma source(%arg4 : memref<128x384xf32, #tpu.memory_space<vmem>>) target(%dma_start3A_368 : memref<128x384xf32, #tpu.memory_space<hbm>>) target_semaphore(%run_scoped3A_361 : memref<!tpu.dma_semaphore, #tpu.memory_space<semaphore_mem>>)
        %dma_wait3A = arith.constant 128 : i32
        %dma_wait3A_369 = arith.constant 0 : i32
        %dma_wait3A_370 = tpu.memref_slice %arg3[%run_scoped3A_359, %run_scoped3A_360, %dma_wait3A, %dma_wait3A_369] : memref<3x8x384x384xf32, #tpu.memory_space<hbm>> -> memref<1x1x128x384xf32, #tpu.memory_space<hbm>>
        %dma_wait3A_371 = tpu.memref_squeeze %dma_wait3A_370 : memref<1x1x128x384xf32, #tpu.memory_space<hbm>> -> memref<128x384xf32, #tpu.memory_space<hbm>>
        %dma_wait3A_372 = arith.constant 128 : i32
        %dma_wait3A_373 = arith.constant 0 : i32
        %dma_wait3A_374 = tpu.memref_slice %arg3[%run_scoped3A_359, %run_scoped3A_360, %dma_wait3A_372, %dma_wait3A_373] : memref<3x8x384x384xf32, #tpu.memory_space<hbm>> -> memref<1x1x128x384xf32, #tpu.memory_space<hbm>>
        %dma_wait3A_375 = tpu.memref_squeeze %dma_wait3A_374 : memref<1x1x128x384xf32, #tpu.memory_space<hbm>> -> memref<128x384xf32, #tpu.memory_space<hbm>>
        tpu.wait_dma2 semaphore(%run_scoped3A_361 : memref<!tpu.dma_semaphore, #tpu.memory_space<semaphore_mem>>) src(%arg4 : memref<128x384xf32, #tpu.memory_space<vmem>>) dst(%dma_wait3A_375 : memref<128x384xf32, #tpu.memory_space<hbm>>)
        tpu.yield
      }) : () -> ()
    } else {
    }
    %eq3A_353 = arith.constant 7 : i32
    %eq3A_354 = arith.cmpi eq, %add3A, %eq3A_353 : i32
    %convert_element_type3A_355 = arith.extui %eq3A_354 : i1 to i32
    %cond3A_356 = arith.constant 0 : i32
    %cond3A_357 = arith.cmpi ne, %convert_element_type3A_355, %cond3A_356 : i32
    scf.if %cond3A_357 {
      %run_scoped3A = arith.constant 2 : i32
      %run_scoped3A_358 = arith.constant 31 : i32
      "tpu.region"() ({
        %run_scoped3A_361 = tpu.sem_alloc : memref<!tpu.dma_semaphore, #tpu.memory_space<semaphore_mem>>
        %dma_start3A = arith.constant 256 : i32
        %dma_start3A_362 = arith.constant 0 : i32
        %dma_start3A_363 = tpu.memref_slice %arg2[%run_scoped3A, %run_scoped3A_358, %dma_start3A, %dma_start3A_362] : memref<3x32x384x384xf32, #tpu.memory_space<hbm>> -> memref<1x1x128x384xf32, #tpu.memory_space<hbm>>
        %dma_start3A_364 = tpu.memref_squeeze %dma_start3A_363 : memref<1x1x128x384xf32, #tpu.memory_space<hbm>> -> memref<128x384xf32, #tpu.memory_space<hbm>>
        %dma_start3A_365 = arith.constant 256 : i32
        %dma_start3A_366 = arith.constant 0 : i32
        %dma_start3A_367 = tpu.memref_slice %arg2[%run_scoped3A, %run_scoped3A_358, %dma_start3A_365, %dma_start3A_366] : memref<3x32x384x384xf32, #tpu.memory_space<hbm>> -> memref<1x1x128x384xf32, #tpu.memory_space<hbm>>
        %dma_start3A_368 = tpu.memref_squeeze %dma_start3A_367 : memref<1x1x128x384xf32, #tpu.memory_space<hbm>> -> memref<128x384xf32, #tpu.memory_space<hbm>>
        tpu.enqueue_dma source(%dma_start3A_368 : memref<128x384xf32, #tpu.memory_space<hbm>>) target(%arg4 : memref<128x384xf32, #tpu.memory_space<vmem>>) target_semaphore(%run_scoped3A_361 : memref<!tpu.dma_semaphore, #tpu.memory_space<semaphore_mem>>)
        %dma_wait3A = arith.constant 256 : i32
        %dma_wait3A_369 = arith.constant 0 : i32
        %dma_wait3A_370 = tpu.memref_slice %arg2[%run_scoped3A, %run_scoped3A_358, %dma_wait3A, %dma_wait3A_369] : memref<3x32x384x384xf32, #tpu.memory_space<hbm>> -> memref<1x1x128x384xf32, #tpu.memory_space<hbm>>
        %dma_wait3A_371 = tpu.memref_squeeze %dma_wait3A_370 : memref<1x1x128x384xf32, #tpu.memory_space<hbm>> -> memref<128x384xf32, #tpu.memory_space<hbm>>
        %dma_wait3A_372 = arith.constant 256 : i32
        %dma_wait3A_373 = arith.constant 0 : i32
        %dma_wait3A_374 = tpu.memref_slice %arg2[%run_scoped3A, %run_scoped3A_358, %dma_wait3A_372, %dma_wait3A_373] : memref<3x32x384x384xf32, #tpu.memory_space<hbm>> -> memref<1x1x128x384xf32, #tpu.memory_space<hbm>>
        %dma_wait3A_375 = tpu.memref_squeeze %dma_wait3A_374 : memref<1x1x128x384xf32, #tpu.memory_space<hbm>> -> memref<128x384xf32, #tpu.memory_space<hbm>>
        tpu.wait_dma2 semaphore(%run_scoped3A_361 : memref<!tpu.dma_semaphore, #tpu.memory_space<semaphore_mem>>) src(%dma_wait3A_375 : memref<128x384xf32, #tpu.memory_space<hbm>>) dst(%arg4 : memref<128x384xf32, #tpu.memory_space<vmem>>)
        tpu.yield
      }) : () -> ()
      %run_scoped3A_359 = arith.constant 2 : i32
      %run_scoped3A_360 = arith.constant 7 : i32
      "tpu.region"() ({
        %run_scoped3A_361 = tpu.sem_alloc : memref<!tpu.dma_semaphore, #tpu.memory_space<semaphore_mem>>
        %dma_start3A = arith.constant 256 : i32
        %dma_start3A_362 = arith.constant 0 : i32
        %dma_start3A_363 = tpu.memref_slice %arg3[%run_scoped3A_359, %run_scoped3A_360, %dma_start3A, %dma_start3A_362] : memref<3x8x384x384xf32, #tpu.memory_space<hbm>> -> memref<1x1x128x384xf32, #tpu.memory_space<hbm>>
        %dma_start3A_364 = tpu.memref_squeeze %dma_start3A_363 : memref<1x1x128x384xf32, #tpu.memory_space<hbm>> -> memref<128x384xf32, #tpu.memory_space<hbm>>
        %dma_start3A_365 = arith.constant 256 : i32
        %dma_start3A_366 = arith.constant 0 : i32
        %dma_start3A_367 = tpu.memref_slice %arg3[%run_scoped3A_359, %run_scoped3A_360, %dma_start3A_365, %dma_start3A_366] : memref<3x8x384x384xf32, #tpu.memory_space<hbm>> -> memref<1x1x128x384xf32, #tpu.memory_space<hbm>>
        %dma_start3A_368 = tpu.memref_squeeze %dma_start3A_367 : memref<1x1x128x384xf32, #tpu.memory_space<hbm>> -> memref<128x384xf32, #tpu.memory_space<hbm>>
        tpu.enqueue_dma source(%arg4 : memref<128x384xf32, #tpu.memory_space<vmem>>) target(%dma_start3A_368 : memref<128x384xf32, #tpu.memory_space<hbm>>) target_semaphore(%run_scoped3A_361 : memref<!tpu.dma_semaphore, #tpu.memory_space<semaphore_mem>>)
        %dma_wait3A = arith.constant 256 : i32
        %dma_wait3A_369 = arith.constant 0 : i32
        %dma_wait3A_370 = tpu.memref_slice %arg3[%run_scoped3A_359, %run_scoped3A_360, %dma_wait3A, %dma_wait3A_369] : memref<3x8x384x384xf32, #tpu.memory_space<hbm>> -> memref<1x1x128x384xf32, #tpu.memory_space<hbm>>
        %dma_wait3A_371 = tpu.memref_squeeze %dma_wait3A_370 : memref<1x1x128x384xf32, #tpu.memory_space<hbm>> -> memref<128x384xf32, #tpu.memory_space<hbm>>
        %dma_wait3A_372 = arith.constant 256 : i32
        %dma_wait3A_373 = arith.constant 0 : i32
        %dma_wait3A_374 = tpu.memref_slice %arg3[%run_scoped3A_359, %run_scoped3A_360, %dma_wait3A_372, %dma_wait3A_373] : memref<3x8x384x384xf32, #tpu.memory_space<hbm>> -> memref<1x1x128x384xf32, #tpu.memory_space<hbm>>
        %dma_wait3A_375 = tpu.memref_squeeze %dma_wait3A_374 : memref<1x1x128x384xf32, #tpu.memory_space<hbm>> -> memref<128x384xf32, #tpu.memory_space<hbm>>
        tpu.wait_dma2 semaphore(%run_scoped3A_361 : memref<!tpu.dma_semaphore, #tpu.memory_space<semaphore_mem>>) src(%arg4 : memref<128x384xf32, #tpu.memory_space<vmem>>) dst(%dma_wait3A_375 : memref<128x384xf32, #tpu.memory_space<hbm>>)
        tpu.yield
      }) : () -> ()
    } else {
    }
    return
  }
}

module attributes {stable_mosaic.version = 14 : i64} {
  func.func @_tc_copy_body(%arg0: i32, %arg1: memref<3x8x384x384xf32, #tpu.memory_space<vmem>>, %arg2: memref<3x8x384x384xf32, #tpu.memory_space<vmem>>) attributes {dimension_semantics = [#tpu.dimension_semantics<arbitrary>], iteration_bounds = array<i64: 4>, scalar_prefetch = 0 : i64, scratch_operands = 0 : i64, tpu.core_type = #tpu.core_type<tc>, window_params = [{transform_indices = @transform_0, window_bounds = array<i64: 3, 8, 384, 384>}, {transform_indices = @transform_1, window_bounds = array<i64: 3, 8, 384, 384>}]} {
    %get3A = arith.constant 0 : index
    %get3A_0 = arith.constant 0 : index
    %get3A_1 = arith.constant 0 : index
    %get3A_2 = arith.constant 0 : index
    %get3A_3 = vector.load %arg1[%get3A, %get3A_0, %get3A_1, %get3A_2] : memref<3x8x384x384xf32, #tpu.memory_space<vmem>>, vector<3x8x384x384xf32>
    %swap3A = arith.constant 0 : index
    %swap3A_4 = arith.constant 0 : index
    %swap3A_5 = arith.constant 0 : index
    %swap3A_6 = arith.constant 0 : index
    %swap3A_7 = vector.load %arg2[%swap3A, %swap3A_4, %swap3A_5, %swap3A_6] : memref<3x8x384x384xf32, #tpu.memory_space<vmem>>, vector<3x8x384x384xf32>
    tpu.vector_store %arg2[%swap3A, %swap3A_4, %swap3A_5, %swap3A_6], %get3A_3 {strides = array<i32>} : memref<3x8x384x384xf32, #tpu.memory_space<vmem>>, vector<3x8x384x384xf32>,
    return
  }
  func.func @transform_0(%arg0: i32) -> (i32, i32, i32, i32) {
    %c0_i32 = arith.constant 0 : i32
    %c0_i32_0 = arith.constant 0 : i32
    %c0_i32_1 = arith.constant 0 : i32
    %c0_i32_2 = arith.constant 0 : i32
    return %c0_i32, %arg0, %c0_i32_0, %c0_i32_1 : i32, i32, i32, i32
  }
  func.func @transform_1(%arg0: i32) -> (i32, i32, i32, i32) {
    %c0_i32 = arith.constant 0 : i32
    %c0_i32_0 = arith.constant 0 : i32
    %c0_i32_1 = arith.constant 0 : i32
    %c0_i32_2 = arith.constant 0 : i32
    return %c0_i32, %arg0, %c0_i32_0, %c0_i32_1 : i32, i32, i32, i32
  }
}

</mosaic_0001>

<sc_bundles>
// kernel: kernel.4.cloned.1.call-start
scs
__scs_entry_jumppad:
0x0: {  	(pc) =	sbr.rel $0x88, $3  }
0x1: {  	(tag) =	ssettag $0x0;
	lr =	simm.s32 $0x1  }
0x2: {  	[smem:$0x3FA0] =	sst lr;
	_ =	strace $0xD0000000  }
0x3: {  	_ = 	snop  }
0x4: {  	_ = 	snop  }
0x5: {  	_ = 	snop  }
0x6: {  	_ = 	snop  }
0x7: {  	_ = 	snop  }
__scs_overlays_trampoline_lowered:
0x8: {  	[smem:$0x3FAF] =	sst s0  }
0x9: {  	[smem:$0x3FB0] =	sst s1  }
0xa: {  	[smem:$0x3FB1] =	sst s2  }
0xb: {  	[smem:$0x3FB2] =	sst s3  }
0xc: {  	[smem:$0x3FB3] =	sst s4  }
0xd: {  	[smem:$0x3FB4] =	sst s5  }
0xe: {  	[smem:$0x3FB5] =	sst s6  }
0xf: {  	[smem:$0x3FB6] =	sst s7  }
0x10: {  	[smem:$0x3FB7] =	sst s8  }
0x11: {  	[smem:$0x3FB8] =	sst s9;
	s0 =	simm.s32 @!p0 $0x0  }
0x12: {  	s1 =	sld [smem:$0x3F9E];
	s0 =	simm.s32 @p0 $0x1  }
0x13: {  	[smem:$0x3FB9] =	sst s0;
	s0 =	simm.s32 @!p1 $0x0  }
0x14: {  	s2 =	sld [smem:$0x3F9D];
	s0 =	simm.s32 @p1 $0x1  }
0x15: {  	[smem:$0x3FBA] =	sst s0;
	s0 =	simm.s32 @!p2 $0x0  }
0x16: {  	s3 =	sld [smem:$0x3FDB];
	s0 =	simm.s32 @p2 $0x1  }
0x17: {  	s4 =	simm.s32 $0x1BF5;
	[smem:$0x3FBC] =	sst s0  }
0x18: {  	s0 =	sld [smem:$0x3F9F];
	_ =	swait.ge [sflag:s4], $0x0  }
0x19: {  	s7 =	sld [smem:$0x3FA0]  }
0x1a: {  	s8 =	sadd.s32 $0xFFFFE003, lr  }
0x1b: {  	s9 =	sadd.s32 $0xFFFFFEF7, lr;
	s5 =	simm.s32 $0xFFFFFFFF;
	p2 =	slt.u32 s8, $0xFFFFF086  }
0x1c: {  	p1 =	slt.u32 s9, $0xF7A;
	s5 =	simm.s32 @!p2 $0x0  }
0x1d: {  	s5 =	simm.s32 @p1 $0x1;
	p0 =	seq.s32 s7, s2  }
0x1e: {  	s7 =	smul.u32 @!p0 $0xF7A, s2;
	p2 =	seq.s32 @!p0 s5, $0x0  }
0x1f: {  	s9 =	smul.u32 $0xF7A, s1;
	s8 =	simm.s32 @!p0 $0x1BF5;
	p2 =	por !p2, p0  }
0x20: {  	[sflag:s8] =	ssyncset.s32 @!p0 $0xFFFFF086;
	s6 =	sadd.s32 @!p0 s3, s7;
	s7 =	simm.s32 @!p0 $0x108  }
0x21: {  	s3 =	sadd.s32 s3, s9;
	s6 =	sadd.s32 @!p0 $0x88, s6;
	s7 =	simm.s32 @p2 $0x1082  }
0x22: {  	[simem:s7], [sflag:s8] =	dma.local @!p0 [hbm:s6], $0xF7A  }
0x23: {  	s9 =	sor.u32 $0xD0000000, s2;
	s6 =	simm.s32 $0x108;
	_ =	swait.ge @!p0 [sflag:s8], $0x0  }
0x24: {  	s3 =	sadd.s32 $0x88, s3;
	s6 =	simm.s32 @!p1 $0x1082;
	[sflag:s4] =	ssyncset.s32 $0xFFFFF086  }
0x25: {  	[simem:s6], [sflag:s4] =	dma.local [hbm:s3], $0xF7A  }
0x26: {  	[smem:$0x3FA0] =	sst s1;
	(tag) =	ssettag s2;
	_ =	strace s9  }
0x27: {  	s1 =	sld [smem:$0x3FB0]  }
0x28: {  	s2 =	sld [smem:$0x3FB1]  }
0x29: {  	s4 =	sld [smem:$0x3FB3]  }
0x2a: {  	p0 =	seq.s32 s5, $0x0;
	s5 =	sld [smem:$0x3FB4]  }
0x2b: {  	s6 =	sld [smem:$0x3FB5]  }
0x2c: {  	s7 =	sld [smem:$0x3FB6]  }
0x2d: {  	s3 =	simm.s32 $0x108;
	s8 =	sld [smem:$0x3FB7]  }
0x2e: {  	s3 =	simm.s32 @!p0 $0x1082;
	s9 =	sld [smem:$0x3FB8]  }
0x2f: {  	lr =	sadd.s32 s0, s3;
	s0 =	sld [smem:$0x3FAF]  }
0x30: {  	s3 =	sld [smem:$0x3FB2]  }
0x31: {  	[smem:$0x3FBB] =	sst s10  }
0x32: {  	s10 =	sld [smem:$0x3FB9];
	_ =	sdelay $0x3  }
0x33: {  	p0 =	seq.s32 s10, $0x1;
	s10 =	sld [smem:$0x3FBB];
	_ =	sdelay $0x3  }
0x34: {  	[smem:$0x3FBB] =	sst s10  }
0x35: {  	s10 =	sld [smem:$0x3FBA];
	_ =	sdelay $0x3  }
0x36: {  	p1 =	seq.s32 s10, $0x1;
	s10 =	sld [smem:$0x3FBB];
	_ =	sdelay $0x3  }
0x37: {  	[smem:$0x3FBB] =	sst s10  }
0x38: {  	s10 =	sld [smem:$0x3FBC]  }
0x39: {  	_ = 	snop;
	(pc) =	sbr.ind lr, $3  }
0x3a: {  	_ = 	snop  }
0x3b: {  	_ = 	snop  }
0x3c: {  	p2 =	seq.s32 s10, $0x1;
	s10 =	sld [smem:$0x3FBB]  }
0x3d: {  	_ =	shalt  }
0x3e: {  	_ =	shalt  }
0x3f: {  	_ =	shalt  }
0x40: {  	_ =	shalt  }
0x41: {  	_ =	shalt  }
0x42: {  	_ =	shalt  }
0x43: {  	_ =	shalt  }
0x44: {  	_ =	shalt  }
0x45: {  	_ =	shalt  }
0x46: {  	_ =	shalt  }
0x47: {  	_ =	shalt  }
0x48: {  	_ =	shalt  }
0x49: {  	_ =	shalt  }
0x4a: {  	_ =	shalt  }
0x4b: {  	_ =	shalt  }
0x4c: {  	_ =	shalt  }
0x4d: {  	_ =	shalt  }
0x4e: {  	_ =	shalt  }
0x4f: {  	_ =	shalt  }
0x50: {  	_ =	shalt  }
0x51: {  	_ =	shalt  }
0x52: {  	_ =	shalt  }
0x53: {  	_ =	shalt  }
0x54: {  	_ =	shalt  }
0x55: {  	_ =	shalt  }
0x56: {  	_ =	shalt  }
0x57: {  	_ =	shalt  }
0x58: {  	_ =	shalt  }
0x59: {  	_ =	shalt  }
0x5a: {  	_ =	shalt  }
0x5b: {  	_ =	shalt  }
0x5c: {  	_ =	shalt  }
0x5d: {  	_ =	shalt  }
0x5e: {  	_ =	shalt  }
0x5f: {  	_ =	shalt  }
0x60: {  	_ =	shalt  }
0x61: {  	_ =	shalt  }
0x62: {  	_ =	shalt  }
0x63: {  	_ =	shalt  }
0x64: {  	_ =	shalt  }
0x65: {  	_ =	shalt  }
0x66: {  	_ =	shalt  }
0x67: {  	_ =	shalt  }
0x68: {  	_ =	shalt  }
0x69: {  	_ =	shalt  }
0x6a: {  	_ =	shalt  }
0x6b: {  	_ =	shalt  }
0x6c: {  	_ =	shalt  }
0x6d: {  	_ =	shalt  }
0x6e: {  	_ =	shalt  }
0x6f: {  	_ =	shalt  }
0x70: {  	_ =	shalt  }
0x71: {  	_ =	shalt  }
0x72: {  	_ =	shalt  }
0x73: {  	_ =	shalt  }
0x74: {  	_ =	shalt  }
0x75: {  	_ =	shalt  }
0x76: {  	_ =	shalt  }
0x77: {  	_ =	shalt  }
0x78: {  	_ =	shalt  }
0x79: {  	_ =	shalt  }
0x7a: {  	_ =	shalt  }
0x7b: {  	_ =	shalt  }
0x7c: {  	_ =	shalt  }
0x7d: {  	_ =	shalt  }
0x7e: {  	_ =	shalt  }
0x7f: {  	_ =	shalt  }
0x80: {  	_ =	shalt  }
0x81: {  	_ =	shalt  }
0x82: {  	_ =	shalt  }
0x83: {  	_ =	shalt  }
0x84: {  	_ =	shalt  }
0x85: {  	_ =	shalt  }
0x86: {  	_ =	shalt  }
0x87: {  	_ =	shalt  }
.Lfunc_end0:
.L_simem_size_0:
called_computation_lowered:
.L_overlay_start_0:
0x88: {  	s2 =	sld [smem:$0x3FD9]  }
0x89: {  	s3 =	sld [smem:$0x3FFE];
	_ =	sdelay $0x1  }
0x8a: {  	s1 =	srdreg.scid  }
0x8b: {  	s0 =	sand.u32 $0x1, s1  }
0x8c: {  	s15 =	sshll.u32 s0, $0xA;
	s2 =	sadd.s32 s3, s2  }
0x8d: {  	s2 =	sadd.s32 s2, s15  }
0x8e: {  	[smem:$0x3FC7] =	sst s2  }
0x8f: {  	_ = 	snop  }
0x90: {  	s2 =	sld [smem:$0x3FD0];
	_ =	sdelay $0x2  }
0x91: {  	s4 =	simm.s32 $0xA;
	s5 =	simm.s32 $0x10;
	s16 =	sld [smem:$0x3FC9]  }
0x92: {  	[smem:s5], [sflag:s4] =	dma.local [hbm:s2], $0x1  }
0x93: {  	_ =	swait.eq [sflag:s4], $0x1  }
0x94: {  	[sflag:s4] =	ssyncset.done $0x0  }
0x95: {  	[sflag:s4] =	ssyncadd.s32 $0xFFFFFFFF  }
0x96: {  	s17 =	sld [smem:$0x10];
	(tm) =	ssettm $0x1  }
0x97: {  	s18 =	sld [smem:$0x3FFB];
	_ =	sdelay $0x3  }
0x98: {  	_ =	strace s18  }
0x99: {  	s4 =	sld [smem:$0x3FFC];
	_ =	sdelay $0x3  }
0x9a: {  	_ =	strace s4  }
0x9b: {  	s4 =	sld [smem:$0x3FFD];
	_ =	sdelay $0x3  }
0x9c: {  	_ =	strace s4  }
0x9d: {  	_ =	strace $0x8FFFFFFF  }
0x9e: {  	s19 =	sld [smem:$0x3FDB];
	_ =	sdelay $0x1  }
0x9f: {  	s20 =	simm.s32 $_scs_section_size  }
0xa0: {  	s6 =	simm.s32 $_size__tile_overlayer_lowered;
	s7 =	simm.s32 $_tile_overlayer_lowered  }
0xa1: {  	s23 =	simm.s32 $0x1BFF;
	s22 =	sshll.u32 s7, $0x1;
	s4 =	sadd.s32 s20, s19  }
0xa2: {  	s8 =	simm.s32 $0x0;
	s21 =	sshll.u32 s6, $0x1;
	s6 =	sadd.s32 s22, s4  }
0xa3: {  	[timem:s8], [sflag:s23] =	dma.local [hbm:s6], s21  }
0xa4: {  	_ =	swait.ge [sflag:s23], s21  }
0xa5: {  	s5 =	ssub.s32 $0x0, s21;
	[sflag:s23] =	ssyncset.done $0x0  }
0xa6: {  	[sflag:s23] =	ssyncadd.s32 s5;
	_ =	sdelay $0x1  }
0xa7: {  	s24 =	simm.s32 $0x1B8B  }
0xa8: {  	_ =	swait.ge [sflag:s24], $0x1  }
0xa9: {  	[sflag:s24] =	ssyncset.done $0x0  }
0xaa: {  	s25 =	simm.s32 $0x1B8E;
	[sflag:s24] =	ssyncadd.s32 $0xFFFFFFFF  }
0xab: {  	s26 =	simm.s32 $execute0_lowered;
	[smem:$0x3FD2] =	sst s25  }
0xac: {  	s5 =	sshll.u32 s26, $0x1;
	_ =	strace $0x80000046;
	[dreg:$0x1] =	wrdreg $0xFFFFFFFF  }
0xad: {  	s28 =	simm.s32 $_size_execute0_lowered;
	s4 =	sadd.s32 s4, s5;
	[dreg:$0x0] =	wrdreg $0x0  }
0xae: {  	s5 =	sshll.u32 s28, $0x1;
	[dreg:$0x2] =	wrdreg s4  }
0xaf: {  	[dreg:$0x3] =	wrdreg s5  }
0xb0: {  	[dreg:$0x4] =	wrdreg $0xC0  }
0xb1: {  	_ =	task [dreg:s8], $0x5FFFF  }
0xb2: {  	[dreg:$0x1] =	wrdreg $0xFFFFFFFF  }
0xb3: {  	[dreg:$0x0] =	wrdreg $0x60  }
0xb4: {  	[dreg:$0x2] =	wrdreg s16  }
0xb5: {  	[dreg:$0x3] =	wrdreg s17  }
0xb6: {  	[dreg:$0x4] =	wrdreg $0x9  }
0xb7: {  	_ =	task.clear_ibuf [dreg:s8], $0x5FFFF;
	_ =	strace $0x90000046  }
0xb8: {  	s29 =	simm.s32 $0x9;
	_ =	strace $0x80000048  }
0xb9: {  	_ =	swait.ge [sflag:s29], $0x1  }
0xba: {  	[sflag:s29] =	ssyncadd.s32 $0xFFFFFFFF  }
0xbb: {  	_ =	strace $0x90000048  }
0xbc: {  	_ =	sfence  }
0xbd: {  	s30 =	sld [smem:$0x0];
	_ =	sdelay $0x2  }
0xbe: {  	s31 =	sshll.u32 s1, $0xD;
	s1 =	sshrl.u32 s1, $0x2  }
0xbf: {  	s3 =	sand.u32 $0x4000, s31;
	s1 =	sadd.s32 s1, s30  }
0xc0: {  	s0 =	sor.u32 s3, s0;
	s1 =	sshll.u32 s1, $0x11  }
0xc1: {  	s0 =	sor.u32 s1, s0  }
0xc2: {  	s0 =	sadd.s32 $0x8F2B, s0  }
0xc3: {  	[sflag:s0] =	ssyncadd.remote.s32 $0x1  }
0xc4: {  	_ =	sfence.sel $0xFFFF  }
0xc5: {  	[dreg:$0x0] =	wrdreg $0xFFFFFFFF;
	(pc) =	sbr.abs _section_cstart, $3  }
0xc6: {  	[dreg:$0x1] =	wrdreg $0xFFFFFFFF  }
0xc7: {  	_ =	task.clear_ibuf [dreg:s8], $0x2FFFF;
	_ =	strace $0x9FFFFFFF  }
0xc8: {  	(tm) =	ssettm $0x7FFFFFFF  }
0xc9: {  	_ =	shalt  }
tec
execute0_lowered:
.L_overlay_start_1:
0x0: {  	(tag) =	ssettag $0x1  }
0x1: {  	s1 =	rddreg [dreg:$0x0];
	s0 =	srdreg.scid  }
0x2: {  	s3 =	stileid.u32;
	s2 =	rddreg [dreg:$0x1];
	s0 =	sand.u32 $0x1, s0  }
0x3: {  	s3 =	sshll.u32 s3, $0x1;
	s4 =	sadd.s32 $0x184800, s1;
	s5 =	sadd.s32 $0x60000, s2  }
0x4: {  	s8 =	sadd.s32 $0x186000, s1;
	s9 =	sadd.s32 $0x61800, s2;
	s10 =	sadd.s32 $0x195000, s1  }
0x5: {  	s11 =	sadd.s32 $0x63000, s2;
	s12 =	sadd.s32 $0x196800, s1;
	s13 =	sadd.s32 $0x64800, s2  }
0x6: {  	s6 =	sadd.s32 $0x198000, s1;
	s7 =	sadd.s32 $0x66000, s2;
	s3 =	sor.u32 s0, s3  }
0x7: {  	s14 =	sadd.s32 $0x1AB800, s1;
	s15 =	sadd.s32 $0x67800, s2;
	p1 =	sgt.s32 s3, $0x1  }
0x8: {  	s16 =	sadd.s32 $0x1AD000, s1;
	s17 =	sadd.s32 $0x69000, s2;
	p0 =	seq.s32 @p1 s3, $0x2  }
0x9: {  	s18 =	sadd.s32 $0x1AE800, s1;
	p2 =	por !p0, !p1;
	p0 =	por p0, !p1  }
0xa: {  	s19 =	simm.s32 @!p0 $0x0;
	s10 =	smov.u32 @p2 s12;
	s12 =	simm.s32 @!p2 $0x0  }
0xb: {  	s11 =	smov.u32 @p2 s13;
	s13 =	sadd.s32 $0x105000, s1;
	s19 =	simm.s32 @p0 $0x1  }
0xc: {  	p0 =	seq.s32 @!p1 s3, $0x0;
	s12 =	simm.s32 @p2 $0x1;
	[smem:$0x7A1] =	sst s19  }
0xd: {  	[smem:$0x7A2] =	sst s12;
	p2 =	por !p0, p1;
	p0 =	por p0, p1  }
0xe: {  	s12 =	simm.s32 @!p0 $0x0;
	s4 =	smov.u32 @p2 s8;
	s8 =	simm.s32 @!p2 $0x0  }
0xf: {  	s5 =	smov.u32 @p2 s9;
	s12 =	simm.s32 @p0 $0x1;
	p0 =	sgt.s32 s3, $0x5  }
0x10: {  	s8 =	simm.s32 @p2 $0x1;
	s4 =	smov.u32 @p1 s10;
	[smem:$0x7A3] =	sst s12  }
0x11: {  	s5 =	smov.u32 @p1 s11;
	s10 =	sadd.s32 $0xF4800, s1;
	[smem:$0x7A4] =	sst s8  }
0x12: {  	p3 =	seq.s32 @p0 s3, $0x6;
	p1 =	seq.s32 @!p0 s3, $0x4;
	s8 =	sadd.s32 $0x6A800, s2  }
0x13: {  	p4 =	por !p3, !p0;
	p5 =	por !p1, p0;
	p2 =	por p3, !p0  }
0x14: {  	p1 =	por p1, p0;
	s16 =	smov.u32 @p4 s18;
	s9 =	simm.s32 @!p2 $0x0  }
0x15: {  	s17 =	smov.u32 @p4 s8;
	s6 =	smov.u32 @p5 s14;
	s8 =	simm.s32 @!p1 $0x0  }
0x16: {  	s7 =	smov.u32 @p5 s15;
	s14 =	sadd.s32 $0x3F000, s2;
	s15 =	sadd.s32 $0x106800, s1  }
0x17: {  	s9 =	simm.s32 @p2 $0x1;
	s8 =	simm.s32 @p1 $0x1;
	s6 =	smov.u32 @p0 s16  }
0x18: {  	s7 =	smov.u32 @p0 s17;
	p0 =	sgt.s32 s3, $0x9;
	[smem:$0x7A5] =	sst s9  }
0x19: {  	[smem:$0x7A6] =	sst s8;
	s9 =	simm.s32 $0x0;
	p1 =	seq.s32 @p0 s3, $0xA  }
0x1a: {  	s8 =	sadd.s32 $0xF6000, s1;
	p2 =	por !p1, !p0;
	p1 =	por p1, !p0  }
0x1b: {  	p3 =	seq.s32 @!p0 s3, $0x8;
	s13 =	smov.u32 @p2 s15;
	s15 =	simm.s32 @!p1 $0x0  }
0x1c: {  	p6 =	por !p3, p0;
	s15 =	simm.s32 @p1 $0x1;
	p1 =	por p3, p0  }
0x1d: {  	[smem:$0x7FF] =	sst s9;
	s10 =	smov.u32 @p6 s8;
	s8 =	simm.s32 @!p1 $0x0  }
0x1e: {  	[smem:$0x7A7] =	sst s15;
	s15 =	simm.s32 @!p2 $0x0;
	s8 =	simm.s32 @p1 $0x1  }
0x1f: {  	s15 =	simm.s32 @p2 $0x1;
	[smem:$0x7A9] =	sst s8;
	s8 =	simm.s32 @!p6 $0x0  }
0x20: {  	s16 =	sadd.s32 $0x40800, s2;
	[smem:$0x7A8] =	sst s15;
	s8 =	simm.s32 @p6 $0x1  }
0x21: {  	s14 =	smov.u32 @p2 s16;
	s16 =	sadd.s32 $0xB5800, s1;
	[smem:$0x7AA] =	sst s8  }
0x22: {  	s17 =	sadd.s32 $0x2E800, s2;
	_ =	strace $0x80000047;
	[dreg:$0x3] =	wrdreg s16  }
0x23: {  	s18 =	sadd.s32 $0x183000, s1;
	[dreg:$0x4] =	wrdreg s17  }
0x24: {  	s19 =	sadd.s32 $0x5E800, s2;
	[dreg:$0x5] =	wrdreg s18  }
0x25: {  	s20 =	sadd.s32 $0xB4000, s1;
	[dreg:$0x6] =	wrdreg s19  }
0x26: {  	s21 =	sadd.s32 $0x2D000, s2;
	[dreg:$0x7] =	wrdreg s20  }
0x27: {  	s22 =	sadd.s32 $0x16F800, s1;
	[dreg:$0x8] =	wrdreg s21  }
0x28: {  	s23 =	sadd.s32 $0x5D000, s2;
	[dreg:$0x9] =	wrdreg s22  }
0x29: {  	s24 =	sadd.s32 $0xA5000, s1;
	s25 =	sadd.s32 $0x2B800, s2;
	[dreg:$0xa] =	wrdreg s23  }
0x2a: {  	s26 =	sadd.s32 $0x16E000, s1;
	s28 =	sadd.s32 $0x5B800, s2;
	[dreg:$0xb] =	wrdreg s24  }
0x2b: {  	s29 =	sadd.s32 $0xA3800, s1;
	s0 =	ssub.s32 $0x2, s0;
	[dreg:$0xc] =	wrdreg s25  }
0x2c: {  	s11 =	sadd.s32 $0x3C000, s2;
	s12 =	sadd.s32 $0x3D800, s2;
	[dreg:$0xd] =	wrdreg s26  }
0x2d: {  	s11 =	smov.u32 @p6 s12;
	s10 =	smov.u32 @p0 s13;
	[dreg:$0xe] =	wrdreg s28  }
0x2e: {  	s11 =	smov.u32 @p0 s14;
	s13 =	sadd.s32 $0x5A000, s2;
	[dreg:$0xf] =	wrdreg s29  }
0x2f: {  	s14 =	sadd.s32 $0xA2000, s1;
	s15 =	sshrl.u32 s0, $0x1;
	[dreg:$0x12] =	wrdreg s13  }
0x30: {  	s0 =	ssub.s32 s0, s15;
	s15 =	sadd.s32 $0x28800, s2;
	[dreg:$0x13] =	wrdreg s14  }
0x31: {  	[dreg:$0x14] =	wrdreg s15;
	s16 =	sadd.s32 $0x15D800, s1  }
0x32: {  	s17 =	sadd.s32 $0x58800, s2;
	[dreg:$0x15] =	wrdreg s16  }
0x33: {  	s18 =	sadd.s32 $0x93000, s1;
	[dreg:$0x16] =	wrdreg s17  }
0x34: {  	s19 =	sadd.s32 $0x27000, s2;
	[dreg:$0x17] =	wrdreg s18  }
0x35: {  	s20 =	sadd.s32 $0x15C000, s1;
	[dreg:$0x18] =	wrdreg s19  }
0x36: {  	s23 =	sadd.s32 $0x57000, s2;
	[dreg:$0x19] =	wrdreg s20  }
0x37: {  	s12 =	sadd.s32 $0x46800, s2;
	s24 =	sadd.s32 $0x91800, s1;
	[dreg:$0x1a] =	wrdreg s23  }
0x38: {  	p2 =	sgt.s32 s3, $0xD;
	s26 =	sadd.s32 $0x25800, s2;
	[dreg:$0x1b] =	wrdreg s24  }
0x39: {  	p0 =	seq.s32 @p2 s3, $0xE;
	s28 =	sadd.s32 $0x15A800, s1;
	[dreg:$0x1c] =	wrdreg s26  }
0x3a: {  	p1 =	por !p0, !p2;
	s29 =	sadd.s32 $0x55800, s2;
	[dreg:$0x1d] =	wrdreg s28  }
0x3b: {  	p0 =	por p0, !p2;
	s13 =	sadd.s32 $0x8E800, s1;
	[dreg:$0x1e] =	wrdreg s29  }
0x3c: {  	s25 =	smax.u32 s0, $0x1;
	s14 =	sadd.s32 $0x22800, s2;
	[smem:$0x7B4] =	sst s13  }
0x3d: {  	s0 =	simm.s32 @!p0 $0x0;
	s15 =	sadd.s32 $0x8D000, s1;
	[smem:$0x7B5] =	sst s14  }
0x3e: {  	s22 =	sadd.s32 $0x45000, s2;
	s0 =	simm.s32 @p0 $0x1;
	[smem:$0x7B6] =	sst s15  }
0x3f: {  	s22 =	smov.u32 @p1 s12;
	s12 =	sadd.s32 $0x16C800, s1;
	[smem:$0x7AC] =	sst s0  }
0x40: {  	s16 =	sadd.s32 $0x21000, s2;
	[dreg:$0x11] =	wrdreg s12  }
0x41: {  	s17 =	sadd.s32 $0x8B800, s1;
	[smem:$0x7B7] =	sst s16  }
0x42: {  	s18 =	sadd.s32 $0x1F800, s2;
	[smem:$0x7B8] =	sst s17  }
0x43: {  	s19 =	sadd.s32 $0x78000, s1;
	[smem:$0x7B9] =	sst s18  }
0x44: {  	s20 =	sadd.s32 $0x1E000, s2;
	[smem:$0x7BA] =	sst s19  }
0x45: {  	s23 =	sadd.s32 $0x76800, s1;
	[smem:$0x7BB] =	sst s20  }
0x46: {  	s24 =	sadd.s32 $0x1C800, s2;
	[smem:$0x7BC] =	sst s23  }
0x47: {  	s26 =	sadd.s32 $0x75000, s1;
	[smem:$0x7BD] =	sst s24  }
0x48: {  	s28 =	sadd.s32 $0x1B000, s2;
	[smem:$0x7BE] =	sst s26  }
0x49: {  	s8 =	sadd.s32 $0x11E800, s1;
	s29 =	sadd.s32 $0x66000, s1;
	[smem:$0x7BF] =	sst s28  }
0x4a: {  	s21 =	sadd.s32 $0x11D000, s1;
	s13 =	sadd.s32 $0x18000, s2;
	[smem:$0x7C0] =	sst s29  }
0x4b: {  	s21 =	smov.u32 @p1 s8;
	s14 =	sadd.s32 $0x63000, s1;
	[smem:$0x7C3] =	sst s13  }
0x4c: {  	s8 =	simm.s32 @!p1 $0x0;
	s15 =	sadd.s32 $0x16800, s2;
	[smem:$0x7C4] =	sst s14  }
0x4d: {  	s8 =	simm.s32 @p1 $0x1;
	[smem:$0x7C5] =	sst s15  }
0x4e: {  	s12 =	sadd.s32 $0x24000, s2;
	[smem:$0x7AB] =	sst s8  }
0x4f: {  	s16 =	sadd.s32 $0x4F800, s1;
	[smem:$0x7B3] =	sst s12  }
0x50: {  	s17 =	sadd.s32 $0x15000, s2;
	[smem:$0x7C6] =	sst s16  }
0x51: {  	s18 =	sadd.s32 $0x4E000, s1;
	[smem:$0x7C7] =	sst s17  }
0x52: {  	s19 =	sadd.s32 $0x13800, s2;
	[smem:$0x7C8] =	sst s18  }
0x53: {  	s20 =	sadd.s32 $0x4C800, s1;
	[smem:$0x7C9] =	sst s19  }
0x54: {  	s23 =	sadd.s32 $0x12000, s2;
	[smem:$0x7CA] =	sst s20  }
0x55: {  	s24 =	sadd.s32 $0x3D800, s1;
	[smem:$0x7CB] =	sst s23  }
0x56: {  	s26 =	sadd.s32 $0x10800, s2;
	[smem:$0x7CC] =	sst s24  }
0x57: {  	s28 =	sadd.s32 $0x3C000, s1;
	[smem:$0x7CD] =	sst s26  }
0x58: {  	s29 =	sadd.s32 $0xF000, s2;
	[smem:$0x7CE] =	sst s28  }
0x59: {  	s13 =	sadd.s32 $0x27000, s1;
	[smem:$0x7CF] =	sst s29  }
0x5a: {  	s14 =	sadd.s32 $0xC000, s2;
	[smem:$0x7D2] =	sst s13  }
0x5b: {  	s15 =	sadd.s32 $0x25800, s1;
	[smem:$0x7D3] =	sst s14  }
0x5c: {  	s8 =	sadd.s32 $0x2A000, s2;
	[smem:$0x7D4] =	sst s15  }
0x5d: {  	s12 =	sadd.s32 $0x64800, s1;
	[dreg:$0x10] =	wrdreg s8  }
0x5e: {  	s16 =	sadd.s32 $0xA800, s2;
	[smem:$0x7C2] =	sst s12  }
0x5f: {  	s17 =	sadd.s32 $0x24000, s1;
	[smem:$0x7D5] =	sst s16  }
0x60: {  	s18 =	sadd.s32 $0x9000, s2;
	[smem:$0x7D6] =	sst s17  }
0x61: {  	s19 =	sadd.s32 $0x15000, s1;
	[smem:$0x7D7] =	sst s18  }
0x62: {  	s20 =	sadd.s32 $0x7800, s2;
	[smem:$0x7D8] =	sst s19  }
0x63: {  	s23 =	sadd.s32 $0x13800, s1;
	[smem:$0x7D9] =	sst s20  }
0x64: {  	s24 =	sadd.s32 $0x6000, s2;
	[smem:$0x7DA] =	sst s23  }
0x65: {  	s26 =	sadd.s32 $0x12000, s1;
	[smem:$0x7DB] =	sst s24  }
0x66: {  	s28 =	sadd.s32 $0x4800, s2;
	[smem:$0x7DC] =	sst s26  }
0x67: {  	s29 =	sadd.s32 $0x3000, s1;
	[smem:$0x7DD] =	sst s28  }
0x68: {  	s13 =	sadd.s32 $0x1800, s2;
	[smem:$0x7DE] =	sst s29  }
0x69: {  	s14 =	sadd.s32 $0xB7000, s1;
	[smem:$0x7E1] =	sst s13  }
0x6a: {  	s15 =	sadd.s32 $0x30000, s2;
	[smem:$0x7E2] =	sst s14  }
0x6b: {  	s8 =	sadd.s32 $0x90000, s1;
	[smem:$0x7E3] =	sst s15  }
0x6c: {  	s12 =	sadd.s32 $0xD800, s2;
	[dreg:$0x1f] =	wrdreg s8  }
0x6d: {  	s16 =	sadd.s32 $0xCA800, s1;
	[smem:$0x7D1] =	sst s12  }
0x6e: {  	s17 =	sadd.s32 $0x31800, s2;
	[smem:$0x7E4] =	sst s16  }
0x6f: {  	s18 =	sadd.s32 $0xCC000, s1;
	[smem:$0x7E5] =	sst s17  }
0x70: {  	s19 =	sadd.s32 $0x33000, s2;
	[smem:$0x7E6] =	sst s18  }
0x71: {  	s20 =	sadd.s32 $0xCD800, s1;
	[smem:$0x7E7] =	sst s19  }
0x72: {  	s23 =	sadd.s32 $0x34800, s2;
	[smem:$0x7E8] =	sst s20  }
0x73: {  	s24 =	sadd.s32 $0xDC800, s1;
	[smem:$0x7E9] =	sst s23  }
0x74: {  	s26 =	sadd.s32 $0x36000, s2;
	[smem:$0x7EA] =	sst s24  }
0x75: {  	s28 =	sadd.s32 $0xDE000, s1;
	[smem:$0x7EB] =	sst s26  }
0x76: {  	s29 =	sadd.s32 $0x37800, s2;
	[smem:$0x7EC] =	sst s28  }
0x77: {  	p1 =	seq.s32 @!p2 s3, $0xC;
	s13 =	sadd.s32 $0xF3000, s1;
	[smem:$0x7ED] =	sst s29  }
0x78: {  	p0 =	por !p1, p2;
	s14 =	sadd.s32 $0x3A800, s2;
	[smem:$0x7F0] =	sst s13  }
0x79: {  	s0 =	simm.s32 @!p0 $0x0;
	s15 =	sadd.s32 $0x108000, s1;
	[smem:$0x7F1] =	sst s14  }
0x7a: {  	s0 =	simm.s32 @p0 $0x1;
	[smem:$0x7F2] =	sst s15  }
0x7b: {  	s8 =	sadd.s32 $0x19800, s2;
	[smem:$0x7AD] =	sst s0  }
0x7c: {  	s12 =	sadd.s32 $0x1800, s1;
	[smem:$0x7C1] =	sst s8  }
0x7d: {  	s16 =	sadd.s32 $0x42000, s2;
	[smem:$0x7E0] =	sst s12  }
0x7e: {  	s17 =	sadd.s32 $0x11B800, s1;
	[smem:$0x7F3] =	sst s16  }
0x7f: {  	s18 =	sadd.s32 $0x43800, s2;
	[smem:$0x7F4] =	sst s17  }
0x80: {  	s19 =	sadd.s32 $0x120000, s1;
	[smem:$0x7F5] =	sst s18  }
0x81: {  	s31 =	sadd.s32 $0x133800, s1;
	s20 =	sadd.s32 $0x48000, s2;
	[smem:$0x7F6] =	sst s19  }
0x82: {  	s30 =	sadd.s32 $0x4B000, s2;
	s23 =	sadd.s32 $0x121800, s1;
	[smem:$0x7F7] =	sst s20  }
0x83: {  	p0 =	por p1, p2;
	s24 =	sadd.s32 $0x49800, s2;
	[smem:$0x7F8] =	sst s23  }
0x84: {  	s26 =	sadd.s32 $0x123000, s1;
	s28 =	sadd.s32 $0x132000, s1;
	[smem:$0x7F9] =	sst s24  }
0x85: {  	s29 =	sadd.s32 $0x4C800, s2;
	s14 =	sadd.s32 $0x51000, s2;
	[smem:$0x7FA] =	sst s26  }
0x86: {  	s0 =	simm.s32 @!p2 $0x0;
	s8 =	sadd.s32 $0x3A800, s1;
	[smem:$0x7FB] =	sst s28  }
0x87: {  	s12 =	sadd.s32 $0x39000, s2;
	[smem:$0x7FC] =	sst s29;
	s26 =	sadd.s32 $0x4E000, s2  }
0x88: {  	s18 =	sadd.s32 $0x145800, s1;
	s19 =	sadd.s32 $0x52800, s2;
	s16 =	sadd.s32 $0x147000, s1  }
0x89: {  	s24 =	sadd.s32 $0x54000, s2;
	s17 =	simm.s32 $0x1;
	[smem:$0x7D0] =	sst s8  }
0x8a: {  	s0 =	simm.s32 @p2 $0x1;
	p2 =	sgt.s32 s3, $0xF;
	[smem:$0x7EF] =	sst s12  }
0x8b: {  	s8 =	sadd.s32 $0x3000, s2;
	[smem:$0x7AE] =	sst s0;
	s0 =	simm.s32 @!p0 $0x0  }
0x8c: {  	[smem:$0x7DF] =	sst s8;
	s0 =	simm.s32 @p0 $0x1;
	p0 =	sgt.s32 s3, $0x7  }
0x8d: {  	s8 =	sadd.s32 $0xDF800, s1;
	[smem:$0x7AF] =	sst s0;
	s0 =	simm.s32 @!p0 $0x0  }
0x8e: {  	s13 =	simm.s32 @!p2 $0x0;
	s0 =	simm.s32 @p0 $0x1;
	p0 =	sgt.s32 s3, $0x3  }
.Ltmp0:
0x8f: {  	[smem:$0x7B0] =	sst s0;
	s0 =	simm.s32 @!p0 $0x0;
	(pc) =	sbr.rel .LBB2_1-.Ltmp0, $4  }
0x90: {  	[smem:$0x7EE] =	sst s8;
	s0 =	simm.s32 @p0 $0x1;
	p0 =	sgt.s32 s3, $0xB  }
0x91: {  	s13 =	simm.s32 @p2 $0x1;
	[smem:$0x7B1] =	sst s0;
	s0 =	simm.s32 @!p0 $0x0  }
0x92: {  	s12 =	sadd.s32 $0x144000, s1;
	[smem:$0x7FD] =	sst s13;
	s0 =	simm.s32 @p0 $0x1  }
0x93: {  	s8 =	sadd.s32 $0x135000, s1;
	[smem:$0x7B2] =	sst s0;
	s0 =	sadd.s32 $0x4F800, s2  }
.LBB2_4:
0x94: {  	s13 =	sld [smem:$0x7A2];
	_ =	sdelay $0x2  }
0x95: {  	p0 =	seq.s32 s13, $0x1;
	s13 =	sld [smem:$0x7DE];
	_ =	sdelay $0x1  }
0x96: {  	s20 =	simm.s32 @!p0 $0x0;
	s23 =	simm.s32 @!p0 $0x1  }
0x97: {  	[tilespmem:s20], [sflag:$0x1] =	stream.linear.gather @!p0 [hbm4b:s13+s20], $0xC000, $0x38;
	[tilespmem:$0xC000] =	vst v63  }
0x98: {  	_ =	swait.ge @!p0 [sflag:s23], $0xC000  }
0x99: {  	s13 =	sld [smem:$0x7DF]  }
0x9a: {  	[sflag:s23] =	ssyncset.done @!p0 $0x0  }
0x9b: {  	[sflag:s23] =	ssyncadd.s32 @!p0 $0xFFFF4000  }
0x9c: {  	[hbm4b:s13+s20] =	stream.linear.scatter @!p0 [tilespmem:s20], [sflag:$0x1], $0xC000, $0x38;
	[tilespmem:$0xC000] =	vst v63  }
0x9d: {  	_ =	swait.ge @!p0 [sflag:s23], $0xC000  }
0x9e: {  	s13 =	sld [smem:$0x7E6]  }
0x9f: {  	[sflag:s23] =	ssyncset.done @!p0 $0x0  }
0xa0: {  	[sflag:s23] =	ssyncadd.s32 @!p0 $0xFFFF4000  }
0xa1: {  	[tilespmem:s20], [sflag:$0x1] =	stream.linear.gather @!p0 [hbm4b:s13+s20], $0xC000, $0x38;
	[tilespmem:$0xC000] =	vst v63  }
0xa2: {  	_ =	swait.ge @!p0 [sflag:s23], $0xC000  }
0xa3: {  	s13 =	sld [smem:$0x7E7]  }
0xa4: {  	[sflag:s23] =	ssyncset.done @!p0 $0x0  }
0xa5: {  	[sflag:s23] =	ssyncadd.s32 @!p0 $0xFFFF4000  }
0xa6: {  	[hbm4b:s13+s20] =	stream.linear.scatter @!p0 [tilespmem:s20], [sflag:$0x1], $0xC000, $0x38;
	[tilespmem:$0xC000] =	vst v63  }
0xa7: {  	_ =	swait.ge @!p0 [sflag:s23], $0xC000  }
0xa8: {  	[sflag:s23] =	ssyncset.done @!p0 $0x0  }
0xa9: {  	[sflag:s23] =	ssyncadd.s32 @!p0 $0xFFFF4000;
	s23 =	sld [smem:$0x7A1];
	_ =	sdelay $0x1  }
0xaa: {  	s13 =	sld [smem:$0x7DC]  }
0xab: {  	p0 =	seq.s32 s23, $0x1  }
0xac: {  	s20 =	simm.s32 @!p0 $0x0;
	s23 =	simm.s32 @!p0 $0x1  }
0xad: {  	[tilespmem:s20], [sflag:$0x1] =	stream.linear.gather @!p0 [hbm4b:s13+s20], $0xC000, $0x38;
	[tilespmem:$0xC000] =	vst v63  }
0xae: {  	_ =	swait.ge @!p0 [sflag:s23], $0xC000  }
0xaf: {  	s13 =	sld [smem:$0x7DD]  }
0xb0: {  	[sflag:s23] =	ssyncset.done @!p0 $0x0  }
0xb1: {  	[sflag:s23] =	ssyncadd.s32 @!p0 $0xFFFF4000  }
0xb2: {  	[hbm4b:s13+s20] =	stream.linear.scatter @!p0 [tilespmem:s20], [sflag:$0x1], $0xC000, $0x38;
	[tilespmem:$0xC000] =	vst v63  }
0xb3: {  	_ =	swait.ge @!p0 [sflag:s23], $0xC000  }
0xb4: {  	s13 =	sld [smem:$0x7E8]  }
0xb5: {  	[sflag:s23] =	ssyncset.done @!p0 $0x0  }
0xb6: {  	[sflag:s23] =	ssyncadd.s32 @!p0 $0xFFFF4000  }
0xb7: {  	[tilespmem:s20], [sflag:$0x1] =	stream.linear.gather @!p0 [hbm4b:s13+s20], $0xC000, $0x38;
	[tilespmem:$0xC000] =	vst v63  }
0xb8: {  	_ =	swait.ge @!p0 [sflag:s23], $0xC000  }
0xb9: {  	s13 =	sld [smem:$0x7E9]  }
0xba: {  	[sflag:s23] =	ssyncset.done @!p0 $0x0  }
0xbb: {  	[sflag:s23] =	ssyncadd.s32 @!p0 $0xFFFF4000  }
0xbc: {  	[hbm4b:s13+s20] =	stream.linear.scatter @!p0 [tilespmem:s20], [sflag:$0x1], $0xC000, $0x38;
	[tilespmem:$0xC000] =	vst v63  }
0xbd: {  	_ =	swait.ge @!p0 [sflag:s23], $0xC000  }
0xbe: {  	s28 =	sld [smem:$0x7A4];
	_ =	sdelay $0x1  }
0xbf: {  	[sflag:s23] =	ssyncset.done @!p0 $0x0  }
0xc0: {  	[sflag:s23] =	ssyncadd.s32 @!p0 $0xFFFF4000;
	p0 =	seq.s32 s28, $0x1  }
0xc1: {  	s20 =	simm.s32 @!p0 $0x0;
	s23 =	simm.s32 @!p0 $0x1  }
0xc2: {  	[tilespmem:s20], [sflag:$0x1] =	stream.linear.gather @!p0 [hbm4b:s1+s20], $0xC000, $0x38;
	[tilespmem:$0xC000] =	vst v63  }
0xc3: {  	_ =	swait.ge @!p0 [sflag:s23], $0xC000  }
0xc4: {  	[sflag:s23] =	ssyncset.done @!p0 $0x0  }
0xc5: {  	[sflag:s23] =	ssyncadd.s32 @!p0 $0xFFFF4000  }
0xc6: {  	[hbm4b:s2+s20] =	stream.linear.scatter @!p0 [tilespmem:s20], [sflag:$0x1], $0xC000, $0x38;
	[tilespmem:$0xC000] =	vst v63  }
0xc7: {  	_ =	swait.ge @!p0 [sflag:s23], $0xC000  }
0xc8: {  	s13 =	sld [smem:$0x7E2]  }
0xc9: {  	[sflag:s23] =	ssyncset.done @!p0 $0x0  }
0xca: {  	[sflag:s23] =	ssyncadd.s32 @!p0 $0xFFFF4000  }
0xcb: {  	[tilespmem:s20], [sflag:$0x1] =	stream.linear.gather @!p0 [hbm4b:s13+s20], $0xC000, $0x38;
	[tilespmem:$0xC000] =	vst v63  }
0xcc: {  	_ =	swait.ge @!p0 [sflag:s23], $0xC000  }
0xcd: {  	s13 =	sld [smem:$0x7E3]  }
0xce: {  	[sflag:s23] =	ssyncset.done @!p0 $0x0  }
0xcf: {  	[sflag:s23] =	ssyncadd.s32 @!p0 $0xFFFF4000  }
0xd0: {  	[hbm4b:s13+s20] =	stream.linear.scatter @!p0 [tilespmem:s20], [sflag:$0x1], $0xC000, $0x38;
	[tilespmem:$0xC000] =	vst v63  }
0xd1: {  	_ =	swait.ge @!p0 [sflag:s23], $0xC000  }
0xd2: {  	s29 =	sld [smem:$0x7A3];
	_ =	sdelay $0x1  }
0xd3: {  	[sflag:s23] =	ssyncset.done @!p0 $0x0;
	s13 =	sld [smem:$0x7E0]  }
0xd4: {  	[sflag:s23] =	ssyncadd.s32 @!p0 $0xFFFF4000;
	p0 =	seq.s32 s29, $0x1  }
0xd5: {  	s20 =	simm.s32 @!p0 $0x0;
	s23 =	simm.s32 @!p0 $0x1  }
0xd6: {  	[tilespmem:s20], [sflag:$0x1] =	stream.linear.gather @!p0 [hbm4b:s13+s20], $0xC000, $0x38;
	[tilespmem:$0xC000] =	vst v63  }
0xd7: {  	_ =	swait.ge @!p0 [sflag:s23], $0xC000  }
0xd8: {  	s13 =	sld [smem:$0x7E1]  }
0xd9: {  	[sflag:s23] =	ssyncset.done @!p0 $0x0  }
0xda: {  	[sflag:s23] =	ssyncadd.s32 @!p0 $0xFFFF4000  }
0xdb: {  	[hbm4b:s13+s20] =	stream.linear.scatter @!p0 [tilespmem:s20], [sflag:$0x1], $0xC000, $0x38;
	[tilespmem:$0xC000] =	vst v63  }
0xdc: {  	_ =	swait.ge @!p0 [sflag:s23], $0xC000  }
0xdd: {  	s13 =	sld [smem:$0x7E4]  }
0xde: {  	[sflag:s23] =	ssyncset.done @!p0 $0x0  }
0xdf: {  	[sflag:s23] =	ssyncadd.s32 @!p0 $0xFFFF4000  }
0xe0: {  	[tilespmem:s20], [sflag:$0x1] =	stream.linear.gather @!p0 [hbm4b:s13+s20], $0xC000, $0x38;
	[tilespmem:$0xC000] =	vst v63  }
0xe1: {  	_ =	swait.ge @!p0 [sflag:s23], $0xC000  }
0xe2: {  	s13 =	sld [smem:$0x7E5]  }
0xe3: {  	[sflag:s23] =	ssyncset.done @!p0 $0x0  }
0xe4: {  	[sflag:s23] =	ssyncadd.s32 @!p0 $0xFFFF4000  }
0xe5: {  	[hbm4b:s13+s20] =	stream.linear.scatter @!p0 [tilespmem:s20], [sflag:$0x1], $0xC000, $0x38;
	[tilespmem:$0xC000] =	vst v63  }
0xe6: {  	_ =	swait.ge @!p0 [sflag:s23], $0xC000  }
0xe7: {  	[sflag:s23] =	ssyncset.done @!p0 $0x0  }
0xe8: {  	s20 =	smov.u32 s4;
	[sflag:s23] =	ssyncadd.s32 @!p0 $0xFFFF4000;
	s23 =	smov.u32 s5  }
.LBB2_18:
0xe9: {  	[tilespmem:s9], [sflag:$0x1] =	stream.linear.gather [hbm4b:s20+s9], $0xC000, $0x38;
	[tilespmem:$0xC000] =	vst v63  }
0xea: {  	s25 =	sadd.s32 $0xFFFFFFFF, s25;
	_ =	swait.ge [sflag:s17], $0xC000  }
0xeb: {  	p0 =	sne.s32 s25, $0x0;
	[sflag:s17] =	ssyncset.done $0x0  }
.Ltmp1:
0xec: {  	[sflag:s17] =	ssyncadd.s32 $0xFFFF4000;
	(pc) =	sbr.rel @!p0 .LBB2_19-.Ltmp1, $4  }
0xed: {  	[hbm4b:s23+s9] =	stream.linear.scatter [tilespmem:s9], [sflag:$0x1], $0xC000, $0x38;
	[tilespmem:$0xC000] =	vst v63  }
0xee: {  	_ =	swait.ge [sflag:s17], $0xC000  }
0xef: {  	[sflag:s17] =	ssyncset.done $0x0  }
0xf0: {  	[sflag:s17] =	ssyncadd.s32 $0xFFFF4000  }
.LBB2_1:
.Ltmp2:
0xf1: {  	(pc) =	sbr.rel @p2 .LBB2_9-.Ltmp2, $1  }
0xf2: {  	_ =	sdelay $0x3  }
0xf3: {  	s13 =	sld [smem:$0x7B0];
	_ =	sdelay $0x2  }
0xf4: {  	p0 =	seq.s32 s13, $0x1  }
.Ltmp3:
0xf5: {  	_ = 	snop;
	(pc) =	sbr.rel @p0 .LBB2_6-.Ltmp3, $1  }
0xf6: {  	_ =	sdelay $0x3  }
0xf7: {  	s13 =	sld [smem:$0x7B1];
	_ =	sdelay $0x2  }
0xf8: {  	p0 =	seq.s32 s13, $0x1  }
.Ltmp4:
0xf9: {  	_ = 	snop;
	(pc) =	sbr.rel @!p0 .LBB2_4-.Ltmp4, $1  }
0xfa: {  	_ =	sdelay $0x3  }
0xfb: {  	s13 =	sld [smem:$0x7D6];
	_ =	sdelay $0x1  }
0xfc: {  	s20 =	simm.s32 @!p4 $0x0;
	s23 =	simm.s32 @!p4 $0x1  }
0xfd: {  	[tilespmem:s20], [sflag:$0x1] =	stream.linear.gather @!p4 [hbm4b:s13+s20], $0xC000, $0x38;
	[tilespmem:$0xC000] =	vst v63  }
0xfe: {  	_ =	swait.ge @!p4 [sflag:s23], $0xC000  }
0xff: {  	s13 =	sld [smem:$0x7D7]  }
0x100: {  	[sflag:s23] =	ssyncset.done @!p4 $0x0  }
0x101: {  	[sflag:s23] =	ssyncadd.s32 @!p4 $0xFFFF4000  }
0x102: {  	[hbm4b:s13+s20] =	stream.linear.scatter @!p4 [tilespmem:s20], [sflag:$0x1], $0xC000, $0x38;
	[tilespmem:$0xC000] =	vst v63  }
0x103: {  	_ =	swait.ge @!p4 [sflag:s23], $0xC000  }
0x104: {  	s13 =	sld [smem:$0x7EE]  }
0x105: {  	[sflag:s23] =	ssyncset.done @!p4 $0x0  }
0x106: {  	[sflag:s23] =	ssyncadd.s32 @!p4 $0xFFFF4000  }
0x107: {  	[tilespmem:s20], [sflag:$0x1] =	stream.linear.gather @!p4 [hbm4b:s13+s20], $0xC000, $0x38;
	[tilespmem:$0xC000] =	vst v63  }
0x108: {  	_ =	swait.ge @!p4 [sflag:s23], $0xC000  }
0x109: {  	s13 =	sld [smem:$0x7EF]  }
0x10a: {  	[sflag:s23] =	ssyncset.done @!p4 $0x0  }
0x10b: {  	[sflag:s23] =	ssyncadd.s32 @!p4 $0xFFFF4000  }
0x10c: {  	[hbm4b:s13+s20] =	stream.linear.scatter @!p4 [tilespmem:s20], [sflag:$0x1], $0xC000, $0x38;
	[tilespmem:$0xC000] =	vst v63  }
0x10d: {  	_ =	swait.ge @!p4 [sflag:s23], $0xC000  }
0x10e: {  	s28 =	sld [smem:$0x7A5];
	_ =	sdelay $0x1  }
0x10f: {  	s13 =	sld [smem:$0x7D4]  }
0x110: {  	[sflag:s23] =	ssyncset.done @!p4 $0x0;
	p0 =	seq.s32 s28, $0x1  }
0x111: {  	[sflag:s23] =	ssyncadd.s32 @!p4 $0xFFFF4000;
	s20 =	simm.s32 @!p0 $0x0;
	s23 =	simm.s32 @!p0 $0x1  }
0x112: {  	[tilespmem:s20], [sflag:$0x1] =	stream.linear.gather @!p0 [hbm4b:s13+s20], $0xC000, $0x38;
	[tilespmem:$0xC000] =	vst v63  }
0x113: {  	_ =	swait.ge @!p0 [sflag:s23], $0xC000  }
0x114: {  	s13 =	sld [smem:$0x7D5]  }
0x115: {  	[sflag:s23] =	ssyncset.done @!p0 $0x0  }
0x116: {  	[sflag:s23] =	ssyncadd.s32 @!p0 $0xFFFF4000  }
0x117: {  	[hbm4b:s13+s20] =	stream.linear.scatter @!p0 [tilespmem:s20], [sflag:$0x1], $0xC000, $0x38;
	[tilespmem:$0xC000] =	vst v63  }
0x118: {  	_ =	swait.ge @!p0 [sflag:s23], $0xC000  }
0x119: {  	s13 =	sld [smem:$0x7F0]  }
0x11a: {  	[sflag:s23] =	ssyncset.done @!p0 $0x0  }
0x11b: {  	[sflag:s23] =	ssyncadd.s32 @!p0 $0xFFFF4000  }
0x11c: {  	[tilespmem:s20], [sflag:$0x1] =	stream.linear.gather @!p0 [hbm4b:s13+s20], $0xC000, $0x38;
	[tilespmem:$0xC000] =	vst v63  }
0x11d: {  	_ =	swait.ge @!p0 [sflag:s23], $0xC000  }
0x11e: {  	s13 =	sld [smem:$0x7F1]  }
0x11f: {  	[sflag:s23] =	ssyncset.done @!p0 $0x0  }
0x120: {  	[sflag:s23] =	ssyncadd.s32 @!p0 $0xFFFF4000  }
0x121: {  	[hbm4b:s13+s20] =	stream.linear.scatter @!p0 [tilespmem:s20], [sflag:$0x1], $0xC000, $0x38;
	[tilespmem:$0xC000] =	vst v63  }
0x122: {  	_ =	swait.ge @!p0 [sflag:s23], $0xC000  }
0x123: {  	s13 =	sld [smem:$0x7DA]  }
0x124: {  	[sflag:s23] =	ssyncset.done @!p0 $0x0  }
0x125: {  	s20 =	simm.s32 @!p5 $0x0;
	[sflag:s23] =	ssyncadd.s32 @!p0 $0xFFFF4000;
	s23 =	simm.s32 @!p5 $0x1  }
0x126: {  	[tilespmem:s20], [sflag:$0x1] =	stream.linear.gather @!p5 [hbm4b:s13+s20], $0xC000, $0x38;
	[tilespmem:$0xC000] =	vst v63  }
0x127: {  	_ =	swait.ge @!p5 [sflag:s23], $0xC000  }
0x128: {  	s13 =	sld [smem:$0x7DB]  }
0x129: {  	[sflag:s23] =	ssyncset.done @!p5 $0x0  }
0x12a: {  	[sflag:s23] =	ssyncadd.s32 @!p5 $0xFFFF4000  }
0x12b: {  	[hbm4b:s13+s20] =	stream.linear.scatter @!p5 [tilespmem:s20], [sflag:$0x1], $0xC000, $0x38;
	[tilespmem:$0xC000] =	vst v63  }
0x12c: {  	_ =	swait.ge @!p5 [sflag:s23], $0xC000  }
0x12d: {  	s13 =	sld [smem:$0x7EA]  }
0x12e: {  	[sflag:s23] =	ssyncset.done @!p5 $0x0  }
0x12f: {  	[sflag:s23] =	ssyncadd.s32 @!p5 $0xFFFF4000  }
0x130: {  	[tilespmem:s20], [sflag:$0x1] =	stream.linear.gather @!p5 [hbm4b:s13+s20], $0xC000, $0x38;
	[tilespmem:$0xC000] =	vst v63  }
0x131: {  	_ =	swait.ge @!p5 [sflag:s23], $0xC000  }
0x132: {  	s13 =	sld [smem:$0x7EB]  }
0x133: {  	[sflag:s23] =	ssyncset.done @!p5 $0x0  }
0x134: {  	[sflag:s23] =	ssyncadd.s32 @!p5 $0xFFFF4000  }
0x135: {  	[hbm4b:s13+s20] =	stream.linear.scatter @!p5 [tilespmem:s20], [sflag:$0x1], $0xC000, $0x38;
	[tilespmem:$0xC000] =	vst v63  }
0x136: {  	_ =	swait.ge @!p5 [sflag:s23], $0xC000  }
0x137: {  	s29 =	sld [smem:$0x7A6];
	_ =	sdelay $0x1  }
0x138: {  	s13 =	sld [smem:$0x7D8]  }
0x139: {  	[sflag:s23] =	ssyncset.done @!p5 $0x0;
	p0 =	seq.s32 s29, $0x1  }
0x13a: {  	[sflag:s23] =	ssyncadd.s32 @!p5 $0xFFFF4000;
	s20 =	simm.s32 @!p0 $0x0;
	s23 =	simm.s32 @!p0 $0x1  }
0x13b: {  	[tilespmem:s20], [sflag:$0x1] =	stream.linear.gather @!p0 [hbm4b:s13+s20], $0xC000, $0x38;
	[tilespmem:$0xC000] =	vst v63  }
0x13c: {  	_ =	swait.ge @!p0 [sflag:s23], $0xC000  }
0x13d: {  	s13 =	sld [smem:$0x7D9]  }
0x13e: {  	[sflag:s23] =	ssyncset.done @!p0 $0x0  }
0x13f: {  	[sflag:s23] =	ssyncadd.s32 @!p0 $0xFFFF4000  }
0x140: {  	[hbm4b:s13+s20] =	stream.linear.scatter @!p0 [tilespmem:s20], [sflag:$0x1], $0xC000, $0x38;
	[tilespmem:$0xC000] =	vst v63  }
0x141: {  	_ =	swait.ge @!p0 [sflag:s23], $0xC000  }
0x142: {  	s13 =	sld [smem:$0x7EC]  }
0x143: {  	[sflag:s23] =	ssyncset.done @!p0 $0x0  }
0x144: {  	[sflag:s23] =	ssyncadd.s32 @!p0 $0xFFFF4000  }
0x145: {  	[tilespmem:s20], [sflag:$0x1] =	stream.linear.gather @!p0 [hbm4b:s13+s20], $0xC000, $0x38;
	[tilespmem:$0xC000] =	vst v63  }
0x146: {  	_ =	swait.ge @!p0 [sflag:s23], $0xC000  }
0x147: {  	s13 =	sld [smem:$0x7ED]  }
0x148: {  	[sflag:s23] =	ssyncset.done @!p0 $0x0  }
.Ltmp5:
0x149: {  	[sflag:s23] =	ssyncadd.s32 @!p0 $0xFFFF4000;
	(pc) =	sbr.rel .LBB2_18-.Ltmp5, $4  }
0x14a: {  	[hbm4b:s13+s20] =	stream.linear.scatter @!p0 [tilespmem:s20], [sflag:$0x1], $0xC000, $0x38;
	[tilespmem:$0xC000] =	vst v63  }
0x14b: {  	_ =	swait.ge @!p0 [sflag:s23], $0xC000  }
0x14c: {  	[sflag:s23] =	ssyncset.done @!p0 $0x0  }
0x14d: {  	s20 =	smov.u32 s6;
	[sflag:s23] =	ssyncadd.s32 @!p0 $0xFFFF4000;
	s23 =	smov.u32 s7  }
.LBB2_9:
0x14e: {  	p0 =	sgt.s32 s3, $0x17  }
.Ltmp6:
0x14f: {  	_ = 	snop;
	(pc) =	sbr.rel @p0 .LBB2_13-.Ltmp6, $1  }
0x150: {  	_ =	sdelay $0x3  }
0x151: {  	p0 =	sgt.s32 s3, $0x13  }
.Ltmp7:
0x152: {  	_ = 	snop;
	(pc) =	sbr.rel @p0 .LBB2_12-.Ltmp7, $1  }
0x153: {  	_ =	sdelay $0x3  }
0x154: {  	p3 =	sgt.s32 s3, $0x11  }
0x155: {  	s13 =	sld [smem:$0x7BE];
	p0 =	seq.s32 @p3 s3, $0x12  }
0x156: {  	p6 =	por !p0, !p3  }
0x157: {  	s20 =	simm.s32 @!p6 $0x0;
	s23 =	simm.s32 @!p6 $0x1  }
0x158: {  	[tilespmem:s20], [sflag:$0x1] =	stream.linear.gather @!p6 [hbm4b:s13+s20], $0xC000, $0x38;
	[tilespmem:$0xC000] =	vst v63  }
0x159: {  	_ =	swait.ge @!p6 [sflag:s23], $0xC000  }
0x15a: {  	s13 =	sld [smem:$0x7BF]  }
0x15b: {  	[sflag:s23] =	ssyncset.done @!p6 $0x0  }
0x15c: {  	[sflag:s23] =	ssyncadd.s32 @!p6 $0xFFFF4000  }
0x15d: {  	[hbm4b:s13+s20] =	stream.linear.scatter @!p6 [tilespmem:s20], [sflag:$0x1], $0xC000, $0x38;
	[tilespmem:$0xC000] =	vst v63  }
0x15e: {  	_ =	swait.ge @!p6 [sflag:s23], $0xC000  }
0x15f: {  	s13 =	sld [smem:$0x7BC]  }
0x160: {  	p1 =	por p0, !p3;
	[sflag:s23] =	ssyncset.done @!p6 $0x0  }
0x161: {  	s20 =	simm.s32 @!p1 $0x0;
	[sflag:s23] =	ssyncadd.s32 @!p6 $0xFFFF4000;
	s23 =	simm.s32 @!p1 $0x1  }
0x162: {  	[tilespmem:s20], [sflag:$0x1] =	stream.linear.gather @!p1 [hbm4b:s13+s20], $0xC000, $0x38;
	[tilespmem:$0xC000] =	vst v63  }
0x163: {  	_ =	swait.ge @!p1 [sflag:s23], $0xC000  }
0x164: {  	s13 =	sld [smem:$0x7BD]  }
0x165: {  	[sflag:s23] =	ssyncset.done @!p1 $0x0  }
0x166: {  	[sflag:s23] =	ssyncadd.s32 @!p1 $0xFFFF4000  }
0x167: {  	[hbm4b:s13+s20] =	stream.linear.scatter @!p1 [tilespmem:s20], [sflag:$0x1], $0xC000, $0x38;
	[tilespmem:$0xC000] =	vst v63  }
0x168: {  	_ =	swait.ge @!p1 [sflag:s23], $0xC000  }
0x169: {  	p2 =	seq.s32 @!p3 s3, $0x10;
	s13 =	sld [smem:$0x7C2]  }
0x16a: {  	p0 =	por !p2, p3;
	[sflag:s23] =	ssyncset.done @!p1 $0x0  }
0x16b: {  	s20 =	simm.s32 @!p0 $0x0;
	[sflag:s23] =	ssyncadd.s32 @!p1 $0xFFFF4000;
	s23 =	simm.s32 @!p0 $0x1  }
0x16c: {  	[tilespmem:s20], [sflag:$0x1] =	stream.linear.gather @!p0 [hbm4b:s13+s20], $0xC000, $0x38;
	[tilespmem:$0xC000] =	vst v63  }
0x16d: {  	_ =	swait.ge @!p0 [sflag:s23], $0xC000  }
0x16e: {  	s13 =	sld [smem:$0x7C3]  }
0x16f: {  	[sflag:s23] =	ssyncset.done @!p0 $0x0  }
0x170: {  	[sflag:s23] =	ssyncadd.s32 @!p0 $0xFFFF4000  }
0x171: {  	[hbm4b:s13+s20] =	stream.linear.scatter @!p0 [tilespmem:s20], [sflag:$0x1], $0xC000, $0x38;
	[tilespmem:$0xC000] =	vst v63  }
0x172: {  	_ =	swait.ge @!p0 [sflag:s23], $0xC000  }
0x173: {  	s13 =	sld [smem:$0x7C0]  }
0x174: {  	p1 =	por p2, p3;
	[sflag:s23] =	ssyncset.done @!p0 $0x0  }
0x175: {  	s29 =	simm.s32 @!p1 $0x1;
	s20 =	simm.s32 @!p1 $0x0;
	[sflag:s23] =	ssyncadd.s32 @!p0 $0xFFFF4000  }
0x176: {  	[tilespmem:s20], [sflag:$0x1] =	stream.linear.gather @!p1 [hbm4b:s13+s20], $0xC000, $0x38;
	[tilespmem:$0xC000] =	vst v63  }
0x177: {  	_ =	swait.ge @!p1 [sflag:s29], $0xC000  }
0x178: {  	s13 =	sld [smem:$0x7C1]  }
0x179: {  	[sflag:s29] =	ssyncset.done @!p1 $0x0  }
0x17a: {  	s28 =	sld [smem:$0x7FA];
	[sflag:s29] =	ssyncadd.s32 @!p1 $0xFFFF4000  }
0x17b: {  	[hbm4b:s13+s20] =	stream.linear.scatter @!p1 [tilespmem:s20], [sflag:$0x1], $0xC000, $0x38;
	[tilespmem:$0xC000] =	vst v63  }
0x17c: {  	s13 =	sld [smem:$0x7FB];
	_ =	sdelay $0x2  }
0x17d: {  	s28 =	smov.u32 @p6 s13;
	s13 =	sld [smem:$0x7FC]  }
0x17e: {  	_ =	swait.ge @!p1 [sflag:s29], $0xC000  }
0x17f: {  	s15 =	smov.u32 s30;
	s20 =	sld [smem:$0x7F6]  }
0x180: {  	s15 =	smov.u32 @p6 s13;
	s13 =	sld [smem:$0x7F8];
	_ =	sdelay $0x1  }
0x181: {  	s23 =	sld [smem:$0x7F7];
	[sflag:s29] =	ssyncset.done @!p1 $0x0  }
.Ltmp8:
0x182: {  	s20 =	smov.u32 @p0 s13;
	s13 =	sld [smem:$0x7F9];
	(pc) =	sbr.rel .LBB2_18-.Ltmp8, $3  }
0x183: {  	[sflag:s29] =	ssyncadd.s32 @!p1 $0xFFFF4000;
	s29 =	sld [smem:$0x7FD];
	_ =	sdelay $0x1  }
0x184: {  	s23 =	smov.u32 @p0 s13  }
0x185: {  	p2 =	seq.s32 s29, $0x1;
	s20 =	smov.u32 @p3 s28;
	s23 =	smov.u32 @p3 s15  }
.LBB2_6:
0x186: {  	s13 =	sld [smem:$0x7B2];
	_ =	sdelay $0x2  }
0x187: {  	p0 =	seq.s32 s13, $0x1  }
.Ltmp9:
0x188: {  	_ = 	snop;
	(pc) =	sbr.rel @p0 .LBB2_8-.Ltmp9, $1  }
0x189: {  	_ =	sdelay $0x3  }
0x18a: {  	s13 =	sld [smem:$0x7A8];
	_ =	sdelay $0x2  }
0x18b: {  	p0 =	seq.s32 s13, $0x1;
	s13 =	sld [smem:$0x7CE];
	_ =	sdelay $0x1  }
0x18c: {  	s20 =	simm.s32 @!p0 $0x0;
	s23 =	simm.s32 @!p0 $0x1  }
0x18d: {  	[tilespmem:s20], [sflag:$0x1] =	stream.linear.gather @!p0 [hbm4b:s13+s20], $0xC000, $0x38;
	[tilespmem:$0xC000] =	vst v63  }
0x18e: {  	_ =	swait.ge @!p0 [sflag:s23], $0xC000  }
0x18f: {  	s13 =	sld [smem:$0x7CF]  }
0x190: {  	[sflag:s23] =	ssyncset.done @!p0 $0x0  }
0x191: {  	[sflag:s23] =	ssyncadd.s32 @!p0 $0xFFFF4000  }
0x192: {  	[hbm4b:s13+s20] =	stream.linear.scatter @!p0 [tilespmem:s20], [sflag:$0x1], $0xC000, $0x38;
	[tilespmem:$0xC000] =	vst v63  }
0x193: {  	_ =	swait.ge @!p0 [sflag:s23], $0xC000  }
0x194: {  	[sflag:s23] =	ssyncset.done @!p0 $0x0  }
0x195: {  	[sflag:s23] =	ssyncadd.s32 @!p0 $0xFFFF4000;
	s23 =	sld [smem:$0x7A7];
	_ =	sdelay $0x1  }
0x196: {  	s13 =	sld [smem:$0x7CC]  }
0x197: {  	p0 =	seq.s32 s23, $0x1  }
0x198: {  	s20 =	simm.s32 @!p0 $0x0;
	s23 =	simm.s32 @!p0 $0x1  }
0x199: {  	[tilespmem:s20], [sflag:$0x1] =	stream.linear.gather @!p0 [hbm4b:s13+s20], $0xC000, $0x38;
	[tilespmem:$0xC000] =	vst v63  }
0x19a: {  	_ =	swait.ge @!p0 [sflag:s23], $0xC000  }
0x19b: {  	s13 =	sld [smem:$0x7CD]  }
0x19c: {  	[sflag:s23] =	ssyncset.done @!p0 $0x0  }
0x19d: {  	[sflag:s23] =	ssyncadd.s32 @!p0 $0xFFFF4000  }
0x19e: {  	[hbm4b:s13+s20] =	stream.linear.scatter @!p0 [tilespmem:s20], [sflag:$0x1], $0xC000, $0x38;
	[tilespmem:$0xC000] =	vst v63  }
0x19f: {  	_ =	swait.ge @!p0 [sflag:s23], $0xC000  }
0x1a0: {  	s28 =	sld [smem:$0x7AA];
	_ =	sdelay $0x1  }
0x1a1: {  	[sflag:s23] =	ssyncset.done @!p0 $0x0;
	s13 =	sld [smem:$0x7D2]  }
0x1a2: {  	[sflag:s23] =	ssyncadd.s32 @!p0 $0xFFFF4000;
	p0 =	seq.s32 s28, $0x1  }
0x1a3: {  	s20 =	simm.s32 @!p0 $0x0;
	s23 =	simm.s32 @!p0 $0x1  }
0x1a4: {  	[tilespmem:s20], [sflag:$0x1] =	stream.linear.gather @!p0 [hbm4b:s13+s20], $0xC000, $0x38;
	[tilespmem:$0xC000] =	vst v63  }
0x1a5: {  	_ =	swait.ge @!p0 [sflag:s23], $0xC000  }
0x1a6: {  	s13 =	sld [smem:$0x7D3]  }
0x1a7: {  	[sflag:s23] =	ssyncset.done @!p0 $0x0  }
0x1a8: {  	[sflag:s23] =	ssyncadd.s32 @!p0 $0xFFFF4000  }
0x1a9: {  	[hbm4b:s13+s20] =	stream.linear.scatter @!p0 [tilespmem:s20], [sflag:$0x1], $0xC000, $0x38;
	[tilespmem:$0xC000] =	vst v63  }
0x1aa: {  	_ =	swait.ge @!p0 [sflag:s23], $0xC000  }
0x1ab: {  	s29 =	sld [smem:$0x7A9];
	_ =	sdelay $0x1  }
0x1ac: {  	[sflag:s23] =	ssyncset.done @!p0 $0x0;
	s13 =	sld [smem:$0x7D0]  }
0x1ad: {  	[sflag:s23] =	ssyncadd.s32 @!p0 $0xFFFF4000;
	p0 =	seq.s32 s29, $0x1  }
0x1ae: {  	s20 =	simm.s32 @!p0 $0x0;
	s23 =	simm.s32 @!p0 $0x1  }
0x1af: {  	[tilespmem:s20], [sflag:$0x1] =	stream.linear.gather @!p0 [hbm4b:s13+s20], $0xC000, $0x38;
	[tilespmem:$0xC000] =	vst v63  }
0x1b0: {  	_ =	swait.ge @!p0 [sflag:s23], $0xC000  }
0x1b1: {  	s13 =	sld [smem:$0x7D1]  }
0x1b2: {  	[sflag:s23] =	ssyncset.done @!p0 $0x0  }
.Ltmp10:
0x1b3: {  	[sflag:s23] =	ssyncadd.s32 @!p0 $0xFFFF4000;
	(pc) =	sbr.rel .LBB2_18-.Ltmp10, $4  }
0x1b4: {  	[hbm4b:s13+s20] =	stream.linear.scatter @!p0 [tilespmem:s20], [sflag:$0x1], $0xC000, $0x38;
	[tilespmem:$0xC000] =	vst v63  }
0x1b5: {  	_ =	swait.ge @!p0 [sflag:s23], $0xC000  }
0x1b6: {  	[sflag:s23] =	ssyncset.done @!p0 $0x0  }
0x1b7: {  	s20 =	smov.u32 s10;
	[sflag:s23] =	ssyncadd.s32 @!p0 $0xFFFF4000;
	s23 =	smov.u32 s11  }
.LBB2_13:
0x1b8: {  	p0 =	sgt.s32 s3, $0x1B  }
.Ltmp11:
0x1b9: {  	_ = 	snop;
	(pc) =	sbr.rel @p0 .LBB2_15-.Ltmp11, $1  }
0x1ba: {  	_ =	sdelay $0x3  }
0x1bb: {  	p3 =	sgt.s32 s3, $0x19  }
0x1bc: {  	p0 =	seq.s32 @p3 s3, $0x1A  }
0x1bd: {  	p6 =	por !p0, !p3  }
0x1be: {  	s15 =	rddreg [dreg:$0x17];
	s13 =	simm.s32 @!p6 $0x0  }
0x1bf: {  	[tilespmem:s13], [sflag:$0x1] =	stream.linear.gather @!p6 [hbm4b:s15+s13], $0xC000, $0x38;
	[tilespmem:$0xC000] =	vst v63  }
0x1c0: {  	s15 =	simm.s32 @!p6 $0x1  }
0x1c1: {  	_ =	swait.ge @!p6 [sflag:s15], $0xC000  }
0x1c2: {  	[sflag:s15] =	ssyncset.done @!p6 $0x0  }
0x1c3: {  	s20 =	rddreg [dreg:$0x18];
	[sflag:s15] =	ssyncadd.s32 @!p6 $0xFFFF4000  }
0x1c4: {  	[hbm4b:s20+s13] =	stream.linear.scatter @!p6 [tilespmem:s13], [sflag:$0x1], $0xC000, $0x38;
	[tilespmem:$0xC000] =	vst v63  }
0x1c5: {  	_ =	swait.ge @!p6 [sflag:s15], $0xC000  }
0x1c6: {  	p1 =	por p0, !p3;
	[sflag:s15] =	ssyncset.done @!p6 $0x0  }
0x1c7: {  	s13 =	simm.s32 @!p1 $0x0;
	[sflag:s15] =	ssyncadd.s32 @!p6 $0xFFFF4000;
	s15 =	rddreg [dreg:$0x13]  }
0x1c8: {  	[tilespmem:s13], [sflag:$0x1] =	stream.linear.gather @!p1 [hbm4b:s15+s13], $0xC000, $0x38;
	[tilespmem:$0xC000] =	vst v63  }
0x1c9: {  	s15 =	simm.s32 @!p1 $0x1  }
0x1ca: {  	_ =	swait.ge @!p1 [sflag:s15], $0xC000  }
0x1cb: {  	[sflag:s15] =	ssyncset.done @!p1 $0x0  }
0x1cc: {  	s20 =	rddreg [dreg:$0x14];
	[sflag:s15] =	ssyncadd.s32 @!p1 $0xFFFF4000  }
0x1cd: {  	[hbm4b:s20+s13] =	stream.linear.scatter @!p1 [tilespmem:s13], [sflag:$0x1], $0xC000, $0x38;
	[tilespmem:$0xC000] =	vst v63  }
0x1ce: {  	p2 =	seq.s32 @!p3 s3, $0x18;
	_ =	swait.ge @!p1 [sflag:s15], $0xC000  }
0x1cf: {  	p0 =	por !p2, p3;
	[sflag:s15] =	ssyncset.done @!p1 $0x0  }
0x1d0: {  	s13 =	simm.s32 @!p0 $0x0;
	[sflag:s15] =	ssyncadd.s32 @!p1 $0xFFFF4000;
	s15 =	rddreg [dreg:$0x1f]  }
0x1d1: {  	[tilespmem:s13], [sflag:$0x1] =	stream.linear.gather @!p0 [hbm4b:s15+s13], $0xC000, $0x38;
	[tilespmem:$0xC000] =	vst v63  }
0x1d2: {  	s15 =	simm.s32 @!p0 $0x1  }
0x1d3: {  	_ =	swait.ge @!p0 [sflag:s15], $0xC000  }
0x1d4: {  	s20 =	sld [smem:$0x7B3]  }
0x1d5: {  	[sflag:s15] =	ssyncset.done @!p0 $0x0  }
0x1d6: {  	[sflag:s15] =	ssyncadd.s32 @!p0 $0xFFFF4000  }
0x1d7: {  	[hbm4b:s20+s13] =	stream.linear.scatter @!p0 [tilespmem:s13], [sflag:$0x1], $0xC000, $0x38;
	[tilespmem:$0xC000] =	vst v63  }
0x1d8: {  	_ =	swait.ge @!p0 [sflag:s15], $0xC000  }
0x1d9: {  	p1 =	por p2, p3;
	[sflag:s15] =	ssyncset.done @!p0 $0x0  }
0x1da: {  	s13 =	simm.s32 @!p1 $0x0;
	[sflag:s15] =	ssyncadd.s32 @!p0 $0xFFFF4000;
	s15 =	rddreg [dreg:$0x1b]  }
0x1db: {  	[tilespmem:s13], [sflag:$0x1] =	stream.linear.gather @!p1 [hbm4b:s15+s13], $0xC000, $0x38;
	[tilespmem:$0xC000] =	vst v63  }
0x1dc: {  	s15 =	simm.s32 @!p1 $0x1  }
0x1dd: {  	s29 =	sld [smem:$0x7FD];
	_ =	swait.ge @!p1 [sflag:s15], $0xC000  }
0x1de: {  	[sflag:s15] =	ssyncset.done @!p1 $0x0;
	s28 =	rddreg [dreg:$0x19]  }
0x1df: {  	s20 =	rddreg [dreg:$0x1c];
	[sflag:s15] =	ssyncadd.s32 @!p1 $0xFFFF4000  }
0x1e0: {  	[hbm4b:s20+s13] =	stream.linear.scatter @!p1 [tilespmem:s13], [sflag:$0x1], $0xC000, $0x38;
	[tilespmem:$0xC000] =	vst v63  }
0x1e1: {  	s13 =	rddreg [dreg:$0x15]  }
0x1e2: {  	p2 =	seq.s32 s29, $0x1;
	s29 =	rddreg [dreg:$0x1a];
	s28 =	smov.u32 @p6 s13  }
.Ltmp12:
0x1e3: {  	s13 =	rddreg [dreg:$0x16];
	_ =	swait.ge @!p1 [sflag:s15], $0xC000;
	(pc) =	sbr.rel .LBB2_18-.Ltmp12, $4  }
0x1e4: {  	s20 =	smov.u32 s16;
	s29 =	smov.u32 @p6 s13;
	s13 =	rddreg [dreg:$0x1d]  }
0x1e5: {  	s23 =	smov.u32 s24;
	s20 =	smov.u32 @p0 s13;
	s13 =	rddreg [dreg:$0x1e]  }
0x1e6: {  	[sflag:s15] =	ssyncset.done @!p1 $0x0;
	s23 =	smov.u32 @p0 s13  }
0x1e7: {  	[sflag:s15] =	ssyncadd.s32 @!p1 $0xFFFF4000;
	s20 =	smov.u32 @p3 s28;
	s23 =	smov.u32 @p3 s29  }
.LBB2_12:
0x1e8: {  	p3 =	sgt.s32 s3, $0x15  }
0x1e9: {  	s13 =	sld [smem:$0x7B6];
	p0 =	seq.s32 @p3 s3, $0x16  }
0x1ea: {  	p6 =	por !p0, !p3  }
0x1eb: {  	s15 =	simm.s32 @!p6 $0x0;
	s20 =	simm.s32 @!p6 $0x1  }
0x1ec: {  	[tilespmem:s15], [sflag:$0x1] =	stream.linear.gather @!p6 [hbm4b:s13+s15], $0xC000, $0x38;
	[tilespmem:$0xC000] =	vst v63  }
0x1ed: {  	_ =	swait.ge @!p6 [sflag:s20], $0xC000  }
0x1ee: {  	s13 =	sld [smem:$0x7B7]  }
0x1ef: {  	[sflag:s20] =	ssyncset.done @!p6 $0x0  }
0x1f0: {  	[sflag:s20] =	ssyncadd.s32 @!p6 $0xFFFF4000  }
0x1f1: {  	[hbm4b:s13+s15] =	stream.linear.scatter @!p6 [tilespmem:s15], [sflag:$0x1], $0xC000, $0x38;
	[tilespmem:$0xC000] =	vst v63  }
0x1f2: {  	_ =	swait.ge @!p6 [sflag:s20], $0xC000  }
0x1f3: {  	s13 =	sld [smem:$0x7B4]  }
0x1f4: {  	p1 =	por p0, !p3;
	[sflag:s20] =	ssyncset.done @!p6 $0x0  }
0x1f5: {  	s15 =	simm.s32 @!p1 $0x0;
	[sflag:s20] =	ssyncadd.s32 @!p6 $0xFFFF4000;
	s20 =	simm.s32 @!p1 $0x1  }
0x1f6: {  	[tilespmem:s15], [sflag:$0x1] =	stream.linear.gather @!p1 [hbm4b:s13+s15], $0xC000, $0x38;
	[tilespmem:$0xC000] =	vst v63  }
0x1f7: {  	_ =	swait.ge @!p1 [sflag:s20], $0xC000  }
0x1f8: {  	s13 =	sld [smem:$0x7B5]  }
0x1f9: {  	[sflag:s20] =	ssyncset.done @!p1 $0x0  }
0x1fa: {  	[sflag:s20] =	ssyncadd.s32 @!p1 $0xFFFF4000  }
0x1fb: {  	[hbm4b:s13+s15] =	stream.linear.scatter @!p1 [tilespmem:s15], [sflag:$0x1], $0xC000, $0x38;
	[tilespmem:$0xC000] =	vst v63  }
0x1fc: {  	_ =	swait.ge @!p1 [sflag:s20], $0xC000  }
0x1fd: {  	p2 =	seq.s32 @!p3 s3, $0x14;
	s13 =	sld [smem:$0x7BA]  }
0x1fe: {  	p0 =	por !p2, p3;
	[sflag:s20] =	ssyncset.done @!p1 $0x0  }
0x1ff: {  	s15 =	simm.s32 @!p0 $0x0;
	[sflag:s20] =	ssyncadd.s32 @!p1 $0xFFFF4000;
	s20 =	simm.s32 @!p0 $0x1  }
0x200: {  	[tilespmem:s15], [sflag:$0x1] =	stream.linear.gather @!p0 [hbm4b:s13+s15], $0xC000, $0x38;
	[tilespmem:$0xC000] =	vst v63  }
0x201: {  	_ =	swait.ge @!p0 [sflag:s20], $0xC000  }
0x202: {  	s13 =	sld [smem:$0x7BB]  }
0x203: {  	[sflag:s20] =	ssyncset.done @!p0 $0x0  }
0x204: {  	[sflag:s20] =	ssyncadd.s32 @!p0 $0xFFFF4000  }
0x205: {  	[hbm4b:s13+s15] =	stream.linear.scatter @!p0 [tilespmem:s15], [sflag:$0x1], $0xC000, $0x38;
	[tilespmem:$0xC000] =	vst v63  }
0x206: {  	_ =	swait.ge @!p0 [sflag:s20], $0xC000  }
0x207: {  	s13 =	sld [smem:$0x7B8]  }
0x208: {  	p1 =	por p2, p3;
	[sflag:s20] =	ssyncset.done @!p0 $0x0  }
0x209: {  	s28 =	simm.s32 @!p1 $0x1;
	s15 =	simm.s32 @!p1 $0x0;
	[sflag:s20] =	ssyncadd.s32 @!p0 $0xFFFF4000  }
0x20a: {  	[tilespmem:s15], [sflag:$0x1] =	stream.linear.gather @!p1 [hbm4b:s13+s15], $0xC000, $0x38;
	[tilespmem:$0xC000] =	vst v63  }
0x20b: {  	_ =	swait.ge @!p1 [sflag:s28], $0xC000  }
0x20c: {  	s20 =	sld [smem:$0x7B9]  }
0x20d: {  	[sflag:s28] =	ssyncset.done @!p1 $0x0  }
0x20e: {  	s29 =	smov.u32 s12;
	[sflag:s28] =	ssyncadd.s32 @!p1 $0xFFFF4000  }
0x20f: {  	[hbm4b:s20+s15] =	stream.linear.scatter @!p1 [tilespmem:s15], [sflag:$0x1], $0xC000, $0x38;
	[tilespmem:$0xC000] =	vst v63  }
0x210: {  	s29 =	smov.u32 @p6 s18;
	s20 =	smov.u32 s31  }
.Ltmp13:
0x211: {  	_ =	swait.ge @!p1 [sflag:s28], $0xC000;
	s20 =	smov.u32 @p0 s8;
	(pc) =	sbr.rel .LBB2_18-.Ltmp13, $4  }
0x212: {  	s20 =	smov.u32 @p3 s29;
	s29 =	sld [smem:$0x7FD]  }
0x213: {  	s23 =	smov.u32 s26;
	s13 =	smov.u32 s14  }
0x214: {  	s23 =	smov.u32 @p0 s0;
	s13 =	smov.u32 @p6 s19;
	[sflag:s28] =	ssyncset.done @!p1 $0x0  }
0x215: {  	s23 =	smov.u32 @p3 s13;
	[sflag:s28] =	ssyncadd.s32 @!p1 $0xFFFF4000;
	p2 =	seq.s32 s29, $0x1  }
.LBB2_8:
0x216: {  	s13 =	sld [smem:$0x7AB];
	_ =	sdelay $0x2  }
0x217: {  	p0 =	seq.s32 s13, $0x1;
	s13 =	sld [smem:$0x7C6];
	_ =	sdelay $0x1  }
0x218: {  	s20 =	simm.s32 @!p0 $0x0;
	s23 =	simm.s32 @!p0 $0x1  }
0x219: {  	[tilespmem:s20], [sflag:$0x1] =	stream.linear.gather @!p0 [hbm4b:s13+s20], $0xC000, $0x38;
	[tilespmem:$0xC000] =	vst v63  }
0x21a: {  	_ =	swait.ge @!p0 [sflag:s23], $0xC000  }
0x21b: {  	s13 =	sld [smem:$0x7C7]  }
0x21c: {  	[sflag:s23] =	ssyncset.done @!p0 $0x0  }
0x21d: {  	[sflag:s23] =	ssyncadd.s32 @!p0 $0xFFFF4000  }
0x21e: {  	[hbm4b:s13+s20] =	stream.linear.scatter @!p0 [tilespmem:s20], [sflag:$0x1], $0xC000, $0x38;
	[tilespmem:$0xC000] =	vst v63  }
0x21f: {  	_ =	swait.ge @!p0 [sflag:s23], $0xC000  }
0x220: {  	s20 =	sld [smem:$0x7AC];
	_ =	sdelay $0x1  }
0x221: {  	[sflag:s23] =	ssyncset.done @!p0 $0x0;
	s13 =	sld [smem:$0x7C4]  }
0x222: {  	[sflag:s23] =	ssyncadd.s32 @!p0 $0xFFFF4000;
	p0 =	seq.s32 s20, $0x1  }
0x223: {  	s20 =	simm.s32 @!p0 $0x0;
	s23 =	simm.s32 @!p0 $0x1  }
0x224: {  	[tilespmem:s20], [sflag:$0x1] =	stream.linear.gather @!p0 [hbm4b:s13+s20], $0xC000, $0x38;
	[tilespmem:$0xC000] =	vst v63  }
0x225: {  	_ =	swait.ge @!p0 [sflag:s23], $0xC000  }
0x226: {  	s13 =	sld [smem:$0x7C5]  }
0x227: {  	[sflag:s23] =	ssyncset.done @!p0 $0x0  }
0x228: {  	[sflag:s23] =	ssyncadd.s32 @!p0 $0xFFFF4000  }
0x229: {  	[hbm4b:s13+s20] =	stream.linear.scatter @!p0 [tilespmem:s20], [sflag:$0x1], $0xC000, $0x38;
	[tilespmem:$0xC000] =	vst v63  }
0x22a: {  	_ =	swait.ge @!p0 [sflag:s23], $0xC000  }
0x22b: {  	[sflag:s23] =	ssyncset.done @!p0 $0x0  }
0x22c: {  	[sflag:s23] =	ssyncadd.s32 @!p0 $0xFFFF4000;
	s23 =	sld [smem:$0x7AD];
	_ =	sdelay $0x1  }
0x22d: {  	s13 =	sld [smem:$0x7CA]  }
0x22e: {  	p0 =	seq.s32 s23, $0x1  }
0x22f: {  	s20 =	simm.s32 @!p0 $0x0;
	s23 =	simm.s32 @!p0 $0x1  }
0x230: {  	[tilespmem:s20], [sflag:$0x1] =	stream.linear.gather @!p0 [hbm4b:s13+s20], $0xC000, $0x38;
	[tilespmem:$0xC000] =	vst v63  }
0x231: {  	_ =	swait.ge @!p0 [sflag:s23], $0xC000  }
0x232: {  	s13 =	sld [smem:$0x7CB]  }
0x233: {  	[sflag:s23] =	ssyncset.done @!p0 $0x0  }
0x234: {  	[sflag:s23] =	ssyncadd.s32 @!p0 $0xFFFF4000  }
0x235: {  	[hbm4b:s13+s20] =	stream.linear.scatter @!p0 [tilespmem:s20], [sflag:$0x1], $0xC000, $0x38;
	[tilespmem:$0xC000] =	vst v63  }
0x236: {  	_ =	swait.ge @!p0 [sflag:s23], $0xC000  }
0x237: {  	s28 =	sld [smem:$0x7AF];
	_ =	sdelay $0x1  }
0x238: {  	s13 =	sld [smem:$0x7C8]  }
0x239: {  	[sflag:s23] =	ssyncset.done @!p0 $0x0;
	p1 =	seq.s32 s28, $0x1  }
0x23a: {  	[sflag:s23] =	ssyncadd.s32 @!p0 $0xFFFF4000;
	s20 =	simm.s32 @!p1 $0x0;
	s29 =	simm.s32 @!p1 $0x1  }
0x23b: {  	[tilespmem:s20], [sflag:$0x1] =	stream.linear.gather @!p1 [hbm4b:s13+s20], $0xC000, $0x38;
	[tilespmem:$0xC000] =	vst v63  }
0x23c: {  	_ =	swait.ge @!p1 [sflag:s29], $0xC000  }
0x23d: {  	s13 =	sld [smem:$0x7C9]  }
0x23e: {  	[sflag:s29] =	ssyncset.done @!p1 $0x0  }
0x23f: {  	[sflag:s29] =	ssyncadd.s32 @!p1 $0xFFFF4000  }
0x240: {  	[hbm4b:s13+s20] =	stream.linear.scatter @!p1 [tilespmem:s20], [sflag:$0x1], $0xC000, $0x38;
	[tilespmem:$0xC000] =	vst v63  }
0x241: {  	_ =	swait.ge @!p1 [sflag:s29], $0xC000  }
0x242: {  	s20 =	sld [smem:$0x7F2]  }
0x243: {  	s13 =	sld [smem:$0x7F4]  }
0x244: {  	s23 =	sld [smem:$0x7F3];
	[sflag:s29] =	ssyncset.done @!p1 $0x0  }
0x245: {  	[sflag:s29] =	ssyncadd.s32 @!p1 $0xFFFF4000;
	s29 =	sld [smem:$0x7AE]  }
.Ltmp14:
0x246: {  	s20 =	smov.u32 @p0 s13;
	s13 =	sld [smem:$0x7F5];
	(pc) =	sbr.rel .LBB2_18-.Ltmp14, $3  }
0x247: {  	_ =	sdelay $0x1  }
0x248: {  	s23 =	smov.u32 @p0 s13;
	p0 =	seq.s32 s29, $0x1  }
0x249: {  	s20 =	smov.u32 @p0 s21;
	s23 =	smov.u32 @p0 s22  }
.LBB2_15:
0x24a: {  	p0 =	sgt.s32 s3, $0x1D  }
.Ltmp15:
0x24b: {  	_ = 	snop;
	(pc) =	sbr.rel @p0 .LBB2_17-.Ltmp15, $1  }
0x24c: {  	_ =	sdelay $0x3  }
0x24d: {  	p0 =	seq.s32 s3, $0x1C  }
0x24e: {  	s15 =	rddreg [dreg:$0xf];
	s13 =	simm.s32 @p0 $0x0  }
0x24f: {  	[tilespmem:s13], [sflag:$0x1] =	stream.linear.gather @p0 [hbm4b:s15+s13], $0xC000, $0x38;
	[tilespmem:$0xC000] =	vst v63  }
0x250: {  	s15 =	simm.s32 @p0 $0x1  }
0x251: {  	_ =	swait.ge @p0 [sflag:s15], $0xC000  }
0x252: {  	[sflag:s15] =	ssyncset.done @p0 $0x0  }
0x253: {  	s20 =	rddreg [dreg:$0x10];
	[sflag:s15] =	ssyncadd.s32 @p0 $0xFFFF4000  }
0x254: {  	[hbm4b:s20+s13] =	stream.linear.scatter @p0 [tilespmem:s13], [sflag:$0x1], $0xC000, $0x38;
	[tilespmem:$0xC000] =	vst v63  }
0x255: {  	_ =	swait.ge @p0 [sflag:s15], $0xC000  }
0x256: {  	[sflag:s15] =	ssyncset.done @p0 $0x0  }
0x257: {  	s13 =	simm.s32 @!p0 $0x0;
	[sflag:s15] =	ssyncadd.s32 @p0 $0xFFFF4000;
	s15 =	rddreg [dreg:$0xb]  }
0x258: {  	[tilespmem:s13], [sflag:$0x1] =	stream.linear.gather @!p0 [hbm4b:s15+s13], $0xC000, $0x38;
	[tilespmem:$0xC000] =	vst v63  }
0x259: {  	s15 =	simm.s32 @!p0 $0x1  }
0x25a: {  	_ =	swait.ge @!p0 [sflag:s15], $0xC000  }
0x25b: {  	[sflag:s15] =	ssyncset.done @!p0 $0x0  }
0x25c: {  	s20 =	rddreg [dreg:$0xc];
	[sflag:s15] =	ssyncadd.s32 @!p0 $0xFFFF4000  }
0x25d: {  	[hbm4b:s20+s13] =	stream.linear.scatter @!p0 [tilespmem:s13], [sflag:$0x1], $0xC000, $0x38;
	[tilespmem:$0xC000] =	vst v63  }
0x25e: {  	_ =	swait.ge @!p0 [sflag:s15], $0xC000  }
.Ltmp16:
0x25f: {  	s20 =	rddreg [dreg:$0xd];
	(pc) =	sbr.rel .LBB2_18-.Ltmp16, $4  }
0x260: {  	s23 =	rddreg [dreg:$0xe]  }
0x261: {  	s13 =	rddreg [dreg:$0x11]  }
0x262: {  	[sflag:s15] =	ssyncset.done @!p0 $0x0;
	s20 =	smov.u32 @p0 s13;
	s13 =	rddreg [dreg:$0x12]  }
0x263: {  	[sflag:s15] =	ssyncadd.s32 @!p0 $0xFFFF4000;
	s23 =	smov.u32 @p0 s13  }
.LBB2_17:
0x264: {  	p0 =	seq.s32 s3, $0x1E  }
0x265: {  	s13 =	rddreg @p0 [dreg:$0x7]  }
0x266: {  	[tilespmem:s9], [sflag:$0x1] =	stream.linear.gather @p0 [hbm4b:s13+s9], $0xC000, $0x38;
	[tilespmem:$0xC000] =	vst v63  }
0x267: {  	_ =	swait.ge @p0 [sflag:s17], $0xC000  }
0x268: {  	[sflag:s17] =	ssyncset.done @p0 $0x0  }
0x269: {  	s13 =	rddreg @p0 [dreg:$0x8];
	[sflag:s17] =	ssyncadd.s32 @p0 $0xFFFF4000  }
0x26a: {  	[hbm4b:s13+s9] =	stream.linear.scatter @p0 [tilespmem:s9], [sflag:$0x1], $0xC000, $0x38;
	[tilespmem:$0xC000] =	vst v63  }
0x26b: {  	_ =	swait.ge @p0 [sflag:s17], $0xC000  }
0x26c: {  	[sflag:s17] =	ssyncset.done @p0 $0x0;
	s20 =	rddreg @p0 [dreg:$0x9]  }
0x26d: {  	s13 =	rddreg @!p0 [dreg:$0x3];
	[sflag:s17] =	ssyncadd.s32 @p0 $0xFFFF4000  }
0x26e: {  	[tilespmem:s9], [sflag:$0x1] =	stream.linear.gather @!p0 [hbm4b:s13+s9], $0xC000, $0x38;
	[tilespmem:$0xC000] =	vst v63  }
0x26f: {  	s23 =	rddreg @p0 [dreg:$0xa];
	_ =	swait.ge @!p0 [sflag:s17], $0xC000  }
0x270: {  	[sflag:s17] =	ssyncset.done @!p0 $0x0  }
.Ltmp17:
0x271: {  	s13 =	rddreg @!p0 [dreg:$0x4];
	[sflag:s17] =	ssyncadd.s32 @!p0 $0xFFFF4000;
	(pc) =	sbr.rel .LBB2_18-.Ltmp17, $4  }
0x272: {  	[hbm4b:s13+s9] =	stream.linear.scatter @!p0 [tilespmem:s9], [sflag:$0x1], $0xC000, $0x38;
	[tilespmem:$0xC000] =	vst v63  }
0x273: {  	_ =	swait.ge @!p0 [sflag:s17], $0xC000  }
0x274: {  	[sflag:s17] =	ssyncset.done @!p0 $0x0;
	s20 =	rddreg @!p0 [dreg:$0x5]  }
0x275: {  	s23 =	rddreg @!p0 [dreg:$0x6];
	[sflag:s17] =	ssyncadd.s32 @!p0 $0xFFFF4000  }
.LBB2_19:
0x276: {  	_ =	sfence.sel $0x180000  }
0x277: {  	[bflag:$0x0] =	sbarrier.arrive $0xFFFF  }
0x278: {  	_ =	strace $0x90000047  }
0x279: {  	s0 =	stileid.u32;
	[bflag:$0x2] =	sbarrier.arrive $0xFFFF  }
0x27a: {  	p0 =	sne.s32 s0, $0x0;
	s0 =	rddreg [dreg:$0x2]  }
0x27b: {  	s0 =	sadd.s32 @!p0 $0x100000, s0  }
0x27c: {  	[sflag:s0] =	ssyncadd.tile.s32 @!p0 $0x1;
	_ =	shalt  }
.Lfunc_end2:
_tile_overlayer_lowered:
.L_overlay_start_2:
0x27d: {  	(tag) =	ssettag $0x2  }
0x27e: {  	s0 =	rddreg [dreg:$0x0];
	s2 =	stileid.u32  }
0x27f: {  	s1 =	rddreg [dreg:$0x1];
	p0 =	sne.s32 s2, $0x0  }
0x280: {  	s3 =	rddreg [dreg:$0x2];
	[bflag:$0x3] =	sbarrier.arrive $0xFFFF;
	s2 =	simm.s32 @!p0 $0x1C01  }
0x281: {  	[timem:s3], [sflag:s2] =	dma.local @!p0 [hbm:s0], s1  }
0x282: {  	s0 =	simm.s32 @!p0 $0x1  }
0x283: {  	_ =	swait.ge @!p0 [sflag:s0], s1  }
0x284: {  	s1 =	ssub.s32 @!p0 $0x0, s1;
	[sflag:s0] =	ssyncset.done @!p0 $0x0  }
0x285: {  	[sflag:s0] =	ssyncadd.s32 @!p0 s1  }
0x286: {  	[bflag:$0x3] =	sbarrier.arrive $0xFFFF  }
0x287: {  	_ =	shalt  }

</sc_bundles>
